<compile_context>
chip_gen: v7x
topology: tpu7x:2x2x1
jax: 0.10.2.dev20260603
libtpu: 0.0.44.dev20260713+nightly
codegen_flags: <defaults>
</compile_context>

<pallas_src>
import functools

import jax
import jax.numpy as jnp
from jax import lax
from jax.experimental import pallas as pl
from jax.experimental.pallas import tpu as pltpu
from jax.experimental.pallas import tpu_sc as plsc

HIST = 200
D = 64
NIT = 8
DEPTH = 4

_mesh = plsc.VectorSubcoreMesh(
    core_axis_name="c", subcore_axis_name="s", num_cores=2, num_subcores=16
)


def _sc_body(
    uid_hbm, iid_hbm, hist_hbm, user_tt, item_tt,
    w1_hbm, b1_hbm, w2_hbm, b2_hbm, w3_hbm, b3_hbm,
    out_hbm, x1_hbm,
    idx_v, b0, b1x, b2x, b3x, b4, b5, b6, b7, bufU, bufI, parts_v, allp_v, c1p_v,
    w1_v, b1_v, w2_v, b2_v, w3_v, b3f_v,
    h1_v, out_v,
    spart,
    sem_g, sem_u, sem_w1, sem_w2, sem_x,
):
    c = lax.axis_index("c")
    s = lax.axis_index("s")
    wid = s * 2 + c
    active = wid < 25
    finisher = jnp.logical_and(c == 0, s == 0)
    uitile = jnp.logical_and(c == 1, s == 12)
    shipper = jnp.logical_and(c == 1, s == 0)
    iota = lax.iota(jnp.int32, 16)
    bufs = (b0, b1x, b2x, b3x, b4, b5, b6, b7)

    def fetch(table, rid, buf, sem):
        base = pl.multiple_of(rid & -128, 128)
        return pltpu.async_copy(table.at[:, pl.ds(base, 128)], buf, sem)

    w2copies = (
        (w2_hbm, w2_v), (b2_hbm, b2_v), (w3_hbm, w3_v),
    )

    @pl.when(jnp.logical_or(active, uitile))
    def _fire_w1():
        pltpu.async_copy(w1_hbm, w1_v, sem_w1)

    @pl.when(finisher)
    def _fire_finish_weights():
        for src, dst in w2copies:
            pltpu.async_copy(src, dst, sem_w2)
        pltpu.async_copy(b3_hbm, b3f_v.at[pl.ds(0, 1)], sem_w2)

    @pl.when(uitile)
    def _fire_ui():
        pltpu.sync_copy(uid_hbm, idx_v.at[pl.ds(16, 1)])
        pltpu.sync_copy(iid_hbm, idx_v.at[pl.ds(32, 1)])
        ivec = idx_v[pl.ds(16, 16)]
        ivec2 = idx_v[pl.ds(32, 16)]
        fetch(user_tt, ivec[0], bufU, sem_u)
        fetch(item_tt, ivec2[0], bufI, sem_u)
        pltpu.async_copy(b1_hbm, b1_v, sem_u)

    @pl.when(active)
    def _gather_phase():
        pltpu.sync_copy(
            hist_hbm.at[pl.ds(wid * NIT, NIT)], idx_v.at[pl.ds(0, NIT)]
        )
        ivec = idx_v[pl.ds(0, 16)]
        rids = [ivec[j] for j in range(NIT)]
        acc = [jnp.zeros((16,), jnp.float32) for _ in range(4)]
        cps = [fetch(item_tt, rids[j], bufs[j], sem_g) for j in range(NIT)]
        for cp in cps:
            cp.wait()
        for j in range(NIT):
            lane = jnp.full((16,), rids[j] & 127, jnp.int32)
            for i in range(4):
                col = plsc.load_gather(bufs[j], [iota + (i * 16), lane])
                acc[i] = acc[i] + col
        inv = jnp.float32(1.0 / HIST)
        for i in range(4):
            parts_v[pl.ds(i * 16, 16)] = acc[i] * inv
        pltpu.make_async_copy(w1_hbm, w1_v, sem_w1).wait()

        def mv(tt, h):
            sc = parts_v[pl.ds(tt * 16, 16)]
            for j in range(16):
                sval = sc[j]
                kvec = jnp.full((16,), 128 + tt * 16 + j, jnp.int32)
                h = tuple(
                    h[o] + sval * plsc.load_gather(w1_v, [iota + (o * 16), kvec])
                    for o in range(4)
                )
            return h

        h = lax.fori_loop(
            0, 4, mv, tuple(jnp.zeros((16,), jnp.float32) for _ in range(4))
        )
        for o in range(4):
            parts_v[pl.ds(o * 16, 16)] = h[o]

    @pl.when(jnp.logical_and(jnp.logical_not(active), jnp.logical_not(uitile)))
    def _zero_phase():
        for o in range(4):
            parts_v[pl.ds(o * 16, 16)] = jnp.zeros((16,), jnp.float32)

    @pl.when(uitile)
    def _ui_phase():
        ivec = idx_v[pl.ds(16, 16)]
        ivec2 = idx_v[pl.ds(32, 16)]
        pltpu.make_async_copy(user_tt.at[:, pl.ds(0, 128)], bufU, sem_u).wait()
        pltpu.make_async_copy(item_tt.at[:, pl.ds(0, 128)], bufI, sem_u).wait()
        pltpu.make_async_copy(b1_hbm, b1_v, sem_u).wait()
        pltpu.make_async_copy(w1_hbm, w1_v, sem_w1).wait()
        ulane = jnp.full((16,), ivec[0] & 127, jnp.int32)
        ilane = jnp.full((16,), ivec2[0] & 127, jnp.int32)
        h = tuple(b1_v[pl.ds(o * 16, 16)] for o in range(4))
        for base, buf, lanev in ((0, bufU, ulane), (64, bufI, ilane)):
            def mvui(tt, hh, _buf=buf, _lanev=lanev, _base=base):
                ev = plsc.load_gather(_buf, [iota + tt * 16, _lanev])
                for j in range(16):
                    sval = ev[j]
                    kvec = jnp.full((16,), _base + tt * 16 + j, jnp.int32)
                    hh = tuple(
                        hh[o] + sval * plsc.load_gather(w1_v, [iota + (o * 16), kvec])
                        for o in range(4)
                    )
                return hh

            h = lax.fori_loop(0, 4, mvui, h)
        for o in range(4):
            parts_v[pl.ds(o * 16, 16)] = h[o]

    pltpu.sync_copy(parts_v, spart.at[s])
    plsc.subcore_barrier()

    @pl.when(shipper)
    def _core1_reduce():
        pltpu.sync_copy(spart, allp_v)
        acc = [jnp.zeros((16,), jnp.float32) for _ in range(4)]
        for j in range(16):
            for i in range(4):
                acc[i] = acc[i] + allp_v[j, pl.ds(i * 16, 16)]
        for i in range(4):
            parts_v[pl.ds(i * 16, 16)] = acc[i]
        pltpu.sync_copy(parts_v, x1_hbm)
        pltpu.semaphore_signal(sem_x, 1, core_index=0)

    @pl.when(finisher)
    def _finish_phase():
        pltpu.sync_copy(spart, allp_v)
        acc = [jnp.zeros((16,), jnp.float32) for _ in range(4)]
        for j in range(16):
            for i in range(4):
                acc[i] = acc[i] + allp_v[j, pl.ds(i * 16, 16)]
        pl.semaphore_wait(sem_x, 1)
        pltpu.sync_copy(x1_hbm, c1p_v)
        for i in range(4):
            h1_v[pl.ds(i * 16, 16)] = jnp.maximum(
                acc[i] + c1p_v[pl.ds(i * 16, 16)], 0.0
            )
        for src, dst in w2copies:
            pltpu.make_async_copy(src, dst, sem_w2).wait()
        pltpu.make_async_copy(b3_hbm, b3f_v.at[pl.ds(0, 1)], sem_w2).wait()

        def l2(tt, a2):
            hvec = h1_v[pl.ds(tt * 16, 16)]
            for j in range(16):
                sval = hvec[j]
                kvec = jnp.full((16,), tt * 16 + j, jnp.int32)
                a2 = tuple(
                    a2[i] + sval * plsc.load_gather(w2_v, [iota + (i * 16), kvec])
                    for i in range(2)
                )
            return a2

        acc2 = lax.fori_loop(
            0, 4, l2, tuple(b2_v[pl.ds(j * 16, 16)] for j in range(2))
        )
        h2a = jnp.maximum(acc2[0], 0.0)
        h2b = jnp.maximum(acc2[1], 0.0)

        p = h2a * w3_v[0, pl.ds(0, 16)] + h2b * w3_v[0, pl.ds(16, 16)]
        z = b3f_v[...][0]
        for j in range(16):
            z = z + p[j]
        zv = jnp.full((16,), z, jnp.float32)
        out_v[...] = 1.0 / (1.0 + jnp.exp(-zv))
        pltpu.sync_copy(out_v, out_hbm)


_sc_kernel = functools.partial(
    pl.kernel,
    out_type=(
        jax.ShapeDtypeStruct((16,), jnp.float32),
        jax.ShapeDtypeStruct((D,), jnp.float32),
    ),
    mesh=_mesh,
    compiler_params=pltpu.CompilerParams(
        use_tc_tiling_on_sc=True, needs_layout_passes=False
    ),
    scratch_types=[
        pltpu.VMEM((48,), jnp.int32),
        pltpu.VMEM((D, 128), jnp.float32),
        pltpu.VMEM((D, 128), jnp.float32),
        pltpu.VMEM((D, 128), jnp.float32),
        pltpu.VMEM((D, 128), jnp.float32),
        pltpu.VMEM((D, 128), jnp.float32),
        pltpu.VMEM((D, 128), jnp.float32),
        pltpu.VMEM((D, 128), jnp.float32),
        pltpu.VMEM((D, 128), jnp.float32),
        pltpu.VMEM((D, 128), jnp.float32),
        pltpu.VMEM((D, 128), jnp.float32),
        pltpu.VMEM((D,), jnp.float32),
        pltpu.VMEM((16, D), jnp.float32),
        pltpu.VMEM((D,), jnp.float32),
        pltpu.VMEM((64, 192), jnp.float32),
        pltpu.VMEM((64,), jnp.float32),
        pltpu.VMEM((32, 64), jnp.float32),
        pltpu.VMEM((32,), jnp.float32),
        pltpu.VMEM((1, 32), jnp.float32),
        pltpu.VMEM((16,), jnp.float32),
        pltpu.VMEM((64,), jnp.float32),
        pltpu.VMEM((16,), jnp.float32),
        pltpu.VMEM_SHARED((16, D), jnp.float32),
        pltpu.SemaphoreType.DMA,
        pltpu.SemaphoreType.DMA,
        pltpu.SemaphoreType.DMA,
        pltpu.SemaphoreType.DMA,
        pltpu.SemaphoreType.REGULAR,
    ],
)(_sc_body)


def kernel(user_id, item_history, item_id, user_table, item_table, W1, b1, W2, b2, W3, b3):
    out16, _ = _sc_kernel(
        user_id.astype(jnp.int32), item_id.astype(jnp.int32),
        item_history.astype(jnp.int32),
        user_table.T, item_table.T,
        W1, b1, W2, b2, W3, b3,
    )
    return out16[0].reshape(1, 1, 1)

# --- scband reference (transcript-rebuilt; emitter-appended) ---
"""Pipeline reference for scband-next-kitem-predictor-47553877901609 (READ-ONLY COPY).

The authoritative reference and input builder live on the scoring server;
editing this copy changes nothing except your own understanding.
"""

import jax, jax.numpy as jnp
import numpy as np

NUM_USERS = 100000
NUM_ITEMS = 1000000
EMBED_DIM = 64
HIST_LEN = 200


def setup_inputs(seed: int = 0) -> dict:
    key = jax.random.key(seed)
    ks = jax.random.split(key, 12)
    user_id = jax.random.randint(ks[0], (1,), 0, NUM_USERS, dtype=jnp.int64 if jax.config.jax_enable_x64 else jnp.int32)
    item_history = jax.random.randint(ks[1], (HIST_LEN,), 0, NUM_ITEMS, dtype=jnp.int64 if jax.config.jax_enable_x64 else jnp.int32)
    item_id = jax.random.randint(ks[2], (1,), 0, NUM_ITEMS, dtype=jnp.int64 if jax.config.jax_enable_x64 else jnp.int32)
    user_table = jax.random.normal(ks[3], (NUM_USERS, EMBED_DIM), dtype=jnp.float32) * 0.02
    item_table = jax.random.normal(ks[4], (NUM_ITEMS, EMBED_DIM), dtype=jnp.float32) * 0.02
    W1 = jax.random.normal(ks[5], (64, EMBED_DIM * 3), dtype=jnp.float32) * 0.05
    b1 = jnp.zeros((64,), dtype=jnp.float32)
    W2 = jax.random.normal(ks[6], (32, 64), dtype=jnp.float32) * 0.05
    b2 = jnp.zeros((32,), dtype=jnp.float32)
    W3 = jax.random.normal(ks[7], (1, 32), dtype=jnp.float32) * 0.05
    b3 = jnp.zeros((1,), dtype=jnp.float32)
    return {
        "user_id": user_id,
        "item_history": item_history,
        "item_id": item_id,
        "user_table": user_table,
        "item_table": item_table,
        "W1": W1, "b1": b1,
        "W2": W2, "b2": b2,
        "W3": W3, "b3": b3,
    }


def reference(user_id, item_history, item_id, user_table, item_table, W1, b1, W2, b2, W3, b3):
    # user_embeddings(user_id) -> [1, D]
    user_embed = jnp.take(user_table, user_id, axis=0)
    # item_embeddings(item_id) -> [1, D]
    item_embed = jnp.take(item_table, item_id, axis=0)
    # item_embeddings(item_history).mean(dim=0, keepdim=True) -> [1, D]
    history_embed = jnp.take(item_table, item_history, axis=0).mean(axis=0, keepdims=True)
    # concat along dim=1 -> [1, 3D]
    concat_embed = jnp.concatenate([user_embed, item_embed, history_embed], axis=1)
    # MLP: Linear(3D,64) -> ReLU -> Linear(64,32) -> ReLU -> Linear(32,1)
    h = jax.nn.relu(concat_embed @ W1.T + b1)
    h = jax.nn.relu(h @ W2.T + b2)
    score = h @ W3.T + b3  # [1, 1]
    score = score[None, :, :]  # unsqueeze(0) -> [1, 1, 1]
    return jax.nn.sigmoid(score)

if __name__ == "__main__":
    import jax
    _d = setup_inputs()
    print(jax.jit(kernel)(*tuple(_d.values())))

</pallas_src>

<mosaic_0001>
#map = affine_map<(d0, d1) -> (0)>
#map1 = affine_map<(d0, d1) -> (0, 0)>
module attributes {stable_mosaic.version = 14 : i64} {
  func.func @_sc_body(%arg0: i32, %arg1: i32, %arg2: memref<1xi32, #tpu.memory_space<hbm>>, %arg3: memref<1xi32, #tpu.memory_space<hbm>>, %arg4: memref<200xi32, #tpu.memory_space<hbm>>, %arg5: memref<64x100000xf32, #tpu.memory_space<hbm>>, %arg6: memref<64x1000000xf32, #tpu.memory_space<hbm>>, %arg7: memref<64x192xf32, #tpu.memory_space<hbm>>, %arg8: memref<64xf32, #tpu.memory_space<hbm>>, %arg9: memref<32x64xf32, #tpu.memory_space<hbm>>, %arg10: memref<32xf32, #tpu.memory_space<hbm>>, %arg11: memref<1x32xf32, #tpu.memory_space<hbm>>, %arg12: memref<1xf32, #tpu.memory_space<hbm>>, %arg13: memref<16xf32, #tpu.memory_space<hbm>>, %arg14: memref<64xf32, #tpu.memory_space<hbm>>, %arg15: memref<48xi32, #tpu.memory_space<vmem>>, %arg16: memref<64x128xf32, #tpu.memory_space<vmem>>, %arg17: memref<64x128xf32, #tpu.memory_space<vmem>>, %arg18: memref<64x128xf32, #tpu.memory_space<vmem>>, %arg19: memref<64x128xf32, #tpu.memory_space<vmem>>, %arg20: memref<64x128xf32, #tpu.memory_space<vmem>>, %arg21: memref<64x128xf32, #tpu.memory_space<vmem>>, %arg22: memref<64x128xf32, #tpu.memory_space<vmem>>, %arg23: memref<64x128xf32, #tpu.memory_space<vmem>>, %arg24: memref<64x128xf32, #tpu.memory_space<vmem>>, %arg25: memref<64x128xf32, #tpu.memory_space<vmem>>, %arg26: memref<64xf32, #tpu.memory_space<vmem>>, %arg27: memref<16x64xf32, #tpu.memory_space<vmem>>, %arg28: memref<64xf32, #tpu.memory_space<vmem>>, %arg29: memref<64x192xf32, #tpu.memory_space<vmem>>, %arg30: memref<64xf32, #tpu.memory_space<vmem>>, %arg31: memref<32x64xf32, #tpu.memory_space<vmem>>, %arg32: memref<32xf32, #tpu.memory_space<vmem>>, %arg33: memref<1x32xf32, #tpu.memory_space<vmem>>, %arg34: memref<16xf32, #tpu.memory_space<vmem>>, %arg35: memref<64xf32, #tpu.memory_space<vmem>>, %arg36: memref<16xf32, #tpu.memory_space<vmem>>, %arg37: memref<16x64xf32, #tpu.memory_space<vmem_shared>>, %arg38: memref<!tpu.dma_semaphore, #tpu.memory_space<semaphore_mem>>, %arg39: memref<!tpu.dma_semaphore, #tpu.memory_space<semaphore_mem>>, %arg40: memref<!tpu.dma_semaphore, #tpu.memory_space<semaphore_mem>>, %arg41: memref<!tpu.dma_semaphore, #tpu.memory_space<semaphore_mem>>, %arg42: memref<!tpu.semaphore, #tpu.memory_space<semaphore_mem>>) attributes {dimension_semantics = [#tpu.dimension_semantics<core_parallel>, #tpu.dimension_semantics<subcore_parallel>], iteration_bounds = array<i64: 2, 16>, scalar_prefetch = 0 : i64, scratch_operands = 28 : i64, tpu.core_type = #tpu.core_type<sc_vector_subcore>, window_params = [{transform_indices = #map}, {transform_indices = #map}, {transform_indices = #map}, {transform_indices = #map1}, {transform_indices = #map1}, {transform_indices = #map1}, {transform_indices = #map}, {transform_indices = #map1}, {transform_indices = #map}, {transform_indices = #map1}, {transform_indices = #map}, {transform_indices = #map}, {transform_indices = #map}]} {
    %mul3A = arith.constant 2 : i32
    %mul3A_0 = arith.muli %arg1, %mul3A : i32
    %add3A = arith.addi %mul3A_0, %arg0 : i32
    %lt3A = arith.constant 25 : i32
    %lt3A_1 = arith.cmpi slt, %add3A, %lt3A : i32
    %eq3A = arith.constant 0 : i32
    %eq3A_2 = arith.cmpi eq, %arg0, %eq3A : i32
    %eq3A_3 = arith.constant 0 : i32
    %eq3A_4 = arith.cmpi eq, %arg1, %eq3A_3 : i32
    %and3A = arith.andi %eq3A_2, %eq3A_4 : i1
    %eq3A_5 = arith.constant 1 : i32
    %eq3A_6 = arith.cmpi eq, %arg0, %eq3A_5 : i32
    %eq3A_7 = arith.constant 12 : i32
    %eq3A_8 = arith.cmpi eq, %arg1, %eq3A_7 : i32
    %and3A_9 = arith.andi %eq3A_6, %eq3A_8 : i1
    %eq3A_10 = arith.constant 1 : i32
    %eq3A_11 = arith.cmpi eq, %arg0, %eq3A_10 : i32
    %eq3A_12 = arith.constant 0 : i32
    %eq3A_13 = arith.cmpi eq, %arg1, %eq3A_12 : i32
    %and3A_14 = arith.andi %eq3A_11, %eq3A_13 : i1
    %iota3A = tpu.iota {dimensions = array<i32: 0>} : vector<16xi32>
    %or3A = arith.ori %lt3A_1, %and3A_9 : i1
    %convert_element_type3A = arith.extui %or3A : i1 to i32
    %cond3A = arith.constant 0 : i32
    %cond3A_15 = arith.cmpi ne, %convert_element_type3A, %cond3A : i32
    scf.if %cond3A_15 {
      tpu.enqueue_dma source(%arg7 : memref<64x192xf32, #tpu.memory_space<hbm>>) target(%arg29 : memref<64x192xf32, #tpu.memory_space<vmem>>) target_semaphore(%arg40 : memref<!tpu.dma_semaphore, #tpu.memory_space<semaphore_mem>>)
    } else {
    }
    %convert_element_type3A_16 = arith.extui %and3A : i1 to i32
    %cond3A_17 = arith.constant 0 : i32
    %cond3A_18 = arith.cmpi ne, %convert_element_type3A_16, %cond3A_17 : i32
    scf.if %cond3A_18 {
      tpu.enqueue_dma source(%arg9 : memref<32x64xf32, #tpu.memory_space<hbm>>) target(%arg31 : memref<32x64xf32, #tpu.memory_space<vmem>>) target_semaphore(%arg41 : memref<!tpu.dma_semaphore, #tpu.memory_space<semaphore_mem>>)
      tpu.enqueue_dma source(%arg10 : memref<32xf32, #tpu.memory_space<hbm>>) target(%arg32 : memref<32xf32, #tpu.memory_space<vmem>>) target_semaphore(%arg41 : memref<!tpu.dma_semaphore, #tpu.memory_space<semaphore_mem>>)
      tpu.enqueue_dma source(%arg11 : memref<1x32xf32, #tpu.memory_space<hbm>>) target(%arg33 : memref<1x32xf32, #tpu.memory_space<vmem>>) target_semaphore(%arg41 : memref<!tpu.dma_semaphore, #tpu.memory_space<semaphore_mem>>)
      %dma_start3A = arith.constant 0 : i32
      %dma_start3A_41 = tpu.memref_slice %arg34[%dma_start3A] : memref<16xf32, #tpu.memory_space<vmem>> -> memref<1xf32, #tpu.memory_space<vmem>>
      %dma_start3A_42 = arith.constant 0 : i32
      %dma_start3A_43 = tpu.memref_slice %arg34[%dma_start3A_42] : memref<16xf32, #tpu.memory_space<vmem>> -> memref<1xf32, #tpu.memory_space<vmem>>
      tpu.enqueue_dma source(%arg12 : memref<1xf32, #tpu.memory_space<hbm>>) target(%dma_start3A_43 : memref<1xf32, #tpu.memory_space<vmem>>) target_semaphore(%arg41 : memref<!tpu.dma_semaphore, #tpu.memory_space<semaphore_mem>>)
    } else {
    }
    %convert_element_type3A_19 = arith.extui %and3A_9 : i1 to i32
    %cond3A_20 = arith.constant 0 : i32
    %cond3A_21 = arith.cmpi ne, %convert_element_type3A_19, %cond3A_20 : i32
    scf.if %cond3A_21 {
      "tpu.region"() ({
        %run_scoped3A = tpu.sem_alloc : memref<!tpu.dma_semaphore, #tpu.memory_space<semaphore_mem>>
        %dma_start3A_58 = arith.constant 16 : i32
        %dma_start3A_59 = tpu.memref_slice %arg15[%dma_start3A_58] : memref<48xi32, #tpu.memory_space<vmem>> -> memref<1xi32, #tpu.memory_space<vmem>>
        %dma_start3A_60 = arith.constant 16 : i32
        %dma_start3A_61 = tpu.memref_slice %arg15[%dma_start3A_60] : memref<48xi32, #tpu.memory_space<vmem>> -> memref<1xi32, #tpu.memory_space<vmem>>
        tpu.enqueue_dma source(%arg2 : memref<1xi32, #tpu.memory_space<hbm>>) target(%dma_start3A_61 : memref<1xi32, #tpu.memory_space<vmem>>) target_semaphore(%run_scoped3A : memref<!tpu.dma_semaphore, #tpu.memory_space<semaphore_mem>>)
        %dma_wait3A = arith.constant 16 : i32
        %dma_wait3A_62 = tpu.memref_slice %arg15[%dma_wait3A] : memref<48xi32, #tpu.memory_space<vmem>> -> memref<1xi32, #tpu.memory_space<vmem>>
        %dma_wait3A_63 = arith.constant 16 : i32
        %dma_wait3A_64 = tpu.memref_slice %arg15[%dma_wait3A_63] : memref<48xi32, #tpu.memory_space<vmem>> -> memref<1xi32, #tpu.memory_space<vmem>>
        tpu.wait_dma2 semaphore(%run_scoped3A : memref<!tpu.dma_semaphore, #tpu.memory_space<semaphore_mem>>) src(%arg2 : memref<1xi32, #tpu.memory_space<hbm>>) dst(%dma_wait3A_64 : memref<1xi32, #tpu.memory_space<vmem>>)
        tpu.yield
      }) : () -> ()
      "tpu.region"() ({
        %run_scoped3A = tpu.sem_alloc : memref<!tpu.dma_semaphore, #tpu.memory_space<semaphore_mem>>
        %dma_start3A_58 = arith.constant 32 : i32
        %dma_start3A_59 = tpu.memref_slice %arg15[%dma_start3A_58] : memref<48xi32, #tpu.memory_space<vmem>> -> memref<1xi32, #tpu.memory_space<vmem>>
        %dma_start3A_60 = arith.constant 32 : i32
        %dma_start3A_61 = tpu.memref_slice %arg15[%dma_start3A_60] : memref<48xi32, #tpu.memory_space<vmem>> -> memref<1xi32, #tpu.memory_space<vmem>>
        tpu.enqueue_dma source(%arg3 : memref<1xi32, #tpu.memory_space<hbm>>) target(%dma_start3A_61 : memref<1xi32, #tpu.memory_space<vmem>>) target_semaphore(%run_scoped3A : memref<!tpu.dma_semaphore, #tpu.memory_space<semaphore_mem>>)
        %dma_wait3A = arith.constant 32 : i32
        %dma_wait3A_62 = tpu.memref_slice %arg15[%dma_wait3A] : memref<48xi32, #tpu.memory_space<vmem>> -> memref<1xi32, #tpu.memory_space<vmem>>
        %dma_wait3A_63 = arith.constant 32 : i32
        %dma_wait3A_64 = tpu.memref_slice %arg15[%dma_wait3A_63] : memref<48xi32, #tpu.memory_space<vmem>> -> memref<1xi32, #tpu.memory_space<vmem>>
        tpu.wait_dma2 semaphore(%run_scoped3A : memref<!tpu.dma_semaphore, #tpu.memory_space<semaphore_mem>>) src(%arg3 : memref<1xi32, #tpu.memory_space<hbm>>) dst(%dma_wait3A_64 : memref<1xi32, #tpu.memory_space<vmem>>)
        tpu.yield
      }) : () -> ()
      %get3A = arith.constant 16 : index
      %get3A_41 = tpu.vector_load %arg15[%get3A] {strides = array<i32>} : memref<48xi32, #tpu.memory_space<vmem>>, vector<16xi32>,
      %get3A_42 = arith.constant 32 : index
      %get3A_43 = tpu.vector_load %arg15[%get3A_42] {strides = array<i32>} : memref<48xi32, #tpu.memory_space<vmem>>, vector<16xi32>,
      %slice3A = vector.extract_strided_slice %get3A_41 {offsets = [0], sizes = [1], strides = [1]} : vector<16xi32> to vector<1xi32>
      %squeeze3A = vector.extract %slice3A[0] : i32 from vector<1xi32>
      %and3A_44 = arith.constant -128 : i32
      %and3A_45 = arith.andi %squeeze3A, %and3A_44 : i32
      %multiple_of3A = tpu.assume_multiple %and3A_45, 128 : i32
      %dma_start3A = arith.constant 0 : i32
      %dma_start3A_46 = tpu.memref_slice %arg5[%dma_start3A, %multiple_of3A] : memref<64x100000xf32, #tpu.memory_space<hbm>> -> memref<64x128xf32, #tpu.memory_space<hbm>>
      %dma_start3A_47 = arith.constant 0 : i32
      %dma_start3A_48 = tpu.memref_slice %arg5[%dma_start3A_47, %multiple_of3A] : memref<64x100000xf32, #tpu.memory_space<hbm>> -> memref<64x128xf32, #tpu.memory_space<hbm>>
      tpu.enqueue_dma source(%dma_start3A_48 : memref<64x128xf32, #tpu.memory_space<hbm>>) target(%arg24 : memref<64x128xf32, #tpu.memory_space<vmem>>) target_semaphore(%arg39 : memref<!tpu.dma_semaphore, #tpu.memory_space<semaphore_mem>>)
      %slice3A_49 = vector.extract_strided_slice %get3A_43 {offsets = [0], sizes = [1], strides = [1]} : vector<16xi32> to vector<1xi32>
      %squeeze3A_50 = vector.extract %slice3A_49[0] : i32 from vector<1xi32>
      %and3A_51 = arith.constant -128 : i32
      %and3A_52 = arith.andi %squeeze3A_50, %and3A_51 : i32
      %multiple_of3A_53 = tpu.assume_multiple %and3A_52, 128 : i32
      %dma_start3A_54 = arith.constant 0 : i32
      %dma_start3A_55 = tpu.memref_slice %arg6[%dma_start3A_54, %multiple_of3A_53] : memref<64x1000000xf32, #tpu.memory_space<hbm>> -> memref<64x128xf32, #tpu.memory_space<hbm>>
      %dma_start3A_56 = arith.constant 0 : i32
      %dma_start3A_57 = tpu.memref_slice %arg6[%dma_start3A_56, %multiple_of3A_53] : memref<64x1000000xf32, #tpu.memory_space<hbm>> -> memref<64x128xf32, #tpu.memory_space<hbm>>
      tpu.enqueue_dma source(%dma_start3A_57 : memref<64x128xf32, #tpu.memory_space<hbm>>) target(%arg25 : memref<64x128xf32, #tpu.memory_space<vmem>>) target_semaphore(%arg39 : memref<!tpu.dma_semaphore, #tpu.memory_space<semaphore_mem>>)
      tpu.enqueue_dma source(%arg8 : memref<64xf32, #tpu.memory_space<hbm>>) target(%arg30 : memref<64xf32, #tpu.memory_space<vmem>>) target_semaphore(%arg39 : memref<!tpu.dma_semaphore, #tpu.memory_space<semaphore_mem>>)
    } else {
    }
    %convert_element_type3A_22 = arith.extui %lt3A_1 : i1 to i32
    %cond3A_23 = arith.constant 0 : i32
    %cond3A_24 = arith.cmpi ne, %convert_element_type3A_22, %cond3A_23 : i32
    scf.if %cond3A_24 {
      %mul3A_41 = arith.constant 8 : i32
      %mul3A_42 = arith.muli %add3A, %mul3A_41 : i32
      "tpu.region"() ({
        %run_scoped3A = tpu.sem_alloc : memref<!tpu.dma_semaphore, #tpu.memory_space<semaphore_mem>>
        %dma_start3A_373 = arith.constant 0 : i32
        %dma_start3A_374 = tpu.memref_slice %arg15[%dma_start3A_373] : memref<48xi32, #tpu.memory_space<vmem>> -> memref<8xi32, #tpu.memory_space<vmem>>
        %dma_start3A_375 = tpu.memref_slice %arg4[%mul3A_42] : memref<200xi32, #tpu.memory_space<hbm>> -> memref<8xi32, #tpu.memory_space<hbm>>
        %dma_start3A_376 = arith.constant 0 : i32
        %dma_start3A_377 = tpu.memref_slice %arg15[%dma_start3A_376] : memref<48xi32, #tpu.memory_space<vmem>> -> memref<8xi32, #tpu.memory_space<vmem>>
        %dma_start3A_378 = tpu.memref_slice %arg4[%mul3A_42] : memref<200xi32, #tpu.memory_space<hbm>> -> memref<8xi32, #tpu.memory_space<hbm>>
        tpu.enqueue_dma source(%dma_start3A_378 : memref<8xi32, #tpu.memory_space<hbm>>) target(%dma_start3A_377 : memref<8xi32, #tpu.memory_space<vmem>>) target_semaphore(%run_scoped3A : memref<!tpu.dma_semaphore, #tpu.memory_space<semaphore_mem>>)
        %dma_wait3A_379 = arith.constant 0 : i32
        %dma_wait3A_380 = tpu.memref_slice %arg15[%dma_wait3A_379] : memref<48xi32, #tpu.memory_space<vmem>> -> memref<8xi32, #tpu.memory_space<vmem>>
        %dma_wait3A_381 = tpu.memref_slice %arg4[%mul3A_42] : memref<200xi32, #tpu.memory_space<hbm>> -> memref<8xi32, #tpu.memory_space<hbm>>
        %dma_wait3A_382 = arith.constant 0 : i32
        %dma_wait3A_383 = tpu.memref_slice %arg15[%dma_wait3A_382] : memref<48xi32, #tpu.memory_space<vmem>> -> memref<8xi32, #tpu.memory_space<vmem>>
        %dma_wait3A_384 = tpu.memref_slice %arg4[%mul3A_42] : memref<200xi32, #tpu.memory_space<hbm>> -> memref<8xi32, #tpu.memory_space<hbm>>
        tpu.wait_dma2 semaphore(%run_scoped3A : memref<!tpu.dma_semaphore, #tpu.memory_space<semaphore_mem>>) src(%dma_wait3A_384 : memref<8xi32, #tpu.memory_space<hbm>>) dst(%dma_wait3A_383 : memref<8xi32, #tpu.memory_space<vmem>>)
        tpu.yield
      }) : () -> ()
      %get3A = arith.constant 0 : index
      %get3A_43 = tpu.vector_load %arg15[%get3A] {strides = array<i32>} : memref<48xi32, #tpu.memory_space<vmem>>, vector<16xi32>,
      %slice3A = vector.extract_strided_slice %get3A_43 {offsets = [0], sizes = [1], strides = [1]} : vector<16xi32> to vector<1xi32>
      %squeeze3A = vector.extract %slice3A[0] : i32 from vector<1xi32>
      %slice3A_44 = vector.extract_strided_slice %get3A_43 {offsets = [1], sizes = [1], strides = [1]} : vector<16xi32> to vector<1xi32>
      %squeeze3A_45 = vector.extract %slice3A_44[0] : i32 from vector<1xi32>
      %slice3A_46 = vector.extract_strided_slice %get3A_43 {offsets = [2], sizes = [1], strides = [1]} : vector<16xi32> to vector<1xi32>
      %squeeze3A_47 = vector.extract %slice3A_46[0] : i32 from vector<1xi32>
      %slice3A_48 = vector.extract_strided_slice %get3A_43 {offsets = [3], sizes = [1], strides = [1]} : vector<16xi32> to vector<1xi32>
      %squeeze3A_49 = vector.extract %slice3A_48[0] : i32 from vector<1xi32>
      %slice3A_50 = vector.extract_strided_slice %get3A_43 {offsets = [4], sizes = [1], strides = [1]} : vector<16xi32> to vector<1xi32>
      %squeeze3A_51 = vector.extract %slice3A_50[0] : i32 from vector<1xi32>
      %slice3A_52 = vector.extract_strided_slice %get3A_43 {offsets = [5], sizes = [1], strides = [1]} : vector<16xi32> to vector<1xi32>
      %squeeze3A_53 = vector.extract %slice3A_52[0] : i32 from vector<1xi32>
      %slice3A_54 = vector.extract_strided_slice %get3A_43 {offsets = [6], sizes = [1], strides = [1]} : vector<16xi32> to vector<1xi32>
      %squeeze3A_55 = vector.extract %slice3A_54[0] : i32 from vector<1xi32>
      %slice3A_56 = vector.extract_strided_slice %get3A_43 {offsets = [7], sizes = [1], strides = [1]} : vector<16xi32> to vector<1xi32>
      %squeeze3A_57 = vector.extract %slice3A_56[0] : i32 from vector<1xi32>
      %broadcast_in_dim3A = arith.constant 0.000000e+00 : f32
      %broadcast_in_dim3A_58 = vector.broadcast %broadcast_in_dim3A : f32 to vector<16xf32>
      %broadcast_in_dim3A_59 = arith.constant 0.000000e+00 : f32
      %broadcast_in_dim3A_60 = vector.broadcast %broadcast_in_dim3A_59 : f32 to vector<16xf32>
      %broadcast_in_dim3A_61 = arith.constant 0.000000e+00 : f32
      %broadcast_in_dim3A_62 = vector.broadcast %broadcast_in_dim3A_61 : f32 to vector<16xf32>
      %broadcast_in_dim3A_63 = arith.constant 0.000000e+00 : f32
      %broadcast_in_dim3A_64 = vector.broadcast %broadcast_in_dim3A_63 : f32 to vector<16xf32>
      %and3A_65 = arith.constant -128 : i32
      %and3A_66 = arith.andi %squeeze3A, %and3A_65 : i32
      %multiple_of3A = tpu.assume_multiple %and3A_66, 128 : i32
      %dma_start3A = arith.constant 0 : i32
      %dma_start3A_67 = tpu.memref_slice %arg6[%dma_start3A, %multiple_of3A] : memref<64x1000000xf32, #tpu.memory_space<hbm>> -> memref<64x128xf32, #tpu.memory_space<hbm>>
      %dma_start3A_68 = arith.constant 0 : i32
      %dma_start3A_69 = tpu.memref_slice %arg6[%dma_start3A_68, %multiple_of3A] : memref<64x1000000xf32, #tpu.memory_space<hbm>> -> memref<64x128xf32, #tpu.memory_space<hbm>>
      tpu.enqueue_dma source(%dma_start3A_69 : memref<64x128xf32, #tpu.memory_space<hbm>>) target(%arg16 : memref<64x128xf32, #tpu.memory_space<vmem>>) target_semaphore(%arg38 : memref<!tpu.dma_semaphore, #tpu.memory_space<semaphore_mem>>)
      %and3A_70 = arith.constant -128 : i32
      %and3A_71 = arith.andi %squeeze3A_45, %and3A_70 : i32
      %multiple_of3A_72 = tpu.assume_multiple %and3A_71, 128 : i32
      %dma_start3A_73 = arith.constant 0 : i32
      %dma_start3A_74 = tpu.memref_slice %arg6[%dma_start3A_73, %multiple_of3A_72] : memref<64x1000000xf32, #tpu.memory_space<hbm>> -> memref<64x128xf32, #tpu.memory_space<hbm>>
      %dma_start3A_75 = arith.constant 0 : i32
      %dma_start3A_76 = tpu.memref_slice %arg6[%dma_start3A_75, %multiple_of3A_72] : memref<64x1000000xf32, #tpu.memory_space<hbm>> -> memref<64x128xf32, #tpu.memory_space<hbm>>
      tpu.enqueue_dma source(%dma_start3A_76 : memref<64x128xf32, #tpu.memory_space<hbm>>) target(%arg17 : memref<64x128xf32, #tpu.memory_space<vmem>>) target_semaphore(%arg38 : memref<!tpu.dma_semaphore, #tpu.memory_space<semaphore_mem>>)
      %and3A_77 = arith.constant -128 : i32
      %and3A_78 = arith.andi %squeeze3A_47, %and3A_77 : i32
      %multiple_of3A_79 = tpu.assume_multiple %and3A_78, 128 : i32
      %dma_start3A_80 = arith.constant 0 : i32
      %dma_start3A_81 = tpu.memref_slice %arg6[%dma_start3A_80, %multiple_of3A_79] : memref<64x1000000xf32, #tpu.memory_space<hbm>> -> memref<64x128xf32, #tpu.memory_space<hbm>>
      %dma_start3A_82 = arith.constant 0 : i32
      %dma_start3A_83 = tpu.memref_slice %arg6[%dma_start3A_82, %multiple_of3A_79] : memref<64x1000000xf32, #tpu.memory_space<hbm>> -> memref<64x128xf32, #tpu.memory_space<hbm>>
      tpu.enqueue_dma source(%dma_start3A_83 : memref<64x128xf32, #tpu.memory_space<hbm>>) target(%arg18 : memref<64x128xf32, #tpu.memory_space<vmem>>) target_semaphore(%arg38 : memref<!tpu.dma_semaphore, #tpu.memory_space<semaphore_mem>>)
      %and3A_84 = arith.constant -128 : i32
      %and3A_85 = arith.andi %squeeze3A_49, %and3A_84 : i32
      %multiple_of3A_86 = tpu.assume_multiple %and3A_85, 128 : i32
      %dma_start3A_87 = arith.constant 0 : i32
      %dma_start3A_88 = tpu.memref_slice %arg6[%dma_start3A_87, %multiple_of3A_86] : memref<64x1000000xf32, #tpu.memory_space<hbm>> -> memref<64x128xf32, #tpu.memory_space<hbm>>
      %dma_start3A_89 = arith.constant 0 : i32
      %dma_start3A_90 = tpu.memref_slice %arg6[%dma_start3A_89, %multiple_of3A_86] : memref<64x1000000xf32, #tpu.memory_space<hbm>> -> memref<64x128xf32, #tpu.memory_space<hbm>>
      tpu.enqueue_dma source(%dma_start3A_90 : memref<64x128xf32, #tpu.memory_space<hbm>>) target(%arg19 : memref<64x128xf32, #tpu.memory_space<vmem>>) target_semaphore(%arg38 : memref<!tpu.dma_semaphore, #tpu.memory_space<semaphore_mem>>)
      %and3A_91 = arith.constant -128 : i32
      %and3A_92 = arith.andi %squeeze3A_51, %and3A_91 : i32
      %multiple_of3A_93 = tpu.assume_multiple %and3A_92, 128 : i32
      %dma_start3A_94 = arith.constant 0 : i32
      %dma_start3A_95 = tpu.memref_slice %arg6[%dma_start3A_94, %multiple_of3A_93] : memref<64x1000000xf32, #tpu.memory_space<hbm>> -> memref<64x128xf32, #tpu.memory_space<hbm>>
      %dma_start3A_96 = arith.constant 0 : i32
      %dma_start3A_97 = tpu.memref_slice %arg6[%dma_start3A_96, %multiple_of3A_93] : memref<64x1000000xf32, #tpu.memory_space<hbm>> -> memref<64x128xf32, #tpu.memory_space<hbm>>
      tpu.enqueue_dma source(%dma_start3A_97 : memref<64x128xf32, #tpu.memory_space<hbm>>) target(%arg20 : memref<64x128xf32, #tpu.memory_space<vmem>>) target_semaphore(%arg38 : memref<!tpu.dma_semaphore, #tpu.memory_space<semaphore_mem>>)
      %and3A_98 = arith.constant -128 : i32
      %and3A_99 = arith.andi %squeeze3A_53, %and3A_98 : i32
      %multiple_of3A_100 = tpu.assume_multiple %and3A_99, 128 : i32
      %dma_start3A_101 = arith.constant 0 : i32
      %dma_start3A_102 = tpu.memref_slice %arg6[%dma_start3A_101, %multiple_of3A_100] : memref<64x1000000xf32, #tpu.memory_space<hbm>> -> memref<64x128xf32, #tpu.memory_space<hbm>>
      %dma_start3A_103 = arith.constant 0 : i32
      %dma_start3A_104 = tpu.memref_slice %arg6[%dma_start3A_103, %multiple_of3A_100] : memref<64x1000000xf32, #tpu.memory_space<hbm>> -> memref<64x128xf32, #tpu.memory_space<hbm>>
      tpu.enqueue_dma source(%dma_start3A_104 : memref<64x128xf32, #tpu.memory_space<hbm>>) target(%arg21 : memref<64x128xf32, #tpu.memory_space<vmem>>) target_semaphore(%arg38 : memref<!tpu.dma_semaphore, #tpu.memory_space<semaphore_mem>>)
      %and3A_105 = arith.constant -128 : i32
      %and3A_106 = arith.andi %squeeze3A_55, %and3A_105 : i32
      %multiple_of3A_107 = tpu.assume_multiple %and3A_106, 128 : i32
      %dma_start3A_108 = arith.constant 0 : i32
      %dma_start3A_109 = tpu.memref_slice %arg6[%dma_start3A_108, %multiple_of3A_107] : memref<64x1000000xf32, #tpu.memory_space<hbm>> -> memref<64x128xf32, #tpu.memory_space<hbm>>
      %dma_start3A_110 = arith.constant 0 : i32
      %dma_start3A_111 = tpu.memref_slice %arg6[%dma_start3A_110, %multiple_of3A_107] : memref<64x1000000xf32, #tpu.memory_space<hbm>> -> memref<64x128xf32, #tpu.memory_space<hbm>>
      tpu.enqueue_dma source(%dma_start3A_111 : memref<64x128xf32, #tpu.memory_space<hbm>>) target(%arg22 : memref<64x128xf32, #tpu.memory_space<vmem>>) target_semaphore(%arg38 : memref<!tpu.dma_semaphore, #tpu.memory_space<semaphore_mem>>)
      %and3A_112 = arith.constant -128 : i32
      %and3A_113 = arith.andi %squeeze3A_57, %and3A_112 : i32
      %multiple_of3A_114 = tpu.assume_multiple %and3A_113, 128 : i32
      %dma_start3A_115 = arith.constant 0 : i32
      %dma_start3A_116 = tpu.memref_slice %arg6[%dma_start3A_115, %multiple_of3A_114] : memref<64x1000000xf32, #tpu.memory_space<hbm>> -> memref<64x128xf32, #tpu.memory_space<hbm>>
      %dma_start3A_117 = arith.constant 0 : i32
      %dma_start3A_118 = tpu.memref_slice %arg6[%dma_start3A_117, %multiple_of3A_114] : memref<64x1000000xf32, #tpu.memory_space<hbm>> -> memref<64x128xf32, #tpu.memory_space<hbm>>
      tpu.enqueue_dma source(%dma_start3A_118 : memref<64x128xf32, #tpu.memory_space<hbm>>) target(%arg23 : memref<64x128xf32, #tpu.memory_space<vmem>>) target_semaphore(%arg38 : memref<!tpu.dma_semaphore, #tpu.memory_space<semaphore_mem>>)
      %dma_wait3A = arith.constant 0 : i32
      %dma_wait3A_119 = tpu.memref_slice %arg6[%dma_wait3A, %multiple_of3A] : memref<64x1000000xf32, #tpu.memory_space<hbm>> -> memref<64x128xf32, #tpu.memory_space<hbm>>
      %dma_wait3A_120 = arith.constant 0 : i32
      %dma_wait3A_121 = tpu.memref_slice %arg6[%dma_wait3A_120, %multiple_of3A] : memref<64x1000000xf32, #tpu.memory_space<hbm>> -> memref<64x128xf32, #tpu.memory_space<hbm>>
      tpu.wait_dma2 semaphore(%arg38 : memref<!tpu.dma_semaphore, #tpu.memory_space<semaphore_mem>>) src(%dma_wait3A_121 : memref<64x128xf32, #tpu.memory_space<hbm>>) dst(%arg16 : memref<64x128xf32, #tpu.memory_space<vmem>>)
      %dma_wait3A_122 = arith.constant 0 : i32
      %dma_wait3A_123 = tpu.memref_slice %arg6[%dma_wait3A_122, %multiple_of3A_72] : memref<64x1000000xf32, #tpu.memory_space<hbm>> -> memref<64x128xf32, #tpu.memory_space<hbm>>
      %dma_wait3A_124 = arith.constant 0 : i32
      %dma_wait3A_125 = tpu.memref_slice %arg6[%dma_wait3A_124, %multiple_of3A_72] : memref<64x1000000xf32, #tpu.memory_space<hbm>> -> memref<64x128xf32, #tpu.memory_space<hbm>>
      tpu.wait_dma2 semaphore(%arg38 : memref<!tpu.dma_semaphore, #tpu.memory_space<semaphore_mem>>) src(%dma_wait3A_125 : memref<64x128xf32, #tpu.memory_space<hbm>>) dst(%arg17 : memref<64x128xf32, #tpu.memory_space<vmem>>)
      %dma_wait3A_126 = arith.constant 0 : i32
      %dma_wait3A_127 = tpu.memref_slice %arg6[%dma_wait3A_126, %multiple_of3A_79] : memref<64x1000000xf32, #tpu.memory_space<hbm>> -> memref<64x128xf32, #tpu.memory_space<hbm>>
      %dma_wait3A_128 = arith.constant 0 : i32
      %dma_wait3A_129 = tpu.memref_slice %arg6[%dma_wait3A_128, %multiple_of3A_79] : memref<64x1000000xf32, #tpu.memory_space<hbm>> -> memref<64x128xf32, #tpu.memory_space<hbm>>
      tpu.wait_dma2 semaphore(%arg38 : memref<!tpu.dma_semaphore, #tpu.memory_space<semaphore_mem>>) src(%dma_wait3A_129 : memref<64x128xf32, #tpu.memory_space<hbm>>) dst(%arg18 : memref<64x128xf32, #tpu.memory_space<vmem>>)
      %dma_wait3A_130 = arith.constant 0 : i32
      %dma_wait3A_131 = tpu.memref_slice %arg6[%dma_wait3A_130, %multiple_of3A_86] : memref<64x1000000xf32, #tpu.memory_space<hbm>> -> memref<64x128xf32, #tpu.memory_space<hbm>>
      %dma_wait3A_132 = arith.constant 0 : i32
      %dma_wait3A_133 = tpu.memref_slice %arg6[%dma_wait3A_132, %multiple_of3A_86] : memref<64x1000000xf32, #tpu.memory_space<hbm>> -> memref<64x128xf32, #tpu.memory_space<hbm>>
      tpu.wait_dma2 semaphore(%arg38 : memref<!tpu.dma_semaphore, #tpu.memory_space<semaphore_mem>>) src(%dma_wait3A_133 : memref<64x128xf32, #tpu.memory_space<hbm>>) dst(%arg19 : memref<64x128xf32, #tpu.memory_space<vmem>>)
      %dma_wait3A_134 = arith.constant 0 : i32
      %dma_wait3A_135 = tpu.memref_slice %arg6[%dma_wait3A_134, %multiple_of3A_93] : memref<64x1000000xf32, #tpu.memory_space<hbm>> -> memref<64x128xf32, #tpu.memory_space<hbm>>
      %dma_wait3A_136 = arith.constant 0 : i32
      %dma_wait3A_137 = tpu.memref_slice %arg6[%dma_wait3A_136, %multiple_of3A_93] : memref<64x1000000xf32, #tpu.memory_space<hbm>> -> memref<64x128xf32, #tpu.memory_space<hbm>>
      tpu.wait_dma2 semaphore(%arg38 : memref<!tpu.dma_semaphore, #tpu.memory_space<semaphore_mem>>) src(%dma_wait3A_137 : memref<64x128xf32, #tpu.memory_space<hbm>>) dst(%arg20 : memref<64x128xf32, #tpu.memory_space<vmem>>)
      %dma_wait3A_138 = arith.constant 0 : i32
      %dma_wait3A_139 = tpu.memref_slice %arg6[%dma_wait3A_138, %multiple_of3A_100] : memref<64x1000000xf32, #tpu.memory_space<hbm>> -> memref<64x128xf32, #tpu.memory_space<hbm>>
      %dma_wait3A_140 = arith.constant 0 : i32
      %dma_wait3A_141 = tpu.memref_slice %arg6[%dma_wait3A_140, %multiple_of3A_100] : memref<64x1000000xf32, #tpu.memory_space<hbm>> -> memref<64x128xf32, #tpu.memory_space<hbm>>
      tpu.wait_dma2 semaphore(%arg38 : memref<!tpu.dma_semaphore, #tpu.memory_space<semaphore_mem>>) src(%dma_wait3A_141 : memref<64x128xf32, #tpu.memory_space<hbm>>) dst(%arg21 : memref<64x128xf32, #tpu.memory_space<vmem>>)
      %dma_wait3A_142 = arith.constant 0 : i32
      %dma_wait3A_143 = tpu.memref_slice %arg6[%dma_wait3A_142, %multiple_of3A_107] : memref<64x1000000xf32, #tpu.memory_space<hbm>> -> memref<64x128xf32, #tpu.memory_space<hbm>>
      %dma_wait3A_144 = arith.constant 0 : i32
      %dma_wait3A_145 = tpu.memref_slice %arg6[%dma_wait3A_144, %multiple_of3A_107] : memref<64x1000000xf32, #tpu.memory_space<hbm>> -> memref<64x128xf32, #tpu.memory_space<hbm>>
      tpu.wait_dma2 semaphore(%arg38 : memref<!tpu.dma_semaphore, #tpu.memory_space<semaphore_mem>>) src(%dma_wait3A_145 : memref<64x128xf32, #tpu.memory_space<hbm>>) dst(%arg22 : memref<64x128xf32, #tpu.memory_space<vmem>>)
      %dma_wait3A_146 = arith.constant 0 : i32
      %dma_wait3A_147 = tpu.memref_slice %arg6[%dma_wait3A_146, %multiple_of3A_114] : memref<64x1000000xf32, #tpu.memory_space<hbm>> -> memref<64x128xf32, #tpu.memory_space<hbm>>
      %dma_wait3A_148 = arith.constant 0 : i32
      %dma_wait3A_149 = tpu.memref_slice %arg6[%dma_wait3A_148, %multiple_of3A_114] : memref<64x1000000xf32, #tpu.memory_space<hbm>> -> memref<64x128xf32, #tpu.memory_space<hbm>>
      tpu.wait_dma2 semaphore(%arg38 : memref<!tpu.dma_semaphore, #tpu.memory_space<semaphore_mem>>) src(%dma_wait3A_149 : memref<64x128xf32, #tpu.memory_space<hbm>>) dst(%arg23 : memref<64x128xf32, #tpu.memory_space<vmem>>)
      %and3A_150 = arith.constant 127 : i32
      %and3A_151 = arith.andi %squeeze3A, %and3A_150 : i32
      %broadcast_in_dim3A_152 = vector.broadcast %and3A_151 : i32 to vector<16xi32>
      %add3A_153 = arith.constant 0 : i32
      %add3A_154 = vector.broadcast %add3A_153 : i32 to vector<16xi32>
      %add3A_155 = arith.addi %iota3A, %add3A_154 : vector<16xi32>
      %gather3A = tpu.vector_load_idx %arg16[%add3A_155, %broadcast_in_dim3A_152] : memref<64x128xf32, #tpu.memory_space<vmem>>[vector<16xi32>, vector<16xi32>], vector<16xf32>,
      %add3A_156 = arith.addf %broadcast_in_dim3A_58, %gather3A : vector<16xf32>
      %add3A_157 = arith.constant 16 : i32
      %add3A_158 = vector.broadcast %add3A_157 : i32 to vector<16xi32>
      %add3A_159 = arith.addi %iota3A, %add3A_158 : vector<16xi32>
      %gather3A_160 = tpu.vector_load_idx %arg16[%add3A_159, %broadcast_in_dim3A_152] : memref<64x128xf32, #tpu.memory_space<vmem>>[vector<16xi32>, vector<16xi32>], vector<16xf32>,
      %add3A_161 = arith.addf %broadcast_in_dim3A_60, %gather3A_160 : vector<16xf32>
      %add3A_162 = arith.constant 32 : i32
      %add3A_163 = vector.broadcast %add3A_162 : i32 to vector<16xi32>
      %add3A_164 = arith.addi %iota3A, %add3A_163 : vector<16xi32>
      %gather3A_165 = tpu.vector_load_idx %arg16[%add3A_164, %broadcast_in_dim3A_152] : memref<64x128xf32, #tpu.memory_space<vmem>>[vector<16xi32>, vector<16xi32>], vector<16xf32>,
      %add3A_166 = arith.addf %broadcast_in_dim3A_62, %gather3A_165 : vector<16xf32>
      %add3A_167 = arith.constant 48 : i32
      %add3A_168 = vector.broadcast %add3A_167 : i32 to vector<16xi32>
      %add3A_169 = arith.addi %iota3A, %add3A_168 : vector<16xi32>
      %gather3A_170 = tpu.vector_load_idx %arg16[%add3A_169, %broadcast_in_dim3A_152] : memref<64x128xf32, #tpu.memory_space<vmem>>[vector<16xi32>, vector<16xi32>], vector<16xf32>,
      %add3A_171 = arith.addf %broadcast_in_dim3A_64, %gather3A_170 : vector<16xf32>
      %and3A_172 = arith.constant 127 : i32
      %and3A_173 = arith.andi %squeeze3A_45, %and3A_172 : i32
      %broadcast_in_dim3A_174 = vector.broadcast %and3A_173 : i32 to vector<16xi32>
      %add3A_175 = arith.constant 0 : i32
      %add3A_176 = vector.broadcast %add3A_175 : i32 to vector<16xi32>
      %add3A_177 = arith.addi %iota3A, %add3A_176 : vector<16xi32>
      %gather3A_178 = tpu.vector_load_idx %arg17[%add3A_177, %broadcast_in_dim3A_174] : memref<64x128xf32, #tpu.memory_space<vmem>>[vector<16xi32>, vector<16xi32>], vector<16xf32>,
      %add3A_179 = arith.addf %add3A_156, %gather3A_178 : vector<16xf32>
      %add3A_180 = arith.constant 16 : i32
      %add3A_181 = vector.broadcast %add3A_180 : i32 to vector<16xi32>
      %add3A_182 = arith.addi %iota3A, %add3A_181 : vector<16xi32>
      %gather3A_183 = tpu.vector_load_idx %arg17[%add3A_182, %broadcast_in_dim3A_174] : memref<64x128xf32, #tpu.memory_space<vmem>>[vector<16xi32>, vector<16xi32>], vector<16xf32>,
      %add3A_184 = arith.addf %add3A_161, %gather3A_183 : vector<16xf32>
      %add3A_185 = arith.constant 32 : i32
      %add3A_186 = vector.broadcast %add3A_185 : i32 to vector<16xi32>
      %add3A_187 = arith.addi %iota3A, %add3A_186 : vector<16xi32>
      %gather3A_188 = tpu.vector_load_idx %arg17[%add3A_187, %broadcast_in_dim3A_174] : memref<64x128xf32, #tpu.memory_space<vmem>>[vector<16xi32>, vector<16xi32>], vector<16xf32>,
      %add3A_189 = arith.addf %add3A_166, %gather3A_188 : vector<16xf32>
      %add3A_190 = arith.constant 48 : i32
      %add3A_191 = vector.broadcast %add3A_190 : i32 to vector<16xi32>
      %add3A_192 = arith.addi %iota3A, %add3A_191 : vector<16xi32>
      %gather3A_193 = tpu.vector_load_idx %arg17[%add3A_192, %broadcast_in_dim3A_174] : memref<64x128xf32, #tpu.memory_space<vmem>>[vector<16xi32>, vector<16xi32>], vector<16xf32>,
      %add3A_194 = arith.addf %add3A_171, %gather3A_193 : vector<16xf32>
      %and3A_195 = arith.constant 127 : i32
      %and3A_196 = arith.andi %squeeze3A_47, %and3A_195 : i32
      %broadcast_in_dim3A_197 = vector.broadcast %and3A_196 : i32 to vector<16xi32>
      %add3A_198 = arith.constant 0 : i32
      %add3A_199 = vector.broadcast %add3A_198 : i32 to vector<16xi32>
      %add3A_200 = arith.addi %iota3A, %add3A_199 : vector<16xi32>
      %gather3A_201 = tpu.vector_load_idx %arg18[%add3A_200, %broadcast_in_dim3A_197] : memref<64x128xf32, #tpu.memory_space<vmem>>[vector<16xi32>, vector<16xi32>], vector<16xf32>,
      %add3A_202 = arith.addf %add3A_179, %gather3A_201 : vector<16xf32>
      %add3A_203 = arith.constant 16 : i32
      %add3A_204 = vector.broadcast %add3A_203 : i32 to vector<16xi32>
      %add3A_205 = arith.addi %iota3A, %add3A_204 : vector<16xi32>
      %gather3A_206 = tpu.vector_load_idx %arg18[%add3A_205, %broadcast_in_dim3A_197] : memref<64x128xf32, #tpu.memory_space<vmem>>[vector<16xi32>, vector<16xi32>], vector<16xf32>,
      %add3A_207 = arith.addf %add3A_184, %gather3A_206 : vector<16xf32>
      %add3A_208 = arith.constant 32 : i32
      %add3A_209 = vector.broadcast %add3A_208 : i32 to vector<16xi32>
      %add3A_210 = arith.addi %iota3A, %add3A_209 : vector<16xi32>
      %gather3A_211 = tpu.vector_load_idx %arg18[%add3A_210, %broadcast_in_dim3A_197] : memref<64x128xf32, #tpu.memory_space<vmem>>[vector<16xi32>, vector<16xi32>], vector<16xf32>,
      %add3A_212 = arith.addf %add3A_189, %gather3A_211 : vector<16xf32>
      %add3A_213 = arith.constant 48 : i32
      %add3A_214 = vector.broadcast %add3A_213 : i32 to vector<16xi32>
      %add3A_215 = arith.addi %iota3A, %add3A_214 : vector<16xi32>
      %gather3A_216 = tpu.vector_load_idx %arg18[%add3A_215, %broadcast_in_dim3A_197] : memref<64x128xf32, #tpu.memory_space<vmem>>[vector<16xi32>, vector<16xi32>], vector<16xf32>,
      %add3A_217 = arith.addf %add3A_194, %gather3A_216 : vector<16xf32>
      %and3A_218 = arith.constant 127 : i32
      %and3A_219 = arith.andi %squeeze3A_49, %and3A_218 : i32
      %broadcast_in_dim3A_220 = vector.broadcast %and3A_219 : i32 to vector<16xi32>
      %add3A_221 = arith.constant 0 : i32
      %add3A_222 = vector.broadcast %add3A_221 : i32 to vector<16xi32>
      %add3A_223 = arith.addi %iota3A, %add3A_222 : vector<16xi32>
      %gather3A_224 = tpu.vector_load_idx %arg19[%add3A_223, %broadcast_in_dim3A_220] : memref<64x128xf32, #tpu.memory_space<vmem>>[vector<16xi32>, vector<16xi32>], vector<16xf32>,
      %add3A_225 = arith.addf %add3A_202, %gather3A_224 : vector<16xf32>
      %add3A_226 = arith.constant 16 : i32
      %add3A_227 = vector.broadcast %add3A_226 : i32 to vector<16xi32>
      %add3A_228 = arith.addi %iota3A, %add3A_227 : vector<16xi32>
      %gather3A_229 = tpu.vector_load_idx %arg19[%add3A_228, %broadcast_in_dim3A_220] : memref<64x128xf32, #tpu.memory_space<vmem>>[vector<16xi32>, vector<16xi32>], vector<16xf32>,
      %add3A_230 = arith.addf %add3A_207, %gather3A_229 : vector<16xf32>
      %add3A_231 = arith.constant 32 : i32
      %add3A_232 = vector.broadcast %add3A_231 : i32 to vector<16xi32>
      %add3A_233 = arith.addi %iota3A, %add3A_232 : vector<16xi32>
      %gather3A_234 = tpu.vector_load_idx %arg19[%add3A_233, %broadcast_in_dim3A_220] : memref<64x128xf32, #tpu.memory_space<vmem>>[vector<16xi32>, vector<16xi32>], vector<16xf32>,
      %add3A_235 = arith.addf %add3A_212, %gather3A_234 : vector<16xf32>
      %add3A_236 = arith.constant 48 : i32
      %add3A_237 = vector.broadcast %add3A_236 : i32 to vector<16xi32>
      %add3A_238 = arith.addi %iota3A, %add3A_237 : vector<16xi32>
      %gather3A_239 = tpu.vector_load_idx %arg19[%add3A_238, %broadcast_in_dim3A_220] : memref<64x128xf32, #tpu.memory_space<vmem>>[vector<16xi32>, vector<16xi32>], vector<16xf32>,
      %add3A_240 = arith.addf %add3A_217, %gather3A_239 : vector<16xf32>
      %and3A_241 = arith.constant 127 : i32
      %and3A_242 = arith.andi %squeeze3A_51, %and3A_241 : i32
      %broadcast_in_dim3A_243 = vector.broadcast %and3A_242 : i32 to vector<16xi32>
      %add3A_244 = arith.constant 0 : i32
      %add3A_245 = vector.broadcast %add3A_244 : i32 to vector<16xi32>
      %add3A_246 = arith.addi %iota3A, %add3A_245 : vector<16xi32>
      %gather3A_247 = tpu.vector_load_idx %arg20[%add3A_246, %broadcast_in_dim3A_243] : memref<64x128xf32, #tpu.memory_space<vmem>>[vector<16xi32>, vector<16xi32>], vector<16xf32>,
      %add3A_248 = arith.addf %add3A_225, %gather3A_247 : vector<16xf32>
      %add3A_249 = arith.constant 16 : i32
      %add3A_250 = vector.broadcast %add3A_249 : i32 to vector<16xi32>
      %add3A_251 = arith.addi %iota3A, %add3A_250 : vector<16xi32>
      %gather3A_252 = tpu.vector_load_idx %arg20[%add3A_251, %broadcast_in_dim3A_243] : memref<64x128xf32, #tpu.memory_space<vmem>>[vector<16xi32>, vector<16xi32>], vector<16xf32>,
      %add3A_253 = arith.addf %add3A_230, %gather3A_252 : vector<16xf32>
      %add3A_254 = arith.constant 32 : i32
      %add3A_255 = vector.broadcast %add3A_254 : i32 to vector<16xi32>
      %add3A_256 = arith.addi %iota3A, %add3A_255 : vector<16xi32>
      %gather3A_257 = tpu.vector_load_idx %arg20[%add3A_256, %broadcast_in_dim3A_243] : memref<64x128xf32, #tpu.memory_space<vmem>>[vector<16xi32>, vector<16xi32>], vector<16xf32>,
      %add3A_258 = arith.addf %add3A_235, %gather3A_257 : vector<16xf32>
      %add3A_259 = arith.constant 48 : i32
      %add3A_260 = vector.broadcast %add3A_259 : i32 to vector<16xi32>
      %add3A_261 = arith.addi %iota3A, %add3A_260 : vector<16xi32>
      %gather3A_262 = tpu.vector_load_idx %arg20[%add3A_261, %broadcast_in_dim3A_243] : memref<64x128xf32, #tpu.memory_space<vmem>>[vector<16xi32>, vector<16xi32>], vector<16xf32>,
      %add3A_263 = arith.addf %add3A_240, %gather3A_262 : vector<16xf32>
      %and3A_264 = arith.constant 127 : i32
      %and3A_265 = arith.andi %squeeze3A_53, %and3A_264 : i32
      %broadcast_in_dim3A_266 = vector.broadcast %and3A_265 : i32 to vector<16xi32>
      %add3A_267 = arith.constant 0 : i32
      %add3A_268 = vector.broadcast %add3A_267 : i32 to vector<16xi32>
      %add3A_269 = arith.addi %iota3A, %add3A_268 : vector<16xi32>
      %gather3A_270 = tpu.vector_load_idx %arg21[%add3A_269, %broadcast_in_dim3A_266] : memref<64x128xf32, #tpu.memory_space<vmem>>[vector<16xi32>, vector<16xi32>], vector<16xf32>,
      %add3A_271 = arith.addf %add3A_248, %gather3A_270 : vector<16xf32>
      %add3A_272 = arith.constant 16 : i32
      %add3A_273 = vector.broadcast %add3A_272 : i32 to vector<16xi32>
      %add3A_274 = arith.addi %iota3A, %add3A_273 : vector<16xi32>
      %gather3A_275 = tpu.vector_load_idx %arg21[%add3A_274, %broadcast_in_dim3A_266] : memref<64x128xf32, #tpu.memory_space<vmem>>[vector<16xi32>, vector<16xi32>], vector<16xf32>,
      %add3A_276 = arith.addf %add3A_253, %gather3A_275 : vector<16xf32>
      %add3A_277 = arith.constant 32 : i32
      %add3A_278 = vector.broadcast %add3A_277 : i32 to vector<16xi32>
      %add3A_279 = arith.addi %iota3A, %add3A_278 : vector<16xi32>
      %gather3A_280 = tpu.vector_load_idx %arg21[%add3A_279, %broadcast_in_dim3A_266] : memref<64x128xf32, #tpu.memory_space<vmem>>[vector<16xi32>, vector<16xi32>], vector<16xf32>,
      %add3A_281 = arith.addf %add3A_258, %gather3A_280 : vector<16xf32>
      %add3A_282 = arith.constant 48 : i32
      %add3A_283 = vector.broadcast %add3A_282 : i32 to vector<16xi32>
      %add3A_284 = arith.addi %iota3A, %add3A_283 : vector<16xi32>
      %gather3A_285 = tpu.vector_load_idx %arg21[%add3A_284, %broadcast_in_dim3A_266] : memref<64x128xf32, #tpu.memory_space<vmem>>[vector<16xi32>, vector<16xi32>], vector<16xf32>,
      %add3A_286 = arith.addf %add3A_263, %gather3A_285 : vector<16xf32>
      %and3A_287 = arith.constant 127 : i32
      %and3A_288 = arith.andi %squeeze3A_55, %and3A_287 : i32
      %broadcast_in_dim3A_289 = vector.broadcast %and3A_288 : i32 to vector<16xi32>
      %add3A_290 = arith.constant 0 : i32
      %add3A_291 = vector.broadcast %add3A_290 : i32 to vector<16xi32>
      %add3A_292 = arith.addi %iota3A, %add3A_291 : vector<16xi32>
      %gather3A_293 = tpu.vector_load_idx %arg22[%add3A_292, %broadcast_in_dim3A_289] : memref<64x128xf32, #tpu.memory_space<vmem>>[vector<16xi32>, vector<16xi32>], vector<16xf32>,
      %add3A_294 = arith.addf %add3A_271, %gather3A_293 : vector<16xf32>
      %add3A_295 = arith.constant 16 : i32
      %add3A_296 = vector.broadcast %add3A_295 : i32 to vector<16xi32>
      %add3A_297 = arith.addi %iota3A, %add3A_296 : vector<16xi32>
      %gather3A_298 = tpu.vector_load_idx %arg22[%add3A_297, %broadcast_in_dim3A_289] : memref<64x128xf32, #tpu.memory_space<vmem>>[vector<16xi32>, vector<16xi32>], vector<16xf32>,
      %add3A_299 = arith.addf %add3A_276, %gather3A_298 : vector<16xf32>
      %add3A_300 = arith.constant 32 : i32
      %add3A_301 = vector.broadcast %add3A_300 : i32 to vector<16xi32>
      %add3A_302 = arith.addi %iota3A, %add3A_301 : vector<16xi32>
      %gather3A_303 = tpu.vector_load_idx %arg22[%add3A_302, %broadcast_in_dim3A_289] : memref<64x128xf32, #tpu.memory_space<vmem>>[vector<16xi32>, vector<16xi32>], vector<16xf32>,
      %add3A_304 = arith.addf %add3A_281, %gather3A_303 : vector<16xf32>
      %add3A_305 = arith.constant 48 : i32
      %add3A_306 = vector.broadcast %add3A_305 : i32 to vector<16xi32>
      %add3A_307 = arith.addi %iota3A, %add3A_306 : vector<16xi32>
      %gather3A_308 = tpu.vector_load_idx %arg22[%add3A_307, %broadcast_in_dim3A_289] : memref<64x128xf32, #tpu.memory_space<vmem>>[vector<16xi32>, vector<16xi32>], vector<16xf32>,
      %add3A_309 = arith.addf %add3A_286, %gather3A_308 : vector<16xf32>
      %and3A_310 = arith.constant 127 : i32
      %and3A_311 = arith.andi %squeeze3A_57, %and3A_310 : i32
      %broadcast_in_dim3A_312 = vector.broadcast %and3A_311 : i32 to vector<16xi32>
      %add3A_313 = arith.constant 0 : i32
      %add3A_314 = vector.broadcast %add3A_313 : i32 to vector<16xi32>
      %add3A_315 = arith.addi %iota3A, %add3A_314 : vector<16xi32>
      %gather3A_316 = tpu.vector_load_idx %arg23[%add3A_315, %broadcast_in_dim3A_312] : memref<64x128xf32, #tpu.memory_space<vmem>>[vector<16xi32>, vector<16xi32>], vector<16xf32>,
      %add3A_317 = arith.addf %add3A_294, %gather3A_316 : vector<16xf32>
      %add3A_318 = arith.constant 16 : i32
      %add3A_319 = vector.broadcast %add3A_318 : i32 to vector<16xi32>
      %add3A_320 = arith.addi %iota3A, %add3A_319 : vector<16xi32>
      %gather3A_321 = tpu.vector_load_idx %arg23[%add3A_320, %broadcast_in_dim3A_312] : memref<64x128xf32, #tpu.memory_space<vmem>>[vector<16xi32>, vector<16xi32>], vector<16xf32>,
      %add3A_322 = arith.addf %add3A_299, %gather3A_321 : vector<16xf32>
      %add3A_323 = arith.constant 32 : i32
      %add3A_324 = vector.broadcast %add3A_323 : i32 to vector<16xi32>
      %add3A_325 = arith.addi %iota3A, %add3A_324 : vector<16xi32>
      %gather3A_326 = tpu.vector_load_idx %arg23[%add3A_325, %broadcast_in_dim3A_312] : memref<64x128xf32, #tpu.memory_space<vmem>>[vector<16xi32>, vector<16xi32>], vector<16xf32>,
      %add3A_327 = arith.addf %add3A_304, %gather3A_326 : vector<16xf32>
      %add3A_328 = arith.constant 48 : i32
      %add3A_329 = vector.broadcast %add3A_328 : i32 to vector<16xi32>
      %add3A_330 = arith.addi %iota3A, %add3A_329 : vector<16xi32>
      %gather3A_331 = tpu.vector_load_idx %arg23[%add3A_330, %broadcast_in_dim3A_312] : memref<64x128xf32, #tpu.memory_space<vmem>>[vector<16xi32>, vector<16xi32>], vector<16xf32>,
      %add3A_332 = arith.addf %add3A_309, %gather3A_331 : vector<16xf32>
      %mul3A_333 = arith.constant 5.000000e-03 : f32
      %mul3A_334 = vector.broadcast %mul3A_333 : f32 to vector<16xf32>
      %mul3A_335 = arith.mulf %add3A_317, %mul3A_334 : vector<16xf32>
      %swap3A = arith.constant 0 : index
      %swap3A_336 = tpu.vector_load %arg26[%swap3A] {strides = array<i32>} : memref<64xf32, #tpu.memory_space<vmem>>, vector<16xf32>,
      tpu.vector_store %arg26[%swap3A], %mul3A_335 {strides = array<i32>} : memref<64xf32, #tpu.memory_space<vmem>>, vector<16xf32>,
      %mul3A_337 = arith.constant 5.000000e-03 : f32
      %mul3A_338 = vector.broadcast %mul3A_337 : f32 to vector<16xf32>
      %mul3A_339 = arith.mulf %add3A_322, %mul3A_338 : vector<16xf32>
      %swap3A_340 = arith.constant 16 : index
      %swap3A_341 = tpu.vector_load %arg26[%swap3A_340] {strides = array<i32>} : memref<64xf32, #tpu.memory_space<vmem>>, vector<16xf32>,
      tpu.vector_store %arg26[%swap3A_340], %mul3A_339 {strides = array<i32>} : memref<64xf32, #tpu.memory_space<vmem>>, vector<16xf32>,
      %mul3A_342 = arith.constant 5.000000e-03 : f32
      %mul3A_343 = vector.broadcast %mul3A_342 : f32 to vector<16xf32>
      %mul3A_344 = arith.mulf %add3A_327, %mul3A_343 : vector<16xf32>
      %swap3A_345 = arith.constant 32 : index
      %swap3A_346 = tpu.vector_load %arg26[%swap3A_345] {strides = array<i32>} : memref<64xf32, #tpu.memory_space<vmem>>, vector<16xf32>,
      tpu.vector_store %arg26[%swap3A_345], %mul3A_344 {strides = array<i32>} : memref<64xf32, #tpu.memory_space<vmem>>, vector<16xf32>,
      %mul3A_347 = arith.constant 5.000000e-03 : f32
      %mul3A_348 = vector.broadcast %mul3A_347 : f32 to vector<16xf32>
      %mul3A_349 = arith.mulf %add3A_332, %mul3A_348 : vector<16xf32>
      %swap3A_350 = arith.constant 48 : index
      %swap3A_351 = tpu.vector_load %arg26[%swap3A_350] {strides = array<i32>} : memref<64xf32, #tpu.memory_space<vmem>>, vector<16xf32>,
      tpu.vector_store %arg26[%swap3A_350], %mul3A_349 {strides = array<i32>} : memref<64xf32, #tpu.memory_space<vmem>>, vector<16xf32>,
      tpu.wait_dma2 semaphore(%arg40 : memref<!tpu.dma_semaphore, #tpu.memory_space<semaphore_mem>>) src(%arg7 : memref<64x192xf32, #tpu.memory_space<hbm>>) dst(%arg29 : memref<64x192xf32, #tpu.memory_space<vmem>>)
      %broadcast_in_dim3A_352 = arith.constant 0.000000e+00 : f32
      %broadcast_in_dim3A_353 = vector.broadcast %broadcast_in_dim3A_352 : f32 to vector<16xf32>
      %broadcast_in_dim3A_354 = arith.constant 0.000000e+00 : f32
      %broadcast_in_dim3A_355 = vector.broadcast %broadcast_in_dim3A_354 : f32 to vector<16xf32>
      %broadcast_in_dim3A_356 = arith.constant 0.000000e+00 : f32
      %broadcast_in_dim3A_357 = vector.broadcast %broadcast_in_dim3A_356 : f32 to vector<16xf32>
      %broadcast_in_dim3A_358 = arith.constant 0.000000e+00 : f32
      %broadcast_in_dim3A_359 = vector.broadcast %broadcast_in_dim3A_358 : f32 to vector<16xf32>
      %scan3A = arith.constant 0 : i32
      %scan3A_360 = arith.constant 4 : i32
      %scan3A_361 = arith.addi %scan3A, %scan3A_360 : i32
      %scan3A_362 = arith.constant 1 : i32
      %scan3A_363:4 = scf.for %scan3A_373 = %scan3A to %scan3A_361 step %scan3A_362 iter_args(%scan3A_374 = %broadcast_in_dim3A_353, %scan3A_375 = %broadcast_in_dim3A_355, %scan3A_376 = %broadcast_in_dim3A_357, %scan3A_377 = %broadcast_in_dim3A_359) -> (vector<16xf32>, vector<16xf32>, vector<16xf32>, vector<16xf32>)  : i32 {
        %mul3A_378 = arith.constant 16 : i32
        %mul3A_379 = arith.muli %scan3A_373, %mul3A_378 : i32
        %get3A_380 = arith.index_cast %mul3A_379 : i32 to index
        %get3A_381 = tpu.vector_load %arg26[%get3A_380] {strides = array<i32>} : memref<64xf32, #tpu.memory_space<vmem>>, vector<16xf32>,
        %slice3A_382 = vector.extract_strided_slice %get3A_381 {offsets = [0], sizes = [1], strides = [1]} : vector<16xf32> to vector<1xf32>
        %squeeze3A_383 = vector.extract %slice3A_382[0] : f32 from vector<1xf32>
        %mul3A_384 = arith.constant 16 : i32
        %mul3A_385 = arith.muli %scan3A_373, %mul3A_384 : i32
        %add3A_386 = arith.constant 128 : i32
        %add3A_387 = arith.addi %add3A_386, %mul3A_385 : i32
        %add3A_388 = arith.constant 0 : i32
        %add3A_389 = arith.addi %add3A_387, %add3A_388 : i32
        %broadcast_in_dim3A_390 = vector.broadcast %add3A_389 : i32 to vector<16xi32>
        %add3A_391 = arith.constant 0 : i32
        %add3A_392 = vector.broadcast %add3A_391 : i32 to vector<16xi32>
        %add3A_393 = arith.addi %iota3A, %add3A_392 : vector<16xi32>
        %gather3A_394 = tpu.vector_load_idx %arg29[%add3A_393, %broadcast_in_dim3A_390] : memref<64x192xf32, #tpu.memory_space<vmem>>[vector<16xi32>, vector<16xi32>], vector<16xf32>,
        %mul3A_395 = vector.broadcast %squeeze3A_383 : f32 to vector<16xf32>
        %mul3A_396 = arith.mulf %mul3A_395, %gather3A_394 : vector<16xf32>
        %add3A_397 = arith.addf %scan3A_374, %mul3A_396 : vector<16xf32>
        %add3A_398 = arith.constant 16 : i32
        %add3A_399 = vector.broadcast %add3A_398 : i32 to vector<16xi32>
        %add3A_400 = arith.addi %iota3A, %add3A_399 : vector<16xi32>
        %gather3A_401 = tpu.vector_load_idx %arg29[%add3A_400, %broadcast_in_dim3A_390] : memref<64x192xf32, #tpu.memory_space<vmem>>[vector<16xi32>, vector<16xi32>], vector<16xf32>,
        %mul3A_402 = vector.broadcast %squeeze3A_383 : f32 to vector<16xf32>
        %mul3A_403 = arith.mulf %mul3A_402, %gather3A_401 : vector<16xf32>
        %add3A_404 = arith.addf %scan3A_375, %mul3A_403 : vector<16xf32>
        %add3A_405 = arith.constant 32 : i32
        %add3A_406 = vector.broadcast %add3A_405 : i32 to vector<16xi32>
        %add3A_407 = arith.addi %iota3A, %add3A_406 : vector<16xi32>
        %gather3A_408 = tpu.vector_load_idx %arg29[%add3A_407, %broadcast_in_dim3A_390] : memref<64x192xf32, #tpu.memory_space<vmem>>[vector<16xi32>, vector<16xi32>], vector<16xf32>,
        %mul3A_409 = vector.broadcast %squeeze3A_383 : f32 to vector<16xf32>
        %mul3A_410 = arith.mulf %mul3A_409, %gather3A_408 : vector<16xf32>
        %add3A_411 = arith.addf %scan3A_376, %mul3A_410 : vector<16xf32>
        %add3A_412 = arith.constant 48 : i32
        %add3A_413 = vector.broadcast %add3A_412 : i32 to vector<16xi32>
        %add3A_414 = arith.addi %iota3A, %add3A_413 : vector<16xi32>
        %gather3A_415 = tpu.vector_load_idx %arg29[%add3A_414, %broadcast_in_dim3A_390] : memref<64x192xf32, #tpu.memory_space<vmem>>[vector<16xi32>, vector<16xi32>], vector<16xf32>,
        %mul3A_416 = vector.broadcast %squeeze3A_383 : f32 to vector<16xf32>
        %mul3A_417 = arith.mulf %mul3A_416, %gather3A_415 : vector<16xf32>
        %add3A_418 = arith.addf %scan3A_377, %mul3A_417 : vector<16xf32>
        %slice3A_419 = vector.extract_strided_slice %get3A_381 {offsets = [1], sizes = [1], strides = [1]} : vector<16xf32> to vector<1xf32>
        %squeeze3A_420 = vector.extract %slice3A_419[0] : f32 from vector<1xf32>
        %mul3A_421 = arith.constant 16 : i32
        %mul3A_422 = arith.muli %scan3A_373, %mul3A_421 : i32
        %add3A_423 = arith.constant 128 : i32
        %add3A_424 = arith.addi %add3A_423, %mul3A_422 : i32
        %add3A_425 = arith.constant 1 : i32
        %add3A_426 = arith.addi %add3A_424, %add3A_425 : i32
        %broadcast_in_dim3A_427 = vector.broadcast %add3A_426 : i32 to vector<16xi32>
        %add3A_428 = arith.constant 0 : i32
        %add3A_429 = vector.broadcast %add3A_428 : i32 to vector<16xi32>
        %add3A_430 = arith.addi %iota3A, %add3A_429 : vector<16xi32>
        %gather3A_431 = tpu.vector_load_idx %arg29[%add3A_430, %broadcast_in_dim3A_427] : memref<64x192xf32, #tpu.memory_space<vmem>>[vector<16xi32>, vector<16xi32>], vector<16xf32>,
        %mul3A_432 = vector.broadcast %squeeze3A_420 : f32 to vector<16xf32>
        %mul3A_433 = arith.mulf %mul3A_432, %gather3A_431 : vector<16xf32>
        %add3A_434 = arith.addf %add3A_397, %mul3A_433 : vector<16xf32>
        %add3A_435 = arith.constant 16 : i32
        %add3A_436 = vector.broadcast %add3A_435 : i32 to vector<16xi32>
        %add3A_437 = arith.addi %iota3A, %add3A_436 : vector<16xi32>
        %gather3A_438 = tpu.vector_load_idx %arg29[%add3A_437, %broadcast_in_dim3A_427] : memref<64x192xf32, #tpu.memory_space<vmem>>[vector<16xi32>, vector<16xi32>], vector<16xf32>,
        %mul3A_439 = vector.broadcast %squeeze3A_420 : f32 to vector<16xf32>
        %mul3A_440 = arith.mulf %mul3A_439, %gather3A_438 : vector<16xf32>
        %add3A_441 = arith.addf %add3A_404, %mul3A_440 : vector<16xf32>
        %add3A_442 = arith.constant 32 : i32
        %add3A_443 = vector.broadcast %add3A_442 : i32 to vector<16xi32>
        %add3A_444 = arith.addi %iota3A, %add3A_443 : vector<16xi32>
        %gather3A_445 = tpu.vector_load_idx %arg29[%add3A_444, %broadcast_in_dim3A_427] : memref<64x192xf32, #tpu.memory_space<vmem>>[vector<16xi32>, vector<16xi32>], vector<16xf32>,
        %mul3A_446 = vector.broadcast %squeeze3A_420 : f32 to vector<16xf32>
        %mul3A_447 = arith.mulf %mul3A_446, %gather3A_445 : vector<16xf32>
        %add3A_448 = arith.addf %add3A_411, %mul3A_447 : vector<16xf32>
        %add3A_449 = arith.constant 48 : i32
        %add3A_450 = vector.broadcast %add3A_449 : i32 to vector<16xi32>
        %add3A_451 = arith.addi %iota3A, %add3A_450 : vector<16xi32>
        %gather3A_452 = tpu.vector_load_idx %arg29[%add3A_451, %broadcast_in_dim3A_427] : memref<64x192xf32, #tpu.memory_space<vmem>>[vector<16xi32>, vector<16xi32>], vector<16xf32>,
        %mul3A_453 = vector.broadcast %squeeze3A_420 : f32 to vector<16xf32>
        %mul3A_454 = arith.mulf %mul3A_453, %gather3A_452 : vector<16xf32>
        %add3A_455 = arith.addf %add3A_418, %mul3A_454 : vector<16xf32>
        %slice3A_456 = vector.extract_strided_slice %get3A_381 {offsets = [2], sizes = [1], strides = [1]} : vector<16xf32> to vector<1xf32>
        %squeeze3A_457 = vector.extract %slice3A_456[0] : f32 from vector<1xf32>
        %mul3A_458 = arith.constant 16 : i32
        %mul3A_459 = arith.muli %scan3A_373, %mul3A_458 : i32
        %add3A_460 = arith.constant 128 : i32
        %add3A_461 = arith.addi %add3A_460, %mul3A_459 : i32
        %add3A_462 = arith.constant 2 : i32
        %add3A_463 = arith.addi %add3A_461, %add3A_462 : i32
        %broadcast_in_dim3A_464 = vector.broadcast %add3A_463 : i32 to vector<16xi32>
        %add3A_465 = arith.constant 0 : i32
        %add3A_466 = vector.broadcast %add3A_465 : i32 to vector<16xi32>
        %add3A_467 = arith.addi %iota3A, %add3A_466 : vector<16xi32>
        %gather3A_468 = tpu.vector_load_idx %arg29[%add3A_467, %broadcast_in_dim3A_464] : memref<64x192xf32, #tpu.memory_space<vmem>>[vector<16xi32>, vector<16xi32>], vector<16xf32>,
        %mul3A_469 = vector.broadcast %squeeze3A_457 : f32 to vector<16xf32>
        %mul3A_470 = arith.mulf %mul3A_469, %gather3A_468 : vector<16xf32>
        %add3A_471 = arith.addf %add3A_434, %mul3A_470 : vector<16xf32>
        %add3A_472 = arith.constant 16 : i32
        %add3A_473 = vector.broadcast %add3A_472 : i32 to vector<16xi32>
        %add3A_474 = arith.addi %iota3A, %add3A_473 : vector<16xi32>
        %gather3A_475 = tpu.vector_load_idx %arg29[%add3A_474, %broadcast_in_dim3A_464] : memref<64x192xf32, #tpu.memory_space<vmem>>[vector<16xi32>, vector<16xi32>], vector<16xf32>,
        %mul3A_476 = vector.broadcast %squeeze3A_457 : f32 to vector<16xf32>
        %mul3A_477 = arith.mulf %mul3A_476, %gather3A_475 : vector<16xf32>
        %add3A_478 = arith.addf %add3A_441, %mul3A_477 : vector<16xf32>
        %add3A_479 = arith.constant 32 : i32
        %add3A_480 = vector.broadcast %add3A_479 : i32 to vector<16xi32>
        %add3A_481 = arith.addi %iota3A, %add3A_480 : vector<16xi32>
        %gather3A_482 = tpu.vector_load_idx %arg29[%add3A_481, %broadcast_in_dim3A_464] : memref<64x192xf32, #tpu.memory_space<vmem>>[vector<16xi32>, vector<16xi32>], vector<16xf32>,
        %mul3A_483 = vector.broadcast %squeeze3A_457 : f32 to vector<16xf32>
        %mul3A_484 = arith.mulf %mul3A_483, %gather3A_482 : vector<16xf32>
        %add3A_485 = arith.addf %add3A_448, %mul3A_484 : vector<16xf32>
        %add3A_486 = arith.constant 48 : i32
        %add3A_487 = vector.broadcast %add3A_486 : i32 to vector<16xi32>
        %add3A_488 = arith.addi %iota3A, %add3A_487 : vector<16xi32>
        %gather3A_489 = tpu.vector_load_idx %arg29[%add3A_488, %broadcast_in_dim3A_464] : memref<64x192xf32, #tpu.memory_space<vmem>>[vector<16xi32>, vector<16xi32>], vector<16xf32>,
        %mul3A_490 = vector.broadcast %squeeze3A_457 : f32 to vector<16xf32>
        %mul3A_491 = arith.mulf %mul3A_490, %gather3A_489 : vector<16xf32>
        %add3A_492 = arith.addf %add3A_455, %mul3A_491 : vector<16xf32>
        %slice3A_493 = vector.extract_strided_slice %get3A_381 {offsets = [3], sizes = [1], strides = [1]} : vector<16xf32> to vector<1xf32>
        %squeeze3A_494 = vector.extract %slice3A_493[0] : f32 from vector<1xf32>
        %mul3A_495 = arith.constant 16 : i32
        %mul3A_496 = arith.muli %scan3A_373, %mul3A_495 : i32
        %add3A_497 = arith.constant 128 : i32
        %add3A_498 = arith.addi %add3A_497, %mul3A_496 : i32
        %add3A_499 = arith.constant 3 : i32
        %add3A_500 = arith.addi %add3A_498, %add3A_499 : i32
        %broadcast_in_dim3A_501 = vector.broadcast %add3A_500 : i32 to vector<16xi32>
        %add3A_502 = arith.constant 0 : i32
        %add3A_503 = vector.broadcast %add3A_502 : i32 to vector<16xi32>
        %add3A_504 = arith.addi %iota3A, %add3A_503 : vector<16xi32>
        %gather3A_505 = tpu.vector_load_idx %arg29[%add3A_504, %broadcast_in_dim3A_501] : memref<64x192xf32, #tpu.memory_space<vmem>>[vector<16xi32>, vector<16xi32>], vector<16xf32>,
        %mul3A_506 = vector.broadcast %squeeze3A_494 : f32 to vector<16xf32>
        %mul3A_507 = arith.mulf %mul3A_506, %gather3A_505 : vector<16xf32>
        %add3A_508 = arith.addf %add3A_471, %mul3A_507 : vector<16xf32>
        %add3A_509 = arith.constant 16 : i32
        %add3A_510 = vector.broadcast %add3A_509 : i32 to vector<16xi32>
        %add3A_511 = arith.addi %iota3A, %add3A_510 : vector<16xi32>
        %gather3A_512 = tpu.vector_load_idx %arg29[%add3A_511, %broadcast_in_dim3A_501] : memref<64x192xf32, #tpu.memory_space<vmem>>[vector<16xi32>, vector<16xi32>], vector<16xf32>,
        %mul3A_513 = vector.broadcast %squeeze3A_494 : f32 to vector<16xf32>
        %mul3A_514 = arith.mulf %mul3A_513, %gather3A_512 : vector<16xf32>
        %add3A_515 = arith.addf %add3A_478, %mul3A_514 : vector<16xf32>
        %add3A_516 = arith.constant 32 : i32
        %add3A_517 = vector.broadcast %add3A_516 : i32 to vector<16xi32>
        %add3A_518 = arith.addi %iota3A, %add3A_517 : vector<16xi32>
        %gather3A_519 = tpu.vector_load_idx %arg29[%add3A_518, %broadcast_in_dim3A_501] : memref<64x192xf32, #tpu.memory_space<vmem>>[vector<16xi32>, vector<16xi32>], vector<16xf32>,
        %mul3A_520 = vector.broadcast %squeeze3A_494 : f32 to vector<16xf32>
        %mul3A_521 = arith.mulf %mul3A_520, %gather3A_519 : vector<16xf32>
        %add3A_522 = arith.addf %add3A_485, %mul3A_521 : vector<16xf32>
        %add3A_523 = arith.constant 48 : i32
        %add3A_524 = vector.broadcast %add3A_523 : i32 to vector<16xi32>
        %add3A_525 = arith.addi %iota3A, %add3A_524 : vector<16xi32>
        %gather3A_526 = tpu.vector_load_idx %arg29[%add3A_525, %broadcast_in_dim3A_501] : memref<64x192xf32, #tpu.memory_space<vmem>>[vector<16xi32>, vector<16xi32>], vector<16xf32>,
        %mul3A_527 = vector.broadcast %squeeze3A_494 : f32 to vector<16xf32>
        %mul3A_528 = arith.mulf %mul3A_527, %gather3A_526 : vector<16xf32>
        %add3A_529 = arith.addf %add3A_492, %mul3A_528 : vector<16xf32>
        %slice3A_530 = vector.extract_strided_slice %get3A_381 {offsets = [4], sizes = [1], strides = [1]} : vector<16xf32> to vector<1xf32>
        %squeeze3A_531 = vector.extract %slice3A_530[0] : f32 from vector<1xf32>
        %mul3A_532 = arith.constant 16 : i32
        %mul3A_533 = arith.muli %scan3A_373, %mul3A_532 : i32
        %add3A_534 = arith.constant 128 : i32
        %add3A_535 = arith.addi %add3A_534, %mul3A_533 : i32
        %add3A_536 = arith.constant 4 : i32
        %add3A_537 = arith.addi %add3A_535, %add3A_536 : i32
        %broadcast_in_dim3A_538 = vector.broadcast %add3A_537 : i32 to vector<16xi32>
        %add3A_539 = arith.constant 0 : i32
        %add3A_540 = vector.broadcast %add3A_539 : i32 to vector<16xi32>
        %add3A_541 = arith.addi %iota3A, %add3A_540 : vector<16xi32>
        %gather3A_542 = tpu.vector_load_idx %arg29[%add3A_541, %broadcast_in_dim3A_538] : memref<64x192xf32, #tpu.memory_space<vmem>>[vector<16xi32>, vector<16xi32>], vector<16xf32>,
        %mul3A_543 = vector.broadcast %squeeze3A_531 : f32 to vector<16xf32>
        %mul3A_544 = arith.mulf %mul3A_543, %gather3A_542 : vector<16xf32>
        %add3A_545 = arith.addf %add3A_508, %mul3A_544 : vector<16xf32>
        %add3A_546 = arith.constant 16 : i32
        %add3A_547 = vector.broadcast %add3A_546 : i32 to vector<16xi32>
        %add3A_548 = arith.addi %iota3A, %add3A_547 : vector<16xi32>
        %gather3A_549 = tpu.vector_load_idx %arg29[%add3A_548, %broadcast_in_dim3A_538] : memref<64x192xf32, #tpu.memory_space<vmem>>[vector<16xi32>, vector<16xi32>], vector<16xf32>,
        %mul3A_550 = vector.broadcast %squeeze3A_531 : f32 to vector<16xf32>
        %mul3A_551 = arith.mulf %mul3A_550, %gather3A_549 : vector<16xf32>
        %add3A_552 = arith.addf %add3A_515, %mul3A_551 : vector<16xf32>
        %add3A_553 = arith.constant 32 : i32
        %add3A_554 = vector.broadcast %add3A_553 : i32 to vector<16xi32>
        %add3A_555 = arith.addi %iota3A, %add3A_554 : vector<16xi32>
        %gather3A_556 = tpu.vector_load_idx %arg29[%add3A_555, %broadcast_in_dim3A_538] : memref<64x192xf32, #tpu.memory_space<vmem>>[vector<16xi32>, vector<16xi32>], vector<16xf32>,
        %mul3A_557 = vector.broadcast %squeeze3A_531 : f32 to vector<16xf32>
        %mul3A_558 = arith.mulf %mul3A_557, %gather3A_556 : vector<16xf32>
        %add3A_559 = arith.addf %add3A_522, %mul3A_558 : vector<16xf32>
        %add3A_560 = arith.constant 48 : i32
        %add3A_561 = vector.broadcast %add3A_560 : i32 to vector<16xi32>
        %add3A_562 = arith.addi %iota3A, %add3A_561 : vector<16xi32>
        %gather3A_563 = tpu.vector_load_idx %arg29[%add3A_562, %broadcast_in_dim3A_538] : memref<64x192xf32, #tpu.memory_space<vmem>>[vector<16xi32>, vector<16xi32>], vector<16xf32>,
        %mul3A_564 = vector.broadcast %squeeze3A_531 : f32 to vector<16xf32>
        %mul3A_565 = arith.mulf %mul3A_564, %gather3A_563 : vector<16xf32>
        %add3A_566 = arith.addf %add3A_529, %mul3A_565 : vector<16xf32>
        %slice3A_567 = vector.extract_strided_slice %get3A_381 {offsets = [5], sizes = [1], strides = [1]} : vector<16xf32> to vector<1xf32>
        %squeeze3A_568 = vector.extract %slice3A_567[0] : f32 from vector<1xf32>
        %mul3A_569 = arith.constant 16 : i32
        %mul3A_570 = arith.muli %scan3A_373, %mul3A_569 : i32
        %add3A_571 = arith.constant 128 : i32
        %add3A_572 = arith.addi %add3A_571, %mul3A_570 : i32
        %add3A_573 = arith.constant 5 : i32
        %add3A_574 = arith.addi %add3A_572, %add3A_573 : i32
        %broadcast_in_dim3A_575 = vector.broadcast %add3A_574 : i32 to vector<16xi32>
        %add3A_576 = arith.constant 0 : i32
        %add3A_577 = vector.broadcast %add3A_576 : i32 to vector<16xi32>
        %add3A_578 = arith.addi %iota3A, %add3A_577 : vector<16xi32>
        %gather3A_579 = tpu.vector_load_idx %arg29[%add3A_578, %broadcast_in_dim3A_575] : memref<64x192xf32, #tpu.memory_space<vmem>>[vector<16xi32>, vector<16xi32>], vector<16xf32>,
        %mul3A_580 = vector.broadcast %squeeze3A_568 : f32 to vector<16xf32>
        %mul3A_581 = arith.mulf %mul3A_580, %gather3A_579 : vector<16xf32>
        %add3A_582 = arith.addf %add3A_545, %mul3A_581 : vector<16xf32>
        %add3A_583 = arith.constant 16 : i32
        %add3A_584 = vector.broadcast %add3A_583 : i32 to vector<16xi32>
        %add3A_585 = arith.addi %iota3A, %add3A_584 : vector<16xi32>
        %gather3A_586 = tpu.vector_load_idx %arg29[%add3A_585, %broadcast_in_dim3A_575] : memref<64x192xf32, #tpu.memory_space<vmem>>[vector<16xi32>, vector<16xi32>], vector<16xf32>,
        %mul3A_587 = vector.broadcast %squeeze3A_568 : f32 to vector<16xf32>
        %mul3A_588 = arith.mulf %mul3A_587, %gather3A_586 : vector<16xf32>
        %add3A_589 = arith.addf %add3A_552, %mul3A_588 : vector<16xf32>
        %add3A_590 = arith.constant 32 : i32
        %add3A_591 = vector.broadcast %add3A_590 : i32 to vector<16xi32>
        %add3A_592 = arith.addi %iota3A, %add3A_591 : vector<16xi32>
        %gather3A_593 = tpu.vector_load_idx %arg29[%add3A_592, %broadcast_in_dim3A_575] : memref<64x192xf32, #tpu.memory_space<vmem>>[vector<16xi32>, vector<16xi32>], vector<16xf32>,
        %mul3A_594 = vector.broadcast %squeeze3A_568 : f32 to vector<16xf32>
        %mul3A_595 = arith.mulf %mul3A_594, %gather3A_593 : vector<16xf32>
        %add3A_596 = arith.addf %add3A_559, %mul3A_595 : vector<16xf32>
        %add3A_597 = arith.constant 48 : i32
        %add3A_598 = vector.broadcast %add3A_597 : i32 to vector<16xi32>
        %add3A_599 = arith.addi %iota3A, %add3A_598 : vector<16xi32>
        %gather3A_600 = tpu.vector_load_idx %arg29[%add3A_599, %broadcast_in_dim3A_575] : memref<64x192xf32, #tpu.memory_space<vmem>>[vector<16xi32>, vector<16xi32>], vector<16xf32>,
        %mul3A_601 = vector.broadcast %squeeze3A_568 : f32 to vector<16xf32>
        %mul3A_602 = arith.mulf %mul3A_601, %gather3A_600 : vector<16xf32>
        %add3A_603 = arith.addf %add3A_566, %mul3A_602 : vector<16xf32>
        %slice3A_604 = vector.extract_strided_slice %get3A_381 {offsets = [6], sizes = [1], strides = [1]} : vector<16xf32> to vector<1xf32>
        %squeeze3A_605 = vector.extract %slice3A_604[0] : f32 from vector<1xf32>
        %mul3A_606 = arith.constant 16 : i32
        %mul3A_607 = arith.muli %scan3A_373, %mul3A_606 : i32
        %add3A_608 = arith.constant 128 : i32
        %add3A_609 = arith.addi %add3A_608, %mul3A_607 : i32
        %add3A_610 = arith.constant 6 : i32
        %add3A_611 = arith.addi %add3A_609, %add3A_610 : i32
        %broadcast_in_dim3A_612 = vector.broadcast %add3A_611 : i32 to vector<16xi32>
        %add3A_613 = arith.constant 0 : i32
        %add3A_614 = vector.broadcast %add3A_613 : i32 to vector<16xi32>
        %add3A_615 = arith.addi %iota3A, %add3A_614 : vector<16xi32>
        %gather3A_616 = tpu.vector_load_idx %arg29[%add3A_615, %broadcast_in_dim3A_612] : memref<64x192xf32, #tpu.memory_space<vmem>>[vector<16xi32>, vector<16xi32>], vector<16xf32>,
        %mul3A_617 = vector.broadcast %squeeze3A_605 : f32 to vector<16xf32>
        %mul3A_618 = arith.mulf %mul3A_617, %gather3A_616 : vector<16xf32>
        %add3A_619 = arith.addf %add3A_582, %mul3A_618 : vector<16xf32>
        %add3A_620 = arith.constant 16 : i32
        %add3A_621 = vector.broadcast %add3A_620 : i32 to vector<16xi32>
        %add3A_622 = arith.addi %iota3A, %add3A_621 : vector<16xi32>
        %gather3A_623 = tpu.vector_load_idx %arg29[%add3A_622, %broadcast_in_dim3A_612] : memref<64x192xf32, #tpu.memory_space<vmem>>[vector<16xi32>, vector<16xi32>], vector<16xf32>,
        %mul3A_624 = vector.broadcast %squeeze3A_605 : f32 to vector<16xf32>
        %mul3A_625 = arith.mulf %mul3A_624, %gather3A_623 : vector<16xf32>
        %add3A_626 = arith.addf %add3A_589, %mul3A_625 : vector<16xf32>
        %add3A_627 = arith.constant 32 : i32
        %add3A_628 = vector.broadcast %add3A_627 : i32 to vector<16xi32>
        %add3A_629 = arith.addi %iota3A, %add3A_628 : vector<16xi32>
        %gather3A_630 = tpu.vector_load_idx %arg29[%add3A_629, %broadcast_in_dim3A_612] : memref<64x192xf32, #tpu.memory_space<vmem>>[vector<16xi32>, vector<16xi32>], vector<16xf32>,
        %mul3A_631 = vector.broadcast %squeeze3A_605 : f32 to vector<16xf32>
        %mul3A_632 = arith.mulf %mul3A_631, %gather3A_630 : vector<16xf32>
        %add3A_633 = arith.addf %add3A_596, %mul3A_632 : vector<16xf32>
        %add3A_634 = arith.constant 48 : i32
        %add3A_635 = vector.broadcast %add3A_634 : i32 to vector<16xi32>
        %add3A_636 = arith.addi %iota3A, %add3A_635 : vector<16xi32>
        %gather3A_637 = tpu.vector_load_idx %arg29[%add3A_636, %broadcast_in_dim3A_612] : memref<64x192xf32, #tpu.memory_space<vmem>>[vector<16xi32>, vector<16xi32>], vector<16xf32>,
        %mul3A_638 = vector.broadcast %squeeze3A_605 : f32 to vector<16xf32>
        %mul3A_639 = arith.mulf %mul3A_638, %gather3A_637 : vector<16xf32>
        %add3A_640 = arith.addf %add3A_603, %mul3A_639 : vector<16xf32>
        %slice3A_641 = vector.extract_strided_slice %get3A_381 {offsets = [7], sizes = [1], strides = [1]} : vector<16xf32> to vector<1xf32>
        %squeeze3A_642 = vector.extract %slice3A_641[0] : f32 from vector<1xf32>
        %mul3A_643 = arith.constant 16 : i32
        %mul3A_644 = arith.muli %scan3A_373, %mul3A_643 : i32
        %add3A_645 = arith.constant 128 : i32
        %add3A_646 = arith.addi %add3A_645, %mul3A_644 : i32
        %add3A_647 = arith.constant 7 : i32
        %add3A_648 = arith.addi %add3A_646, %add3A_647 : i32
        %broadcast_in_dim3A_649 = vector.broadcast %add3A_648 : i32 to vector<16xi32>
        %add3A_650 = arith.constant 0 : i32
        %add3A_651 = vector.broadcast %add3A_650 : i32 to vector<16xi32>
        %add3A_652 = arith.addi %iota3A, %add3A_651 : vector<16xi32>
        %gather3A_653 = tpu.vector_load_idx %arg29[%add3A_652, %broadcast_in_dim3A_649] : memref<64x192xf32, #tpu.memory_space<vmem>>[vector<16xi32>, vector<16xi32>], vector<16xf32>,
        %mul3A_654 = vector.broadcast %squeeze3A_642 : f32 to vector<16xf32>
        %mul3A_655 = arith.mulf %mul3A_654, %gather3A_653 : vector<16xf32>
        %add3A_656 = arith.addf %add3A_619, %mul3A_655 : vector<16xf32>
        %add3A_657 = arith.constant 16 : i32
        %add3A_658 = vector.broadcast %add3A_657 : i32 to vector<16xi32>
        %add3A_659 = arith.addi %iota3A, %add3A_658 : vector<16xi32>
        %gather3A_660 = tpu.vector_load_idx %arg29[%add3A_659, %broadcast_in_dim3A_649] : memref<64x192xf32, #tpu.memory_space<vmem>>[vector<16xi32>, vector<16xi32>], vector<16xf32>,
        %mul3A_661 = vector.broadcast %squeeze3A_642 : f32 to vector<16xf32>
        %mul3A_662 = arith.mulf %mul3A_661, %gather3A_660 : vector<16xf32>
        %add3A_663 = arith.addf %add3A_626, %mul3A_662 : vector<16xf32>
        %add3A_664 = arith.constant 32 : i32
        %add3A_665 = vector.broadcast %add3A_664 : i32 to vector<16xi32>
        %add3A_666 = arith.addi %iota3A, %add3A_665 : vector<16xi32>
        %gather3A_667 = tpu.vector_load_idx %arg29[%add3A_666, %broadcast_in_dim3A_649] : memref<64x192xf32, #tpu.memory_space<vmem>>[vector<16xi32>, vector<16xi32>], vector<16xf32>,
        %mul3A_668 = vector.broadcast %squeeze3A_642 : f32 to vector<16xf32>
        %mul3A_669 = arith.mulf %mul3A_668, %gather3A_667 : vector<16xf32>
        %add3A_670 = arith.addf %add3A_633, %mul3A_669 : vector<16xf32>
        %add3A_671 = arith.constant 48 : i32
        %add3A_672 = vector.broadcast %add3A_671 : i32 to vector<16xi32>
        %add3A_673 = arith.addi %iota3A, %add3A_672 : vector<16xi32>
        %gather3A_674 = tpu.vector_load_idx %arg29[%add3A_673, %broadcast_in_dim3A_649] : memref<64x192xf32, #tpu.memory_space<vmem>>[vector<16xi32>, vector<16xi32>], vector<16xf32>,
        %mul3A_675 = vector.broadcast %squeeze3A_642 : f32 to vector<16xf32>
        %mul3A_676 = arith.mulf %mul3A_675, %gather3A_674 : vector<16xf32>
        %add3A_677 = arith.addf %add3A_640, %mul3A_676 : vector<16xf32>
        %slice3A_678 = vector.extract_strided_slice %get3A_381 {offsets = [8], sizes = [1], strides = [1]} : vector<16xf32> to vector<1xf32>
        %squeeze3A_679 = vector.extract %slice3A_678[0] : f32 from vector<1xf32>
        %mul3A_680 = arith.constant 16 : i32
        %mul3A_681 = arith.muli %scan3A_373, %mul3A_680 : i32
        %add3A_682 = arith.constant 128 : i32
        %add3A_683 = arith.addi %add3A_682, %mul3A_681 : i32
        %add3A_684 = arith.constant 8 : i32
        %add3A_685 = arith.addi %add3A_683, %add3A_684 : i32
        %broadcast_in_dim3A_686 = vector.broadcast %add3A_685 : i32 to vector<16xi32>
        %add3A_687 = arith.constant 0 : i32
        %add3A_688 = vector.broadcast %add3A_687 : i32 to vector<16xi32>
        %add3A_689 = arith.addi %iota3A, %add3A_688 : vector<16xi32>
        %gather3A_690 = tpu.vector_load_idx %arg29[%add3A_689, %broadcast_in_dim3A_686] : memref<64x192xf32, #tpu.memory_space<vmem>>[vector<16xi32>, vector<16xi32>], vector<16xf32>,
        %mul3A_691 = vector.broadcast %squeeze3A_679 : f32 to vector<16xf32>
        %mul3A_692 = arith.mulf %mul3A_691, %gather3A_690 : vector<16xf32>
        %add3A_693 = arith.addf %add3A_656, %mul3A_692 : vector<16xf32>
        %add3A_694 = arith.constant 16 : i32
        %add3A_695 = vector.broadcast %add3A_694 : i32 to vector<16xi32>
        %add3A_696 = arith.addi %iota3A, %add3A_695 : vector<16xi32>
        %gather3A_697 = tpu.vector_load_idx %arg29[%add3A_696, %broadcast_in_dim3A_686] : memref<64x192xf32, #tpu.memory_space<vmem>>[vector<16xi32>, vector<16xi32>], vector<16xf32>,
        %mul3A_698 = vector.broadcast %squeeze3A_679 : f32 to vector<16xf32>
        %mul3A_699 = arith.mulf %mul3A_698, %gather3A_697 : vector<16xf32>
        %add3A_700 = arith.addf %add3A_663, %mul3A_699 : vector<16xf32>
        %add3A_701 = arith.constant 32 : i32
        %add3A_702 = vector.broadcast %add3A_701 : i32 to vector<16xi32>
        %add3A_703 = arith.addi %iota3A, %add3A_702 : vector<16xi32>
        %gather3A_704 = tpu.vector_load_idx %arg29[%add3A_703, %broadcast_in_dim3A_686] : memref<64x192xf32, #tpu.memory_space<vmem>>[vector<16xi32>, vector<16xi32>], vector<16xf32>,
        %mul3A_705 = vector.broadcast %squeeze3A_679 : f32 to vector<16xf32>
        %mul3A_706 = arith.mulf %mul3A_705, %gather3A_704 : vector<16xf32>
        %add3A_707 = arith.addf %add3A_670, %mul3A_706 : vector<16xf32>
        %add3A_708 = arith.constant 48 : i32
        %add3A_709 = vector.broadcast %add3A_708 : i32 to vector<16xi32>
        %add3A_710 = arith.addi %iota3A, %add3A_709 : vector<16xi32>
        %gather3A_711 = tpu.vector_load_idx %arg29[%add3A_710, %broadcast_in_dim3A_686] : memref<64x192xf32, #tpu.memory_space<vmem>>[vector<16xi32>, vector<16xi32>], vector<16xf32>,
        %mul3A_712 = vector.broadcast %squeeze3A_679 : f32 to vector<16xf32>
        %mul3A_713 = arith.mulf %mul3A_712, %gather3A_711 : vector<16xf32>
        %add3A_714 = arith.addf %add3A_677, %mul3A_713 : vector<16xf32>
        %slice3A_715 = vector.extract_strided_slice %get3A_381 {offsets = [9], sizes = [1], strides = [1]} : vector<16xf32> to vector<1xf32>
        %squeeze3A_716 = vector.extract %slice3A_715[0] : f32 from vector<1xf32>
        %mul3A_717 = arith.constant 16 : i32
        %mul3A_718 = arith.muli %scan3A_373, %mul3A_717 : i32
        %add3A_719 = arith.constant 128 : i32
        %add3A_720 = arith.addi %add3A_719, %mul3A_718 : i32
        %add3A_721 = arith.constant 9 : i32
        %add3A_722 = arith.addi %add3A_720, %add3A_721 : i32
        %broadcast_in_dim3A_723 = vector.broadcast %add3A_722 : i32 to vector<16xi32>
        %add3A_724 = arith.constant 0 : i32
        %add3A_725 = vector.broadcast %add3A_724 : i32 to vector<16xi32>
        %add3A_726 = arith.addi %iota3A, %add3A_725 : vector<16xi32>
        %gather3A_727 = tpu.vector_load_idx %arg29[%add3A_726, %broadcast_in_dim3A_723] : memref<64x192xf32, #tpu.memory_space<vmem>>[vector<16xi32>, vector<16xi32>], vector<16xf32>,
        %mul3A_728 = vector.broadcast %squeeze3A_716 : f32 to vector<16xf32>
        %mul3A_729 = arith.mulf %mul3A_728, %gather3A_727 : vector<16xf32>
        %add3A_730 = arith.addf %add3A_693, %mul3A_729 : vector<16xf32>
        %add3A_731 = arith.constant 16 : i32
        %add3A_732 = vector.broadcast %add3A_731 : i32 to vector<16xi32>
        %add3A_733 = arith.addi %iota3A, %add3A_732 : vector<16xi32>
        %gather3A_734 = tpu.vector_load_idx %arg29[%add3A_733, %broadcast_in_dim3A_723] : memref<64x192xf32, #tpu.memory_space<vmem>>[vector<16xi32>, vector<16xi32>], vector<16xf32>,
        %mul3A_735 = vector.broadcast %squeeze3A_716 : f32 to vector<16xf32>
        %mul3A_736 = arith.mulf %mul3A_735, %gather3A_734 : vector<16xf32>
        %add3A_737 = arith.addf %add3A_700, %mul3A_736 : vector<16xf32>
        %add3A_738 = arith.constant 32 : i32
        %add3A_739 = vector.broadcast %add3A_738 : i32 to vector<16xi32>
        %add3A_740 = arith.addi %iota3A, %add3A_739 : vector<16xi32>
        %gather3A_741 = tpu.vector_load_idx %arg29[%add3A_740, %broadcast_in_dim3A_723] : memref<64x192xf32, #tpu.memory_space<vmem>>[vector<16xi32>, vector<16xi32>], vector<16xf32>,
        %mul3A_742 = vector.broadcast %squeeze3A_716 : f32 to vector<16xf32>
        %mul3A_743 = arith.mulf %mul3A_742, %gather3A_741 : vector<16xf32>
        %add3A_744 = arith.addf %add3A_707, %mul3A_743 : vector<16xf32>
        %add3A_745 = arith.constant 48 : i32
        %add3A_746 = vector.broadcast %add3A_745 : i32 to vector<16xi32>
        %add3A_747 = arith.addi %iota3A, %add3A_746 : vector<16xi32>
        %gather3A_748 = tpu.vector_load_idx %arg29[%add3A_747, %broadcast_in_dim3A_723] : memref<64x192xf32, #tpu.memory_space<vmem>>[vector<16xi32>, vector<16xi32>], vector<16xf32>,
        %mul3A_749 = vector.broadcast %squeeze3A_716 : f32 to vector<16xf32>
        %mul3A_750 = arith.mulf %mul3A_749, %gather3A_748 : vector<16xf32>
        %add3A_751 = arith.addf %add3A_714, %mul3A_750 : vector<16xf32>
        %slice3A_752 = vector.extract_strided_slice %get3A_381 {offsets = [10], sizes = [1], strides = [1]} : vector<16xf32> to vector<1xf32>
        %squeeze3A_753 = vector.extract %slice3A_752[0] : f32 from vector<1xf32>
        %mul3A_754 = arith.constant 16 : i32
        %mul3A_755 = arith.muli %scan3A_373, %mul3A_754 : i32
        %add3A_756 = arith.constant 128 : i32
        %add3A_757 = arith.addi %add3A_756, %mul3A_755 : i32
        %add3A_758 = arith.constant 10 : i32
        %add3A_759 = arith.addi %add3A_757, %add3A_758 : i32
        %broadcast_in_dim3A_760 = vector.broadcast %add3A_759 : i32 to vector<16xi32>
        %add3A_761 = arith.constant 0 : i32
        %add3A_762 = vector.broadcast %add3A_761 : i32 to vector<16xi32>
        %add3A_763 = arith.addi %iota3A, %add3A_762 : vector<16xi32>
        %gather3A_764 = tpu.vector_load_idx %arg29[%add3A_763, %broadcast_in_dim3A_760] : memref<64x192xf32, #tpu.memory_space<vmem>>[vector<16xi32>, vector<16xi32>], vector<16xf32>,
        %mul3A_765 = vector.broadcast %squeeze3A_753 : f32 to vector<16xf32>
        %mul3A_766 = arith.mulf %mul3A_765, %gather3A_764 : vector<16xf32>
        %add3A_767 = arith.addf %add3A_730, %mul3A_766 : vector<16xf32>
        %add3A_768 = arith.constant 16 : i32
        %add3A_769 = vector.broadcast %add3A_768 : i32 to vector<16xi32>
        %add3A_770 = arith.addi %iota3A, %add3A_769 : vector<16xi32>
        %gather3A_771 = tpu.vector_load_idx %arg29[%add3A_770, %broadcast_in_dim3A_760] : memref<64x192xf32, #tpu.memory_space<vmem>>[vector<16xi32>, vector<16xi32>], vector<16xf32>,
        %mul3A_772 = vector.broadcast %squeeze3A_753 : f32 to vector<16xf32>
        %mul3A_773 = arith.mulf %mul3A_772, %gather3A_771 : vector<16xf32>
        %add3A_774 = arith.addf %add3A_737, %mul3A_773 : vector<16xf32>
        %add3A_775 = arith.constant 32 : i32
        %add3A_776 = vector.broadcast %add3A_775 : i32 to vector<16xi32>
        %add3A_777 = arith.addi %iota3A, %add3A_776 : vector<16xi32>
        %gather3A_778 = tpu.vector_load_idx %arg29[%add3A_777, %broadcast_in_dim3A_760] : memref<64x192xf32, #tpu.memory_space<vmem>>[vector<16xi32>, vector<16xi32>], vector<16xf32>,
        %mul3A_779 = vector.broadcast %squeeze3A_753 : f32 to vector<16xf32>
        %mul3A_780 = arith.mulf %mul3A_779, %gather3A_778 : vector<16xf32>
        %add3A_781 = arith.addf %add3A_744, %mul3A_780 : vector<16xf32>
        %add3A_782 = arith.constant 48 : i32
        %add3A_783 = vector.broadcast %add3A_782 : i32 to vector<16xi32>
        %add3A_784 = arith.addi %iota3A, %add3A_783 : vector<16xi32>
        %gather3A_785 = tpu.vector_load_idx %arg29[%add3A_784, %broadcast_in_dim3A_760] : memref<64x192xf32, #tpu.memory_space<vmem>>[vector<16xi32>, vector<16xi32>], vector<16xf32>,
        %mul3A_786 = vector.broadcast %squeeze3A_753 : f32 to vector<16xf32>
        %mul3A_787 = arith.mulf %mul3A_786, %gather3A_785 : vector<16xf32>
        %add3A_788 = arith.addf %add3A_751, %mul3A_787 : vector<16xf32>
        %slice3A_789 = vector.extract_strided_slice %get3A_381 {offsets = [11], sizes = [1], strides = [1]} : vector<16xf32> to vector<1xf32>
        %squeeze3A_790 = vector.extract %slice3A_789[0] : f32 from vector<1xf32>
        %mul3A_791 = arith.constant 16 : i32
        %mul3A_792 = arith.muli %scan3A_373, %mul3A_791 : i32
        %add3A_793 = arith.constant 128 : i32
        %add3A_794 = arith.addi %add3A_793, %mul3A_792 : i32
        %add3A_795 = arith.constant 11 : i32
        %add3A_796 = arith.addi %add3A_794, %add3A_795 : i32
        %broadcast_in_dim3A_797 = vector.broadcast %add3A_796 : i32 to vector<16xi32>
        %add3A_798 = arith.constant 0 : i32
        %add3A_799 = vector.broadcast %add3A_798 : i32 to vector<16xi32>
        %add3A_800 = arith.addi %iota3A, %add3A_799 : vector<16xi32>
        %gather3A_801 = tpu.vector_load_idx %arg29[%add3A_800, %broadcast_in_dim3A_797] : memref<64x192xf32, #tpu.memory_space<vmem>>[vector<16xi32>, vector<16xi32>], vector<16xf32>,
        %mul3A_802 = vector.broadcast %squeeze3A_790 : f32 to vector<16xf32>
        %mul3A_803 = arith.mulf %mul3A_802, %gather3A_801 : vector<16xf32>
        %add3A_804 = arith.addf %add3A_767, %mul3A_803 : vector<16xf32>
        %add3A_805 = arith.constant 16 : i32
        %add3A_806 = vector.broadcast %add3A_805 : i32 to vector<16xi32>
        %add3A_807 = arith.addi %iota3A, %add3A_806 : vector<16xi32>
        %gather3A_808 = tpu.vector_load_idx %arg29[%add3A_807, %broadcast_in_dim3A_797] : memref<64x192xf32, #tpu.memory_space<vmem>>[vector<16xi32>, vector<16xi32>], vector<16xf32>,
        %mul3A_809 = vector.broadcast %squeeze3A_790 : f32 to vector<16xf32>
        %mul3A_810 = arith.mulf %mul3A_809, %gather3A_808 : vector<16xf32>
        %add3A_811 = arith.addf %add3A_774, %mul3A_810 : vector<16xf32>
        %add3A_812 = arith.constant 32 : i32
        %add3A_813 = vector.broadcast %add3A_812 : i32 to vector<16xi32>
        %add3A_814 = arith.addi %iota3A, %add3A_813 : vector<16xi32>
        %gather3A_815 = tpu.vector_load_idx %arg29[%add3A_814, %broadcast_in_dim3A_797] : memref<64x192xf32, #tpu.memory_space<vmem>>[vector<16xi32>, vector<16xi32>], vector<16xf32>,
        %mul3A_816 = vector.broadcast %squeeze3A_790 : f32 to vector<16xf32>
        %mul3A_817 = arith.mulf %mul3A_816, %gather3A_815 : vector<16xf32>
        %add3A_818 = arith.addf %add3A_781, %mul3A_817 : vector<16xf32>
        %add3A_819 = arith.constant 48 : i32
        %add3A_820 = vector.broadcast %add3A_819 : i32 to vector<16xi32>
        %add3A_821 = arith.addi %iota3A, %add3A_820 : vector<16xi32>
        %gather3A_822 = tpu.vector_load_idx %arg29[%add3A_821, %broadcast_in_dim3A_797] : memref<64x192xf32, #tpu.memory_space<vmem>>[vector<16xi32>, vector<16xi32>], vector<16xf32>,
        %mul3A_823 = vector.broadcast %squeeze3A_790 : f32 to vector<16xf32>
        %mul3A_824 = arith.mulf %mul3A_823, %gather3A_822 : vector<16xf32>
        %add3A_825 = arith.addf %add3A_788, %mul3A_824 : vector<16xf32>
        %slice3A_826 = vector.extract_strided_slice %get3A_381 {offsets = [12], sizes = [1], strides = [1]} : vector<16xf32> to vector<1xf32>
        %squeeze3A_827 = vector.extract %slice3A_826[0] : f32 from vector<1xf32>
        %mul3A_828 = arith.constant 16 : i32
        %mul3A_829 = arith.muli %scan3A_373, %mul3A_828 : i32
        %add3A_830 = arith.constant 128 : i32
        %add3A_831 = arith.addi %add3A_830, %mul3A_829 : i32
        %add3A_832 = arith.constant 12 : i32
        %add3A_833 = arith.addi %add3A_831, %add3A_832 : i32
        %broadcast_in_dim3A_834 = vector.broadcast %add3A_833 : i32 to vector<16xi32>
        %add3A_835 = arith.constant 0 : i32
        %add3A_836 = vector.broadcast %add3A_835 : i32 to vector<16xi32>
        %add3A_837 = arith.addi %iota3A, %add3A_836 : vector<16xi32>
        %gather3A_838 = tpu.vector_load_idx %arg29[%add3A_837, %broadcast_in_dim3A_834] : memref<64x192xf32, #tpu.memory_space<vmem>>[vector<16xi32>, vector<16xi32>], vector<16xf32>,
        %mul3A_839 = vector.broadcast %squeeze3A_827 : f32 to vector<16xf32>
        %mul3A_840 = arith.mulf %mul3A_839, %gather3A_838 : vector<16xf32>
        %add3A_841 = arith.addf %add3A_804, %mul3A_840 : vector<16xf32>
        %add3A_842 = arith.constant 16 : i32
        %add3A_843 = vector.broadcast %add3A_842 : i32 to vector<16xi32>
        %add3A_844 = arith.addi %iota3A, %add3A_843 : vector<16xi32>
        %gather3A_845 = tpu.vector_load_idx %arg29[%add3A_844, %broadcast_in_dim3A_834] : memref<64x192xf32, #tpu.memory_space<vmem>>[vector<16xi32>, vector<16xi32>], vector<16xf32>,
        %mul3A_846 = vector.broadcast %squeeze3A_827 : f32 to vector<16xf32>
        %mul3A_847 = arith.mulf %mul3A_846, %gather3A_845 : vector<16xf32>
        %add3A_848 = arith.addf %add3A_811, %mul3A_847 : vector<16xf32>
        %add3A_849 = arith.constant 32 : i32
        %add3A_850 = vector.broadcast %add3A_849 : i32 to vector<16xi32>
        %add3A_851 = arith.addi %iota3A, %add3A_850 : vector<16xi32>
        %gather3A_852 = tpu.vector_load_idx %arg29[%add3A_851, %broadcast_in_dim3A_834] : memref<64x192xf32, #tpu.memory_space<vmem>>[vector<16xi32>, vector<16xi32>], vector<16xf32>,
        %mul3A_853 = vector.broadcast %squeeze3A_827 : f32 to vector<16xf32>
        %mul3A_854 = arith.mulf %mul3A_853, %gather3A_852 : vector<16xf32>
        %add3A_855 = arith.addf %add3A_818, %mul3A_854 : vector<16xf32>
        %add3A_856 = arith.constant 48 : i32
        %add3A_857 = vector.broadcast %add3A_856 : i32 to vector<16xi32>
        %add3A_858 = arith.addi %iota3A, %add3A_857 : vector<16xi32>
        %gather3A_859 = tpu.vector_load_idx %arg29[%add3A_858, %broadcast_in_dim3A_834] : memref<64x192xf32, #tpu.memory_space<vmem>>[vector<16xi32>, vector<16xi32>], vector<16xf32>,
        %mul3A_860 = vector.broadcast %squeeze3A_827 : f32 to vector<16xf32>
        %mul3A_861 = arith.mulf %mul3A_860, %gather3A_859 : vector<16xf32>
        %add3A_862 = arith.addf %add3A_825, %mul3A_861 : vector<16xf32>
        %slice3A_863 = vector.extract_strided_slice %get3A_381 {offsets = [13], sizes = [1], strides = [1]} : vector<16xf32> to vector<1xf32>
        %squeeze3A_864 = vector.extract %slice3A_863[0] : f32 from vector<1xf32>
        %mul3A_865 = arith.constant 16 : i32
        %mul3A_866 = arith.muli %scan3A_373, %mul3A_865 : i32
        %add3A_867 = arith.constant 128 : i32
        %add3A_868 = arith.addi %add3A_867, %mul3A_866 : i32
        %add3A_869 = arith.constant 13 : i32
        %add3A_870 = arith.addi %add3A_868, %add3A_869 : i32
        %broadcast_in_dim3A_871 = vector.broadcast %add3A_870 : i32 to vector<16xi32>
        %add3A_872 = arith.constant 0 : i32
        %add3A_873 = vector.broadcast %add3A_872 : i32 to vector<16xi32>
        %add3A_874 = arith.addi %iota3A, %add3A_873 : vector<16xi32>
        %gather3A_875 = tpu.vector_load_idx %arg29[%add3A_874, %broadcast_in_dim3A_871] : memref<64x192xf32, #tpu.memory_space<vmem>>[vector<16xi32>, vector<16xi32>], vector<16xf32>,
        %mul3A_876 = vector.broadcast %squeeze3A_864 : f32 to vector<16xf32>
        %mul3A_877 = arith.mulf %mul3A_876, %gather3A_875 : vector<16xf32>
        %add3A_878 = arith.addf %add3A_841, %mul3A_877 : vector<16xf32>
        %add3A_879 = arith.constant 16 : i32
        %add3A_880 = vector.broadcast %add3A_879 : i32 to vector<16xi32>
        %add3A_881 = arith.addi %iota3A, %add3A_880 : vector<16xi32>
        %gather3A_882 = tpu.vector_load_idx %arg29[%add3A_881, %broadcast_in_dim3A_871] : memref<64x192xf32, #tpu.memory_space<vmem>>[vector<16xi32>, vector<16xi32>], vector<16xf32>,
        %mul3A_883 = vector.broadcast %squeeze3A_864 : f32 to vector<16xf32>
        %mul3A_884 = arith.mulf %mul3A_883, %gather3A_882 : vector<16xf32>
        %add3A_885 = arith.addf %add3A_848, %mul3A_884 : vector<16xf32>
        %add3A_886 = arith.constant 32 : i32
        %add3A_887 = vector.broadcast %add3A_886 : i32 to vector<16xi32>
        %add3A_888 = arith.addi %iota3A, %add3A_887 : vector<16xi32>
        %gather3A_889 = tpu.vector_load_idx %arg29[%add3A_888, %broadcast_in_dim3A_871] : memref<64x192xf32, #tpu.memory_space<vmem>>[vector<16xi32>, vector<16xi32>], vector<16xf32>,
        %mul3A_890 = vector.broadcast %squeeze3A_864 : f32 to vector<16xf32>
        %mul3A_891 = arith.mulf %mul3A_890, %gather3A_889 : vector<16xf32>
        %add3A_892 = arith.addf %add3A_855, %mul3A_891 : vector<16xf32>
        %add3A_893 = arith.constant 48 : i32
        %add3A_894 = vector.broadcast %add3A_893 : i32 to vector<16xi32>
        %add3A_895 = arith.addi %iota3A, %add3A_894 : vector<16xi32>
        %gather3A_896 = tpu.vector_load_idx %arg29[%add3A_895, %broadcast_in_dim3A_871] : memref<64x192xf32, #tpu.memory_space<vmem>>[vector<16xi32>, vector<16xi32>], vector<16xf32>,
        %mul3A_897 = vector.broadcast %squeeze3A_864 : f32 to vector<16xf32>
        %mul3A_898 = arith.mulf %mul3A_897, %gather3A_896 : vector<16xf32>
        %add3A_899 = arith.addf %add3A_862, %mul3A_898 : vector<16xf32>
        %slice3A_900 = vector.extract_strided_slice %get3A_381 {offsets = [14], sizes = [1], strides = [1]} : vector<16xf32> to vector<1xf32>
        %squeeze3A_901 = vector.extract %slice3A_900[0] : f32 from vector<1xf32>
        %mul3A_902 = arith.constant 16 : i32
        %mul3A_903 = arith.muli %scan3A_373, %mul3A_902 : i32
        %add3A_904 = arith.constant 128 : i32
        %add3A_905 = arith.addi %add3A_904, %mul3A_903 : i32
        %add3A_906 = arith.constant 14 : i32
        %add3A_907 = arith.addi %add3A_905, %add3A_906 : i32
        %broadcast_in_dim3A_908 = vector.broadcast %add3A_907 : i32 to vector<16xi32>
        %add3A_909 = arith.constant 0 : i32
        %add3A_910 = vector.broadcast %add3A_909 : i32 to vector<16xi32>
        %add3A_911 = arith.addi %iota3A, %add3A_910 : vector<16xi32>
        %gather3A_912 = tpu.vector_load_idx %arg29[%add3A_911, %broadcast_in_dim3A_908] : memref<64x192xf32, #tpu.memory_space<vmem>>[vector<16xi32>, vector<16xi32>], vector<16xf32>,
        %mul3A_913 = vector.broadcast %squeeze3A_901 : f32 to vector<16xf32>
        %mul3A_914 = arith.mulf %mul3A_913, %gather3A_912 : vector<16xf32>
        %add3A_915 = arith.addf %add3A_878, %mul3A_914 : vector<16xf32>
        %add3A_916 = arith.constant 16 : i32
        %add3A_917 = vector.broadcast %add3A_916 : i32 to vector<16xi32>
        %add3A_918 = arith.addi %iota3A, %add3A_917 : vector<16xi32>
        %gather3A_919 = tpu.vector_load_idx %arg29[%add3A_918, %broadcast_in_dim3A_908] : memref<64x192xf32, #tpu.memory_space<vmem>>[vector<16xi32>, vector<16xi32>], vector<16xf32>,
        %mul3A_920 = vector.broadcast %squeeze3A_901 : f32 to vector<16xf32>
        %mul3A_921 = arith.mulf %mul3A_920, %gather3A_919 : vector<16xf32>
        %add3A_922 = arith.addf %add3A_885, %mul3A_921 : vector<16xf32>
        %add3A_923 = arith.constant 32 : i32
        %add3A_924 = vector.broadcast %add3A_923 : i32 to vector<16xi32>
        %add3A_925 = arith.addi %iota3A, %add3A_924 : vector<16xi32>
        %gather3A_926 = tpu.vector_load_idx %arg29[%add3A_925, %broadcast_in_dim3A_908] : memref<64x192xf32, #tpu.memory_space<vmem>>[vector<16xi32>, vector<16xi32>], vector<16xf32>,
        %mul3A_927 = vector.broadcast %squeeze3A_901 : f32 to vector<16xf32>
        %mul3A_928 = arith.mulf %mul3A_927, %gather3A_926 : vector<16xf32>
        %add3A_929 = arith.addf %add3A_892, %mul3A_928 : vector<16xf32>
        %add3A_930 = arith.constant 48 : i32
        %add3A_931 = vector.broadcast %add3A_930 : i32 to vector<16xi32>
        %add3A_932 = arith.addi %iota3A, %add3A_931 : vector<16xi32>
        %gather3A_933 = tpu.vector_load_idx %arg29[%add3A_932, %broadcast_in_dim3A_908] : memref<64x192xf32, #tpu.memory_space<vmem>>[vector<16xi32>, vector<16xi32>], vector<16xf32>,
        %mul3A_934 = vector.broadcast %squeeze3A_901 : f32 to vector<16xf32>
        %mul3A_935 = arith.mulf %mul3A_934, %gather3A_933 : vector<16xf32>
        %add3A_936 = arith.addf %add3A_899, %mul3A_935 : vector<16xf32>
        %slice3A_937 = vector.extract_strided_slice %get3A_381 {offsets = [15], sizes = [1], strides = [1]} : vector<16xf32> to vector<1xf32>
        %squeeze3A_938 = vector.extract %slice3A_937[0] : f32 from vector<1xf32>
        %mul3A_939 = arith.constant 16 : i32
        %mul3A_940 = arith.muli %scan3A_373, %mul3A_939 : i32
        %add3A_941 = arith.constant 128 : i32
        %add3A_942 = arith.addi %add3A_941, %mul3A_940 : i32
        %add3A_943 = arith.constant 15 : i32
        %add3A_944 = arith.addi %add3A_942, %add3A_943 : i32
        %broadcast_in_dim3A_945 = vector.broadcast %add3A_944 : i32 to vector<16xi32>
        %add3A_946 = arith.constant 0 : i32
        %add3A_947 = vector.broadcast %add3A_946 : i32 to vector<16xi32>
        %add3A_948 = arith.addi %iota3A, %add3A_947 : vector<16xi32>
        %gather3A_949 = tpu.vector_load_idx %arg29[%add3A_948, %broadcast_in_dim3A_945] : memref<64x192xf32, #tpu.memory_space<vmem>>[vector<16xi32>, vector<16xi32>], vector<16xf32>,
        %mul3A_950 = vector.broadcast %squeeze3A_938 : f32 to vector<16xf32>
        %mul3A_951 = arith.mulf %mul3A_950, %gather3A_949 : vector<16xf32>
        %add3A_952 = arith.addf %add3A_915, %mul3A_951 : vector<16xf32>
        %add3A_953 = arith.constant 16 : i32
        %add3A_954 = vector.broadcast %add3A_953 : i32 to vector<16xi32>
        %add3A_955 = arith.addi %iota3A, %add3A_954 : vector<16xi32>
        %gather3A_956 = tpu.vector_load_idx %arg29[%add3A_955, %broadcast_in_dim3A_945] : memref<64x192xf32, #tpu.memory_space<vmem>>[vector<16xi32>, vector<16xi32>], vector<16xf32>,
        %mul3A_957 = vector.broadcast %squeeze3A_938 : f32 to vector<16xf32>
        %mul3A_958 = arith.mulf %mul3A_957, %gather3A_956 : vector<16xf32>
        %add3A_959 = arith.addf %add3A_922, %mul3A_958 : vector<16xf32>
        %add3A_960 = arith.constant 32 : i32
        %add3A_961 = vector.broadcast %add3A_960 : i32 to vector<16xi32>
        %add3A_962 = arith.addi %iota3A, %add3A_961 : vector<16xi32>
        %gather3A_963 = tpu.vector_load_idx %arg29[%add3A_962, %broadcast_in_dim3A_945] : memref<64x192xf32, #tpu.memory_space<vmem>>[vector<16xi32>, vector<16xi32>], vector<16xf32>,
        %mul3A_964 = vector.broadcast %squeeze3A_938 : f32 to vector<16xf32>
        %mul3A_965 = arith.mulf %mul3A_964, %gather3A_963 : vector<16xf32>
        %add3A_966 = arith.addf %add3A_929, %mul3A_965 : vector<16xf32>
        %add3A_967 = arith.constant 48 : i32
        %add3A_968 = vector.broadcast %add3A_967 : i32 to vector<16xi32>
        %add3A_969 = arith.addi %iota3A, %add3A_968 : vector<16xi32>
        %gather3A_970 = tpu.vector_load_idx %arg29[%add3A_969, %broadcast_in_dim3A_945] : memref<64x192xf32, #tpu.memory_space<vmem>>[vector<16xi32>, vector<16xi32>], vector<16xf32>,
        %mul3A_971 = vector.broadcast %squeeze3A_938 : f32 to vector<16xf32>
        %mul3A_972 = arith.mulf %mul3A_971, %gather3A_970 : vector<16xf32>
        %add3A_973 = arith.addf %add3A_936, %mul3A_972 : vector<16xf32>
        scf.yield %add3A_952, %add3A_959, %add3A_966, %add3A_973 : vector<16xf32>, vector<16xf32>, vector<16xf32>, vector<16xf32>
      }
      %scan3A_364 = arith.constant 4 : i32
      %swap3A_365 = arith.constant 0 : index
      %swap3A_366 = tpu.vector_load %arg26[%swap3A_365] {strides = array<i32>} : memref<64xf32, #tpu.memory_space<vmem>>, vector<16xf32>,
      tpu.vector_store %arg26[%swap3A_365], %scan3A_363#0 {strides = array<i32>} : memref<64xf32, #tpu.memory_space<vmem>>, vector<16xf32>,
      %swap3A_367 = arith.constant 16 : index
      %swap3A_368 = tpu.vector_load %arg26[%swap3A_367] {strides = array<i32>} : memref<64xf32, #tpu.memory_space<vmem>>, vector<16xf32>,
      tpu.vector_store %arg26[%swap3A_367], %scan3A_363#1 {strides = array<i32>} : memref<64xf32, #tpu.memory_space<vmem>>, vector<16xf32>,
      %swap3A_369 = arith.constant 32 : index
      %swap3A_370 = tpu.vector_load %arg26[%swap3A_369] {strides = array<i32>} : memref<64xf32, #tpu.memory_space<vmem>>, vector<16xf32>,
      tpu.vector_store %arg26[%swap3A_369], %scan3A_363#2 {strides = array<i32>} : memref<64xf32, #tpu.memory_space<vmem>>, vector<16xf32>,
      %swap3A_371 = arith.constant 48 : index
      %swap3A_372 = tpu.vector_load %arg26[%swap3A_371] {strides = array<i32>} : memref<64xf32, #tpu.memory_space<vmem>>, vector<16xf32>,
      tpu.vector_store %arg26[%swap3A_371], %scan3A_363#3 {strides = array<i32>} : memref<64xf32, #tpu.memory_space<vmem>>, vector<16xf32>,
    } else {
    }
    %not3A = arith.constant true
    %not3A_25 = arith.xori %lt3A_1, %not3A : i1
    %not3A_26 = arith.constant true
    %not3A_27 = arith.xori %and3A_9, %not3A_26 : i1
    %and3A_28 = arith.andi %not3A_25, %not3A_27 : i1
    %convert_element_type3A_29 = arith.extui %and3A_28 : i1 to i32
    %cond3A_30 = arith.constant 0 : i32
    %cond3A_31 = arith.cmpi ne, %convert_element_type3A_29, %cond3A_30 : i32
    scf.if %cond3A_31 {
      %broadcast_in_dim3A = arith.constant 0.000000e+00 : f32
      %broadcast_in_dim3A_41 = vector.broadcast %broadcast_in_dim3A : f32 to vector<16xf32>
      %swap3A = arith.constant 0 : index
      %swap3A_42 = tpu.vector_load %arg26[%swap3A] {strides = array<i32>} : memref<64xf32, #tpu.memory_space<vmem>>, vector<16xf32>,
      tpu.vector_store %arg26[%swap3A], %broadcast_in_dim3A_41 {strides = array<i32>} : memref<64xf32, #tpu.memory_space<vmem>>, vector<16xf32>,
      %broadcast_in_dim3A_43 = arith.constant 0.000000e+00 : f32
      %broadcast_in_dim3A_44 = vector.broadcast %broadcast_in_dim3A_43 : f32 to vector<16xf32>
      %swap3A_45 = arith.constant 16 : index
      %swap3A_46 = tpu.vector_load %arg26[%swap3A_45] {strides = array<i32>} : memref<64xf32, #tpu.memory_space<vmem>>, vector<16xf32>,
      tpu.vector_store %arg26[%swap3A_45], %broadcast_in_dim3A_44 {strides = array<i32>} : memref<64xf32, #tpu.memory_space<vmem>>, vector<16xf32>,
      %broadcast_in_dim3A_47 = arith.constant 0.000000e+00 : f32
      %broadcast_in_dim3A_48 = vector.broadcast %broadcast_in_dim3A_47 : f32 to vector<16xf32>
      %swap3A_49 = arith.constant 32 : index
      %swap3A_50 = tpu.vector_load %arg26[%swap3A_49] {strides = array<i32>} : memref<64xf32, #tpu.memory_space<vmem>>, vector<16xf32>,
      tpu.vector_store %arg26[%swap3A_49], %broadcast_in_dim3A_48 {strides = array<i32>} : memref<64xf32, #tpu.memory_space<vmem>>, vector<16xf32>,
      %broadcast_in_dim3A_51 = arith.constant 0.000000e+00 : f32
      %broadcast_in_dim3A_52 = vector.broadcast %broadcast_in_dim3A_51 : f32 to vector<16xf32>
      %swap3A_53 = arith.constant 48 : index
      %swap3A_54 = tpu.vector_load %arg26[%swap3A_53] {strides = array<i32>} : memref<64xf32, #tpu.memory_space<vmem>>, vector<16xf32>,
      tpu.vector_store %arg26[%swap3A_53], %broadcast_in_dim3A_52 {strides = array<i32>} : memref<64xf32, #tpu.memory_space<vmem>>, vector<16xf32>,
    } else {
    }
    %convert_element_type3A_32 = arith.extui %and3A_9 : i1 to i32
    %cond3A_33 = arith.constant 0 : i32
    %cond3A_34 = arith.cmpi ne, %convert_element_type3A_32, %cond3A_33 : i32
    scf.if %cond3A_34 {
      %get3A = arith.constant 16 : index
      %get3A_41 = tpu.vector_load %arg15[%get3A] {strides = array<i32>} : memref<48xi32, #tpu.memory_space<vmem>>, vector<16xi32>,
      %get3A_42 = arith.constant 32 : index
      %get3A_43 = tpu.vector_load %arg15[%get3A_42] {strides = array<i32>} : memref<48xi32, #tpu.memory_space<vmem>>, vector<16xi32>,
      %dma_wait3A = arith.constant 0 : i32
      %dma_wait3A_44 = arith.constant 0 : i32
      %dma_wait3A_45 = tpu.memref_slice %arg5[%dma_wait3A, %dma_wait3A_44] : memref<64x100000xf32, #tpu.memory_space<hbm>> -> memref<64x128xf32, #tpu.memory_space<hbm>>
      %dma_wait3A_46 = arith.constant 0 : i32
      %dma_wait3A_47 = arith.constant 0 : i32
      %dma_wait3A_48 = tpu.memref_slice %arg5[%dma_wait3A_46, %dma_wait3A_47] : memref<64x100000xf32, #tpu.memory_space<hbm>> -> memref<64x128xf32, #tpu.memory_space<hbm>>
      tpu.wait_dma2 semaphore(%arg39 : memref<!tpu.dma_semaphore, #tpu.memory_space<semaphore_mem>>) src(%dma_wait3A_48 : memref<64x128xf32, #tpu.memory_space<hbm>>) dst(%arg24 : memref<64x128xf32, #tpu.memory_space<vmem>>)
      %dma_wait3A_49 = arith.constant 0 : i32
      %dma_wait3A_50 = arith.constant 0 : i32
      %dma_wait3A_51 = tpu.memref_slice %arg6[%dma_wait3A_49, %dma_wait3A_50] : memref<64x1000000xf32, #tpu.memory_space<hbm>> -> memref<64x128xf32, #tpu.memory_space<hbm>>
      %dma_wait3A_52 = arith.constant 0 : i32
      %dma_wait3A_53 = arith.constant 0 : i32
      %dma_wait3A_54 = tpu.memref_slice %arg6[%dma_wait3A_52, %dma_wait3A_53] : memref<64x1000000xf32, #tpu.memory_space<hbm>> -> memref<64x128xf32, #tpu.memory_space<hbm>>
      tpu.wait_dma2 semaphore(%arg39 : memref<!tpu.dma_semaphore, #tpu.memory_space<semaphore_mem>>) src(%dma_wait3A_54 : memref<64x128xf32, #tpu.memory_space<hbm>>) dst(%arg25 : memref<64x128xf32, #tpu.memory_space<vmem>>)
      tpu.wait_dma2 semaphore(%arg39 : memref<!tpu.dma_semaphore, #tpu.memory_space<semaphore_mem>>) src(%arg8 : memref<64xf32, #tpu.memory_space<hbm>>) dst(%arg30 : memref<64xf32, #tpu.memory_space<vmem>>)
      tpu.wait_dma2 semaphore(%arg40 : memref<!tpu.dma_semaphore, #tpu.memory_space<semaphore_mem>>) src(%arg7 : memref<64x192xf32, #tpu.memory_space<hbm>>) dst(%arg29 : memref<64x192xf32, #tpu.memory_space<vmem>>)
      %slice3A = vector.extract_strided_slice %get3A_41 {offsets = [0], sizes = [1], strides = [1]} : vector<16xi32> to vector<1xi32>
      %squeeze3A = vector.extract %slice3A[0] : i32 from vector<1xi32>
      %and3A_55 = arith.constant 127 : i32
      %and3A_56 = arith.andi %squeeze3A, %and3A_55 : i32
      %broadcast_in_dim3A = vector.broadcast %and3A_56 : i32 to vector<16xi32>
      %slice3A_57 = vector.extract_strided_slice %get3A_43 {offsets = [0], sizes = [1], strides = [1]} : vector<16xi32> to vector<1xi32>
      %squeeze3A_58 = vector.extract %slice3A_57[0] : i32 from vector<1xi32>
      %and3A_59 = arith.constant 127 : i32
      %and3A_60 = arith.andi %squeeze3A_58, %and3A_59 : i32
      %broadcast_in_dim3A_61 = vector.broadcast %and3A_60 : i32 to vector<16xi32>
      %get3A_62 = arith.constant 0 : index
      %get3A_63 = tpu.vector_load %arg30[%get3A_62] {strides = array<i32>} : memref<64xf32, #tpu.memory_space<vmem>>, vector<16xf32>,
      %get3A_64 = arith.constant 16 : index
      %get3A_65 = tpu.vector_load %arg30[%get3A_64] {strides = array<i32>} : memref<64xf32, #tpu.memory_space<vmem>>, vector<16xf32>,
      %get3A_66 = arith.constant 32 : index
      %get3A_67 = tpu.vector_load %arg30[%get3A_66] {strides = array<i32>} : memref<64xf32, #tpu.memory_space<vmem>>, vector<16xf32>,
      %get3A_68 = arith.constant 48 : index
      %get3A_69 = tpu.vector_load %arg30[%get3A_68] {strides = array<i32>} : memref<64xf32, #tpu.memory_space<vmem>>, vector<16xf32>,
      %scan3A = arith.constant 0 : i32
      %scan3A_70 = arith.constant 4 : i32
      %scan3A_71 = arith.addi %scan3A, %scan3A_70 : i32
      %scan3A_72 = arith.constant 1 : i32
      %scan3A_73:4 = scf.for %scan3A_88 = %scan3A to %scan3A_71 step %scan3A_72 iter_args(%scan3A_89 = %get3A_63, %scan3A_90 = %get3A_65, %scan3A_91 = %get3A_67, %scan3A_92 = %get3A_69) -> (vector<16xf32>, vector<16xf32>, vector<16xf32>, vector<16xf32>)  : i32 {
        %mul3A_93 = arith.constant 16 : i32
        %mul3A_94 = arith.muli %scan3A_88, %mul3A_93 : i32
        %add3A_95 = vector.broadcast %mul3A_94 : i32 to vector<16xi32>
        %add3A_96 = arith.addi %iota3A, %add3A_95 : vector<16xi32>
        %gather3A = tpu.vector_load_idx %arg24[%add3A_96, %broadcast_in_dim3A] : memref<64x128xf32, #tpu.memory_space<vmem>>[vector<16xi32>, vector<16xi32>], vector<16xf32>,
        %slice3A_97 = vector.extract_strided_slice %gather3A {offsets = [0], sizes = [1], strides = [1]} : vector<16xf32> to vector<1xf32>
        %squeeze3A_98 = vector.extract %slice3A_97[0] : f32 from vector<1xf32>
        %mul3A_99 = arith.constant 16 : i32
        %mul3A_100 = arith.muli %scan3A_88, %mul3A_99 : i32
        %add3A_101 = arith.constant 0 : i32
        %add3A_102 = arith.addi %add3A_101, %mul3A_100 : i32
        %add3A_103 = arith.constant 0 : i32
        %add3A_104 = arith.addi %add3A_102, %add3A_103 : i32
        %broadcast_in_dim3A_105 = vector.broadcast %add3A_104 : i32 to vector<16xi32>
        %add3A_106 = arith.constant 0 : i32
        %add3A_107 = vector.broadcast %add3A_106 : i32 to vector<16xi32>
        %add3A_108 = arith.addi %iota3A, %add3A_107 : vector<16xi32>
        %gather3A_109 = tpu.vector_load_idx %arg29[%add3A_108, %broadcast_in_dim3A_105] : memref<64x192xf32, #tpu.memory_space<vmem>>[vector<16xi32>, vector<16xi32>], vector<16xf32>,
        %mul3A_110 = vector.broadcast %squeeze3A_98 : f32 to vector<16xf32>
        %mul3A_111 = arith.mulf %mul3A_110, %gather3A_109 : vector<16xf32>
        %add3A_112 = arith.addf %scan3A_89, %mul3A_111 : vector<16xf32>
        %add3A_113 = arith.constant 16 : i32
        %add3A_114 = vector.broadcast %add3A_113 : i32 to vector<16xi32>
        %add3A_115 = arith.addi %iota3A, %add3A_114 : vector<16xi32>
        %gather3A_116 = tpu.vector_load_idx %arg29[%add3A_115, %broadcast_in_dim3A_105] : memref<64x192xf32, #tpu.memory_space<vmem>>[vector<16xi32>, vector<16xi32>], vector<16xf32>,
        %mul3A_117 = vector.broadcast %squeeze3A_98 : f32 to vector<16xf32>
        %mul3A_118 = arith.mulf %mul3A_117, %gather3A_116 : vector<16xf32>
        %add3A_119 = arith.addf %scan3A_90, %mul3A_118 : vector<16xf32>
        %add3A_120 = arith.constant 32 : i32
        %add3A_121 = vector.broadcast %add3A_120 : i32 to vector<16xi32>
        %add3A_122 = arith.addi %iota3A, %add3A_121 : vector<16xi32>
        %gather3A_123 = tpu.vector_load_idx %arg29[%add3A_122, %broadcast_in_dim3A_105] : memref<64x192xf32, #tpu.memory_space<vmem>>[vector<16xi32>, vector<16xi32>], vector<16xf32>,
        %mul3A_124 = vector.broadcast %squeeze3A_98 : f32 to vector<16xf32>
        %mul3A_125 = arith.mulf %mul3A_124, %gather3A_123 : vector<16xf32>
        %add3A_126 = arith.addf %scan3A_91, %mul3A_125 : vector<16xf32>
        %add3A_127 = arith.constant 48 : i32
        %add3A_128 = vector.broadcast %add3A_127 : i32 to vector<16xi32>
        %add3A_129 = arith.addi %iota3A, %add3A_128 : vector<16xi32>
        %gather3A_130 = tpu.vector_load_idx %arg29[%add3A_129, %broadcast_in_dim3A_105] : memref<64x192xf32, #tpu.memory_space<vmem>>[vector<16xi32>, vector<16xi32>], vector<16xf32>,
        %mul3A_131 = vector.broadcast %squeeze3A_98 : f32 to vector<16xf32>
        %mul3A_132 = arith.mulf %mul3A_131, %gather3A_130 : vector<16xf32>
        %add3A_133 = arith.addf %scan3A_92, %mul3A_132 : vector<16xf32>
        %slice3A_134 = vector.extract_strided_slice %gather3A {offsets = [1], sizes = [1], strides = [1]} : vector<16xf32> to vector<1xf32>
        %squeeze3A_135 = vector.extract %slice3A_134[0] : f32 from vector<1xf32>
        %mul3A_136 = arith.constant 16 : i32
        %mul3A_137 = arith.muli %scan3A_88, %mul3A_136 : i32
        %add3A_138 = arith.constant 0 : i32
        %add3A_139 = arith.addi %add3A_138, %mul3A_137 : i32
        %add3A_140 = arith.constant 1 : i32
        %add3A_141 = arith.addi %add3A_139, %add3A_140 : i32
        %broadcast_in_dim3A_142 = vector.broadcast %add3A_141 : i32 to vector<16xi32>
        %add3A_143 = arith.constant 0 : i32
        %add3A_144 = vector.broadcast %add3A_143 : i32 to vector<16xi32>
        %add3A_145 = arith.addi %iota3A, %add3A_144 : vector<16xi32>
        %gather3A_146 = tpu.vector_load_idx %arg29[%add3A_145, %broadcast_in_dim3A_142] : memref<64x192xf32, #tpu.memory_space<vmem>>[vector<16xi32>, vector<16xi32>], vector<16xf32>,
        %mul3A_147 = vector.broadcast %squeeze3A_135 : f32 to vector<16xf32>
        %mul3A_148 = arith.mulf %mul3A_147, %gather3A_146 : vector<16xf32>
        %add3A_149 = arith.addf %add3A_112, %mul3A_148 : vector<16xf32>
        %add3A_150 = arith.constant 16 : i32
        %add3A_151 = vector.broadcast %add3A_150 : i32 to vector<16xi32>
        %add3A_152 = arith.addi %iota3A, %add3A_151 : vector<16xi32>
        %gather3A_153 = tpu.vector_load_idx %arg29[%add3A_152, %broadcast_in_dim3A_142] : memref<64x192xf32, #tpu.memory_space<vmem>>[vector<16xi32>, vector<16xi32>], vector<16xf32>,
        %mul3A_154 = vector.broadcast %squeeze3A_135 : f32 to vector<16xf32>
        %mul3A_155 = arith.mulf %mul3A_154, %gather3A_153 : vector<16xf32>
        %add3A_156 = arith.addf %add3A_119, %mul3A_155 : vector<16xf32>
        %add3A_157 = arith.constant 32 : i32
        %add3A_158 = vector.broadcast %add3A_157 : i32 to vector<16xi32>
        %add3A_159 = arith.addi %iota3A, %add3A_158 : vector<16xi32>
        %gather3A_160 = tpu.vector_load_idx %arg29[%add3A_159, %broadcast_in_dim3A_142] : memref<64x192xf32, #tpu.memory_space<vmem>>[vector<16xi32>, vector<16xi32>], vector<16xf32>,
        %mul3A_161 = vector.broadcast %squeeze3A_135 : f32 to vector<16xf32>
        %mul3A_162 = arith.mulf %mul3A_161, %gather3A_160 : vector<16xf32>
        %add3A_163 = arith.addf %add3A_126, %mul3A_162 : vector<16xf32>
        %add3A_164 = arith.constant 48 : i32
        %add3A_165 = vector.broadcast %add3A_164 : i32 to vector<16xi32>
        %add3A_166 = arith.addi %iota3A, %add3A_165 : vector<16xi32>
        %gather3A_167 = tpu.vector_load_idx %arg29[%add3A_166, %broadcast_in_dim3A_142] : memref<64x192xf32, #tpu.memory_space<vmem>>[vector<16xi32>, vector<16xi32>], vector<16xf32>,
        %mul3A_168 = vector.broadcast %squeeze3A_135 : f32 to vector<16xf32>
        %mul3A_169 = arith.mulf %mul3A_168, %gather3A_167 : vector<16xf32>
        %add3A_170 = arith.addf %add3A_133, %mul3A_169 : vector<16xf32>
        %slice3A_171 = vector.extract_strided_slice %gather3A {offsets = [2], sizes = [1], strides = [1]} : vector<16xf32> to vector<1xf32>
        %squeeze3A_172 = vector.extract %slice3A_171[0] : f32 from vector<1xf32>
        %mul3A_173 = arith.constant 16 : i32
        %mul3A_174 = arith.muli %scan3A_88, %mul3A_173 : i32
        %add3A_175 = arith.constant 0 : i32
        %add3A_176 = arith.addi %add3A_175, %mul3A_174 : i32
        %add3A_177 = arith.constant 2 : i32
        %add3A_178 = arith.addi %add3A_176, %add3A_177 : i32
        %broadcast_in_dim3A_179 = vector.broadcast %add3A_178 : i32 to vector<16xi32>
        %add3A_180 = arith.constant 0 : i32
        %add3A_181 = vector.broadcast %add3A_180 : i32 to vector<16xi32>
        %add3A_182 = arith.addi %iota3A, %add3A_181 : vector<16xi32>
        %gather3A_183 = tpu.vector_load_idx %arg29[%add3A_182, %broadcast_in_dim3A_179] : memref<64x192xf32, #tpu.memory_space<vmem>>[vector<16xi32>, vector<16xi32>], vector<16xf32>,
        %mul3A_184 = vector.broadcast %squeeze3A_172 : f32 to vector<16xf32>
        %mul3A_185 = arith.mulf %mul3A_184, %gather3A_183 : vector<16xf32>
        %add3A_186 = arith.addf %add3A_149, %mul3A_185 : vector<16xf32>
        %add3A_187 = arith.constant 16 : i32
        %add3A_188 = vector.broadcast %add3A_187 : i32 to vector<16xi32>
        %add3A_189 = arith.addi %iota3A, %add3A_188 : vector<16xi32>
        %gather3A_190 = tpu.vector_load_idx %arg29[%add3A_189, %broadcast_in_dim3A_179] : memref<64x192xf32, #tpu.memory_space<vmem>>[vector<16xi32>, vector<16xi32>], vector<16xf32>,
        %mul3A_191 = vector.broadcast %squeeze3A_172 : f32 to vector<16xf32>
        %mul3A_192 = arith.mulf %mul3A_191, %gather3A_190 : vector<16xf32>
        %add3A_193 = arith.addf %add3A_156, %mul3A_192 : vector<16xf32>
        %add3A_194 = arith.constant 32 : i32
        %add3A_195 = vector.broadcast %add3A_194 : i32 to vector<16xi32>
        %add3A_196 = arith.addi %iota3A, %add3A_195 : vector<16xi32>
        %gather3A_197 = tpu.vector_load_idx %arg29[%add3A_196, %broadcast_in_dim3A_179] : memref<64x192xf32, #tpu.memory_space<vmem>>[vector<16xi32>, vector<16xi32>], vector<16xf32>,
        %mul3A_198 = vector.broadcast %squeeze3A_172 : f32 to vector<16xf32>
        %mul3A_199 = arith.mulf %mul3A_198, %gather3A_197 : vector<16xf32>
        %add3A_200 = arith.addf %add3A_163, %mul3A_199 : vector<16xf32>
        %add3A_201 = arith.constant 48 : i32
        %add3A_202 = vector.broadcast %add3A_201 : i32 to vector<16xi32>
        %add3A_203 = arith.addi %iota3A, %add3A_202 : vector<16xi32>
        %gather3A_204 = tpu.vector_load_idx %arg29[%add3A_203, %broadcast_in_dim3A_179] : memref<64x192xf32, #tpu.memory_space<vmem>>[vector<16xi32>, vector<16xi32>], vector<16xf32>,
        %mul3A_205 = vector.broadcast %squeeze3A_172 : f32 to vector<16xf32>
        %mul3A_206 = arith.mulf %mul3A_205, %gather3A_204 : vector<16xf32>
        %add3A_207 = arith.addf %add3A_170, %mul3A_206 : vector<16xf32>
        %slice3A_208 = vector.extract_strided_slice %gather3A {offsets = [3], sizes = [1], strides = [1]} : vector<16xf32> to vector<1xf32>
        %squeeze3A_209 = vector.extract %slice3A_208[0] : f32 from vector<1xf32>
        %mul3A_210 = arith.constant 16 : i32
        %mul3A_211 = arith.muli %scan3A_88, %mul3A_210 : i32
        %add3A_212 = arith.constant 0 : i32
        %add3A_213 = arith.addi %add3A_212, %mul3A_211 : i32
        %add3A_214 = arith.constant 3 : i32
        %add3A_215 = arith.addi %add3A_213, %add3A_214 : i32
        %broadcast_in_dim3A_216 = vector.broadcast %add3A_215 : i32 to vector<16xi32>
        %add3A_217 = arith.constant 0 : i32
        %add3A_218 = vector.broadcast %add3A_217 : i32 to vector<16xi32>
        %add3A_219 = arith.addi %iota3A, %add3A_218 : vector<16xi32>
        %gather3A_220 = tpu.vector_load_idx %arg29[%add3A_219, %broadcast_in_dim3A_216] : memref<64x192xf32, #tpu.memory_space<vmem>>[vector<16xi32>, vector<16xi32>], vector<16xf32>,
        %mul3A_221 = vector.broadcast %squeeze3A_209 : f32 to vector<16xf32>
        %mul3A_222 = arith.mulf %mul3A_221, %gather3A_220 : vector<16xf32>
        %add3A_223 = arith.addf %add3A_186, %mul3A_222 : vector<16xf32>
        %add3A_224 = arith.constant 16 : i32
        %add3A_225 = vector.broadcast %add3A_224 : i32 to vector<16xi32>
        %add3A_226 = arith.addi %iota3A, %add3A_225 : vector<16xi32>
        %gather3A_227 = tpu.vector_load_idx %arg29[%add3A_226, %broadcast_in_dim3A_216] : memref<64x192xf32, #tpu.memory_space<vmem>>[vector<16xi32>, vector<16xi32>], vector<16xf32>,
        %mul3A_228 = vector.broadcast %squeeze3A_209 : f32 to vector<16xf32>
        %mul3A_229 = arith.mulf %mul3A_228, %gather3A_227 : vector<16xf32>
        %add3A_230 = arith.addf %add3A_193, %mul3A_229 : vector<16xf32>
        %add3A_231 = arith.constant 32 : i32
        %add3A_232 = vector.broadcast %add3A_231 : i32 to vector<16xi32>
        %add3A_233 = arith.addi %iota3A, %add3A_232 : vector<16xi32>
        %gather3A_234 = tpu.vector_load_idx %arg29[%add3A_233, %broadcast_in_dim3A_216] : memref<64x192xf32, #tpu.memory_space<vmem>>[vector<16xi32>, vector<16xi32>], vector<16xf32>,
        %mul3A_235 = vector.broadcast %squeeze3A_209 : f32 to vector<16xf32>
        %mul3A_236 = arith.mulf %mul3A_235, %gather3A_234 : vector<16xf32>
        %add3A_237 = arith.addf %add3A_200, %mul3A_236 : vector<16xf32>
        %add3A_238 = arith.constant 48 : i32
        %add3A_239 = vector.broadcast %add3A_238 : i32 to vector<16xi32>
        %add3A_240 = arith.addi %iota3A, %add3A_239 : vector<16xi32>
        %gather3A_241 = tpu.vector_load_idx %arg29[%add3A_240, %broadcast_in_dim3A_216] : memref<64x192xf32, #tpu.memory_space<vmem>>[vector<16xi32>, vector<16xi32>], vector<16xf32>,
        %mul3A_242 = vector.broadcast %squeeze3A_209 : f32 to vector<16xf32>
        %mul3A_243 = arith.mulf %mul3A_242, %gather3A_241 : vector<16xf32>
        %add3A_244 = arith.addf %add3A_207, %mul3A_243 : vector<16xf32>
        %slice3A_245 = vector.extract_strided_slice %gather3A {offsets = [4], sizes = [1], strides = [1]} : vector<16xf32> to vector<1xf32>
        %squeeze3A_246 = vector.extract %slice3A_245[0] : f32 from vector<1xf32>
        %mul3A_247 = arith.constant 16 : i32
        %mul3A_248 = arith.muli %scan3A_88, %mul3A_247 : i32
        %add3A_249 = arith.constant 0 : i32
        %add3A_250 = arith.addi %add3A_249, %mul3A_248 : i32
        %add3A_251 = arith.constant 4 : i32
        %add3A_252 = arith.addi %add3A_250, %add3A_251 : i32
        %broadcast_in_dim3A_253 = vector.broadcast %add3A_252 : i32 to vector<16xi32>
        %add3A_254 = arith.constant 0 : i32
        %add3A_255 = vector.broadcast %add3A_254 : i32 to vector<16xi32>
        %add3A_256 = arith.addi %iota3A, %add3A_255 : vector<16xi32>
        %gather3A_257 = tpu.vector_load_idx %arg29[%add3A_256, %broadcast_in_dim3A_253] : memref<64x192xf32, #tpu.memory_space<vmem>>[vector<16xi32>, vector<16xi32>], vector<16xf32>,
        %mul3A_258 = vector.broadcast %squeeze3A_246 : f32 to vector<16xf32>
        %mul3A_259 = arith.mulf %mul3A_258, %gather3A_257 : vector<16xf32>
        %add3A_260 = arith.addf %add3A_223, %mul3A_259 : vector<16xf32>
        %add3A_261 = arith.constant 16 : i32
        %add3A_262 = vector.broadcast %add3A_261 : i32 to vector<16xi32>
        %add3A_263 = arith.addi %iota3A, %add3A_262 : vector<16xi32>
        %gather3A_264 = tpu.vector_load_idx %arg29[%add3A_263, %broadcast_in_dim3A_253] : memref<64x192xf32, #tpu.memory_space<vmem>>[vector<16xi32>, vector<16xi32>], vector<16xf32>,
        %mul3A_265 = vector.broadcast %squeeze3A_246 : f32 to vector<16xf32>
        %mul3A_266 = arith.mulf %mul3A_265, %gather3A_264 : vector<16xf32>
        %add3A_267 = arith.addf %add3A_230, %mul3A_266 : vector<16xf32>
        %add3A_268 = arith.constant 32 : i32
        %add3A_269 = vector.broadcast %add3A_268 : i32 to vector<16xi32>
        %add3A_270 = arith.addi %iota3A, %add3A_269 : vector<16xi32>
        %gather3A_271 = tpu.vector_load_idx %arg29[%add3A_270, %broadcast_in_dim3A_253] : memref<64x192xf32, #tpu.memory_space<vmem>>[vector<16xi32>, vector<16xi32>], vector<16xf32>,
        %mul3A_272 = vector.broadcast %squeeze3A_246 : f32 to vector<16xf32>
        %mul3A_273 = arith.mulf %mul3A_272, %gather3A_271 : vector<16xf32>
        %add3A_274 = arith.addf %add3A_237, %mul3A_273 : vector<16xf32>
        %add3A_275 = arith.constant 48 : i32
        %add3A_276 = vector.broadcast %add3A_275 : i32 to vector<16xi32>
        %add3A_277 = arith.addi %iota3A, %add3A_276 : vector<16xi32>
        %gather3A_278 = tpu.vector_load_idx %arg29[%add3A_277, %broadcast_in_dim3A_253] : memref<64x192xf32, #tpu.memory_space<vmem>>[vector<16xi32>, vector<16xi32>], vector<16xf32>,
        %mul3A_279 = vector.broadcast %squeeze3A_246 : f32 to vector<16xf32>
        %mul3A_280 = arith.mulf %mul3A_279, %gather3A_278 : vector<16xf32>
        %add3A_281 = arith.addf %add3A_244, %mul3A_280 : vector<16xf32>
        %slice3A_282 = vector.extract_strided_slice %gather3A {offsets = [5], sizes = [1], strides = [1]} : vector<16xf32> to vector<1xf32>
        %squeeze3A_283 = vector.extract %slice3A_282[0] : f32 from vector<1xf32>
        %mul3A_284 = arith.constant 16 : i32
        %mul3A_285 = arith.muli %scan3A_88, %mul3A_284 : i32
        %add3A_286 = arith.constant 0 : i32
        %add3A_287 = arith.addi %add3A_286, %mul3A_285 : i32
        %add3A_288 = arith.constant 5 : i32
        %add3A_289 = arith.addi %add3A_287, %add3A_288 : i32
        %broadcast_in_dim3A_290 = vector.broadcast %add3A_289 : i32 to vector<16xi32>
        %add3A_291 = arith.constant 0 : i32
        %add3A_292 = vector.broadcast %add3A_291 : i32 to vector<16xi32>
        %add3A_293 = arith.addi %iota3A, %add3A_292 : vector<16xi32>
        %gather3A_294 = tpu.vector_load_idx %arg29[%add3A_293, %broadcast_in_dim3A_290] : memref<64x192xf32, #tpu.memory_space<vmem>>[vector<16xi32>, vector<16xi32>], vector<16xf32>,
        %mul3A_295 = vector.broadcast %squeeze3A_283 : f32 to vector<16xf32>
        %mul3A_296 = arith.mulf %mul3A_295, %gather3A_294 : vector<16xf32>
        %add3A_297 = arith.addf %add3A_260, %mul3A_296 : vector<16xf32>
        %add3A_298 = arith.constant 16 : i32
        %add3A_299 = vector.broadcast %add3A_298 : i32 to vector<16xi32>
        %add3A_300 = arith.addi %iota3A, %add3A_299 : vector<16xi32>
        %gather3A_301 = tpu.vector_load_idx %arg29[%add3A_300, %broadcast_in_dim3A_290] : memref<64x192xf32, #tpu.memory_space<vmem>>[vector<16xi32>, vector<16xi32>], vector<16xf32>,
        %mul3A_302 = vector.broadcast %squeeze3A_283 : f32 to vector<16xf32>
        %mul3A_303 = arith.mulf %mul3A_302, %gather3A_301 : vector<16xf32>
        %add3A_304 = arith.addf %add3A_267, %mul3A_303 : vector<16xf32>
        %add3A_305 = arith.constant 32 : i32
        %add3A_306 = vector.broadcast %add3A_305 : i32 to vector<16xi32>
        %add3A_307 = arith.addi %iota3A, %add3A_306 : vector<16xi32>
        %gather3A_308 = tpu.vector_load_idx %arg29[%add3A_307, %broadcast_in_dim3A_290] : memref<64x192xf32, #tpu.memory_space<vmem>>[vector<16xi32>, vector<16xi32>], vector<16xf32>,
        %mul3A_309 = vector.broadcast %squeeze3A_283 : f32 to vector<16xf32>
        %mul3A_310 = arith.mulf %mul3A_309, %gather3A_308 : vector<16xf32>
        %add3A_311 = arith.addf %add3A_274, %mul3A_310 : vector<16xf32>
        %add3A_312 = arith.constant 48 : i32
        %add3A_313 = vector.broadcast %add3A_312 : i32 to vector<16xi32>
        %add3A_314 = arith.addi %iota3A, %add3A_313 : vector<16xi32>
        %gather3A_315 = tpu.vector_load_idx %arg29[%add3A_314, %broadcast_in_dim3A_290] : memref<64x192xf32, #tpu.memory_space<vmem>>[vector<16xi32>, vector<16xi32>], vector<16xf32>,
        %mul3A_316 = vector.broadcast %squeeze3A_283 : f32 to vector<16xf32>
        %mul3A_317 = arith.mulf %mul3A_316, %gather3A_315 : vector<16xf32>
        %add3A_318 = arith.addf %add3A_281, %mul3A_317 : vector<16xf32>
        %slice3A_319 = vector.extract_strided_slice %gather3A {offsets = [6], sizes = [1], strides = [1]} : vector<16xf32> to vector<1xf32>
        %squeeze3A_320 = vector.extract %slice3A_319[0] : f32 from vector<1xf32>
        %mul3A_321 = arith.constant 16 : i32
        %mul3A_322 = arith.muli %scan3A_88, %mul3A_321 : i32
        %add3A_323 = arith.constant 0 : i32
        %add3A_324 = arith.addi %add3A_323, %mul3A_322 : i32
        %add3A_325 = arith.constant 6 : i32
        %add3A_326 = arith.addi %add3A_324, %add3A_325 : i32
        %broadcast_in_dim3A_327 = vector.broadcast %add3A_326 : i32 to vector<16xi32>
        %add3A_328 = arith.constant 0 : i32
        %add3A_329 = vector.broadcast %add3A_328 : i32 to vector<16xi32>
        %add3A_330 = arith.addi %iota3A, %add3A_329 : vector<16xi32>
        %gather3A_331 = tpu.vector_load_idx %arg29[%add3A_330, %broadcast_in_dim3A_327] : memref<64x192xf32, #tpu.memory_space<vmem>>[vector<16xi32>, vector<16xi32>], vector<16xf32>,
        %mul3A_332 = vector.broadcast %squeeze3A_320 : f32 to vector<16xf32>
        %mul3A_333 = arith.mulf %mul3A_332, %gather3A_331 : vector<16xf32>
        %add3A_334 = arith.addf %add3A_297, %mul3A_333 : vector<16xf32>
        %add3A_335 = arith.constant 16 : i32
        %add3A_336 = vector.broadcast %add3A_335 : i32 to vector<16xi32>
        %add3A_337 = arith.addi %iota3A, %add3A_336 : vector<16xi32>
        %gather3A_338 = tpu.vector_load_idx %arg29[%add3A_337, %broadcast_in_dim3A_327] : memref<64x192xf32, #tpu.memory_space<vmem>>[vector<16xi32>, vector<16xi32>], vector<16xf32>,
        %mul3A_339 = vector.broadcast %squeeze3A_320 : f32 to vector<16xf32>
        %mul3A_340 = arith.mulf %mul3A_339, %gather3A_338 : vector<16xf32>
        %add3A_341 = arith.addf %add3A_304, %mul3A_340 : vector<16xf32>
        %add3A_342 = arith.constant 32 : i32
        %add3A_343 = vector.broadcast %add3A_342 : i32 to vector<16xi32>
        %add3A_344 = arith.addi %iota3A, %add3A_343 : vector<16xi32>
        %gather3A_345 = tpu.vector_load_idx %arg29[%add3A_344, %broadcast_in_dim3A_327] : memref<64x192xf32, #tpu.memory_space<vmem>>[vector<16xi32>, vector<16xi32>], vector<16xf32>,
        %mul3A_346 = vector.broadcast %squeeze3A_320 : f32 to vector<16xf32>
        %mul3A_347 = arith.mulf %mul3A_346, %gather3A_345 : vector<16xf32>
        %add3A_348 = arith.addf %add3A_311, %mul3A_347 : vector<16xf32>
        %add3A_349 = arith.constant 48 : i32
        %add3A_350 = vector.broadcast %add3A_349 : i32 to vector<16xi32>
        %add3A_351 = arith.addi %iota3A, %add3A_350 : vector<16xi32>
        %gather3A_352 = tpu.vector_load_idx %arg29[%add3A_351, %broadcast_in_dim3A_327] : memref<64x192xf32, #tpu.memory_space<vmem>>[vector<16xi32>, vector<16xi32>], vector<16xf32>,
        %mul3A_353 = vector.broadcast %squeeze3A_320 : f32 to vector<16xf32>
        %mul3A_354 = arith.mulf %mul3A_353, %gather3A_352 : vector<16xf32>
        %add3A_355 = arith.addf %add3A_318, %mul3A_354 : vector<16xf32>
        %slice3A_356 = vector.extract_strided_slice %gather3A {offsets = [7], sizes = [1], strides = [1]} : vector<16xf32> to vector<1xf32>
        %squeeze3A_357 = vector.extract %slice3A_356[0] : f32 from vector<1xf32>
        %mul3A_358 = arith.constant 16 : i32
        %mul3A_359 = arith.muli %scan3A_88, %mul3A_358 : i32
        %add3A_360 = arith.constant 0 : i32
        %add3A_361 = arith.addi %add3A_360, %mul3A_359 : i32
        %add3A_362 = arith.constant 7 : i32
        %add3A_363 = arith.addi %add3A_361, %add3A_362 : i32
        %broadcast_in_dim3A_364 = vector.broadcast %add3A_363 : i32 to vector<16xi32>
        %add3A_365 = arith.constant 0 : i32
        %add3A_366 = vector.broadcast %add3A_365 : i32 to vector<16xi32>
        %add3A_367 = arith.addi %iota3A, %add3A_366 : vector<16xi32>
        %gather3A_368 = tpu.vector_load_idx %arg29[%add3A_367, %broadcast_in_dim3A_364] : memref<64x192xf32, #tpu.memory_space<vmem>>[vector<16xi32>, vector<16xi32>], vector<16xf32>,
        %mul3A_369 = vector.broadcast %squeeze3A_357 : f32 to vector<16xf32>
        %mul3A_370 = arith.mulf %mul3A_369, %gather3A_368 : vector<16xf32>
        %add3A_371 = arith.addf %add3A_334, %mul3A_370 : vector<16xf32>
        %add3A_372 = arith.constant 16 : i32
        %add3A_373 = vector.broadcast %add3A_372 : i32 to vector<16xi32>
        %add3A_374 = arith.addi %iota3A, %add3A_373 : vector<16xi32>
        %gather3A_375 = tpu.vector_load_idx %arg29[%add3A_374, %broadcast_in_dim3A_364] : memref<64x192xf32, #tpu.memory_space<vmem>>[vector<16xi32>, vector<16xi32>], vector<16xf32>,
        %mul3A_376 = vector.broadcast %squeeze3A_357 : f32 to vector<16xf32>
        %mul3A_377 = arith.mulf %mul3A_376, %gather3A_375 : vector<16xf32>
        %add3A_378 = arith.addf %add3A_341, %mul3A_377 : vector<16xf32>
        %add3A_379 = arith.constant 32 : i32
        %add3A_380 = vector.broadcast %add3A_379 : i32 to vector<16xi32>
        %add3A_381 = arith.addi %iota3A, %add3A_380 : vector<16xi32>
        %gather3A_382 = tpu.vector_load_idx %arg29[%add3A_381, %broadcast_in_dim3A_364] : memref<64x192xf32, #tpu.memory_space<vmem>>[vector<16xi32>, vector<16xi32>], vector<16xf32>,
        %mul3A_383 = vector.broadcast %squeeze3A_357 : f32 to vector<16xf32>
        %mul3A_384 = arith.mulf %mul3A_383, %gather3A_382 : vector<16xf32>
        %add3A_385 = arith.addf %add3A_348, %mul3A_384 : vector<16xf32>
        %add3A_386 = arith.constant 48 : i32
        %add3A_387 = vector.broadcast %add3A_386 : i32 to vector<16xi32>
        %add3A_388 = arith.addi %iota3A, %add3A_387 : vector<16xi32>
        %gather3A_389 = tpu.vector_load_idx %arg29[%add3A_388, %broadcast_in_dim3A_364] : memref<64x192xf32, #tpu.memory_space<vmem>>[vector<16xi32>, vector<16xi32>], vector<16xf32>,
        %mul3A_390 = vector.broadcast %squeeze3A_357 : f32 to vector<16xf32>
        %mul3A_391 = arith.mulf %mul3A_390, %gather3A_389 : vector<16xf32>
        %add3A_392 = arith.addf %add3A_355, %mul3A_391 : vector<16xf32>
        %slice3A_393 = vector.extract_strided_slice %gather3A {offsets = [8], sizes = [1], strides = [1]} : vector<16xf32> to vector<1xf32>
        %squeeze3A_394 = vector.extract %slice3A_393[0] : f32 from vector<1xf32>
        %mul3A_395 = arith.constant 16 : i32
        %mul3A_396 = arith.muli %scan3A_88, %mul3A_395 : i32
        %add3A_397 = arith.constant 0 : i32
        %add3A_398 = arith.addi %add3A_397, %mul3A_396 : i32
        %add3A_399 = arith.constant 8 : i32
        %add3A_400 = arith.addi %add3A_398, %add3A_399 : i32
        %broadcast_in_dim3A_401 = vector.broadcast %add3A_400 : i32 to vector<16xi32>
        %add3A_402 = arith.constant 0 : i32
        %add3A_403 = vector.broadcast %add3A_402 : i32 to vector<16xi32>
        %add3A_404 = arith.addi %iota3A, %add3A_403 : vector<16xi32>
        %gather3A_405 = tpu.vector_load_idx %arg29[%add3A_404, %broadcast_in_dim3A_401] : memref<64x192xf32, #tpu.memory_space<vmem>>[vector<16xi32>, vector<16xi32>], vector<16xf32>,
        %mul3A_406 = vector.broadcast %squeeze3A_394 : f32 to vector<16xf32>
        %mul3A_407 = arith.mulf %mul3A_406, %gather3A_405 : vector<16xf32>
        %add3A_408 = arith.addf %add3A_371, %mul3A_407 : vector<16xf32>
        %add3A_409 = arith.constant 16 : i32
        %add3A_410 = vector.broadcast %add3A_409 : i32 to vector<16xi32>
        %add3A_411 = arith.addi %iota3A, %add3A_410 : vector<16xi32>
        %gather3A_412 = tpu.vector_load_idx %arg29[%add3A_411, %broadcast_in_dim3A_401] : memref<64x192xf32, #tpu.memory_space<vmem>>[vector<16xi32>, vector<16xi32>], vector<16xf32>,
        %mul3A_413 = vector.broadcast %squeeze3A_394 : f32 to vector<16xf32>
        %mul3A_414 = arith.mulf %mul3A_413, %gather3A_412 : vector<16xf32>
        %add3A_415 = arith.addf %add3A_378, %mul3A_414 : vector<16xf32>
        %add3A_416 = arith.constant 32 : i32
        %add3A_417 = vector.broadcast %add3A_416 : i32 to vector<16xi32>
        %add3A_418 = arith.addi %iota3A, %add3A_417 : vector<16xi32>
        %gather3A_419 = tpu.vector_load_idx %arg29[%add3A_418, %broadcast_in_dim3A_401] : memref<64x192xf32, #tpu.memory_space<vmem>>[vector<16xi32>, vector<16xi32>], vector<16xf32>,
        %mul3A_420 = vector.broadcast %squeeze3A_394 : f32 to vector<16xf32>
        %mul3A_421 = arith.mulf %mul3A_420, %gather3A_419 : vector<16xf32>
        %add3A_422 = arith.addf %add3A_385, %mul3A_421 : vector<16xf32>
        %add3A_423 = arith.constant 48 : i32
        %add3A_424 = vector.broadcast %add3A_423 : i32 to vector<16xi32>
        %add3A_425 = arith.addi %iota3A, %add3A_424 : vector<16xi32>
        %gather3A_426 = tpu.vector_load_idx %arg29[%add3A_425, %broadcast_in_dim3A_401] : memref<64x192xf32, #tpu.memory_space<vmem>>[vector<16xi32>, vector<16xi32>], vector<16xf32>,
        %mul3A_427 = vector.broadcast %squeeze3A_394 : f32 to vector<16xf32>
        %mul3A_428 = arith.mulf %mul3A_427, %gather3A_426 : vector<16xf32>
        %add3A_429 = arith.addf %add3A_392, %mul3A_428 : vector<16xf32>
        %slice3A_430 = vector.extract_strided_slice %gather3A {offsets = [9], sizes = [1], strides = [1]} : vector<16xf32> to vector<1xf32>
        %squeeze3A_431 = vector.extract %slice3A_430[0] : f32 from vector<1xf32>
        %mul3A_432 = arith.constant 16 : i32
        %mul3A_433 = arith.muli %scan3A_88, %mul3A_432 : i32
        %add3A_434 = arith.constant 0 : i32
        %add3A_435 = arith.addi %add3A_434, %mul3A_433 : i32
        %add3A_436 = arith.constant 9 : i32
        %add3A_437 = arith.addi %add3A_435, %add3A_436 : i32
        %broadcast_in_dim3A_438 = vector.broadcast %add3A_437 : i32 to vector<16xi32>
        %add3A_439 = arith.constant 0 : i32
        %add3A_440 = vector.broadcast %add3A_439 : i32 to vector<16xi32>
        %add3A_441 = arith.addi %iota3A, %add3A_440 : vector<16xi32>
        %gather3A_442 = tpu.vector_load_idx %arg29[%add3A_441, %broadcast_in_dim3A_438] : memref<64x192xf32, #tpu.memory_space<vmem>>[vector<16xi32>, vector<16xi32>], vector<16xf32>,
        %mul3A_443 = vector.broadcast %squeeze3A_431 : f32 to vector<16xf32>
        %mul3A_444 = arith.mulf %mul3A_443, %gather3A_442 : vector<16xf32>
        %add3A_445 = arith.addf %add3A_408, %mul3A_444 : vector<16xf32>
        %add3A_446 = arith.constant 16 : i32
        %add3A_447 = vector.broadcast %add3A_446 : i32 to vector<16xi32>
        %add3A_448 = arith.addi %iota3A, %add3A_447 : vector<16xi32>
        %gather3A_449 = tpu.vector_load_idx %arg29[%add3A_448, %broadcast_in_dim3A_438] : memref<64x192xf32, #tpu.memory_space<vmem>>[vector<16xi32>, vector<16xi32>], vector<16xf32>,
        %mul3A_450 = vector.broadcast %squeeze3A_431 : f32 to vector<16xf32>
        %mul3A_451 = arith.mulf %mul3A_450, %gather3A_449 : vector<16xf32>
        %add3A_452 = arith.addf %add3A_415, %mul3A_451 : vector<16xf32>
        %add3A_453 = arith.constant 32 : i32
        %add3A_454 = vector.broadcast %add3A_453 : i32 to vector<16xi32>
        %add3A_455 = arith.addi %iota3A, %add3A_454 : vector<16xi32>
        %gather3A_456 = tpu.vector_load_idx %arg29[%add3A_455, %broadcast_in_dim3A_438] : memref<64x192xf32, #tpu.memory_space<vmem>>[vector<16xi32>, vector<16xi32>], vector<16xf32>,
        %mul3A_457 = vector.broadcast %squeeze3A_431 : f32 to vector<16xf32>
        %mul3A_458 = arith.mulf %mul3A_457, %gather3A_456 : vector<16xf32>
        %add3A_459 = arith.addf %add3A_422, %mul3A_458 : vector<16xf32>
        %add3A_460 = arith.constant 48 : i32
        %add3A_461 = vector.broadcast %add3A_460 : i32 to vector<16xi32>
        %add3A_462 = arith.addi %iota3A, %add3A_461 : vector<16xi32>
        %gather3A_463 = tpu.vector_load_idx %arg29[%add3A_462, %broadcast_in_dim3A_438] : memref<64x192xf32, #tpu.memory_space<vmem>>[vector<16xi32>, vector<16xi32>], vector<16xf32>,
        %mul3A_464 = vector.broadcast %squeeze3A_431 : f32 to vector<16xf32>
        %mul3A_465 = arith.mulf %mul3A_464, %gather3A_463 : vector<16xf32>
        %add3A_466 = arith.addf %add3A_429, %mul3A_465 : vector<16xf32>
        %slice3A_467 = vector.extract_strided_slice %gather3A {offsets = [10], sizes = [1], strides = [1]} : vector<16xf32> to vector<1xf32>
        %squeeze3A_468 = vector.extract %slice3A_467[0] : f32 from vector<1xf32>
        %mul3A_469 = arith.constant 16 : i32
        %mul3A_470 = arith.muli %scan3A_88, %mul3A_469 : i32
        %add3A_471 = arith.constant 0 : i32
        %add3A_472 = arith.addi %add3A_471, %mul3A_470 : i32
        %add3A_473 = arith.constant 10 : i32
        %add3A_474 = arith.addi %add3A_472, %add3A_473 : i32
        %broadcast_in_dim3A_475 = vector.broadcast %add3A_474 : i32 to vector<16xi32>
        %add3A_476 = arith.constant 0 : i32
        %add3A_477 = vector.broadcast %add3A_476 : i32 to vector<16xi32>
        %add3A_478 = arith.addi %iota3A, %add3A_477 : vector<16xi32>
        %gather3A_479 = tpu.vector_load_idx %arg29[%add3A_478, %broadcast_in_dim3A_475] : memref<64x192xf32, #tpu.memory_space<vmem>>[vector<16xi32>, vector<16xi32>], vector<16xf32>,
        %mul3A_480 = vector.broadcast %squeeze3A_468 : f32 to vector<16xf32>
        %mul3A_481 = arith.mulf %mul3A_480, %gather3A_479 : vector<16xf32>
        %add3A_482 = arith.addf %add3A_445, %mul3A_481 : vector<16xf32>
        %add3A_483 = arith.constant 16 : i32
        %add3A_484 = vector.broadcast %add3A_483 : i32 to vector<16xi32>
        %add3A_485 = arith.addi %iota3A, %add3A_484 : vector<16xi32>
        %gather3A_486 = tpu.vector_load_idx %arg29[%add3A_485, %broadcast_in_dim3A_475] : memref<64x192xf32, #tpu.memory_space<vmem>>[vector<16xi32>, vector<16xi32>], vector<16xf32>,
        %mul3A_487 = vector.broadcast %squeeze3A_468 : f32 to vector<16xf32>
        %mul3A_488 = arith.mulf %mul3A_487, %gather3A_486 : vector<16xf32>
        %add3A_489 = arith.addf %add3A_452, %mul3A_488 : vector<16xf32>
        %add3A_490 = arith.constant 32 : i32
        %add3A_491 = vector.broadcast %add3A_490 : i32 to vector<16xi32>
        %add3A_492 = arith.addi %iota3A, %add3A_491 : vector<16xi32>
        %gather3A_493 = tpu.vector_load_idx %arg29[%add3A_492, %broadcast_in_dim3A_475] : memref<64x192xf32, #tpu.memory_space<vmem>>[vector<16xi32>, vector<16xi32>], vector<16xf32>,
        %mul3A_494 = vector.broadcast %squeeze3A_468 : f32 to vector<16xf32>
        %mul3A_495 = arith.mulf %mul3A_494, %gather3A_493 : vector<16xf32>
        %add3A_496 = arith.addf %add3A_459, %mul3A_495 : vector<16xf32>
        %add3A_497 = arith.constant 48 : i32
        %add3A_498 = vector.broadcast %add3A_497 : i32 to vector<16xi32>
        %add3A_499 = arith.addi %iota3A, %add3A_498 : vector<16xi32>
        %gather3A_500 = tpu.vector_load_idx %arg29[%add3A_499, %broadcast_in_dim3A_475] : memref<64x192xf32, #tpu.memory_space<vmem>>[vector<16xi32>, vector<16xi32>], vector<16xf32>,
        %mul3A_501 = vector.broadcast %squeeze3A_468 : f32 to vector<16xf32>
        %mul3A_502 = arith.mulf %mul3A_501, %gather3A_500 : vector<16xf32>
        %add3A_503 = arith.addf %add3A_466, %mul3A_502 : vector<16xf32>
        %slice3A_504 = vector.extract_strided_slice %gather3A {offsets = [11], sizes = [1], strides = [1]} : vector<16xf32> to vector<1xf32>
        %squeeze3A_505 = vector.extract %slice3A_504[0] : f32 from vector<1xf32>
        %mul3A_506 = arith.constant 16 : i32
        %mul3A_507 = arith.muli %scan3A_88, %mul3A_506 : i32
        %add3A_508 = arith.constant 0 : i32
        %add3A_509 = arith.addi %add3A_508, %mul3A_507 : i32
        %add3A_510 = arith.constant 11 : i32
        %add3A_511 = arith.addi %add3A_509, %add3A_510 : i32
        %broadcast_in_dim3A_512 = vector.broadcast %add3A_511 : i32 to vector<16xi32>
        %add3A_513 = arith.constant 0 : i32
        %add3A_514 = vector.broadcast %add3A_513 : i32 to vector<16xi32>
        %add3A_515 = arith.addi %iota3A, %add3A_514 : vector<16xi32>
        %gather3A_516 = tpu.vector_load_idx %arg29[%add3A_515, %broadcast_in_dim3A_512] : memref<64x192xf32, #tpu.memory_space<vmem>>[vector<16xi32>, vector<16xi32>], vector<16xf32>,
        %mul3A_517 = vector.broadcast %squeeze3A_505 : f32 to vector<16xf32>
        %mul3A_518 = arith.mulf %mul3A_517, %gather3A_516 : vector<16xf32>
        %add3A_519 = arith.addf %add3A_482, %mul3A_518 : vector<16xf32>
        %add3A_520 = arith.constant 16 : i32
        %add3A_521 = vector.broadcast %add3A_520 : i32 to vector<16xi32>
        %add3A_522 = arith.addi %iota3A, %add3A_521 : vector<16xi32>
        %gather3A_523 = tpu.vector_load_idx %arg29[%add3A_522, %broadcast_in_dim3A_512] : memref<64x192xf32, #tpu.memory_space<vmem>>[vector<16xi32>, vector<16xi32>], vector<16xf32>,
        %mul3A_524 = vector.broadcast %squeeze3A_505 : f32 to vector<16xf32>
        %mul3A_525 = arith.mulf %mul3A_524, %gather3A_523 : vector<16xf32>
        %add3A_526 = arith.addf %add3A_489, %mul3A_525 : vector<16xf32>
        %add3A_527 = arith.constant 32 : i32
        %add3A_528 = vector.broadcast %add3A_527 : i32 to vector<16xi32>
        %add3A_529 = arith.addi %iota3A, %add3A_528 : vector<16xi32>
        %gather3A_530 = tpu.vector_load_idx %arg29[%add3A_529, %broadcast_in_dim3A_512] : memref<64x192xf32, #tpu.memory_space<vmem>>[vector<16xi32>, vector<16xi32>], vector<16xf32>,
        %mul3A_531 = vector.broadcast %squeeze3A_505 : f32 to vector<16xf32>
        %mul3A_532 = arith.mulf %mul3A_531, %gather3A_530 : vector<16xf32>
        %add3A_533 = arith.addf %add3A_496, %mul3A_532 : vector<16xf32>
        %add3A_534 = arith.constant 48 : i32
        %add3A_535 = vector.broadcast %add3A_534 : i32 to vector<16xi32>
        %add3A_536 = arith.addi %iota3A, %add3A_535 : vector<16xi32>
        %gather3A_537 = tpu.vector_load_idx %arg29[%add3A_536, %broadcast_in_dim3A_512] : memref<64x192xf32, #tpu.memory_space<vmem>>[vector<16xi32>, vector<16xi32>], vector<16xf32>,
        %mul3A_538 = vector.broadcast %squeeze3A_505 : f32 to vector<16xf32>
        %mul3A_539 = arith.mulf %mul3A_538, %gather3A_537 : vector<16xf32>
        %add3A_540 = arith.addf %add3A_503, %mul3A_539 : vector<16xf32>
        %slice3A_541 = vector.extract_strided_slice %gather3A {offsets = [12], sizes = [1], strides = [1]} : vector<16xf32> to vector<1xf32>
        %squeeze3A_542 = vector.extract %slice3A_541[0] : f32 from vector<1xf32>
        %mul3A_543 = arith.constant 16 : i32
        %mul3A_544 = arith.muli %scan3A_88, %mul3A_543 : i32
        %add3A_545 = arith.constant 0 : i32
        %add3A_546 = arith.addi %add3A_545, %mul3A_544 : i32
        %add3A_547 = arith.constant 12 : i32
        %add3A_548 = arith.addi %add3A_546, %add3A_547 : i32
        %broadcast_in_dim3A_549 = vector.broadcast %add3A_548 : i32 to vector<16xi32>
        %add3A_550 = arith.constant 0 : i32
        %add3A_551 = vector.broadcast %add3A_550 : i32 to vector<16xi32>
        %add3A_552 = arith.addi %iota3A, %add3A_551 : vector<16xi32>
        %gather3A_553 = tpu.vector_load_idx %arg29[%add3A_552, %broadcast_in_dim3A_549] : memref<64x192xf32, #tpu.memory_space<vmem>>[vector<16xi32>, vector<16xi32>], vector<16xf32>,
        %mul3A_554 = vector.broadcast %squeeze3A_542 : f32 to vector<16xf32>
        %mul3A_555 = arith.mulf %mul3A_554, %gather3A_553 : vector<16xf32>
        %add3A_556 = arith.addf %add3A_519, %mul3A_555 : vector<16xf32>
        %add3A_557 = arith.constant 16 : i32
        %add3A_558 = vector.broadcast %add3A_557 : i32 to vector<16xi32>
        %add3A_559 = arith.addi %iota3A, %add3A_558 : vector<16xi32>
        %gather3A_560 = tpu.vector_load_idx %arg29[%add3A_559, %broadcast_in_dim3A_549] : memref<64x192xf32, #tpu.memory_space<vmem>>[vector<16xi32>, vector<16xi32>], vector<16xf32>,
        %mul3A_561 = vector.broadcast %squeeze3A_542 : f32 to vector<16xf32>
        %mul3A_562 = arith.mulf %mul3A_561, %gather3A_560 : vector<16xf32>
        %add3A_563 = arith.addf %add3A_526, %mul3A_562 : vector<16xf32>
        %add3A_564 = arith.constant 32 : i32
        %add3A_565 = vector.broadcast %add3A_564 : i32 to vector<16xi32>
        %add3A_566 = arith.addi %iota3A, %add3A_565 : vector<16xi32>
        %gather3A_567 = tpu.vector_load_idx %arg29[%add3A_566, %broadcast_in_dim3A_549] : memref<64x192xf32, #tpu.memory_space<vmem>>[vector<16xi32>, vector<16xi32>], vector<16xf32>,
        %mul3A_568 = vector.broadcast %squeeze3A_542 : f32 to vector<16xf32>
        %mul3A_569 = arith.mulf %mul3A_568, %gather3A_567 : vector<16xf32>
        %add3A_570 = arith.addf %add3A_533, %mul3A_569 : vector<16xf32>
        %add3A_571 = arith.constant 48 : i32
        %add3A_572 = vector.broadcast %add3A_571 : i32 to vector<16xi32>
        %add3A_573 = arith.addi %iota3A, %add3A_572 : vector<16xi32>
        %gather3A_574 = tpu.vector_load_idx %arg29[%add3A_573, %broadcast_in_dim3A_549] : memref<64x192xf32, #tpu.memory_space<vmem>>[vector<16xi32>, vector<16xi32>], vector<16xf32>,
        %mul3A_575 = vector.broadcast %squeeze3A_542 : f32 to vector<16xf32>
        %mul3A_576 = arith.mulf %mul3A_575, %gather3A_574 : vector<16xf32>
        %add3A_577 = arith.addf %add3A_540, %mul3A_576 : vector<16xf32>
        %slice3A_578 = vector.extract_strided_slice %gather3A {offsets = [13], sizes = [1], strides = [1]} : vector<16xf32> to vector<1xf32>
        %squeeze3A_579 = vector.extract %slice3A_578[0] : f32 from vector<1xf32>
        %mul3A_580 = arith.constant 16 : i32
        %mul3A_581 = arith.muli %scan3A_88, %mul3A_580 : i32
        %add3A_582 = arith.constant 0 : i32
        %add3A_583 = arith.addi %add3A_582, %mul3A_581 : i32
        %add3A_584 = arith.constant 13 : i32
        %add3A_585 = arith.addi %add3A_583, %add3A_584 : i32
        %broadcast_in_dim3A_586 = vector.broadcast %add3A_585 : i32 to vector<16xi32>
        %add3A_587 = arith.constant 0 : i32
        %add3A_588 = vector.broadcast %add3A_587 : i32 to vector<16xi32>
        %add3A_589 = arith.addi %iota3A, %add3A_588 : vector<16xi32>
        %gather3A_590 = tpu.vector_load_idx %arg29[%add3A_589, %broadcast_in_dim3A_586] : memref<64x192xf32, #tpu.memory_space<vmem>>[vector<16xi32>, vector<16xi32>], vector<16xf32>,
        %mul3A_591 = vector.broadcast %squeeze3A_579 : f32 to vector<16xf32>
        %mul3A_592 = arith.mulf %mul3A_591, %gather3A_590 : vector<16xf32>
        %add3A_593 = arith.addf %add3A_556, %mul3A_592 : vector<16xf32>
        %add3A_594 = arith.constant 16 : i32
        %add3A_595 = vector.broadcast %add3A_594 : i32 to vector<16xi32>
        %add3A_596 = arith.addi %iota3A, %add3A_595 : vector<16xi32>
        %gather3A_597 = tpu.vector_load_idx %arg29[%add3A_596, %broadcast_in_dim3A_586] : memref<64x192xf32, #tpu.memory_space<vmem>>[vector<16xi32>, vector<16xi32>], vector<16xf32>,
        %mul3A_598 = vector.broadcast %squeeze3A_579 : f32 to vector<16xf32>
        %mul3A_599 = arith.mulf %mul3A_598, %gather3A_597 : vector<16xf32>
        %add3A_600 = arith.addf %add3A_563, %mul3A_599 : vector<16xf32>
        %add3A_601 = arith.constant 32 : i32
        %add3A_602 = vector.broadcast %add3A_601 : i32 to vector<16xi32>
        %add3A_603 = arith.addi %iota3A, %add3A_602 : vector<16xi32>
        %gather3A_604 = tpu.vector_load_idx %arg29[%add3A_603, %broadcast_in_dim3A_586] : memref<64x192xf32, #tpu.memory_space<vmem>>[vector<16xi32>, vector<16xi32>], vector<16xf32>,
        %mul3A_605 = vector.broadcast %squeeze3A_579 : f32 to vector<16xf32>
        %mul3A_606 = arith.mulf %mul3A_605, %gather3A_604 : vector<16xf32>
        %add3A_607 = arith.addf %add3A_570, %mul3A_606 : vector<16xf32>
        %add3A_608 = arith.constant 48 : i32
        %add3A_609 = vector.broadcast %add3A_608 : i32 to vector<16xi32>
        %add3A_610 = arith.addi %iota3A, %add3A_609 : vector<16xi32>
        %gather3A_611 = tpu.vector_load_idx %arg29[%add3A_610, %broadcast_in_dim3A_586] : memref<64x192xf32, #tpu.memory_space<vmem>>[vector<16xi32>, vector<16xi32>], vector<16xf32>,
        %mul3A_612 = vector.broadcast %squeeze3A_579 : f32 to vector<16xf32>
        %mul3A_613 = arith.mulf %mul3A_612, %gather3A_611 : vector<16xf32>
        %add3A_614 = arith.addf %add3A_577, %mul3A_613 : vector<16xf32>
        %slice3A_615 = vector.extract_strided_slice %gather3A {offsets = [14], sizes = [1], strides = [1]} : vector<16xf32> to vector<1xf32>
        %squeeze3A_616 = vector.extract %slice3A_615[0] : f32 from vector<1xf32>
        %mul3A_617 = arith.constant 16 : i32
        %mul3A_618 = arith.muli %scan3A_88, %mul3A_617 : i32
        %add3A_619 = arith.constant 0 : i32
        %add3A_620 = arith.addi %add3A_619, %mul3A_618 : i32
        %add3A_621 = arith.constant 14 : i32
        %add3A_622 = arith.addi %add3A_620, %add3A_621 : i32
        %broadcast_in_dim3A_623 = vector.broadcast %add3A_622 : i32 to vector<16xi32>
        %add3A_624 = arith.constant 0 : i32
        %add3A_625 = vector.broadcast %add3A_624 : i32 to vector<16xi32>
        %add3A_626 = arith.addi %iota3A, %add3A_625 : vector<16xi32>
        %gather3A_627 = tpu.vector_load_idx %arg29[%add3A_626, %broadcast_in_dim3A_623] : memref<64x192xf32, #tpu.memory_space<vmem>>[vector<16xi32>, vector<16xi32>], vector<16xf32>,
        %mul3A_628 = vector.broadcast %squeeze3A_616 : f32 to vector<16xf32>
        %mul3A_629 = arith.mulf %mul3A_628, %gather3A_627 : vector<16xf32>
        %add3A_630 = arith.addf %add3A_593, %mul3A_629 : vector<16xf32>
        %add3A_631 = arith.constant 16 : i32
        %add3A_632 = vector.broadcast %add3A_631 : i32 to vector<16xi32>
        %add3A_633 = arith.addi %iota3A, %add3A_632 : vector<16xi32>
        %gather3A_634 = tpu.vector_load_idx %arg29[%add3A_633, %broadcast_in_dim3A_623] : memref<64x192xf32, #tpu.memory_space<vmem>>[vector<16xi32>, vector<16xi32>], vector<16xf32>,
        %mul3A_635 = vector.broadcast %squeeze3A_616 : f32 to vector<16xf32>
        %mul3A_636 = arith.mulf %mul3A_635, %gather3A_634 : vector<16xf32>
        %add3A_637 = arith.addf %add3A_600, %mul3A_636 : vector<16xf32>
        %add3A_638 = arith.constant 32 : i32
        %add3A_639 = vector.broadcast %add3A_638 : i32 to vector<16xi32>
        %add3A_640 = arith.addi %iota3A, %add3A_639 : vector<16xi32>
        %gather3A_641 = tpu.vector_load_idx %arg29[%add3A_640, %broadcast_in_dim3A_623] : memref<64x192xf32, #tpu.memory_space<vmem>>[vector<16xi32>, vector<16xi32>], vector<16xf32>,
        %mul3A_642 = vector.broadcast %squeeze3A_616 : f32 to vector<16xf32>
        %mul3A_643 = arith.mulf %mul3A_642, %gather3A_641 : vector<16xf32>
        %add3A_644 = arith.addf %add3A_607, %mul3A_643 : vector<16xf32>
        %add3A_645 = arith.constant 48 : i32
        %add3A_646 = vector.broadcast %add3A_645 : i32 to vector<16xi32>
        %add3A_647 = arith.addi %iota3A, %add3A_646 : vector<16xi32>
        %gather3A_648 = tpu.vector_load_idx %arg29[%add3A_647, %broadcast_in_dim3A_623] : memref<64x192xf32, #tpu.memory_space<vmem>>[vector<16xi32>, vector<16xi32>], vector<16xf32>,
        %mul3A_649 = vector.broadcast %squeeze3A_616 : f32 to vector<16xf32>
        %mul3A_650 = arith.mulf %mul3A_649, %gather3A_648 : vector<16xf32>
        %add3A_651 = arith.addf %add3A_614, %mul3A_650 : vector<16xf32>
        %slice3A_652 = vector.extract_strided_slice %gather3A {offsets = [15], sizes = [1], strides = [1]} : vector<16xf32> to vector<1xf32>
        %squeeze3A_653 = vector.extract %slice3A_652[0] : f32 from vector<1xf32>
        %mul3A_654 = arith.constant 16 : i32
        %mul3A_655 = arith.muli %scan3A_88, %mul3A_654 : i32
        %add3A_656 = arith.constant 0 : i32
        %add3A_657 = arith.addi %add3A_656, %mul3A_655 : i32
        %add3A_658 = arith.constant 15 : i32
        %add3A_659 = arith.addi %add3A_657, %add3A_658 : i32
        %broadcast_in_dim3A_660 = vector.broadcast %add3A_659 : i32 to vector<16xi32>
        %add3A_661 = arith.constant 0 : i32
        %add3A_662 = vector.broadcast %add3A_661 : i32 to vector<16xi32>
        %add3A_663 = arith.addi %iota3A, %add3A_662 : vector<16xi32>
        %gather3A_664 = tpu.vector_load_idx %arg29[%add3A_663, %broadcast_in_dim3A_660] : memref<64x192xf32, #tpu.memory_space<vmem>>[vector<16xi32>, vector<16xi32>], vector<16xf32>,
        %mul3A_665 = vector.broadcast %squeeze3A_653 : f32 to vector<16xf32>
        %mul3A_666 = arith.mulf %mul3A_665, %gather3A_664 : vector<16xf32>
        %add3A_667 = arith.addf %add3A_630, %mul3A_666 : vector<16xf32>
        %add3A_668 = arith.constant 16 : i32
        %add3A_669 = vector.broadcast %add3A_668 : i32 to vector<16xi32>
        %add3A_670 = arith.addi %iota3A, %add3A_669 : vector<16xi32>
        %gather3A_671 = tpu.vector_load_idx %arg29[%add3A_670, %broadcast_in_dim3A_660] : memref<64x192xf32, #tpu.memory_space<vmem>>[vector<16xi32>, vector<16xi32>], vector<16xf32>,
        %mul3A_672 = vector.broadcast %squeeze3A_653 : f32 to vector<16xf32>
        %mul3A_673 = arith.mulf %mul3A_672, %gather3A_671 : vector<16xf32>
        %add3A_674 = arith.addf %add3A_637, %mul3A_673 : vector<16xf32>
        %add3A_675 = arith.constant 32 : i32
        %add3A_676 = vector.broadcast %add3A_675 : i32 to vector<16xi32>
        %add3A_677 = arith.addi %iota3A, %add3A_676 : vector<16xi32>
        %gather3A_678 = tpu.vector_load_idx %arg29[%add3A_677, %broadcast_in_dim3A_660] : memref<64x192xf32, #tpu.memory_space<vmem>>[vector<16xi32>, vector<16xi32>], vector<16xf32>,
        %mul3A_679 = vector.broadcast %squeeze3A_653 : f32 to vector<16xf32>
        %mul3A_680 = arith.mulf %mul3A_679, %gather3A_678 : vector<16xf32>
        %add3A_681 = arith.addf %add3A_644, %mul3A_680 : vector<16xf32>
        %add3A_682 = arith.constant 48 : i32
        %add3A_683 = vector.broadcast %add3A_682 : i32 to vector<16xi32>
        %add3A_684 = arith.addi %iota3A, %add3A_683 : vector<16xi32>
        %gather3A_685 = tpu.vector_load_idx %arg29[%add3A_684, %broadcast_in_dim3A_660] : memref<64x192xf32, #tpu.memory_space<vmem>>[vector<16xi32>, vector<16xi32>], vector<16xf32>,
        %mul3A_686 = vector.broadcast %squeeze3A_653 : f32 to vector<16xf32>
        %mul3A_687 = arith.mulf %mul3A_686, %gather3A_685 : vector<16xf32>
        %add3A_688 = arith.addf %add3A_651, %mul3A_687 : vector<16xf32>
        scf.yield %add3A_667, %add3A_674, %add3A_681, %add3A_688 : vector<16xf32>, vector<16xf32>, vector<16xf32>, vector<16xf32>
      }
      %scan3A_74 = arith.constant 4 : i32
      %scan3A_75 = arith.constant 0 : i32
      %scan3A_76 = arith.constant 4 : i32
      %scan3A_77 = arith.addi %scan3A_75, %scan3A_76 : i32
      %scan3A_78 = arith.constant 1 : i32
      %scan3A_79:4 = scf.for %scan3A_88 = %scan3A_75 to %scan3A_77 step %scan3A_78 iter_args(%scan3A_89 = %scan3A_73#0, %scan3A_90 = %scan3A_73#1, %scan3A_91 = %scan3A_73#2, %scan3A_92 = %scan3A_73#3) -> (vector<16xf32>, vector<16xf32>, vector<16xf32>, vector<16xf32>)  : i32 {
        %mul3A_93 = arith.constant 16 : i32
        %mul3A_94 = arith.muli %scan3A_88, %mul3A_93 : i32
        %add3A_95 = vector.broadcast %mul3A_94 : i32 to vector<16xi32>
        %add3A_96 = arith.addi %iota3A, %add3A_95 : vector<16xi32>
        %gather3A = tpu.vector_load_idx %arg25[%add3A_96, %broadcast_in_dim3A_61] : memref<64x128xf32, #tpu.memory_space<vmem>>[vector<16xi32>, vector<16xi32>], vector<16xf32>,
        %slice3A_97 = vector.extract_strided_slice %gather3A {offsets = [0], sizes = [1], strides = [1]} : vector<16xf32> to vector<1xf32>
        %squeeze3A_98 = vector.extract %slice3A_97[0] : f32 from vector<1xf32>
        %mul3A_99 = arith.constant 16 : i32
        %mul3A_100 = arith.muli %scan3A_88, %mul3A_99 : i32
        %add3A_101 = arith.constant 64 : i32
        %add3A_102 = arith.addi %add3A_101, %mul3A_100 : i32
        %add3A_103 = arith.constant 0 : i32
        %add3A_104 = arith.addi %add3A_102, %add3A_103 : i32
        %broadcast_in_dim3A_105 = vector.broadcast %add3A_104 : i32 to vector<16xi32>
        %add3A_106 = arith.constant 0 : i32
        %add3A_107 = vector.broadcast %add3A_106 : i32 to vector<16xi32>
        %add3A_108 = arith.addi %iota3A, %add3A_107 : vector<16xi32>
        %gather3A_109 = tpu.vector_load_idx %arg29[%add3A_108, %broadcast_in_dim3A_105] : memref<64x192xf32, #tpu.memory_space<vmem>>[vector<16xi32>, vector<16xi32>], vector<16xf32>,
        %mul3A_110 = vector.broadcast %squeeze3A_98 : f32 to vector<16xf32>
        %mul3A_111 = arith.mulf %mul3A_110, %gather3A_109 : vector<16xf32>
        %add3A_112 = arith.addf %scan3A_89, %mul3A_111 : vector<16xf32>
        %add3A_113 = arith.constant 16 : i32
        %add3A_114 = vector.broadcast %add3A_113 : i32 to vector<16xi32>
        %add3A_115 = arith.addi %iota3A, %add3A_114 : vector<16xi32>
        %gather3A_116 = tpu.vector_load_idx %arg29[%add3A_115, %broadcast_in_dim3A_105] : memref<64x192xf32, #tpu.memory_space<vmem>>[vector<16xi32>, vector<16xi32>], vector<16xf32>,
        %mul3A_117 = vector.broadcast %squeeze3A_98 : f32 to vector<16xf32>
        %mul3A_118 = arith.mulf %mul3A_117, %gather3A_116 : vector<16xf32>
        %add3A_119 = arith.addf %scan3A_90, %mul3A_118 : vector<16xf32>
        %add3A_120 = arith.constant 32 : i32
        %add3A_121 = vector.broadcast %add3A_120 : i32 to vector<16xi32>
        %add3A_122 = arith.addi %iota3A, %add3A_121 : vector<16xi32>
        %gather3A_123 = tpu.vector_load_idx %arg29[%add3A_122, %broadcast_in_dim3A_105] : memref<64x192xf32, #tpu.memory_space<vmem>>[vector<16xi32>, vector<16xi32>], vector<16xf32>,
        %mul3A_124 = vector.broadcast %squeeze3A_98 : f32 to vector<16xf32>
        %mul3A_125 = arith.mulf %mul3A_124, %gather3A_123 : vector<16xf32>
        %add3A_126 = arith.addf %scan3A_91, %mul3A_125 : vector<16xf32>
        %add3A_127 = arith.constant 48 : i32
        %add3A_128 = vector.broadcast %add3A_127 : i32 to vector<16xi32>
        %add3A_129 = arith.addi %iota3A, %add3A_128 : vector<16xi32>
        %gather3A_130 = tpu.vector_load_idx %arg29[%add3A_129, %broadcast_in_dim3A_105] : memref<64x192xf32, #tpu.memory_space<vmem>>[vector<16xi32>, vector<16xi32>], vector<16xf32>,
        %mul3A_131 = vector.broadcast %squeeze3A_98 : f32 to vector<16xf32>
        %mul3A_132 = arith.mulf %mul3A_131, %gather3A_130 : vector<16xf32>
        %add3A_133 = arith.addf %scan3A_92, %mul3A_132 : vector<16xf32>
        %slice3A_134 = vector.extract_strided_slice %gather3A {offsets = [1], sizes = [1], strides = [1]} : vector<16xf32> to vector<1xf32>
        %squeeze3A_135 = vector.extract %slice3A_134[0] : f32 from vector<1xf32>
        %mul3A_136 = arith.constant 16 : i32
        %mul3A_137 = arith.muli %scan3A_88, %mul3A_136 : i32
        %add3A_138 = arith.constant 64 : i32
        %add3A_139 = arith.addi %add3A_138, %mul3A_137 : i32
        %add3A_140 = arith.constant 1 : i32
        %add3A_141 = arith.addi %add3A_139, %add3A_140 : i32
        %broadcast_in_dim3A_142 = vector.broadcast %add3A_141 : i32 to vector<16xi32>
        %add3A_143 = arith.constant 0 : i32
        %add3A_144 = vector.broadcast %add3A_143 : i32 to vector<16xi32>
        %add3A_145 = arith.addi %iota3A, %add3A_144 : vector<16xi32>
        %gather3A_146 = tpu.vector_load_idx %arg29[%add3A_145, %broadcast_in_dim3A_142] : memref<64x192xf32, #tpu.memory_space<vmem>>[vector<16xi32>, vector<16xi32>], vector<16xf32>,
        %mul3A_147 = vector.broadcast %squeeze3A_135 : f32 to vector<16xf32>
        %mul3A_148 = arith.mulf %mul3A_147, %gather3A_146 : vector<16xf32>
        %add3A_149 = arith.addf %add3A_112, %mul3A_148 : vector<16xf32>
        %add3A_150 = arith.constant 16 : i32
        %add3A_151 = vector.broadcast %add3A_150 : i32 to vector<16xi32>
        %add3A_152 = arith.addi %iota3A, %add3A_151 : vector<16xi32>
        %gather3A_153 = tpu.vector_load_idx %arg29[%add3A_152, %broadcast_in_dim3A_142] : memref<64x192xf32, #tpu.memory_space<vmem>>[vector<16xi32>, vector<16xi32>], vector<16xf32>,
        %mul3A_154 = vector.broadcast %squeeze3A_135 : f32 to vector<16xf32>
        %mul3A_155 = arith.mulf %mul3A_154, %gather3A_153 : vector<16xf32>
        %add3A_156 = arith.addf %add3A_119, %mul3A_155 : vector<16xf32>
        %add3A_157 = arith.constant 32 : i32
        %add3A_158 = vector.broadcast %add3A_157 : i32 to vector<16xi32>
        %add3A_159 = arith.addi %iota3A, %add3A_158 : vector<16xi32>
        %gather3A_160 = tpu.vector_load_idx %arg29[%add3A_159, %broadcast_in_dim3A_142] : memref<64x192xf32, #tpu.memory_space<vmem>>[vector<16xi32>, vector<16xi32>], vector<16xf32>,
        %mul3A_161 = vector.broadcast %squeeze3A_135 : f32 to vector<16xf32>
        %mul3A_162 = arith.mulf %mul3A_161, %gather3A_160 : vector<16xf32>
        %add3A_163 = arith.addf %add3A_126, %mul3A_162 : vector<16xf32>
        %add3A_164 = arith.constant 48 : i32
        %add3A_165 = vector.broadcast %add3A_164 : i32 to vector<16xi32>
        %add3A_166 = arith.addi %iota3A, %add3A_165 : vector<16xi32>
        %gather3A_167 = tpu.vector_load_idx %arg29[%add3A_166, %broadcast_in_dim3A_142] : memref<64x192xf32, #tpu.memory_space<vmem>>[vector<16xi32>, vector<16xi32>], vector<16xf32>,
        %mul3A_168 = vector.broadcast %squeeze3A_135 : f32 to vector<16xf32>
        %mul3A_169 = arith.mulf %mul3A_168, %gather3A_167 : vector<16xf32>
        %add3A_170 = arith.addf %add3A_133, %mul3A_169 : vector<16xf32>
        %slice3A_171 = vector.extract_strided_slice %gather3A {offsets = [2], sizes = [1], strides = [1]} : vector<16xf32> to vector<1xf32>
        %squeeze3A_172 = vector.extract %slice3A_171[0] : f32 from vector<1xf32>
        %mul3A_173 = arith.constant 16 : i32
        %mul3A_174 = arith.muli %scan3A_88, %mul3A_173 : i32
        %add3A_175 = arith.constant 64 : i32
        %add3A_176 = arith.addi %add3A_175, %mul3A_174 : i32
        %add3A_177 = arith.constant 2 : i32
        %add3A_178 = arith.addi %add3A_176, %add3A_177 : i32
        %broadcast_in_dim3A_179 = vector.broadcast %add3A_178 : i32 to vector<16xi32>
        %add3A_180 = arith.constant 0 : i32
        %add3A_181 = vector.broadcast %add3A_180 : i32 to vector<16xi32>
        %add3A_182 = arith.addi %iota3A, %add3A_181 : vector<16xi32>
        %gather3A_183 = tpu.vector_load_idx %arg29[%add3A_182, %broadcast_in_dim3A_179] : memref<64x192xf32, #tpu.memory_space<vmem>>[vector<16xi32>, vector<16xi32>], vector<16xf32>,
        %mul3A_184 = vector.broadcast %squeeze3A_172 : f32 to vector<16xf32>
        %mul3A_185 = arith.mulf %mul3A_184, %gather3A_183 : vector<16xf32>
        %add3A_186 = arith.addf %add3A_149, %mul3A_185 : vector<16xf32>
        %add3A_187 = arith.constant 16 : i32
        %add3A_188 = vector.broadcast %add3A_187 : i32 to vector<16xi32>
        %add3A_189 = arith.addi %iota3A, %add3A_188 : vector<16xi32>
        %gather3A_190 = tpu.vector_load_idx %arg29[%add3A_189, %broadcast_in_dim3A_179] : memref<64x192xf32, #tpu.memory_space<vmem>>[vector<16xi32>, vector<16xi32>], vector<16xf32>,
        %mul3A_191 = vector.broadcast %squeeze3A_172 : f32 to vector<16xf32>
        %mul3A_192 = arith.mulf %mul3A_191, %gather3A_190 : vector<16xf32>
        %add3A_193 = arith.addf %add3A_156, %mul3A_192 : vector<16xf32>
        %add3A_194 = arith.constant 32 : i32
        %add3A_195 = vector.broadcast %add3A_194 : i32 to vector<16xi32>
        %add3A_196 = arith.addi %iota3A, %add3A_195 : vector<16xi32>
        %gather3A_197 = tpu.vector_load_idx %arg29[%add3A_196, %broadcast_in_dim3A_179] : memref<64x192xf32, #tpu.memory_space<vmem>>[vector<16xi32>, vector<16xi32>], vector<16xf32>,
        %mul3A_198 = vector.broadcast %squeeze3A_172 : f32 to vector<16xf32>
        %mul3A_199 = arith.mulf %mul3A_198, %gather3A_197 : vector<16xf32>
        %add3A_200 = arith.addf %add3A_163, %mul3A_199 : vector<16xf32>
        %add3A_201 = arith.constant 48 : i32
        %add3A_202 = vector.broadcast %add3A_201 : i32 to vector<16xi32>
        %add3A_203 = arith.addi %iota3A, %add3A_202 : vector<16xi32>
        %gather3A_204 = tpu.vector_load_idx %arg29[%add3A_203, %broadcast_in_dim3A_179] : memref<64x192xf32, #tpu.memory_space<vmem>>[vector<16xi32>, vector<16xi32>], vector<16xf32>,
        %mul3A_205 = vector.broadcast %squeeze3A_172 : f32 to vector<16xf32>
        %mul3A_206 = arith.mulf %mul3A_205, %gather3A_204 : vector<16xf32>
        %add3A_207 = arith.addf %add3A_170, %mul3A_206 : vector<16xf32>
        %slice3A_208 = vector.extract_strided_slice %gather3A {offsets = [3], sizes = [1], strides = [1]} : vector<16xf32> to vector<1xf32>
        %squeeze3A_209 = vector.extract %slice3A_208[0] : f32 from vector<1xf32>
        %mul3A_210 = arith.constant 16 : i32
        %mul3A_211 = arith.muli %scan3A_88, %mul3A_210 : i32
        %add3A_212 = arith.constant 64 : i32
        %add3A_213 = arith.addi %add3A_212, %mul3A_211 : i32
        %add3A_214 = arith.constant 3 : i32
        %add3A_215 = arith.addi %add3A_213, %add3A_214 : i32
        %broadcast_in_dim3A_216 = vector.broadcast %add3A_215 : i32 to vector<16xi32>
        %add3A_217 = arith.constant 0 : i32
        %add3A_218 = vector.broadcast %add3A_217 : i32 to vector<16xi32>
        %add3A_219 = arith.addi %iota3A, %add3A_218 : vector<16xi32>
        %gather3A_220 = tpu.vector_load_idx %arg29[%add3A_219, %broadcast_in_dim3A_216] : memref<64x192xf32, #tpu.memory_space<vmem>>[vector<16xi32>, vector<16xi32>], vector<16xf32>,
        %mul3A_221 = vector.broadcast %squeeze3A_209 : f32 to vector<16xf32>
        %mul3A_222 = arith.mulf %mul3A_221, %gather3A_220 : vector<16xf32>
        %add3A_223 = arith.addf %add3A_186, %mul3A_222 : vector<16xf32>
        %add3A_224 = arith.constant 16 : i32
        %add3A_225 = vector.broadcast %add3A_224 : i32 to vector<16xi32>
        %add3A_226 = arith.addi %iota3A, %add3A_225 : vector<16xi32>
        %gather3A_227 = tpu.vector_load_idx %arg29[%add3A_226, %broadcast_in_dim3A_216] : memref<64x192xf32, #tpu.memory_space<vmem>>[vector<16xi32>, vector<16xi32>], vector<16xf32>,
        %mul3A_228 = vector.broadcast %squeeze3A_209 : f32 to vector<16xf32>
        %mul3A_229 = arith.mulf %mul3A_228, %gather3A_227 : vector<16xf32>
        %add3A_230 = arith.addf %add3A_193, %mul3A_229 : vector<16xf32>
        %add3A_231 = arith.constant 32 : i32
        %add3A_232 = vector.broadcast %add3A_231 : i32 to vector<16xi32>
        %add3A_233 = arith.addi %iota3A, %add3A_232 : vector<16xi32>
        %gather3A_234 = tpu.vector_load_idx %arg29[%add3A_233, %broadcast_in_dim3A_216] : memref<64x192xf32, #tpu.memory_space<vmem>>[vector<16xi32>, vector<16xi32>], vector<16xf32>,
        %mul3A_235 = vector.broadcast %squeeze3A_209 : f32 to vector<16xf32>
        %mul3A_236 = arith.mulf %mul3A_235, %gather3A_234 : vector<16xf32>
        %add3A_237 = arith.addf %add3A_200, %mul3A_236 : vector<16xf32>
        %add3A_238 = arith.constant 48 : i32
        %add3A_239 = vector.broadcast %add3A_238 : i32 to vector<16xi32>
        %add3A_240 = arith.addi %iota3A, %add3A_239 : vector<16xi32>
        %gather3A_241 = tpu.vector_load_idx %arg29[%add3A_240, %broadcast_in_dim3A_216] : memref<64x192xf32, #tpu.memory_space<vmem>>[vector<16xi32>, vector<16xi32>], vector<16xf32>,
        %mul3A_242 = vector.broadcast %squeeze3A_209 : f32 to vector<16xf32>
        %mul3A_243 = arith.mulf %mul3A_242, %gather3A_241 : vector<16xf32>
        %add3A_244 = arith.addf %add3A_207, %mul3A_243 : vector<16xf32>
        %slice3A_245 = vector.extract_strided_slice %gather3A {offsets = [4], sizes = [1], strides = [1]} : vector<16xf32> to vector<1xf32>
        %squeeze3A_246 = vector.extract %slice3A_245[0] : f32 from vector<1xf32>
        %mul3A_247 = arith.constant 16 : i32
        %mul3A_248 = arith.muli %scan3A_88, %mul3A_247 : i32
        %add3A_249 = arith.constant 64 : i32
        %add3A_250 = arith.addi %add3A_249, %mul3A_248 : i32
        %add3A_251 = arith.constant 4 : i32
        %add3A_252 = arith.addi %add3A_250, %add3A_251 : i32
        %broadcast_in_dim3A_253 = vector.broadcast %add3A_252 : i32 to vector<16xi32>
        %add3A_254 = arith.constant 0 : i32
        %add3A_255 = vector.broadcast %add3A_254 : i32 to vector<16xi32>
        %add3A_256 = arith.addi %iota3A, %add3A_255 : vector<16xi32>
        %gather3A_257 = tpu.vector_load_idx %arg29[%add3A_256, %broadcast_in_dim3A_253] : memref<64x192xf32, #tpu.memory_space<vmem>>[vector<16xi32>, vector<16xi32>], vector<16xf32>,
        %mul3A_258 = vector.broadcast %squeeze3A_246 : f32 to vector<16xf32>
        %mul3A_259 = arith.mulf %mul3A_258, %gather3A_257 : vector<16xf32>
        %add3A_260 = arith.addf %add3A_223, %mul3A_259 : vector<16xf32>
        %add3A_261 = arith.constant 16 : i32
        %add3A_262 = vector.broadcast %add3A_261 : i32 to vector<16xi32>
        %add3A_263 = arith.addi %iota3A, %add3A_262 : vector<16xi32>
        %gather3A_264 = tpu.vector_load_idx %arg29[%add3A_263, %broadcast_in_dim3A_253] : memref<64x192xf32, #tpu.memory_space<vmem>>[vector<16xi32>, vector<16xi32>], vector<16xf32>,
        %mul3A_265 = vector.broadcast %squeeze3A_246 : f32 to vector<16xf32>
        %mul3A_266 = arith.mulf %mul3A_265, %gather3A_264 : vector<16xf32>
        %add3A_267 = arith.addf %add3A_230, %mul3A_266 : vector<16xf32>
        %add3A_268 = arith.constant 32 : i32
        %add3A_269 = vector.broadcast %add3A_268 : i32 to vector<16xi32>
        %add3A_270 = arith.addi %iota3A, %add3A_269 : vector<16xi32>
        %gather3A_271 = tpu.vector_load_idx %arg29[%add3A_270, %broadcast_in_dim3A_253] : memref<64x192xf32, #tpu.memory_space<vmem>>[vector<16xi32>, vector<16xi32>], vector<16xf32>,
        %mul3A_272 = vector.broadcast %squeeze3A_246 : f32 to vector<16xf32>
        %mul3A_273 = arith.mulf %mul3A_272, %gather3A_271 : vector<16xf32>
        %add3A_274 = arith.addf %add3A_237, %mul3A_273 : vector<16xf32>
        %add3A_275 = arith.constant 48 : i32
        %add3A_276 = vector.broadcast %add3A_275 : i32 to vector<16xi32>
        %add3A_277 = arith.addi %iota3A, %add3A_276 : vector<16xi32>
        %gather3A_278 = tpu.vector_load_idx %arg29[%add3A_277, %broadcast_in_dim3A_253] : memref<64x192xf32, #tpu.memory_space<vmem>>[vector<16xi32>, vector<16xi32>], vector<16xf32>,
        %mul3A_279 = vector.broadcast %squeeze3A_246 : f32 to vector<16xf32>
        %mul3A_280 = arith.mulf %mul3A_279, %gather3A_278 : vector<16xf32>
        %add3A_281 = arith.addf %add3A_244, %mul3A_280 : vector<16xf32>
        %slice3A_282 = vector.extract_strided_slice %gather3A {offsets = [5], sizes = [1], strides = [1]} : vector<16xf32> to vector<1xf32>
        %squeeze3A_283 = vector.extract %slice3A_282[0] : f32 from vector<1xf32>
        %mul3A_284 = arith.constant 16 : i32
        %mul3A_285 = arith.muli %scan3A_88, %mul3A_284 : i32
        %add3A_286 = arith.constant 64 : i32
        %add3A_287 = arith.addi %add3A_286, %mul3A_285 : i32
        %add3A_288 = arith.constant 5 : i32
        %add3A_289 = arith.addi %add3A_287, %add3A_288 : i32
        %broadcast_in_dim3A_290 = vector.broadcast %add3A_289 : i32 to vector<16xi32>
        %add3A_291 = arith.constant 0 : i32
        %add3A_292 = vector.broadcast %add3A_291 : i32 to vector<16xi32>
        %add3A_293 = arith.addi %iota3A, %add3A_292 : vector<16xi32>
        %gather3A_294 = tpu.vector_load_idx %arg29[%add3A_293, %broadcast_in_dim3A_290] : memref<64x192xf32, #tpu.memory_space<vmem>>[vector<16xi32>, vector<16xi32>], vector<16xf32>,
        %mul3A_295 = vector.broadcast %squeeze3A_283 : f32 to vector<16xf32>
        %mul3A_296 = arith.mulf %mul3A_295, %gather3A_294 : vector<16xf32>
        %add3A_297 = arith.addf %add3A_260, %mul3A_296 : vector<16xf32>
        %add3A_298 = arith.constant 16 : i32
        %add3A_299 = vector.broadcast %add3A_298 : i32 to vector<16xi32>
        %add3A_300 = arith.addi %iota3A, %add3A_299 : vector<16xi32>
        %gather3A_301 = tpu.vector_load_idx %arg29[%add3A_300, %broadcast_in_dim3A_290] : memref<64x192xf32, #tpu.memory_space<vmem>>[vector<16xi32>, vector<16xi32>], vector<16xf32>,
        %mul3A_302 = vector.broadcast %squeeze3A_283 : f32 to vector<16xf32>
        %mul3A_303 = arith.mulf %mul3A_302, %gather3A_301 : vector<16xf32>
        %add3A_304 = arith.addf %add3A_267, %mul3A_303 : vector<16xf32>
        %add3A_305 = arith.constant 32 : i32
        %add3A_306 = vector.broadcast %add3A_305 : i32 to vector<16xi32>
        %add3A_307 = arith.addi %iota3A, %add3A_306 : vector<16xi32>
        %gather3A_308 = tpu.vector_load_idx %arg29[%add3A_307, %broadcast_in_dim3A_290] : memref<64x192xf32, #tpu.memory_space<vmem>>[vector<16xi32>, vector<16xi32>], vector<16xf32>,
        %mul3A_309 = vector.broadcast %squeeze3A_283 : f32 to vector<16xf32>
        %mul3A_310 = arith.mulf %mul3A_309, %gather3A_308 : vector<16xf32>
        %add3A_311 = arith.addf %add3A_274, %mul3A_310 : vector<16xf32>
        %add3A_312 = arith.constant 48 : i32
        %add3A_313 = vector.broadcast %add3A_312 : i32 to vector<16xi32>
        %add3A_314 = arith.addi %iota3A, %add3A_313 : vector<16xi32>
        %gather3A_315 = tpu.vector_load_idx %arg29[%add3A_314, %broadcast_in_dim3A_290] : memref<64x192xf32, #tpu.memory_space<vmem>>[vector<16xi32>, vector<16xi32>], vector<16xf32>,
        %mul3A_316 = vector.broadcast %squeeze3A_283 : f32 to vector<16xf32>
        %mul3A_317 = arith.mulf %mul3A_316, %gather3A_315 : vector<16xf32>
        %add3A_318 = arith.addf %add3A_281, %mul3A_317 : vector<16xf32>
        %slice3A_319 = vector.extract_strided_slice %gather3A {offsets = [6], sizes = [1], strides = [1]} : vector<16xf32> to vector<1xf32>
        %squeeze3A_320 = vector.extract %slice3A_319[0] : f32 from vector<1xf32>
        %mul3A_321 = arith.constant 16 : i32
        %mul3A_322 = arith.muli %scan3A_88, %mul3A_321 : i32
        %add3A_323 = arith.constant 64 : i32
        %add3A_324 = arith.addi %add3A_323, %mul3A_322 : i32
        %add3A_325 = arith.constant 6 : i32
        %add3A_326 = arith.addi %add3A_324, %add3A_325 : i32
        %broadcast_in_dim3A_327 = vector.broadcast %add3A_326 : i32 to vector<16xi32>
        %add3A_328 = arith.constant 0 : i32
        %add3A_329 = vector.broadcast %add3A_328 : i32 to vector<16xi32>
        %add3A_330 = arith.addi %iota3A, %add3A_329 : vector<16xi32>
        %gather3A_331 = tpu.vector_load_idx %arg29[%add3A_330, %broadcast_in_dim3A_327] : memref<64x192xf32, #tpu.memory_space<vmem>>[vector<16xi32>, vector<16xi32>], vector<16xf32>,
        %mul3A_332 = vector.broadcast %squeeze3A_320 : f32 to vector<16xf32>
        %mul3A_333 = arith.mulf %mul3A_332, %gather3A_331 : vector<16xf32>
        %add3A_334 = arith.addf %add3A_297, %mul3A_333 : vector<16xf32>
        %add3A_335 = arith.constant 16 : i32
        %add3A_336 = vector.broadcast %add3A_335 : i32 to vector<16xi32>
        %add3A_337 = arith.addi %iota3A, %add3A_336 : vector<16xi32>
        %gather3A_338 = tpu.vector_load_idx %arg29[%add3A_337, %broadcast_in_dim3A_327] : memref<64x192xf32, #tpu.memory_space<vmem>>[vector<16xi32>, vector<16xi32>], vector<16xf32>,
        %mul3A_339 = vector.broadcast %squeeze3A_320 : f32 to vector<16xf32>
        %mul3A_340 = arith.mulf %mul3A_339, %gather3A_338 : vector<16xf32>
        %add3A_341 = arith.addf %add3A_304, %mul3A_340 : vector<16xf32>
        %add3A_342 = arith.constant 32 : i32
        %add3A_343 = vector.broadcast %add3A_342 : i32 to vector<16xi32>
        %add3A_344 = arith.addi %iota3A, %add3A_343 : vector<16xi32>
        %gather3A_345 = tpu.vector_load_idx %arg29[%add3A_344, %broadcast_in_dim3A_327] : memref<64x192xf32, #tpu.memory_space<vmem>>[vector<16xi32>, vector<16xi32>], vector<16xf32>,
        %mul3A_346 = vector.broadcast %squeeze3A_320 : f32 to vector<16xf32>
        %mul3A_347 = arith.mulf %mul3A_346, %gather3A_345 : vector<16xf32>
        %add3A_348 = arith.addf %add3A_311, %mul3A_347 : vector<16xf32>
        %add3A_349 = arith.constant 48 : i32
        %add3A_350 = vector.broadcast %add3A_349 : i32 to vector<16xi32>
        %add3A_351 = arith.addi %iota3A, %add3A_350 : vector<16xi32>
        %gather3A_352 = tpu.vector_load_idx %arg29[%add3A_351, %broadcast_in_dim3A_327] : memref<64x192xf32, #tpu.memory_space<vmem>>[vector<16xi32>, vector<16xi32>], vector<16xf32>,
        %mul3A_353 = vector.broadcast %squeeze3A_320 : f32 to vector<16xf32>
        %mul3A_354 = arith.mulf %mul3A_353, %gather3A_352 : vector<16xf32>
        %add3A_355 = arith.addf %add3A_318, %mul3A_354 : vector<16xf32>
        %slice3A_356 = vector.extract_strided_slice %gather3A {offsets = [7], sizes = [1], strides = [1]} : vector<16xf32> to vector<1xf32>
        %squeeze3A_357 = vector.extract %slice3A_356[0] : f32 from vector<1xf32>
        %mul3A_358 = arith.constant 16 : i32
        %mul3A_359 = arith.muli %scan3A_88, %mul3A_358 : i32
        %add3A_360 = arith.constant 64 : i32
        %add3A_361 = arith.addi %add3A_360, %mul3A_359 : i32
        %add3A_362 = arith.constant 7 : i32
        %add3A_363 = arith.addi %add3A_361, %add3A_362 : i32
        %broadcast_in_dim3A_364 = vector.broadcast %add3A_363 : i32 to vector<16xi32>
        %add3A_365 = arith.constant 0 : i32
        %add3A_366 = vector.broadcast %add3A_365 : i32 to vector<16xi32>
        %add3A_367 = arith.addi %iota3A, %add3A_366 : vector<16xi32>
        %gather3A_368 = tpu.vector_load_idx %arg29[%add3A_367, %broadcast_in_dim3A_364] : memref<64x192xf32, #tpu.memory_space<vmem>>[vector<16xi32>, vector<16xi32>], vector<16xf32>,
        %mul3A_369 = vector.broadcast %squeeze3A_357 : f32 to vector<16xf32>
        %mul3A_370 = arith.mulf %mul3A_369, %gather3A_368 : vector<16xf32>
        %add3A_371 = arith.addf %add3A_334, %mul3A_370 : vector<16xf32>
        %add3A_372 = arith.constant 16 : i32
        %add3A_373 = vector.broadcast %add3A_372 : i32 to vector<16xi32>
        %add3A_374 = arith.addi %iota3A, %add3A_373 : vector<16xi32>
        %gather3A_375 = tpu.vector_load_idx %arg29[%add3A_374, %broadcast_in_dim3A_364] : memref<64x192xf32, #tpu.memory_space<vmem>>[vector<16xi32>, vector<16xi32>], vector<16xf32>,
        %mul3A_376 = vector.broadcast %squeeze3A_357 : f32 to vector<16xf32>
        %mul3A_377 = arith.mulf %mul3A_376, %gather3A_375 : vector<16xf32>
        %add3A_378 = arith.addf %add3A_341, %mul3A_377 : vector<16xf32>
        %add3A_379 = arith.constant 32 : i32
        %add3A_380 = vector.broadcast %add3A_379 : i32 to vector<16xi32>
        %add3A_381 = arith.addi %iota3A, %add3A_380 : vector<16xi32>
        %gather3A_382 = tpu.vector_load_idx %arg29[%add3A_381, %broadcast_in_dim3A_364] : memref<64x192xf32, #tpu.memory_space<vmem>>[vector<16xi32>, vector<16xi32>], vector<16xf32>,
        %mul3A_383 = vector.broadcast %squeeze3A_357 : f32 to vector<16xf32>
        %mul3A_384 = arith.mulf %mul3A_383, %gather3A_382 : vector<16xf32>
        %add3A_385 = arith.addf %add3A_348, %mul3A_384 : vector<16xf32>
        %add3A_386 = arith.constant 48 : i32
        %add3A_387 = vector.broadcast %add3A_386 : i32 to vector<16xi32>
        %add3A_388 = arith.addi %iota3A, %add3A_387 : vector<16xi32>
        %gather3A_389 = tpu.vector_load_idx %arg29[%add3A_388, %broadcast_in_dim3A_364] : memref<64x192xf32, #tpu.memory_space<vmem>>[vector<16xi32>, vector<16xi32>], vector<16xf32>,
        %mul3A_390 = vector.broadcast %squeeze3A_357 : f32 to vector<16xf32>
        %mul3A_391 = arith.mulf %mul3A_390, %gather3A_389 : vector<16xf32>
        %add3A_392 = arith.addf %add3A_355, %mul3A_391 : vector<16xf32>
        %slice3A_393 = vector.extract_strided_slice %gather3A {offsets = [8], sizes = [1], strides = [1]} : vector<16xf32> to vector<1xf32>
        %squeeze3A_394 = vector.extract %slice3A_393[0] : f32 from vector<1xf32>
        %mul3A_395 = arith.constant 16 : i32
        %mul3A_396 = arith.muli %scan3A_88, %mul3A_395 : i32
        %add3A_397 = arith.constant 64 : i32
        %add3A_398 = arith.addi %add3A_397, %mul3A_396 : i32
        %add3A_399 = arith.constant 8 : i32
        %add3A_400 = arith.addi %add3A_398, %add3A_399 : i32
        %broadcast_in_dim3A_401 = vector.broadcast %add3A_400 : i32 to vector<16xi32>
        %add3A_402 = arith.constant 0 : i32
        %add3A_403 = vector.broadcast %add3A_402 : i32 to vector<16xi32>
        %add3A_404 = arith.addi %iota3A, %add3A_403 : vector<16xi32>
        %gather3A_405 = tpu.vector_load_idx %arg29[%add3A_404, %broadcast_in_dim3A_401] : memref<64x192xf32, #tpu.memory_space<vmem>>[vector<16xi32>, vector<16xi32>], vector<16xf32>,
        %mul3A_406 = vector.broadcast %squeeze3A_394 : f32 to vector<16xf32>
        %mul3A_407 = arith.mulf %mul3A_406, %gather3A_405 : vector<16xf32>
        %add3A_408 = arith.addf %add3A_371, %mul3A_407 : vector<16xf32>
        %add3A_409 = arith.constant 16 : i32
        %add3A_410 = vector.broadcast %add3A_409 : i32 to vector<16xi32>
        %add3A_411 = arith.addi %iota3A, %add3A_410 : vector<16xi32>
        %gather3A_412 = tpu.vector_load_idx %arg29[%add3A_411, %broadcast_in_dim3A_401] : memref<64x192xf32, #tpu.memory_space<vmem>>[vector<16xi32>, vector<16xi32>], vector<16xf32>,
        %mul3A_413 = vector.broadcast %squeeze3A_394 : f32 to vector<16xf32>
        %mul3A_414 = arith.mulf %mul3A_413, %gather3A_412 : vector<16xf32>
        %add3A_415 = arith.addf %add3A_378, %mul3A_414 : vector<16xf32>
        %add3A_416 = arith.constant 32 : i32
        %add3A_417 = vector.broadcast %add3A_416 : i32 to vector<16xi32>
        %add3A_418 = arith.addi %iota3A, %add3A_417 : vector<16xi32>
        %gather3A_419 = tpu.vector_load_idx %arg29[%add3A_418, %broadcast_in_dim3A_401] : memref<64x192xf32, #tpu.memory_space<vmem>>[vector<16xi32>, vector<16xi32>], vector<16xf32>,
        %mul3A_420 = vector.broadcast %squeeze3A_394 : f32 to vector<16xf32>
        %mul3A_421 = arith.mulf %mul3A_420, %gather3A_419 : vector<16xf32>
        %add3A_422 = arith.addf %add3A_385, %mul3A_421 : vector<16xf32>
        %add3A_423 = arith.constant 48 : i32
        %add3A_424 = vector.broadcast %add3A_423 : i32 to vector<16xi32>
        %add3A_425 = arith.addi %iota3A, %add3A_424 : vector<16xi32>
        %gather3A_426 = tpu.vector_load_idx %arg29[%add3A_425, %broadcast_in_dim3A_401] : memref<64x192xf32, #tpu.memory_space<vmem>>[vector<16xi32>, vector<16xi32>], vector<16xf32>,
        %mul3A_427 = vector.broadcast %squeeze3A_394 : f32 to vector<16xf32>
        %mul3A_428 = arith.mulf %mul3A_427, %gather3A_426 : vector<16xf32>
        %add3A_429 = arith.addf %add3A_392, %mul3A_428 : vector<16xf32>
        %slice3A_430 = vector.extract_strided_slice %gather3A {offsets = [9], sizes = [1], strides = [1]} : vector<16xf32> to vector<1xf32>
        %squeeze3A_431 = vector.extract %slice3A_430[0] : f32 from vector<1xf32>
        %mul3A_432 = arith.constant 16 : i32
        %mul3A_433 = arith.muli %scan3A_88, %mul3A_432 : i32
        %add3A_434 = arith.constant 64 : i32
        %add3A_435 = arith.addi %add3A_434, %mul3A_433 : i32
        %add3A_436 = arith.constant 9 : i32
        %add3A_437 = arith.addi %add3A_435, %add3A_436 : i32
        %broadcast_in_dim3A_438 = vector.broadcast %add3A_437 : i32 to vector<16xi32>
        %add3A_439 = arith.constant 0 : i32
        %add3A_440 = vector.broadcast %add3A_439 : i32 to vector<16xi32>
        %add3A_441 = arith.addi %iota3A, %add3A_440 : vector<16xi32>
        %gather3A_442 = tpu.vector_load_idx %arg29[%add3A_441, %broadcast_in_dim3A_438] : memref<64x192xf32, #tpu.memory_space<vmem>>[vector<16xi32>, vector<16xi32>], vector<16xf32>,
        %mul3A_443 = vector.broadcast %squeeze3A_431 : f32 to vector<16xf32>
        %mul3A_444 = arith.mulf %mul3A_443, %gather3A_442 : vector<16xf32>
        %add3A_445 = arith.addf %add3A_408, %mul3A_444 : vector<16xf32>
        %add3A_446 = arith.constant 16 : i32
        %add3A_447 = vector.broadcast %add3A_446 : i32 to vector<16xi32>
        %add3A_448 = arith.addi %iota3A, %add3A_447 : vector<16xi32>
        %gather3A_449 = tpu.vector_load_idx %arg29[%add3A_448, %broadcast_in_dim3A_438] : memref<64x192xf32, #tpu.memory_space<vmem>>[vector<16xi32>, vector<16xi32>], vector<16xf32>,
        %mul3A_450 = vector.broadcast %squeeze3A_431 : f32 to vector<16xf32>
        %mul3A_451 = arith.mulf %mul3A_450, %gather3A_449 : vector<16xf32>
        %add3A_452 = arith.addf %add3A_415, %mul3A_451 : vector<16xf32>
        %add3A_453 = arith.constant 32 : i32
        %add3A_454 = vector.broadcast %add3A_453 : i32 to vector<16xi32>
        %add3A_455 = arith.addi %iota3A, %add3A_454 : vector<16xi32>
        %gather3A_456 = tpu.vector_load_idx %arg29[%add3A_455, %broadcast_in_dim3A_438] : memref<64x192xf32, #tpu.memory_space<vmem>>[vector<16xi32>, vector<16xi32>], vector<16xf32>,
        %mul3A_457 = vector.broadcast %squeeze3A_431 : f32 to vector<16xf32>
        %mul3A_458 = arith.mulf %mul3A_457, %gather3A_456 : vector<16xf32>
        %add3A_459 = arith.addf %add3A_422, %mul3A_458 : vector<16xf32>
        %add3A_460 = arith.constant 48 : i32
        %add3A_461 = vector.broadcast %add3A_460 : i32 to vector<16xi32>
        %add3A_462 = arith.addi %iota3A, %add3A_461 : vector<16xi32>
        %gather3A_463 = tpu.vector_load_idx %arg29[%add3A_462, %broadcast_in_dim3A_438] : memref<64x192xf32, #tpu.memory_space<vmem>>[vector<16xi32>, vector<16xi32>], vector<16xf32>,
        %mul3A_464 = vector.broadcast %squeeze3A_431 : f32 to vector<16xf32>
        %mul3A_465 = arith.mulf %mul3A_464, %gather3A_463 : vector<16xf32>
        %add3A_466 = arith.addf %add3A_429, %mul3A_465 : vector<16xf32>
        %slice3A_467 = vector.extract_strided_slice %gather3A {offsets = [10], sizes = [1], strides = [1]} : vector<16xf32> to vector<1xf32>
        %squeeze3A_468 = vector.extract %slice3A_467[0] : f32 from vector<1xf32>
        %mul3A_469 = arith.constant 16 : i32
        %mul3A_470 = arith.muli %scan3A_88, %mul3A_469 : i32
        %add3A_471 = arith.constant 64 : i32
        %add3A_472 = arith.addi %add3A_471, %mul3A_470 : i32
        %add3A_473 = arith.constant 10 : i32
        %add3A_474 = arith.addi %add3A_472, %add3A_473 : i32
        %broadcast_in_dim3A_475 = vector.broadcast %add3A_474 : i32 to vector<16xi32>
        %add3A_476 = arith.constant 0 : i32
        %add3A_477 = vector.broadcast %add3A_476 : i32 to vector<16xi32>
        %add3A_478 = arith.addi %iota3A, %add3A_477 : vector<16xi32>
        %gather3A_479 = tpu.vector_load_idx %arg29[%add3A_478, %broadcast_in_dim3A_475] : memref<64x192xf32, #tpu.memory_space<vmem>>[vector<16xi32>, vector<16xi32>], vector<16xf32>,
        %mul3A_480 = vector.broadcast %squeeze3A_468 : f32 to vector<16xf32>
        %mul3A_481 = arith.mulf %mul3A_480, %gather3A_479 : vector<16xf32>
        %add3A_482 = arith.addf %add3A_445, %mul3A_481 : vector<16xf32>
        %add3A_483 = arith.constant 16 : i32
        %add3A_484 = vector.broadcast %add3A_483 : i32 to vector<16xi32>
        %add3A_485 = arith.addi %iota3A, %add3A_484 : vector<16xi32>
        %gather3A_486 = tpu.vector_load_idx %arg29[%add3A_485, %broadcast_in_dim3A_475] : memref<64x192xf32, #tpu.memory_space<vmem>>[vector<16xi32>, vector<16xi32>], vector<16xf32>,
        %mul3A_487 = vector.broadcast %squeeze3A_468 : f32 to vector<16xf32>
        %mul3A_488 = arith.mulf %mul3A_487, %gather3A_486 : vector<16xf32>
        %add3A_489 = arith.addf %add3A_452, %mul3A_488 : vector<16xf32>
        %add3A_490 = arith.constant 32 : i32
        %add3A_491 = vector.broadcast %add3A_490 : i32 to vector<16xi32>
        %add3A_492 = arith.addi %iota3A, %add3A_491 : vector<16xi32>
        %gather3A_493 = tpu.vector_load_idx %arg29[%add3A_492, %broadcast_in_dim3A_475] : memref<64x192xf32, #tpu.memory_space<vmem>>[vector<16xi32>, vector<16xi32>], vector<16xf32>,
        %mul3A_494 = vector.broadcast %squeeze3A_468 : f32 to vector<16xf32>
        %mul3A_495 = arith.mulf %mul3A_494, %gather3A_493 : vector<16xf32>
        %add3A_496 = arith.addf %add3A_459, %mul3A_495 : vector<16xf32>
        %add3A_497 = arith.constant 48 : i32
        %add3A_498 = vector.broadcast %add3A_497 : i32 to vector<16xi32>
        %add3A_499 = arith.addi %iota3A, %add3A_498 : vector<16xi32>
        %gather3A_500 = tpu.vector_load_idx %arg29[%add3A_499, %broadcast_in_dim3A_475] : memref<64x192xf32, #tpu.memory_space<vmem>>[vector<16xi32>, vector<16xi32>], vector<16xf32>,
        %mul3A_501 = vector.broadcast %squeeze3A_468 : f32 to vector<16xf32>
        %mul3A_502 = arith.mulf %mul3A_501, %gather3A_500 : vector<16xf32>
        %add3A_503 = arith.addf %add3A_466, %mul3A_502 : vector<16xf32>
        %slice3A_504 = vector.extract_strided_slice %gather3A {offsets = [11], sizes = [1], strides = [1]} : vector<16xf32> to vector<1xf32>
        %squeeze3A_505 = vector.extract %slice3A_504[0] : f32 from vector<1xf32>
        %mul3A_506 = arith.constant 16 : i32
        %mul3A_507 = arith.muli %scan3A_88, %mul3A_506 : i32
        %add3A_508 = arith.constant 64 : i32
        %add3A_509 = arith.addi %add3A_508, %mul3A_507 : i32
        %add3A_510 = arith.constant 11 : i32
        %add3A_511 = arith.addi %add3A_509, %add3A_510 : i32
        %broadcast_in_dim3A_512 = vector.broadcast %add3A_511 : i32 to vector<16xi32>
        %add3A_513 = arith.constant 0 : i32
        %add3A_514 = vector.broadcast %add3A_513 : i32 to vector<16xi32>
        %add3A_515 = arith.addi %iota3A, %add3A_514 : vector<16xi32>
        %gather3A_516 = tpu.vector_load_idx %arg29[%add3A_515, %broadcast_in_dim3A_512] : memref<64x192xf32, #tpu.memory_space<vmem>>[vector<16xi32>, vector<16xi32>], vector<16xf32>,
        %mul3A_517 = vector.broadcast %squeeze3A_505 : f32 to vector<16xf32>
        %mul3A_518 = arith.mulf %mul3A_517, %gather3A_516 : vector<16xf32>
        %add3A_519 = arith.addf %add3A_482, %mul3A_518 : vector<16xf32>
        %add3A_520 = arith.constant 16 : i32
        %add3A_521 = vector.broadcast %add3A_520 : i32 to vector<16xi32>
        %add3A_522 = arith.addi %iota3A, %add3A_521 : vector<16xi32>
        %gather3A_523 = tpu.vector_load_idx %arg29[%add3A_522, %broadcast_in_dim3A_512] : memref<64x192xf32, #tpu.memory_space<vmem>>[vector<16xi32>, vector<16xi32>], vector<16xf32>,
        %mul3A_524 = vector.broadcast %squeeze3A_505 : f32 to vector<16xf32>
        %mul3A_525 = arith.mulf %mul3A_524, %gather3A_523 : vector<16xf32>
        %add3A_526 = arith.addf %add3A_489, %mul3A_525 : vector<16xf32>
        %add3A_527 = arith.constant 32 : i32
        %add3A_528 = vector.broadcast %add3A_527 : i32 to vector<16xi32>
        %add3A_529 = arith.addi %iota3A, %add3A_528 : vector<16xi32>
        %gather3A_530 = tpu.vector_load_idx %arg29[%add3A_529, %broadcast_in_dim3A_512] : memref<64x192xf32, #tpu.memory_space<vmem>>[vector<16xi32>, vector<16xi32>], vector<16xf32>,
        %mul3A_531 = vector.broadcast %squeeze3A_505 : f32 to vector<16xf32>
        %mul3A_532 = arith.mulf %mul3A_531, %gather3A_530 : vector<16xf32>
        %add3A_533 = arith.addf %add3A_496, %mul3A_532 : vector<16xf32>
        %add3A_534 = arith.constant 48 : i32
        %add3A_535 = vector.broadcast %add3A_534 : i32 to vector<16xi32>
        %add3A_536 = arith.addi %iota3A, %add3A_535 : vector<16xi32>
        %gather3A_537 = tpu.vector_load_idx %arg29[%add3A_536, %broadcast_in_dim3A_512] : memref<64x192xf32, #tpu.memory_space<vmem>>[vector<16xi32>, vector<16xi32>], vector<16xf32>,
        %mul3A_538 = vector.broadcast %squeeze3A_505 : f32 to vector<16xf32>
        %mul3A_539 = arith.mulf %mul3A_538, %gather3A_537 : vector<16xf32>
        %add3A_540 = arith.addf %add3A_503, %mul3A_539 : vector<16xf32>
        %slice3A_541 = vector.extract_strided_slice %gather3A {offsets = [12], sizes = [1], strides = [1]} : vector<16xf32> to vector<1xf32>
        %squeeze3A_542 = vector.extract %slice3A_541[0] : f32 from vector<1xf32>
        %mul3A_543 = arith.constant 16 : i32
        %mul3A_544 = arith.muli %scan3A_88, %mul3A_543 : i32
        %add3A_545 = arith.constant 64 : i32
        %add3A_546 = arith.addi %add3A_545, %mul3A_544 : i32
        %add3A_547 = arith.constant 12 : i32
        %add3A_548 = arith.addi %add3A_546, %add3A_547 : i32
        %broadcast_in_dim3A_549 = vector.broadcast %add3A_548 : i32 to vector<16xi32>
        %add3A_550 = arith.constant 0 : i32
        %add3A_551 = vector.broadcast %add3A_550 : i32 to vector<16xi32>
        %add3A_552 = arith.addi %iota3A, %add3A_551 : vector<16xi32>
        %gather3A_553 = tpu.vector_load_idx %arg29[%add3A_552, %broadcast_in_dim3A_549] : memref<64x192xf32, #tpu.memory_space<vmem>>[vector<16xi32>, vector<16xi32>], vector<16xf32>,
        %mul3A_554 = vector.broadcast %squeeze3A_542 : f32 to vector<16xf32>
        %mul3A_555 = arith.mulf %mul3A_554, %gather3A_553 : vector<16xf32>
        %add3A_556 = arith.addf %add3A_519, %mul3A_555 : vector<16xf32>
        %add3A_557 = arith.constant 16 : i32
        %add3A_558 = vector.broadcast %add3A_557 : i32 to vector<16xi32>
        %add3A_559 = arith.addi %iota3A, %add3A_558 : vector<16xi32>
        %gather3A_560 = tpu.vector_load_idx %arg29[%add3A_559, %broadcast_in_dim3A_549] : memref<64x192xf32, #tpu.memory_space<vmem>>[vector<16xi32>, vector<16xi32>], vector<16xf32>,
        %mul3A_561 = vector.broadcast %squeeze3A_542 : f32 to vector<16xf32>
        %mul3A_562 = arith.mulf %mul3A_561, %gather3A_560 : vector<16xf32>
        %add3A_563 = arith.addf %add3A_526, %mul3A_562 : vector<16xf32>
        %add3A_564 = arith.constant 32 : i32
        %add3A_565 = vector.broadcast %add3A_564 : i32 to vector<16xi32>
        %add3A_566 = arith.addi %iota3A, %add3A_565 : vector<16xi32>
        %gather3A_567 = tpu.vector_load_idx %arg29[%add3A_566, %broadcast_in_dim3A_549] : memref<64x192xf32, #tpu.memory_space<vmem>>[vector<16xi32>, vector<16xi32>], vector<16xf32>,
        %mul3A_568 = vector.broadcast %squeeze3A_542 : f32 to vector<16xf32>
        %mul3A_569 = arith.mulf %mul3A_568, %gather3A_567 : vector<16xf32>
        %add3A_570 = arith.addf %add3A_533, %mul3A_569 : vector<16xf32>
        %add3A_571 = arith.constant 48 : i32
        %add3A_572 = vector.broadcast %add3A_571 : i32 to vector<16xi32>
        %add3A_573 = arith.addi %iota3A, %add3A_572 : vector<16xi32>
        %gather3A_574 = tpu.vector_load_idx %arg29[%add3A_573, %broadcast_in_dim3A_549] : memref<64x192xf32, #tpu.memory_space<vmem>>[vector<16xi32>, vector<16xi32>], vector<16xf32>,
        %mul3A_575 = vector.broadcast %squeeze3A_542 : f32 to vector<16xf32>
        %mul3A_576 = arith.mulf %mul3A_575, %gather3A_574 : vector<16xf32>
        %add3A_577 = arith.addf %add3A_540, %mul3A_576 : vector<16xf32>
        %slice3A_578 = vector.extract_strided_slice %gather3A {offsets = [13], sizes = [1], strides = [1]} : vector<16xf32> to vector<1xf32>
        %squeeze3A_579 = vector.extract %slice3A_578[0] : f32 from vector<1xf32>
        %mul3A_580 = arith.constant 16 : i32
        %mul3A_581 = arith.muli %scan3A_88, %mul3A_580 : i32
        %add3A_582 = arith.constant 64 : i32
        %add3A_583 = arith.addi %add3A_582, %mul3A_581 : i32
        %add3A_584 = arith.constant 13 : i32
        %add3A_585 = arith.addi %add3A_583, %add3A_584 : i32
        %broadcast_in_dim3A_586 = vector.broadcast %add3A_585 : i32 to vector<16xi32>
        %add3A_587 = arith.constant 0 : i32
        %add3A_588 = vector.broadcast %add3A_587 : i32 to vector<16xi32>
        %add3A_589 = arith.addi %iota3A, %add3A_588 : vector<16xi32>
        %gather3A_590 = tpu.vector_load_idx %arg29[%add3A_589, %broadcast_in_dim3A_586] : memref<64x192xf32, #tpu.memory_space<vmem>>[vector<16xi32>, vector<16xi32>], vector<16xf32>,
        %mul3A_591 = vector.broadcast %squeeze3A_579 : f32 to vector<16xf32>
        %mul3A_592 = arith.mulf %mul3A_591, %gather3A_590 : vector<16xf32>
        %add3A_593 = arith.addf %add3A_556, %mul3A_592 : vector<16xf32>
        %add3A_594 = arith.constant 16 : i32
        %add3A_595 = vector.broadcast %add3A_594 : i32 to vector<16xi32>
        %add3A_596 = arith.addi %iota3A, %add3A_595 : vector<16xi32>
        %gather3A_597 = tpu.vector_load_idx %arg29[%add3A_596, %broadcast_in_dim3A_586] : memref<64x192xf32, #tpu.memory_space<vmem>>[vector<16xi32>, vector<16xi32>], vector<16xf32>,
        %mul3A_598 = vector.broadcast %squeeze3A_579 : f32 to vector<16xf32>
        %mul3A_599 = arith.mulf %mul3A_598, %gather3A_597 : vector<16xf32>
        %add3A_600 = arith.addf %add3A_563, %mul3A_599 : vector<16xf32>
        %add3A_601 = arith.constant 32 : i32
        %add3A_602 = vector.broadcast %add3A_601 : i32 to vector<16xi32>
        %add3A_603 = arith.addi %iota3A, %add3A_602 : vector<16xi32>
        %gather3A_604 = tpu.vector_load_idx %arg29[%add3A_603, %broadcast_in_dim3A_586] : memref<64x192xf32, #tpu.memory_space<vmem>>[vector<16xi32>, vector<16xi32>], vector<16xf32>,
        %mul3A_605 = vector.broadcast %squeeze3A_579 : f32 to vector<16xf32>
        %mul3A_606 = arith.mulf %mul3A_605, %gather3A_604 : vector<16xf32>
        %add3A_607 = arith.addf %add3A_570, %mul3A_606 : vector<16xf32>
        %add3A_608 = arith.constant 48 : i32
        %add3A_609 = vector.broadcast %add3A_608 : i32 to vector<16xi32>
        %add3A_610 = arith.addi %iota3A, %add3A_609 : vector<16xi32>
        %gather3A_611 = tpu.vector_load_idx %arg29[%add3A_610, %broadcast_in_dim3A_586] : memref<64x192xf32, #tpu.memory_space<vmem>>[vector<16xi32>, vector<16xi32>], vector<16xf32>,
        %mul3A_612 = vector.broadcast %squeeze3A_579 : f32 to vector<16xf32>
        %mul3A_613 = arith.mulf %mul3A_612, %gather3A_611 : vector<16xf32>
        %add3A_614 = arith.addf %add3A_577, %mul3A_613 : vector<16xf32>
        %slice3A_615 = vector.extract_strided_slice %gather3A {offsets = [14], sizes = [1], strides = [1]} : vector<16xf32> to vector<1xf32>
        %squeeze3A_616 = vector.extract %slice3A_615[0] : f32 from vector<1xf32>
        %mul3A_617 = arith.constant 16 : i32
        %mul3A_618 = arith.muli %scan3A_88, %mul3A_617 : i32
        %add3A_619 = arith.constant 64 : i32
        %add3A_620 = arith.addi %add3A_619, %mul3A_618 : i32
        %add3A_621 = arith.constant 14 : i32
        %add3A_622 = arith.addi %add3A_620, %add3A_621 : i32
        %broadcast_in_dim3A_623 = vector.broadcast %add3A_622 : i32 to vector<16xi32>
        %add3A_624 = arith.constant 0 : i32
        %add3A_625 = vector.broadcast %add3A_624 : i32 to vector<16xi32>
        %add3A_626 = arith.addi %iota3A, %add3A_625 : vector<16xi32>
        %gather3A_627 = tpu.vector_load_idx %arg29[%add3A_626, %broadcast_in_dim3A_623] : memref<64x192xf32, #tpu.memory_space<vmem>>[vector<16xi32>, vector<16xi32>], vector<16xf32>,
        %mul3A_628 = vector.broadcast %squeeze3A_616 : f32 to vector<16xf32>
        %mul3A_629 = arith.mulf %mul3A_628, %gather3A_627 : vector<16xf32>
        %add3A_630 = arith.addf %add3A_593, %mul3A_629 : vector<16xf32>
        %add3A_631 = arith.constant 16 : i32
        %add3A_632 = vector.broadcast %add3A_631 : i32 to vector<16xi32>
        %add3A_633 = arith.addi %iota3A, %add3A_632 : vector<16xi32>
        %gather3A_634 = tpu.vector_load_idx %arg29[%add3A_633, %broadcast_in_dim3A_623] : memref<64x192xf32, #tpu.memory_space<vmem>>[vector<16xi32>, vector<16xi32>], vector<16xf32>,
        %mul3A_635 = vector.broadcast %squeeze3A_616 : f32 to vector<16xf32>
        %mul3A_636 = arith.mulf %mul3A_635, %gather3A_634 : vector<16xf32>
        %add3A_637 = arith.addf %add3A_600, %mul3A_636 : vector<16xf32>
        %add3A_638 = arith.constant 32 : i32
        %add3A_639 = vector.broadcast %add3A_638 : i32 to vector<16xi32>
        %add3A_640 = arith.addi %iota3A, %add3A_639 : vector<16xi32>
        %gather3A_641 = tpu.vector_load_idx %arg29[%add3A_640, %broadcast_in_dim3A_623] : memref<64x192xf32, #tpu.memory_space<vmem>>[vector<16xi32>, vector<16xi32>], vector<16xf32>,
        %mul3A_642 = vector.broadcast %squeeze3A_616 : f32 to vector<16xf32>
        %mul3A_643 = arith.mulf %mul3A_642, %gather3A_641 : vector<16xf32>
        %add3A_644 = arith.addf %add3A_607, %mul3A_643 : vector<16xf32>
        %add3A_645 = arith.constant 48 : i32
        %add3A_646 = vector.broadcast %add3A_645 : i32 to vector<16xi32>
        %add3A_647 = arith.addi %iota3A, %add3A_646 : vector<16xi32>
        %gather3A_648 = tpu.vector_load_idx %arg29[%add3A_647, %broadcast_in_dim3A_623] : memref<64x192xf32, #tpu.memory_space<vmem>>[vector<16xi32>, vector<16xi32>], vector<16xf32>,
        %mul3A_649 = vector.broadcast %squeeze3A_616 : f32 to vector<16xf32>
        %mul3A_650 = arith.mulf %mul3A_649, %gather3A_648 : vector<16xf32>
        %add3A_651 = arith.addf %add3A_614, %mul3A_650 : vector<16xf32>
        %slice3A_652 = vector.extract_strided_slice %gather3A {offsets = [15], sizes = [1], strides = [1]} : vector<16xf32> to vector<1xf32>
        %squeeze3A_653 = vector.extract %slice3A_652[0] : f32 from vector<1xf32>
        %mul3A_654 = arith.constant 16 : i32
        %mul3A_655 = arith.muli %scan3A_88, %mul3A_654 : i32
        %add3A_656 = arith.constant 64 : i32
        %add3A_657 = arith.addi %add3A_656, %mul3A_655 : i32
        %add3A_658 = arith.constant 15 : i32
        %add3A_659 = arith.addi %add3A_657, %add3A_658 : i32
        %broadcast_in_dim3A_660 = vector.broadcast %add3A_659 : i32 to vector<16xi32>
        %add3A_661 = arith.constant 0 : i32
        %add3A_662 = vector.broadcast %add3A_661 : i32 to vector<16xi32>
        %add3A_663 = arith.addi %iota3A, %add3A_662 : vector<16xi32>
        %gather3A_664 = tpu.vector_load_idx %arg29[%add3A_663, %broadcast_in_dim3A_660] : memref<64x192xf32, #tpu.memory_space<vmem>>[vector<16xi32>, vector<16xi32>], vector<16xf32>,
        %mul3A_665 = vector.broadcast %squeeze3A_653 : f32 to vector<16xf32>
        %mul3A_666 = arith.mulf %mul3A_665, %gather3A_664 : vector<16xf32>
        %add3A_667 = arith.addf %add3A_630, %mul3A_666 : vector<16xf32>
        %add3A_668 = arith.constant 16 : i32
        %add3A_669 = vector.broadcast %add3A_668 : i32 to vector<16xi32>
        %add3A_670 = arith.addi %iota3A, %add3A_669 : vector<16xi32>
        %gather3A_671 = tpu.vector_load_idx %arg29[%add3A_670, %broadcast_in_dim3A_660] : memref<64x192xf32, #tpu.memory_space<vmem>>[vector<16xi32>, vector<16xi32>], vector<16xf32>,
        %mul3A_672 = vector.broadcast %squeeze3A_653 : f32 to vector<16xf32>
        %mul3A_673 = arith.mulf %mul3A_672, %gather3A_671 : vector<16xf32>
        %add3A_674 = arith.addf %add3A_637, %mul3A_673 : vector<16xf32>
        %add3A_675 = arith.constant 32 : i32
        %add3A_676 = vector.broadcast %add3A_675 : i32 to vector<16xi32>
        %add3A_677 = arith.addi %iota3A, %add3A_676 : vector<16xi32>
        %gather3A_678 = tpu.vector_load_idx %arg29[%add3A_677, %broadcast_in_dim3A_660] : memref<64x192xf32, #tpu.memory_space<vmem>>[vector<16xi32>, vector<16xi32>], vector<16xf32>,
        %mul3A_679 = vector.broadcast %squeeze3A_653 : f32 to vector<16xf32>
        %mul3A_680 = arith.mulf %mul3A_679, %gather3A_678 : vector<16xf32>
        %add3A_681 = arith.addf %add3A_644, %mul3A_680 : vector<16xf32>
        %add3A_682 = arith.constant 48 : i32
        %add3A_683 = vector.broadcast %add3A_682 : i32 to vector<16xi32>
        %add3A_684 = arith.addi %iota3A, %add3A_683 : vector<16xi32>
        %gather3A_685 = tpu.vector_load_idx %arg29[%add3A_684, %broadcast_in_dim3A_660] : memref<64x192xf32, #tpu.memory_space<vmem>>[vector<16xi32>, vector<16xi32>], vector<16xf32>,
        %mul3A_686 = vector.broadcast %squeeze3A_653 : f32 to vector<16xf32>
        %mul3A_687 = arith.mulf %mul3A_686, %gather3A_685 : vector<16xf32>
        %add3A_688 = arith.addf %add3A_651, %mul3A_687 : vector<16xf32>
        scf.yield %add3A_667, %add3A_674, %add3A_681, %add3A_688 : vector<16xf32>, vector<16xf32>, vector<16xf32>, vector<16xf32>
      }
      %scan3A_80 = arith.constant 4 : i32
      %swap3A = arith.constant 0 : index
      %swap3A_81 = tpu.vector_load %arg26[%swap3A] {strides = array<i32>} : memref<64xf32, #tpu.memory_space<vmem>>, vector<16xf32>,
      tpu.vector_store %arg26[%swap3A], %scan3A_79#0 {strides = array<i32>} : memref<64xf32, #tpu.memory_space<vmem>>, vector<16xf32>,
      %swap3A_82 = arith.constant 16 : index
      %swap3A_83 = tpu.vector_load %arg26[%swap3A_82] {strides = array<i32>} : memref<64xf32, #tpu.memory_space<vmem>>, vector<16xf32>,
      tpu.vector_store %arg26[%swap3A_82], %scan3A_79#1 {strides = array<i32>} : memref<64xf32, #tpu.memory_space<vmem>>, vector<16xf32>,
      %swap3A_84 = arith.constant 32 : index
      %swap3A_85 = tpu.vector_load %arg26[%swap3A_84] {strides = array<i32>} : memref<64xf32, #tpu.memory_space<vmem>>, vector<16xf32>,
      tpu.vector_store %arg26[%swap3A_84], %scan3A_79#2 {strides = array<i32>} : memref<64xf32, #tpu.memory_space<vmem>>, vector<16xf32>,
      %swap3A_86 = arith.constant 48 : index
      %swap3A_87 = tpu.vector_load %arg26[%swap3A_86] {strides = array<i32>} : memref<64xf32, #tpu.memory_space<vmem>>, vector<16xf32>,
      tpu.vector_store %arg26[%swap3A_86], %scan3A_79#3 {strides = array<i32>} : memref<64xf32, #tpu.memory_space<vmem>>, vector<16xf32>,
    } else {
    }
    "tpu.region"() ({
      %run_scoped3A = tpu.sem_alloc : memref<!tpu.dma_semaphore, #tpu.memory_space<semaphore_mem>>
      %dma_start3A = arith.constant 0 : i32
      %dma_start3A_41 = tpu.memref_slice %arg37[%arg1, %dma_start3A] : memref<16x64xf32, #tpu.memory_space<vmem_shared>> -> memref<1x64xf32, #tpu.memory_space<vmem_shared>>
      %dma_start3A_42 = tpu.memref_squeeze %dma_start3A_41 : memref<1x64xf32, #tpu.memory_space<vmem_shared>> -> memref<64xf32, #tpu.memory_space<vmem_shared>>
      %dma_start3A_43 = arith.constant 0 : i32
      %dma_start3A_44 = tpu.memref_slice %arg37[%arg1, %dma_start3A_43] : memref<16x64xf32, #tpu.memory_space<vmem_shared>> -> memref<1x64xf32, #tpu.memory_space<vmem_shared>>
      %dma_start3A_45 = tpu.memref_squeeze %dma_start3A_44 : memref<1x64xf32, #tpu.memory_space<vmem_shared>> -> memref<64xf32, #tpu.memory_space<vmem_shared>>
      tpu.enqueue_dma source(%arg26 : memref<64xf32, #tpu.memory_space<vmem>>) target(%dma_start3A_45 : memref<64xf32, #tpu.memory_space<vmem_shared>>) target_semaphore(%run_scoped3A : memref<!tpu.dma_semaphore, #tpu.memory_space<semaphore_mem>>)
      %dma_wait3A = arith.constant 0 : i32
      %dma_wait3A_46 = tpu.memref_slice %arg37[%arg1, %dma_wait3A] : memref<16x64xf32, #tpu.memory_space<vmem_shared>> -> memref<1x64xf32, #tpu.memory_space<vmem_shared>>
      %dma_wait3A_47 = tpu.memref_squeeze %dma_wait3A_46 : memref<1x64xf32, #tpu.memory_space<vmem_shared>> -> memref<64xf32, #tpu.memory_space<vmem_shared>>
      %dma_wait3A_48 = arith.constant 0 : i32
      %dma_wait3A_49 = tpu.memref_slice %arg37[%arg1, %dma_wait3A_48] : memref<16x64xf32, #tpu.memory_space<vmem_shared>> -> memref<1x64xf32, #tpu.memory_space<vmem_shared>>
      %dma_wait3A_50 = tpu.memref_squeeze %dma_wait3A_49 : memref<1x64xf32, #tpu.memory_space<vmem_shared>> -> memref<64xf32, #tpu.memory_space<vmem_shared>>
      tpu.wait_dma2 semaphore(%run_scoped3A : memref<!tpu.dma_semaphore, #tpu.memory_space<semaphore_mem>>) src(%arg26 : memref<64xf32, #tpu.memory_space<vmem>>) dst(%dma_wait3A_50 : memref<64xf32, #tpu.memory_space<vmem_shared>>)
      tpu.yield
    }) : () -> ()
    %barrier3A = arith.constant 0 : index
    tpu.barrier barrier_id(%barrier3A)
    %convert_element_type3A_35 = arith.extui %and3A_14 : i1 to i32
    %cond3A_36 = arith.constant 0 : i32
    %cond3A_37 = arith.cmpi ne, %convert_element_type3A_35, %cond3A_36 : i32
    scf.if %cond3A_37 {
      "tpu.region"() ({
        %run_scoped3A = tpu.sem_alloc : memref<!tpu.dma_semaphore, #tpu.memory_space<semaphore_mem>>
        tpu.enqueue_dma source(%arg37 : memref<16x64xf32, #tpu.memory_space<vmem_shared>>) target(%arg27 : memref<16x64xf32, #tpu.memory_space<vmem>>) target_semaphore(%run_scoped3A : memref<!tpu.dma_semaphore, #tpu.memory_space<semaphore_mem>>)
        tpu.wait_dma2 semaphore(%run_scoped3A : memref<!tpu.dma_semaphore, #tpu.memory_space<semaphore_mem>>) src(%arg37 : memref<16x64xf32, #tpu.memory_space<vmem_shared>>) dst(%arg27 : memref<16x64xf32, #tpu.memory_space<vmem>>)
        tpu.yield
      }) : () -> ()
      %broadcast_in_dim3A = arith.constant 0.000000e+00 : f32
      %broadcast_in_dim3A_41 = vector.broadcast %broadcast_in_dim3A : f32 to vector<16xf32>
      %broadcast_in_dim3A_42 = arith.constant 0.000000e+00 : f32
      %broadcast_in_dim3A_43 = vector.broadcast %broadcast_in_dim3A_42 : f32 to vector<16xf32>
      %broadcast_in_dim3A_44 = arith.constant 0.000000e+00 : f32
      %broadcast_in_dim3A_45 = vector.broadcast %broadcast_in_dim3A_44 : f32 to vector<16xf32>
      %broadcast_in_dim3A_46 = arith.constant 0.000000e+00 : f32
      %broadcast_in_dim3A_47 = vector.broadcast %broadcast_in_dim3A_46 : f32 to vector<16xf32>
      %get3A = arith.constant 0 : i32
      %get3A_48 = arith.index_cast %get3A : i32 to index
      %get3A_49 = arith.constant 0 : index
      %get3A_50 = tpu.vector_load %arg27[%get3A_48, %get3A_49] {strides = array<i32>} : memref<16x64xf32, #tpu.memory_space<vmem>>, vector<16xf32>,
      %add3A_51 = arith.addf %broadcast_in_dim3A_41, %get3A_50 : vector<16xf32>
      %get3A_52 = arith.constant 0 : i32
      %get3A_53 = arith.index_cast %get3A_52 : i32 to index
      %get3A_54 = arith.constant 16 : index
      %get3A_55 = tpu.vector_load %arg27[%get3A_53, %get3A_54] {strides = array<i32>} : memref<16x64xf32, #tpu.memory_space<vmem>>, vector<16xf32>,
      %add3A_56 = arith.addf %broadcast_in_dim3A_43, %get3A_55 : vector<16xf32>
      %get3A_57 = arith.constant 0 : i32
      %get3A_58 = arith.index_cast %get3A_57 : i32 to index
      %get3A_59 = arith.constant 32 : index
      %get3A_60 = tpu.vector_load %arg27[%get3A_58, %get3A_59] {strides = array<i32>} : memref<16x64xf32, #tpu.memory_space<vmem>>, vector<16xf32>,
      %add3A_61 = arith.addf %broadcast_in_dim3A_45, %get3A_60 : vector<16xf32>
      %get3A_62 = arith.constant 0 : i32
      %get3A_63 = arith.index_cast %get3A_62 : i32 to index
      %get3A_64 = arith.constant 48 : index
      %get3A_65 = tpu.vector_load %arg27[%get3A_63, %get3A_64] {strides = array<i32>} : memref<16x64xf32, #tpu.memory_space<vmem>>, vector<16xf32>,
      %add3A_66 = arith.addf %broadcast_in_dim3A_47, %get3A_65 : vector<16xf32>
      %get3A_67 = arith.constant 1 : i32
      %get3A_68 = arith.index_cast %get3A_67 : i32 to index
      %get3A_69 = arith.constant 0 : index
      %get3A_70 = tpu.vector_load %arg27[%get3A_68, %get3A_69] {strides = array<i32>} : memref<16x64xf32, #tpu.memory_space<vmem>>, vector<16xf32>,
      %add3A_71 = arith.addf %add3A_51, %get3A_70 : vector<16xf32>
      %get3A_72 = arith.constant 1 : i32
      %get3A_73 = arith.index_cast %get3A_72 : i32 to index
      %get3A_74 = arith.constant 16 : index
      %get3A_75 = tpu.vector_load %arg27[%get3A_73, %get3A_74] {strides = array<i32>} : memref<16x64xf32, #tpu.memory_space<vmem>>, vector<16xf32>,
      %add3A_76 = arith.addf %add3A_56, %get3A_75 : vector<16xf32>
      %get3A_77 = arith.constant 1 : i32
      %get3A_78 = arith.index_cast %get3A_77 : i32 to index
      %get3A_79 = arith.constant 32 : index
      %get3A_80 = tpu.vector_load %arg27[%get3A_78, %get3A_79] {strides = array<i32>} : memref<16x64xf32, #tpu.memory_space<vmem>>, vector<16xf32>,
      %add3A_81 = arith.addf %add3A_61, %get3A_80 : vector<16xf32>
      %get3A_82 = arith.constant 1 : i32
      %get3A_83 = arith.index_cast %get3A_82 : i32 to index
      %get3A_84 = arith.constant 48 : index
      %get3A_85 = tpu.vector_load %arg27[%get3A_83, %get3A_84] {strides = array<i32>} : memref<16x64xf32, #tpu.memory_space<vmem>>, vector<16xf32>,
      %add3A_86 = arith.addf %add3A_66, %get3A_85 : vector<16xf32>
      %get3A_87 = arith.constant 2 : i32
      %get3A_88 = arith.index_cast %get3A_87 : i32 to index
      %get3A_89 = arith.constant 0 : index
      %get3A_90 = tpu.vector_load %arg27[%get3A_88, %get3A_89] {strides = array<i32>} : memref<16x64xf32, #tpu.memory_space<vmem>>, vector<16xf32>,
      %add3A_91 = arith.addf %add3A_71, %get3A_90 : vector<16xf32>
      %get3A_92 = arith.constant 2 : i32
      %get3A_93 = arith.index_cast %get3A_92 : i32 to index
      %get3A_94 = arith.constant 16 : index
      %get3A_95 = tpu.vector_load %arg27[%get3A_93, %get3A_94] {strides = array<i32>} : memref<16x64xf32, #tpu.memory_space<vmem>>, vector<16xf32>,
      %add3A_96 = arith.addf %add3A_76, %get3A_95 : vector<16xf32>
      %get3A_97 = arith.constant 2 : i32
      %get3A_98 = arith.index_cast %get3A_97 : i32 to index
      %get3A_99 = arith.constant 32 : index
      %get3A_100 = tpu.vector_load %arg27[%get3A_98, %get3A_99] {strides = array<i32>} : memref<16x64xf32, #tpu.memory_space<vmem>>, vector<16xf32>,
      %add3A_101 = arith.addf %add3A_81, %get3A_100 : vector<16xf32>
      %get3A_102 = arith.constant 2 : i32
      %get3A_103 = arith.index_cast %get3A_102 : i32 to index
      %get3A_104 = arith.constant 48 : index
      %get3A_105 = tpu.vector_load %arg27[%get3A_103, %get3A_104] {strides = array<i32>} : memref<16x64xf32, #tpu.memory_space<vmem>>, vector<16xf32>,
      %add3A_106 = arith.addf %add3A_86, %get3A_105 : vector<16xf32>
      %get3A_107 = arith.constant 3 : i32
      %get3A_108 = arith.index_cast %get3A_107 : i32 to index
      %get3A_109 = arith.constant 0 : index
      %get3A_110 = tpu.vector_load %arg27[%get3A_108, %get3A_109] {strides = array<i32>} : memref<16x64xf32, #tpu.memory_space<vmem>>, vector<16xf32>,
      %add3A_111 = arith.addf %add3A_91, %get3A_110 : vector<16xf32>
      %get3A_112 = arith.constant 3 : i32
      %get3A_113 = arith.index_cast %get3A_112 : i32 to index
      %get3A_114 = arith.constant 16 : index
      %get3A_115 = tpu.vector_load %arg27[%get3A_113, %get3A_114] {strides = array<i32>} : memref<16x64xf32, #tpu.memory_space<vmem>>, vector<16xf32>,
      %add3A_116 = arith.addf %add3A_96, %get3A_115 : vector<16xf32>
      %get3A_117 = arith.constant 3 : i32
      %get3A_118 = arith.index_cast %get3A_117 : i32 to index
      %get3A_119 = arith.constant 32 : index
      %get3A_120 = tpu.vector_load %arg27[%get3A_118, %get3A_119] {strides = array<i32>} : memref<16x64xf32, #tpu.memory_space<vmem>>, vector<16xf32>,
      %add3A_121 = arith.addf %add3A_101, %get3A_120 : vector<16xf32>
      %get3A_122 = arith.constant 3 : i32
      %get3A_123 = arith.index_cast %get3A_122 : i32 to index
      %get3A_124 = arith.constant 48 : index
      %get3A_125 = tpu.vector_load %arg27[%get3A_123, %get3A_124] {strides = array<i32>} : memref<16x64xf32, #tpu.memory_space<vmem>>, vector<16xf32>,
      %add3A_126 = arith.addf %add3A_106, %get3A_125 : vector<16xf32>
      %get3A_127 = arith.constant 4 : i32
      %get3A_128 = arith.index_cast %get3A_127 : i32 to index
      %get3A_129 = arith.constant 0 : index
      %get3A_130 = tpu.vector_load %arg27[%get3A_128, %get3A_129] {strides = array<i32>} : memref<16x64xf32, #tpu.memory_space<vmem>>, vector<16xf32>,
      %add3A_131 = arith.addf %add3A_111, %get3A_130 : vector<16xf32>
      %get3A_132 = arith.constant 4 : i32
      %get3A_133 = arith.index_cast %get3A_132 : i32 to index
      %get3A_134 = arith.constant 16 : index
      %get3A_135 = tpu.vector_load %arg27[%get3A_133, %get3A_134] {strides = array<i32>} : memref<16x64xf32, #tpu.memory_space<vmem>>, vector<16xf32>,
      %add3A_136 = arith.addf %add3A_116, %get3A_135 : vector<16xf32>
      %get3A_137 = arith.constant 4 : i32
      %get3A_138 = arith.index_cast %get3A_137 : i32 to index
      %get3A_139 = arith.constant 32 : index
      %get3A_140 = tpu.vector_load %arg27[%get3A_138, %get3A_139] {strides = array<i32>} : memref<16x64xf32, #tpu.memory_space<vmem>>, vector<16xf32>,
      %add3A_141 = arith.addf %add3A_121, %get3A_140 : vector<16xf32>
      %get3A_142 = arith.constant 4 : i32
      %get3A_143 = arith.index_cast %get3A_142 : i32 to index
      %get3A_144 = arith.constant 48 : index
      %get3A_145 = tpu.vector_load %arg27[%get3A_143, %get3A_144] {strides = array<i32>} : memref<16x64xf32, #tpu.memory_space<vmem>>, vector<16xf32>,
      %add3A_146 = arith.addf %add3A_126, %get3A_145 : vector<16xf32>
      %get3A_147 = arith.constant 5 : i32
      %get3A_148 = arith.index_cast %get3A_147 : i32 to index
      %get3A_149 = arith.constant 0 : index
      %get3A_150 = tpu.vector_load %arg27[%get3A_148, %get3A_149] {strides = array<i32>} : memref<16x64xf32, #tpu.memory_space<vmem>>, vector<16xf32>,
      %add3A_151 = arith.addf %add3A_131, %get3A_150 : vector<16xf32>
      %get3A_152 = arith.constant 5 : i32
      %get3A_153 = arith.index_cast %get3A_152 : i32 to index
      %get3A_154 = arith.constant 16 : index
      %get3A_155 = tpu.vector_load %arg27[%get3A_153, %get3A_154] {strides = array<i32>} : memref<16x64xf32, #tpu.memory_space<vmem>>, vector<16xf32>,
      %add3A_156 = arith.addf %add3A_136, %get3A_155 : vector<16xf32>
      %get3A_157 = arith.constant 5 : i32
      %get3A_158 = arith.index_cast %get3A_157 : i32 to index
      %get3A_159 = arith.constant 32 : index
      %get3A_160 = tpu.vector_load %arg27[%get3A_158, %get3A_159] {strides = array<i32>} : memref<16x64xf32, #tpu.memory_space<vmem>>, vector<16xf32>,
      %add3A_161 = arith.addf %add3A_141, %get3A_160 : vector<16xf32>
      %get3A_162 = arith.constant 5 : i32
      %get3A_163 = arith.index_cast %get3A_162 : i32 to index
      %get3A_164 = arith.constant 48 : index
      %get3A_165 = tpu.vector_load %arg27[%get3A_163, %get3A_164] {strides = array<i32>} : memref<16x64xf32, #tpu.memory_space<vmem>>, vector<16xf32>,
      %add3A_166 = arith.addf %add3A_146, %get3A_165 : vector<16xf32>
      %get3A_167 = arith.constant 6 : i32
      %get3A_168 = arith.index_cast %get3A_167 : i32 to index
      %get3A_169 = arith.constant 0 : index
      %get3A_170 = tpu.vector_load %arg27[%get3A_168, %get3A_169] {strides = array<i32>} : memref<16x64xf32, #tpu.memory_space<vmem>>, vector<16xf32>,
      %add3A_171 = arith.addf %add3A_151, %get3A_170 : vector<16xf32>
      %get3A_172 = arith.constant 6 : i32
      %get3A_173 = arith.index_cast %get3A_172 : i32 to index
      %get3A_174 = arith.constant 16 : index
      %get3A_175 = tpu.vector_load %arg27[%get3A_173, %get3A_174] {strides = array<i32>} : memref<16x64xf32, #tpu.memory_space<vmem>>, vector<16xf32>,
      %add3A_176 = arith.addf %add3A_156, %get3A_175 : vector<16xf32>
      %get3A_177 = arith.constant 6 : i32
      %get3A_178 = arith.index_cast %get3A_177 : i32 to index
      %get3A_179 = arith.constant 32 : index
      %get3A_180 = tpu.vector_load %arg27[%get3A_178, %get3A_179] {strides = array<i32>} : memref<16x64xf32, #tpu.memory_space<vmem>>, vector<16xf32>,
      %add3A_181 = arith.addf %add3A_161, %get3A_180 : vector<16xf32>
      %get3A_182 = arith.constant 6 : i32
      %get3A_183 = arith.index_cast %get3A_182 : i32 to index
      %get3A_184 = arith.constant 48 : index
      %get3A_185 = tpu.vector_load %arg27[%get3A_183, %get3A_184] {strides = array<i32>} : memref<16x64xf32, #tpu.memory_space<vmem>>, vector<16xf32>,
      %add3A_186 = arith.addf %add3A_166, %get3A_185 : vector<16xf32>
      %get3A_187 = arith.constant 7 : i32
      %get3A_188 = arith.index_cast %get3A_187 : i32 to index
      %get3A_189 = arith.constant 0 : index
      %get3A_190 = tpu.vector_load %arg27[%get3A_188, %get3A_189] {strides = array<i32>} : memref<16x64xf32, #tpu.memory_space<vmem>>, vector<16xf32>,
      %add3A_191 = arith.addf %add3A_171, %get3A_190 : vector<16xf32>
      %get3A_192 = arith.constant 7 : i32
      %get3A_193 = arith.index_cast %get3A_192 : i32 to index
      %get3A_194 = arith.constant 16 : index
      %get3A_195 = tpu.vector_load %arg27[%get3A_193, %get3A_194] {strides = array<i32>} : memref<16x64xf32, #tpu.memory_space<vmem>>, vector<16xf32>,
      %add3A_196 = arith.addf %add3A_176, %get3A_195 : vector<16xf32>
      %get3A_197 = arith.constant 7 : i32
      %get3A_198 = arith.index_cast %get3A_197 : i32 to index
      %get3A_199 = arith.constant 32 : index
      %get3A_200 = tpu.vector_load %arg27[%get3A_198, %get3A_199] {strides = array<i32>} : memref<16x64xf32, #tpu.memory_space<vmem>>, vector<16xf32>,
      %add3A_201 = arith.addf %add3A_181, %get3A_200 : vector<16xf32>
      %get3A_202 = arith.constant 7 : i32
      %get3A_203 = arith.index_cast %get3A_202 : i32 to index
      %get3A_204 = arith.constant 48 : index
      %get3A_205 = tpu.vector_load %arg27[%get3A_203, %get3A_204] {strides = array<i32>} : memref<16x64xf32, #tpu.memory_space<vmem>>, vector<16xf32>,
      %add3A_206 = arith.addf %add3A_186, %get3A_205 : vector<16xf32>
      %get3A_207 = arith.constant 8 : i32
      %get3A_208 = arith.index_cast %get3A_207 : i32 to index
      %get3A_209 = arith.constant 0 : index
      %get3A_210 = tpu.vector_load %arg27[%get3A_208, %get3A_209] {strides = array<i32>} : memref<16x64xf32, #tpu.memory_space<vmem>>, vector<16xf32>,
      %add3A_211 = arith.addf %add3A_191, %get3A_210 : vector<16xf32>
      %get3A_212 = arith.constant 8 : i32
      %get3A_213 = arith.index_cast %get3A_212 : i32 to index
      %get3A_214 = arith.constant 16 : index
      %get3A_215 = tpu.vector_load %arg27[%get3A_213, %get3A_214] {strides = array<i32>} : memref<16x64xf32, #tpu.memory_space<vmem>>, vector<16xf32>,
      %add3A_216 = arith.addf %add3A_196, %get3A_215 : vector<16xf32>
      %get3A_217 = arith.constant 8 : i32
      %get3A_218 = arith.index_cast %get3A_217 : i32 to index
      %get3A_219 = arith.constant 32 : index
      %get3A_220 = tpu.vector_load %arg27[%get3A_218, %get3A_219] {strides = array<i32>} : memref<16x64xf32, #tpu.memory_space<vmem>>, vector<16xf32>,
      %add3A_221 = arith.addf %add3A_201, %get3A_220 : vector<16xf32>
      %get3A_222 = arith.constant 8 : i32
      %get3A_223 = arith.index_cast %get3A_222 : i32 to index
      %get3A_224 = arith.constant 48 : index
      %get3A_225 = tpu.vector_load %arg27[%get3A_223, %get3A_224] {strides = array<i32>} : memref<16x64xf32, #tpu.memory_space<vmem>>, vector<16xf32>,
      %add3A_226 = arith.addf %add3A_206, %get3A_225 : vector<16xf32>
      %get3A_227 = arith.constant 9 : i32
      %get3A_228 = arith.index_cast %get3A_227 : i32 to index
      %get3A_229 = arith.constant 0 : index
      %get3A_230 = tpu.vector_load %arg27[%get3A_228, %get3A_229] {strides = array<i32>} : memref<16x64xf32, #tpu.memory_space<vmem>>, vector<16xf32>,
      %add3A_231 = arith.addf %add3A_211, %get3A_230 : vector<16xf32>
      %get3A_232 = arith.constant 9 : i32
      %get3A_233 = arith.index_cast %get3A_232 : i32 to index
      %get3A_234 = arith.constant 16 : index
      %get3A_235 = tpu.vector_load %arg27[%get3A_233, %get3A_234] {strides = array<i32>} : memref<16x64xf32, #tpu.memory_space<vmem>>, vector<16xf32>,
      %add3A_236 = arith.addf %add3A_216, %get3A_235 : vector<16xf32>
      %get3A_237 = arith.constant 9 : i32
      %get3A_238 = arith.index_cast %get3A_237 : i32 to index
      %get3A_239 = arith.constant 32 : index
      %get3A_240 = tpu.vector_load %arg27[%get3A_238, %get3A_239] {strides = array<i32>} : memref<16x64xf32, #tpu.memory_space<vmem>>, vector<16xf32>,
      %add3A_241 = arith.addf %add3A_221, %get3A_240 : vector<16xf32>
      %get3A_242 = arith.constant 9 : i32
      %get3A_243 = arith.index_cast %get3A_242 : i32 to index
      %get3A_244 = arith.constant 48 : index
      %get3A_245 = tpu.vector_load %arg27[%get3A_243, %get3A_244] {strides = array<i32>} : memref<16x64xf32, #tpu.memory_space<vmem>>, vector<16xf32>,
      %add3A_246 = arith.addf %add3A_226, %get3A_245 : vector<16xf32>
      %get3A_247 = arith.constant 10 : i32
      %get3A_248 = arith.index_cast %get3A_247 : i32 to index
      %get3A_249 = arith.constant 0 : index
      %get3A_250 = tpu.vector_load %arg27[%get3A_248, %get3A_249] {strides = array<i32>} : memref<16x64xf32, #tpu.memory_space<vmem>>, vector<16xf32>,
      %add3A_251 = arith.addf %add3A_231, %get3A_250 : vector<16xf32>
      %get3A_252 = arith.constant 10 : i32
      %get3A_253 = arith.index_cast %get3A_252 : i32 to index
      %get3A_254 = arith.constant 16 : index
      %get3A_255 = tpu.vector_load %arg27[%get3A_253, %get3A_254] {strides = array<i32>} : memref<16x64xf32, #tpu.memory_space<vmem>>, vector<16xf32>,
      %add3A_256 = arith.addf %add3A_236, %get3A_255 : vector<16xf32>
      %get3A_257 = arith.constant 10 : i32
      %get3A_258 = arith.index_cast %get3A_257 : i32 to index
      %get3A_259 = arith.constant 32 : index
      %get3A_260 = tpu.vector_load %arg27[%get3A_258, %get3A_259] {strides = array<i32>} : memref<16x64xf32, #tpu.memory_space<vmem>>, vector<16xf32>,
      %add3A_261 = arith.addf %add3A_241, %get3A_260 : vector<16xf32>
      %get3A_262 = arith.constant 10 : i32
      %get3A_263 = arith.index_cast %get3A_262 : i32 to index
      %get3A_264 = arith.constant 48 : index
      %get3A_265 = tpu.vector_load %arg27[%get3A_263, %get3A_264] {strides = array<i32>} : memref<16x64xf32, #tpu.memory_space<vmem>>, vector<16xf32>,
      %add3A_266 = arith.addf %add3A_246, %get3A_265 : vector<16xf32>
      %get3A_267 = arith.constant 11 : i32
      %get3A_268 = arith.index_cast %get3A_267 : i32 to index
      %get3A_269 = arith.constant 0 : index
      %get3A_270 = tpu.vector_load %arg27[%get3A_268, %get3A_269] {strides = array<i32>} : memref<16x64xf32, #tpu.memory_space<vmem>>, vector<16xf32>,
      %add3A_271 = arith.addf %add3A_251, %get3A_270 : vector<16xf32>
      %get3A_272 = arith.constant 11 : i32
      %get3A_273 = arith.index_cast %get3A_272 : i32 to index
      %get3A_274 = arith.constant 16 : index
      %get3A_275 = tpu.vector_load %arg27[%get3A_273, %get3A_274] {strides = array<i32>} : memref<16x64xf32, #tpu.memory_space<vmem>>, vector<16xf32>,
      %add3A_276 = arith.addf %add3A_256, %get3A_275 : vector<16xf32>
      %get3A_277 = arith.constant 11 : i32
      %get3A_278 = arith.index_cast %get3A_277 : i32 to index
      %get3A_279 = arith.constant 32 : index
      %get3A_280 = tpu.vector_load %arg27[%get3A_278, %get3A_279] {strides = array<i32>} : memref<16x64xf32, #tpu.memory_space<vmem>>, vector<16xf32>,
      %add3A_281 = arith.addf %add3A_261, %get3A_280 : vector<16xf32>
      %get3A_282 = arith.constant 11 : i32
      %get3A_283 = arith.index_cast %get3A_282 : i32 to index
      %get3A_284 = arith.constant 48 : index
      %get3A_285 = tpu.vector_load %arg27[%get3A_283, %get3A_284] {strides = array<i32>} : memref<16x64xf32, #tpu.memory_space<vmem>>, vector<16xf32>,
      %add3A_286 = arith.addf %add3A_266, %get3A_285 : vector<16xf32>
      %get3A_287 = arith.constant 12 : i32
      %get3A_288 = arith.index_cast %get3A_287 : i32 to index
      %get3A_289 = arith.constant 0 : index
      %get3A_290 = tpu.vector_load %arg27[%get3A_288, %get3A_289] {strides = array<i32>} : memref<16x64xf32, #tpu.memory_space<vmem>>, vector<16xf32>,
      %add3A_291 = arith.addf %add3A_271, %get3A_290 : vector<16xf32>
      %get3A_292 = arith.constant 12 : i32
      %get3A_293 = arith.index_cast %get3A_292 : i32 to index
      %get3A_294 = arith.constant 16 : index
      %get3A_295 = tpu.vector_load %arg27[%get3A_293, %get3A_294] {strides = array<i32>} : memref<16x64xf32, #tpu.memory_space<vmem>>, vector<16xf32>,
      %add3A_296 = arith.addf %add3A_276, %get3A_295 : vector<16xf32>
      %get3A_297 = arith.constant 12 : i32
      %get3A_298 = arith.index_cast %get3A_297 : i32 to index
      %get3A_299 = arith.constant 32 : index
      %get3A_300 = tpu.vector_load %arg27[%get3A_298, %get3A_299] {strides = array<i32>} : memref<16x64xf32, #tpu.memory_space<vmem>>, vector<16xf32>,
      %add3A_301 = arith.addf %add3A_281, %get3A_300 : vector<16xf32>
      %get3A_302 = arith.constant 12 : i32
      %get3A_303 = arith.index_cast %get3A_302 : i32 to index
      %get3A_304 = arith.constant 48 : index
      %get3A_305 = tpu.vector_load %arg27[%get3A_303, %get3A_304] {strides = array<i32>} : memref<16x64xf32, #tpu.memory_space<vmem>>, vector<16xf32>,
      %add3A_306 = arith.addf %add3A_286, %get3A_305 : vector<16xf32>
      %get3A_307 = arith.constant 13 : i32
      %get3A_308 = arith.index_cast %get3A_307 : i32 to index
      %get3A_309 = arith.constant 0 : index
      %get3A_310 = tpu.vector_load %arg27[%get3A_308, %get3A_309] {strides = array<i32>} : memref<16x64xf32, #tpu.memory_space<vmem>>, vector<16xf32>,
      %add3A_311 = arith.addf %add3A_291, %get3A_310 : vector<16xf32>
      %get3A_312 = arith.constant 13 : i32
      %get3A_313 = arith.index_cast %get3A_312 : i32 to index
      %get3A_314 = arith.constant 16 : index
      %get3A_315 = tpu.vector_load %arg27[%get3A_313, %get3A_314] {strides = array<i32>} : memref<16x64xf32, #tpu.memory_space<vmem>>, vector<16xf32>,
      %add3A_316 = arith.addf %add3A_296, %get3A_315 : vector<16xf32>
      %get3A_317 = arith.constant 13 : i32
      %get3A_318 = arith.index_cast %get3A_317 : i32 to index
      %get3A_319 = arith.constant 32 : index
      %get3A_320 = tpu.vector_load %arg27[%get3A_318, %get3A_319] {strides = array<i32>} : memref<16x64xf32, #tpu.memory_space<vmem>>, vector<16xf32>,
      %add3A_321 = arith.addf %add3A_301, %get3A_320 : vector<16xf32>
      %get3A_322 = arith.constant 13 : i32
      %get3A_323 = arith.index_cast %get3A_322 : i32 to index
      %get3A_324 = arith.constant 48 : index
      %get3A_325 = tpu.vector_load %arg27[%get3A_323, %get3A_324] {strides = array<i32>} : memref<16x64xf32, #tpu.memory_space<vmem>>, vector<16xf32>,
      %add3A_326 = arith.addf %add3A_306, %get3A_325 : vector<16xf32>
      %get3A_327 = arith.constant 14 : i32
      %get3A_328 = arith.index_cast %get3A_327 : i32 to index
      %get3A_329 = arith.constant 0 : index
      %get3A_330 = tpu.vector_load %arg27[%get3A_328, %get3A_329] {strides = array<i32>} : memref<16x64xf32, #tpu.memory_space<vmem>>, vector<16xf32>,
      %add3A_331 = arith.addf %add3A_311, %get3A_330 : vector<16xf32>
      %get3A_332 = arith.constant 14 : i32
      %get3A_333 = arith.index_cast %get3A_332 : i32 to index
      %get3A_334 = arith.constant 16 : index
      %get3A_335 = tpu.vector_load %arg27[%get3A_333, %get3A_334] {strides = array<i32>} : memref<16x64xf32, #tpu.memory_space<vmem>>, vector<16xf32>,
      %add3A_336 = arith.addf %add3A_316, %get3A_335 : vector<16xf32>
      %get3A_337 = arith.constant 14 : i32
      %get3A_338 = arith.index_cast %get3A_337 : i32 to index
      %get3A_339 = arith.constant 32 : index
      %get3A_340 = tpu.vector_load %arg27[%get3A_338, %get3A_339] {strides = array<i32>} : memref<16x64xf32, #tpu.memory_space<vmem>>, vector<16xf32>,
      %add3A_341 = arith.addf %add3A_321, %get3A_340 : vector<16xf32>
      %get3A_342 = arith.constant 14 : i32
      %get3A_343 = arith.index_cast %get3A_342 : i32 to index
      %get3A_344 = arith.constant 48 : index
      %get3A_345 = tpu.vector_load %arg27[%get3A_343, %get3A_344] {strides = array<i32>} : memref<16x64xf32, #tpu.memory_space<vmem>>, vector<16xf32>,
      %add3A_346 = arith.addf %add3A_326, %get3A_345 : vector<16xf32>
      %get3A_347 = arith.constant 15 : i32
      %get3A_348 = arith.index_cast %get3A_347 : i32 to index
      %get3A_349 = arith.constant 0 : index
      %get3A_350 = tpu.vector_load %arg27[%get3A_348, %get3A_349] {strides = array<i32>} : memref<16x64xf32, #tpu.memory_space<vmem>>, vector<16xf32>,
      %add3A_351 = arith.addf %add3A_331, %get3A_350 : vector<16xf32>
      %get3A_352 = arith.constant 15 : i32
      %get3A_353 = arith.index_cast %get3A_352 : i32 to index
      %get3A_354 = arith.constant 16 : index
      %get3A_355 = tpu.vector_load %arg27[%get3A_353, %get3A_354] {strides = array<i32>} : memref<16x64xf32, #tpu.memory_space<vmem>>, vector<16xf32>,
      %add3A_356 = arith.addf %add3A_336, %get3A_355 : vector<16xf32>
      %get3A_357 = arith.constant 15 : i32
      %get3A_358 = arith.index_cast %get3A_357 : i32 to index
      %get3A_359 = arith.constant 32 : index
      %get3A_360 = tpu.vector_load %arg27[%get3A_358, %get3A_359] {strides = array<i32>} : memref<16x64xf32, #tpu.memory_space<vmem>>, vector<16xf32>,
      %add3A_361 = arith.addf %add3A_341, %get3A_360 : vector<16xf32>
      %get3A_362 = arith.constant 15 : i32
      %get3A_363 = arith.index_cast %get3A_362 : i32 to index
      %get3A_364 = arith.constant 48 : index
      %get3A_365 = tpu.vector_load %arg27[%get3A_363, %get3A_364] {strides = array<i32>} : memref<16x64xf32, #tpu.memory_space<vmem>>, vector<16xf32>,
      %add3A_366 = arith.addf %add3A_346, %get3A_365 : vector<16xf32>
      %swap3A = arith.constant 0 : index
      %swap3A_367 = tpu.vector_load %arg26[%swap3A] {strides = array<i32>} : memref<64xf32, #tpu.memory_space<vmem>>, vector<16xf32>,
      tpu.vector_store %arg26[%swap3A], %add3A_351 {strides = array<i32>} : memref<64xf32, #tpu.memory_space<vmem>>, vector<16xf32>,
      %swap3A_368 = arith.constant 16 : index
      %swap3A_369 = tpu.vector_load %arg26[%swap3A_368] {strides = array<i32>} : memref<64xf32, #tpu.memory_space<vmem>>, vector<16xf32>,
      tpu.vector_store %arg26[%swap3A_368], %add3A_356 {strides = array<i32>} : memref<64xf32, #tpu.memory_space<vmem>>, vector<16xf32>,
      %swap3A_370 = arith.constant 32 : index
      %swap3A_371 = tpu.vector_load %arg26[%swap3A_370] {strides = array<i32>} : memref<64xf32, #tpu.memory_space<vmem>>, vector<16xf32>,
      tpu.vector_store %arg26[%swap3A_370], %add3A_361 {strides = array<i32>} : memref<64xf32, #tpu.memory_space<vmem>>, vector<16xf32>,
      %swap3A_372 = arith.constant 48 : index
      %swap3A_373 = tpu.vector_load %arg26[%swap3A_372] {strides = array<i32>} : memref<64xf32, #tpu.memory_space<vmem>>, vector<16xf32>,
      tpu.vector_store %arg26[%swap3A_372], %add3A_366 {strides = array<i32>} : memref<64xf32, #tpu.memory_space<vmem>>, vector<16xf32>,
      "tpu.region"() ({
        %run_scoped3A = tpu.sem_alloc : memref<!tpu.dma_semaphore, #tpu.memory_space<semaphore_mem>>
        tpu.enqueue_dma source(%arg26 : memref<64xf32, #tpu.memory_space<vmem>>) target(%arg14 : memref<64xf32, #tpu.memory_space<hbm>>) target_semaphore(%run_scoped3A : memref<!tpu.dma_semaphore, #tpu.memory_space<semaphore_mem>>)
        tpu.wait_dma2 semaphore(%run_scoped3A : memref<!tpu.dma_semaphore, #tpu.memory_space<semaphore_mem>>) src(%arg26 : memref<64xf32, #tpu.memory_space<vmem>>) dst(%arg14 : memref<64xf32, #tpu.memory_space<hbm>>)
        tpu.yield
      }) : () -> ()
      %semaphore_signal3A = arith.constant 1 : i32
      %semaphore_signal3A_374 = arith.constant 0 : i32
      tpu.sem_signal %arg42, %semaphore_signal3A core_id %semaphore_signal3A_374 : memref<!tpu.semaphore, #tpu.memory_space<semaphore_mem>>
    } else {
    }
    %convert_element_type3A_38 = arith.extui %and3A : i1 to i32
    %cond3A_39 = arith.constant 0 : i32
    %cond3A_40 = arith.cmpi ne, %convert_element_type3A_38, %cond3A_39 : i32
    scf.if %cond3A_40 {
      "tpu.region"() ({
        %run_scoped3A = tpu.sem_alloc : memref<!tpu.dma_semaphore, #tpu.memory_space<semaphore_mem>>
        tpu.enqueue_dma source(%arg37 : memref<16x64xf32, #tpu.memory_space<vmem_shared>>) target(%arg27 : memref<16x64xf32, #tpu.memory_space<vmem>>) target_semaphore(%run_scoped3A : memref<!tpu.dma_semaphore, #tpu.memory_space<semaphore_mem>>)
        tpu.wait_dma2 semaphore(%run_scoped3A : memref<!tpu.dma_semaphore, #tpu.memory_space<semaphore_mem>>) src(%arg37 : memref<16x64xf32, #tpu.memory_space<vmem_shared>>) dst(%arg27 : memref<16x64xf32, #tpu.memory_space<vmem>>)
        tpu.yield
      }) : () -> ()
      %broadcast_in_dim3A = arith.constant 0.000000e+00 : f32
      %broadcast_in_dim3A_41 = vector.broadcast %broadcast_in_dim3A : f32 to vector<16xf32>
      %broadcast_in_dim3A_42 = arith.constant 0.000000e+00 : f32
      %broadcast_in_dim3A_43 = vector.broadcast %broadcast_in_dim3A_42 : f32 to vector<16xf32>
      %broadcast_in_dim3A_44 = arith.constant 0.000000e+00 : f32
      %broadcast_in_dim3A_45 = vector.broadcast %broadcast_in_dim3A_44 : f32 to vector<16xf32>
      %broadcast_in_dim3A_46 = arith.constant 0.000000e+00 : f32
      %broadcast_in_dim3A_47 = vector.broadcast %broadcast_in_dim3A_46 : f32 to vector<16xf32>
      %get3A = arith.constant 0 : i32
      %get3A_48 = arith.index_cast %get3A : i32 to index
      %get3A_49 = arith.constant 0 : index
      %get3A_50 = tpu.vector_load %arg27[%get3A_48, %get3A_49] {strides = array<i32>} : memref<16x64xf32, #tpu.memory_space<vmem>>, vector<16xf32>,
      %add3A_51 = arith.addf %broadcast_in_dim3A_41, %get3A_50 : vector<16xf32>
      %get3A_52 = arith.constant 0 : i32
      %get3A_53 = arith.index_cast %get3A_52 : i32 to index
      %get3A_54 = arith.constant 16 : index
      %get3A_55 = tpu.vector_load %arg27[%get3A_53, %get3A_54] {strides = array<i32>} : memref<16x64xf32, #tpu.memory_space<vmem>>, vector<16xf32>,
      %add3A_56 = arith.addf %broadcast_in_dim3A_43, %get3A_55 : vector<16xf32>
      %get3A_57 = arith.constant 0 : i32
      %get3A_58 = arith.index_cast %get3A_57 : i32 to index
      %get3A_59 = arith.constant 32 : index
      %get3A_60 = tpu.vector_load %arg27[%get3A_58, %get3A_59] {strides = array<i32>} : memref<16x64xf32, #tpu.memory_space<vmem>>, vector<16xf32>,
      %add3A_61 = arith.addf %broadcast_in_dim3A_45, %get3A_60 : vector<16xf32>
      %get3A_62 = arith.constant 0 : i32
      %get3A_63 = arith.index_cast %get3A_62 : i32 to index
      %get3A_64 = arith.constant 48 : index
      %get3A_65 = tpu.vector_load %arg27[%get3A_63, %get3A_64] {strides = array<i32>} : memref<16x64xf32, #tpu.memory_space<vmem>>, vector<16xf32>,
      %add3A_66 = arith.addf %broadcast_in_dim3A_47, %get3A_65 : vector<16xf32>
      %get3A_67 = arith.constant 1 : i32
      %get3A_68 = arith.index_cast %get3A_67 : i32 to index
      %get3A_69 = arith.constant 0 : index
      %get3A_70 = tpu.vector_load %arg27[%get3A_68, %get3A_69] {strides = array<i32>} : memref<16x64xf32, #tpu.memory_space<vmem>>, vector<16xf32>,
      %add3A_71 = arith.addf %add3A_51, %get3A_70 : vector<16xf32>
      %get3A_72 = arith.constant 1 : i32
      %get3A_73 = arith.index_cast %get3A_72 : i32 to index
      %get3A_74 = arith.constant 16 : index
      %get3A_75 = tpu.vector_load %arg27[%get3A_73, %get3A_74] {strides = array<i32>} : memref<16x64xf32, #tpu.memory_space<vmem>>, vector<16xf32>,
      %add3A_76 = arith.addf %add3A_56, %get3A_75 : vector<16xf32>
      %get3A_77 = arith.constant 1 : i32
      %get3A_78 = arith.index_cast %get3A_77 : i32 to index
      %get3A_79 = arith.constant 32 : index
      %get3A_80 = tpu.vector_load %arg27[%get3A_78, %get3A_79] {strides = array<i32>} : memref<16x64xf32, #tpu.memory_space<vmem>>, vector<16xf32>,
      %add3A_81 = arith.addf %add3A_61, %get3A_80 : vector<16xf32>
      %get3A_82 = arith.constant 1 : i32
      %get3A_83 = arith.index_cast %get3A_82 : i32 to index
      %get3A_84 = arith.constant 48 : index
      %get3A_85 = tpu.vector_load %arg27[%get3A_83, %get3A_84] {strides = array<i32>} : memref<16x64xf32, #tpu.memory_space<vmem>>, vector<16xf32>,
      %add3A_86 = arith.addf %add3A_66, %get3A_85 : vector<16xf32>
      %get3A_87 = arith.constant 2 : i32
      %get3A_88 = arith.index_cast %get3A_87 : i32 to index
      %get3A_89 = arith.constant 0 : index
      %get3A_90 = tpu.vector_load %arg27[%get3A_88, %get3A_89] {strides = array<i32>} : memref<16x64xf32, #tpu.memory_space<vmem>>, vector<16xf32>,
      %add3A_91 = arith.addf %add3A_71, %get3A_90 : vector<16xf32>
      %get3A_92 = arith.constant 2 : i32
      %get3A_93 = arith.index_cast %get3A_92 : i32 to index
      %get3A_94 = arith.constant 16 : index
      %get3A_95 = tpu.vector_load %arg27[%get3A_93, %get3A_94] {strides = array<i32>} : memref<16x64xf32, #tpu.memory_space<vmem>>, vector<16xf32>,
      %add3A_96 = arith.addf %add3A_76, %get3A_95 : vector<16xf32>
      %get3A_97 = arith.constant 2 : i32
      %get3A_98 = arith.index_cast %get3A_97 : i32 to index
      %get3A_99 = arith.constant 32 : index
      %get3A_100 = tpu.vector_load %arg27[%get3A_98, %get3A_99] {strides = array<i32>} : memref<16x64xf32, #tpu.memory_space<vmem>>, vector<16xf32>,
      %add3A_101 = arith.addf %add3A_81, %get3A_100 : vector<16xf32>
      %get3A_102 = arith.constant 2 : i32
      %get3A_103 = arith.index_cast %get3A_102 : i32 to index
      %get3A_104 = arith.constant 48 : index
      %get3A_105 = tpu.vector_load %arg27[%get3A_103, %get3A_104] {strides = array<i32>} : memref<16x64xf32, #tpu.memory_space<vmem>>, vector<16xf32>,
      %add3A_106 = arith.addf %add3A_86, %get3A_105 : vector<16xf32>
      %get3A_107 = arith.constant 3 : i32
      %get3A_108 = arith.index_cast %get3A_107 : i32 to index
      %get3A_109 = arith.constant 0 : index
      %get3A_110 = tpu.vector_load %arg27[%get3A_108, %get3A_109] {strides = array<i32>} : memref<16x64xf32, #tpu.memory_space<vmem>>, vector<16xf32>,
      %add3A_111 = arith.addf %add3A_91, %get3A_110 : vector<16xf32>
      %get3A_112 = arith.constant 3 : i32
      %get3A_113 = arith.index_cast %get3A_112 : i32 to index
      %get3A_114 = arith.constant 16 : index
      %get3A_115 = tpu.vector_load %arg27[%get3A_113, %get3A_114] {strides = array<i32>} : memref<16x64xf32, #tpu.memory_space<vmem>>, vector<16xf32>,
      %add3A_116 = arith.addf %add3A_96, %get3A_115 : vector<16xf32>
      %get3A_117 = arith.constant 3 : i32
      %get3A_118 = arith.index_cast %get3A_117 : i32 to index
      %get3A_119 = arith.constant 32 : index
      %get3A_120 = tpu.vector_load %arg27[%get3A_118, %get3A_119] {strides = array<i32>} : memref<16x64xf32, #tpu.memory_space<vmem>>, vector<16xf32>,
      %add3A_121 = arith.addf %add3A_101, %get3A_120 : vector<16xf32>
      %get3A_122 = arith.constant 3 : i32
      %get3A_123 = arith.index_cast %get3A_122 : i32 to index
      %get3A_124 = arith.constant 48 : index
      %get3A_125 = tpu.vector_load %arg27[%get3A_123, %get3A_124] {strides = array<i32>} : memref<16x64xf32, #tpu.memory_space<vmem>>, vector<16xf32>,
      %add3A_126 = arith.addf %add3A_106, %get3A_125 : vector<16xf32>
      %get3A_127 = arith.constant 4 : i32
      %get3A_128 = arith.index_cast %get3A_127 : i32 to index
      %get3A_129 = arith.constant 0 : index
      %get3A_130 = tpu.vector_load %arg27[%get3A_128, %get3A_129] {strides = array<i32>} : memref<16x64xf32, #tpu.memory_space<vmem>>, vector<16xf32>,
      %add3A_131 = arith.addf %add3A_111, %get3A_130 : vector<16xf32>
      %get3A_132 = arith.constant 4 : i32
      %get3A_133 = arith.index_cast %get3A_132 : i32 to index
      %get3A_134 = arith.constant 16 : index
      %get3A_135 = tpu.vector_load %arg27[%get3A_133, %get3A_134] {strides = array<i32>} : memref<16x64xf32, #tpu.memory_space<vmem>>, vector<16xf32>,
      %add3A_136 = arith.addf %add3A_116, %get3A_135 : vector<16xf32>
      %get3A_137 = arith.constant 4 : i32
      %get3A_138 = arith.index_cast %get3A_137 : i32 to index
      %get3A_139 = arith.constant 32 : index
      %get3A_140 = tpu.vector_load %arg27[%get3A_138, %get3A_139] {strides = array<i32>} : memref<16x64xf32, #tpu.memory_space<vmem>>, vector<16xf32>,
      %add3A_141 = arith.addf %add3A_121, %get3A_140 : vector<16xf32>
      %get3A_142 = arith.constant 4 : i32
      %get3A_143 = arith.index_cast %get3A_142 : i32 to index
      %get3A_144 = arith.constant 48 : index
      %get3A_145 = tpu.vector_load %arg27[%get3A_143, %get3A_144] {strides = array<i32>} : memref<16x64xf32, #tpu.memory_space<vmem>>, vector<16xf32>,
      %add3A_146 = arith.addf %add3A_126, %get3A_145 : vector<16xf32>
      %get3A_147 = arith.constant 5 : i32
      %get3A_148 = arith.index_cast %get3A_147 : i32 to index
      %get3A_149 = arith.constant 0 : index
      %get3A_150 = tpu.vector_load %arg27[%get3A_148, %get3A_149] {strides = array<i32>} : memref<16x64xf32, #tpu.memory_space<vmem>>, vector<16xf32>,
      %add3A_151 = arith.addf %add3A_131, %get3A_150 : vector<16xf32>
      %get3A_152 = arith.constant 5 : i32
      %get3A_153 = arith.index_cast %get3A_152 : i32 to index
      %get3A_154 = arith.constant 16 : index
      %get3A_155 = tpu.vector_load %arg27[%get3A_153, %get3A_154] {strides = array<i32>} : memref<16x64xf32, #tpu.memory_space<vmem>>, vector<16xf32>,
      %add3A_156 = arith.addf %add3A_136, %get3A_155 : vector<16xf32>
      %get3A_157 = arith.constant 5 : i32
      %get3A_158 = arith.index_cast %get3A_157 : i32 to index
      %get3A_159 = arith.constant 32 : index
      %get3A_160 = tpu.vector_load %arg27[%get3A_158, %get3A_159] {strides = array<i32>} : memref<16x64xf32, #tpu.memory_space<vmem>>, vector<16xf32>,
      %add3A_161 = arith.addf %add3A_141, %get3A_160 : vector<16xf32>
      %get3A_162 = arith.constant 5 : i32
      %get3A_163 = arith.index_cast %get3A_162 : i32 to index
      %get3A_164 = arith.constant 48 : index
      %get3A_165 = tpu.vector_load %arg27[%get3A_163, %get3A_164] {strides = array<i32>} : memref<16x64xf32, #tpu.memory_space<vmem>>, vector<16xf32>,
      %add3A_166 = arith.addf %add3A_146, %get3A_165 : vector<16xf32>
      %get3A_167 = arith.constant 6 : i32
      %get3A_168 = arith.index_cast %get3A_167 : i32 to index
      %get3A_169 = arith.constant 0 : index
      %get3A_170 = tpu.vector_load %arg27[%get3A_168, %get3A_169] {strides = array<i32>} : memref<16x64xf32, #tpu.memory_space<vmem>>, vector<16xf32>,
      %add3A_171 = arith.addf %add3A_151, %get3A_170 : vector<16xf32>
      %get3A_172 = arith.constant 6 : i32
      %get3A_173 = arith.index_cast %get3A_172 : i32 to index
      %get3A_174 = arith.constant 16 : index
      %get3A_175 = tpu.vector_load %arg27[%get3A_173, %get3A_174] {strides = array<i32>} : memref<16x64xf32, #tpu.memory_space<vmem>>, vector<16xf32>,
      %add3A_176 = arith.addf %add3A_156, %get3A_175 : vector<16xf32>
      %get3A_177 = arith.constant 6 : i32
      %get3A_178 = arith.index_cast %get3A_177 : i32 to index
      %get3A_179 = arith.constant 32 : index
      %get3A_180 = tpu.vector_load %arg27[%get3A_178, %get3A_179] {strides = array<i32>} : memref<16x64xf32, #tpu.memory_space<vmem>>, vector<16xf32>,
      %add3A_181 = arith.addf %add3A_161, %get3A_180 : vector<16xf32>
      %get3A_182 = arith.constant 6 : i32
      %get3A_183 = arith.index_cast %get3A_182 : i32 to index
      %get3A_184 = arith.constant 48 : index
      %get3A_185 = tpu.vector_load %arg27[%get3A_183, %get3A_184] {strides = array<i32>} : memref<16x64xf32, #tpu.memory_space<vmem>>, vector<16xf32>,
      %add3A_186 = arith.addf %add3A_166, %get3A_185 : vector<16xf32>
      %get3A_187 = arith.constant 7 : i32
      %get3A_188 = arith.index_cast %get3A_187 : i32 to index
      %get3A_189 = arith.constant 0 : index
      %get3A_190 = tpu.vector_load %arg27[%get3A_188, %get3A_189] {strides = array<i32>} : memref<16x64xf32, #tpu.memory_space<vmem>>, vector<16xf32>,
      %add3A_191 = arith.addf %add3A_171, %get3A_190 : vector<16xf32>
      %get3A_192 = arith.constant 7 : i32
      %get3A_193 = arith.index_cast %get3A_192 : i32 to index
      %get3A_194 = arith.constant 16 : index
      %get3A_195 = tpu.vector_load %arg27[%get3A_193, %get3A_194] {strides = array<i32>} : memref<16x64xf32, #tpu.memory_space<vmem>>, vector<16xf32>,
      %add3A_196 = arith.addf %add3A_176, %get3A_195 : vector<16xf32>
      %get3A_197 = arith.constant 7 : i32
      %get3A_198 = arith.index_cast %get3A_197 : i32 to index
      %get3A_199 = arith.constant 32 : index
      %get3A_200 = tpu.vector_load %arg27[%get3A_198, %get3A_199] {strides = array<i32>} : memref<16x64xf32, #tpu.memory_space<vmem>>, vector<16xf32>,
      %add3A_201 = arith.addf %add3A_181, %get3A_200 : vector<16xf32>
      %get3A_202 = arith.constant 7 : i32
      %get3A_203 = arith.index_cast %get3A_202 : i32 to index
      %get3A_204 = arith.constant 48 : index
      %get3A_205 = tpu.vector_load %arg27[%get3A_203, %get3A_204] {strides = array<i32>} : memref<16x64xf32, #tpu.memory_space<vmem>>, vector<16xf32>,
      %add3A_206 = arith.addf %add3A_186, %get3A_205 : vector<16xf32>
      %get3A_207 = arith.constant 8 : i32
      %get3A_208 = arith.index_cast %get3A_207 : i32 to index
      %get3A_209 = arith.constant 0 : index
      %get3A_210 = tpu.vector_load %arg27[%get3A_208, %get3A_209] {strides = array<i32>} : memref<16x64xf32, #tpu.memory_space<vmem>>, vector<16xf32>,
      %add3A_211 = arith.addf %add3A_191, %get3A_210 : vector<16xf32>
      %get3A_212 = arith.constant 8 : i32
      %get3A_213 = arith.index_cast %get3A_212 : i32 to index
      %get3A_214 = arith.constant 16 : index
      %get3A_215 = tpu.vector_load %arg27[%get3A_213, %get3A_214] {strides = array<i32>} : memref<16x64xf32, #tpu.memory_space<vmem>>, vector<16xf32>,
      %add3A_216 = arith.addf %add3A_196, %get3A_215 : vector<16xf32>
      %get3A_217 = arith.constant 8 : i32
      %get3A_218 = arith.index_cast %get3A_217 : i32 to index
      %get3A_219 = arith.constant 32 : index
      %get3A_220 = tpu.vector_load %arg27[%get3A_218, %get3A_219] {strides = array<i32>} : memref<16x64xf32, #tpu.memory_space<vmem>>, vector<16xf32>,
      %add3A_221 = arith.addf %add3A_201, %get3A_220 : vector<16xf32>
      %get3A_222 = arith.constant 8 : i32
      %get3A_223 = arith.index_cast %get3A_222 : i32 to index
      %get3A_224 = arith.constant 48 : index
      %get3A_225 = tpu.vector_load %arg27[%get3A_223, %get3A_224] {strides = array<i32>} : memref<16x64xf32, #tpu.memory_space<vmem>>, vector<16xf32>,
      %add3A_226 = arith.addf %add3A_206, %get3A_225 : vector<16xf32>
      %get3A_227 = arith.constant 9 : i32
      %get3A_228 = arith.index_cast %get3A_227 : i32 to index
      %get3A_229 = arith.constant 0 : index
      %get3A_230 = tpu.vector_load %arg27[%get3A_228, %get3A_229] {strides = array<i32>} : memref<16x64xf32, #tpu.memory_space<vmem>>, vector<16xf32>,
      %add3A_231 = arith.addf %add3A_211, %get3A_230 : vector<16xf32>
      %get3A_232 = arith.constant 9 : i32
      %get3A_233 = arith.index_cast %get3A_232 : i32 to index
      %get3A_234 = arith.constant 16 : index
      %get3A_235 = tpu.vector_load %arg27[%get3A_233, %get3A_234] {strides = array<i32>} : memref<16x64xf32, #tpu.memory_space<vmem>>, vector<16xf32>,
      %add3A_236 = arith.addf %add3A_216, %get3A_235 : vector<16xf32>
      %get3A_237 = arith.constant 9 : i32
      %get3A_238 = arith.index_cast %get3A_237 : i32 to index
      %get3A_239 = arith.constant 32 : index
      %get3A_240 = tpu.vector_load %arg27[%get3A_238, %get3A_239] {strides = array<i32>} : memref<16x64xf32, #tpu.memory_space<vmem>>, vector<16xf32>,
      %add3A_241 = arith.addf %add3A_221, %get3A_240 : vector<16xf32>
      %get3A_242 = arith.constant 9 : i32
      %get3A_243 = arith.index_cast %get3A_242 : i32 to index
      %get3A_244 = arith.constant 48 : index
      %get3A_245 = tpu.vector_load %arg27[%get3A_243, %get3A_244] {strides = array<i32>} : memref<16x64xf32, #tpu.memory_space<vmem>>, vector<16xf32>,
      %add3A_246 = arith.addf %add3A_226, %get3A_245 : vector<16xf32>
      %get3A_247 = arith.constant 10 : i32
      %get3A_248 = arith.index_cast %get3A_247 : i32 to index
      %get3A_249 = arith.constant 0 : index
      %get3A_250 = tpu.vector_load %arg27[%get3A_248, %get3A_249] {strides = array<i32>} : memref<16x64xf32, #tpu.memory_space<vmem>>, vector<16xf32>,
      %add3A_251 = arith.addf %add3A_231, %get3A_250 : vector<16xf32>
      %get3A_252 = arith.constant 10 : i32
      %get3A_253 = arith.index_cast %get3A_252 : i32 to index
      %get3A_254 = arith.constant 16 : index
      %get3A_255 = tpu.vector_load %arg27[%get3A_253, %get3A_254] {strides = array<i32>} : memref<16x64xf32, #tpu.memory_space<vmem>>, vector<16xf32>,
      %add3A_256 = arith.addf %add3A_236, %get3A_255 : vector<16xf32>
      %get3A_257 = arith.constant 10 : i32
      %get3A_258 = arith.index_cast %get3A_257 : i32 to index
      %get3A_259 = arith.constant 32 : index
      %get3A_260 = tpu.vector_load %arg27[%get3A_258, %get3A_259] {strides = array<i32>} : memref<16x64xf32, #tpu.memory_space<vmem>>, vector<16xf32>,
      %add3A_261 = arith.addf %add3A_241, %get3A_260 : vector<16xf32>
      %get3A_262 = arith.constant 10 : i32
      %get3A_263 = arith.index_cast %get3A_262 : i32 to index
      %get3A_264 = arith.constant 48 : index
      %get3A_265 = tpu.vector_load %arg27[%get3A_263, %get3A_264] {strides = array<i32>} : memref<16x64xf32, #tpu.memory_space<vmem>>, vector<16xf32>,
      %add3A_266 = arith.addf %add3A_246, %get3A_265 : vector<16xf32>
      %get3A_267 = arith.constant 11 : i32
      %get3A_268 = arith.index_cast %get3A_267 : i32 to index
      %get3A_269 = arith.constant 0 : index
      %get3A_270 = tpu.vector_load %arg27[%get3A_268, %get3A_269] {strides = array<i32>} : memref<16x64xf32, #tpu.memory_space<vmem>>, vector<16xf32>,
      %add3A_271 = arith.addf %add3A_251, %get3A_270 : vector<16xf32>
      %get3A_272 = arith.constant 11 : i32
      %get3A_273 = arith.index_cast %get3A_272 : i32 to index
      %get3A_274 = arith.constant 16 : index
      %get3A_275 = tpu.vector_load %arg27[%get3A_273, %get3A_274] {strides = array<i32>} : memref<16x64xf32, #tpu.memory_space<vmem>>, vector<16xf32>,
      %add3A_276 = arith.addf %add3A_256, %get3A_275 : vector<16xf32>
      %get3A_277 = arith.constant 11 : i32
      %get3A_278 = arith.index_cast %get3A_277 : i32 to index
      %get3A_279 = arith.constant 32 : index
      %get3A_280 = tpu.vector_load %arg27[%get3A_278, %get3A_279] {strides = array<i32>} : memref<16x64xf32, #tpu.memory_space<vmem>>, vector<16xf32>,
      %add3A_281 = arith.addf %add3A_261, %get3A_280 : vector<16xf32>
      %get3A_282 = arith.constant 11 : i32
      %get3A_283 = arith.index_cast %get3A_282 : i32 to index
      %get3A_284 = arith.constant 48 : index
      %get3A_285 = tpu.vector_load %arg27[%get3A_283, %get3A_284] {strides = array<i32>} : memref<16x64xf32, #tpu.memory_space<vmem>>, vector<16xf32>,
      %add3A_286 = arith.addf %add3A_266, %get3A_285 : vector<16xf32>
      %get3A_287 = arith.constant 12 : i32
      %get3A_288 = arith.index_cast %get3A_287 : i32 to index
      %get3A_289 = arith.constant 0 : index
      %get3A_290 = tpu.vector_load %arg27[%get3A_288, %get3A_289] {strides = array<i32>} : memref<16x64xf32, #tpu.memory_space<vmem>>, vector<16xf32>,
      %add3A_291 = arith.addf %add3A_271, %get3A_290 : vector<16xf32>
      %get3A_292 = arith.constant 12 : i32
      %get3A_293 = arith.index_cast %get3A_292 : i32 to index
      %get3A_294 = arith.constant 16 : index
      %get3A_295 = tpu.vector_load %arg27[%get3A_293, %get3A_294] {strides = array<i32>} : memref<16x64xf32, #tpu.memory_space<vmem>>, vector<16xf32>,
      %add3A_296 = arith.addf %add3A_276, %get3A_295 : vector<16xf32>
      %get3A_297 = arith.constant 12 : i32
      %get3A_298 = arith.index_cast %get3A_297 : i32 to index
      %get3A_299 = arith.constant 32 : index
      %get3A_300 = tpu.vector_load %arg27[%get3A_298, %get3A_299] {strides = array<i32>} : memref<16x64xf32, #tpu.memory_space<vmem>>, vector<16xf32>,
      %add3A_301 = arith.addf %add3A_281, %get3A_300 : vector<16xf32>
      %get3A_302 = arith.constant 12 : i32
      %get3A_303 = arith.index_cast %get3A_302 : i32 to index
      %get3A_304 = arith.constant 48 : index
      %get3A_305 = tpu.vector_load %arg27[%get3A_303, %get3A_304] {strides = array<i32>} : memref<16x64xf32, #tpu.memory_space<vmem>>, vector<16xf32>,
      %add3A_306 = arith.addf %add3A_286, %get3A_305 : vector<16xf32>
      %get3A_307 = arith.constant 13 : i32
      %get3A_308 = arith.index_cast %get3A_307 : i32 to index
      %get3A_309 = arith.constant 0 : index
      %get3A_310 = tpu.vector_load %arg27[%get3A_308, %get3A_309] {strides = array<i32>} : memref<16x64xf32, #tpu.memory_space<vmem>>, vector<16xf32>,
      %add3A_311 = arith.addf %add3A_291, %get3A_310 : vector<16xf32>
      %get3A_312 = arith.constant 13 : i32
      %get3A_313 = arith.index_cast %get3A_312 : i32 to index
      %get3A_314 = arith.constant 16 : index
      %get3A_315 = tpu.vector_load %arg27[%get3A_313, %get3A_314] {strides = array<i32>} : memref<16x64xf32, #tpu.memory_space<vmem>>, vector<16xf32>,
      %add3A_316 = arith.addf %add3A_296, %get3A_315 : vector<16xf32>
      %get3A_317 = arith.constant 13 : i32
      %get3A_318 = arith.index_cast %get3A_317 : i32 to index
      %get3A_319 = arith.constant 32 : index
      %get3A_320 = tpu.vector_load %arg27[%get3A_318, %get3A_319] {strides = array<i32>} : memref<16x64xf32, #tpu.memory_space<vmem>>, vector<16xf32>,
      %add3A_321 = arith.addf %add3A_301, %get3A_320 : vector<16xf32>
      %get3A_322 = arith.constant 13 : i32
      %get3A_323 = arith.index_cast %get3A_322 : i32 to index
      %get3A_324 = arith.constant 48 : index
      %get3A_325 = tpu.vector_load %arg27[%get3A_323, %get3A_324] {strides = array<i32>} : memref<16x64xf32, #tpu.memory_space<vmem>>, vector<16xf32>,
      %add3A_326 = arith.addf %add3A_306, %get3A_325 : vector<16xf32>
      %get3A_327 = arith.constant 14 : i32
      %get3A_328 = arith.index_cast %get3A_327 : i32 to index
      %get3A_329 = arith.constant 0 : index
      %get3A_330 = tpu.vector_load %arg27[%get3A_328, %get3A_329] {strides = array<i32>} : memref<16x64xf32, #tpu.memory_space<vmem>>, vector<16xf32>,
      %add3A_331 = arith.addf %add3A_311, %get3A_330 : vector<16xf32>
      %get3A_332 = arith.constant 14 : i32
      %get3A_333 = arith.index_cast %get3A_332 : i32 to index
      %get3A_334 = arith.constant 16 : index
      %get3A_335 = tpu.vector_load %arg27[%get3A_333, %get3A_334] {strides = array<i32>} : memref<16x64xf32, #tpu.memory_space<vmem>>, vector<16xf32>,
      %add3A_336 = arith.addf %add3A_316, %get3A_335 : vector<16xf32>
      %get3A_337 = arith.constant 14 : i32
      %get3A_338 = arith.index_cast %get3A_337 : i32 to index
      %get3A_339 = arith.constant 32 : index
      %get3A_340 = tpu.vector_load %arg27[%get3A_338, %get3A_339] {strides = array<i32>} : memref<16x64xf32, #tpu.memory_space<vmem>>, vector<16xf32>,
      %add3A_341 = arith.addf %add3A_321, %get3A_340 : vector<16xf32>
      %get3A_342 = arith.constant 14 : i32
      %get3A_343 = arith.index_cast %get3A_342 : i32 to index
      %get3A_344 = arith.constant 48 : index
      %get3A_345 = tpu.vector_load %arg27[%get3A_343, %get3A_344] {strides = array<i32>} : memref<16x64xf32, #tpu.memory_space<vmem>>, vector<16xf32>,
      %add3A_346 = arith.addf %add3A_326, %get3A_345 : vector<16xf32>
      %get3A_347 = arith.constant 15 : i32
      %get3A_348 = arith.index_cast %get3A_347 : i32 to index
      %get3A_349 = arith.constant 0 : index
      %get3A_350 = tpu.vector_load %arg27[%get3A_348, %get3A_349] {strides = array<i32>} : memref<16x64xf32, #tpu.memory_space<vmem>>, vector<16xf32>,
      %add3A_351 = arith.addf %add3A_331, %get3A_350 : vector<16xf32>
      %get3A_352 = arith.constant 15 : i32
      %get3A_353 = arith.index_cast %get3A_352 : i32 to index
      %get3A_354 = arith.constant 16 : index
      %get3A_355 = tpu.vector_load %arg27[%get3A_353, %get3A_354] {strides = array<i32>} : memref<16x64xf32, #tpu.memory_space<vmem>>, vector<16xf32>,
      %add3A_356 = arith.addf %add3A_336, %get3A_355 : vector<16xf32>
      %get3A_357 = arith.constant 15 : i32
      %get3A_358 = arith.index_cast %get3A_357 : i32 to index
      %get3A_359 = arith.constant 32 : index
      %get3A_360 = tpu.vector_load %arg27[%get3A_358, %get3A_359] {strides = array<i32>} : memref<16x64xf32, #tpu.memory_space<vmem>>, vector<16xf32>,
      %add3A_361 = arith.addf %add3A_341, %get3A_360 : vector<16xf32>
      %get3A_362 = arith.constant 15 : i32
      %get3A_363 = arith.index_cast %get3A_362 : i32 to index
      %get3A_364 = arith.constant 48 : index
      %get3A_365 = tpu.vector_load %arg27[%get3A_363, %get3A_364] {strides = array<i32>} : memref<16x64xf32, #tpu.memory_space<vmem>>, vector<16xf32>,
      %add3A_366 = arith.addf %add3A_346, %get3A_365 : vector<16xf32>
      %semaphore_wait3A = arith.constant 1 : i32
      %semaphore_wait3A_367 = arith.constant true
      tpu.sem_wait %arg42, %semaphore_wait3A : memref<!tpu.semaphore, #tpu.memory_space<semaphore_mem>>
      "tpu.region"() ({
        %run_scoped3A = tpu.sem_alloc : memref<!tpu.dma_semaphore, #tpu.memory_space<semaphore_mem>>
        tpu.enqueue_dma source(%arg14 : memref<64xf32, #tpu.memory_space<hbm>>) target(%arg28 : memref<64xf32, #tpu.memory_space<vmem>>) target_semaphore(%run_scoped3A : memref<!tpu.dma_semaphore, #tpu.memory_space<semaphore_mem>>)
        tpu.wait_dma2 semaphore(%run_scoped3A : memref<!tpu.dma_semaphore, #tpu.memory_space<semaphore_mem>>) src(%arg14 : memref<64xf32, #tpu.memory_space<hbm>>) dst(%arg28 : memref<64xf32, #tpu.memory_space<vmem>>)
        tpu.yield
      }) : () -> ()
      %get3A_368 = arith.constant 0 : index
      %get3A_369 = tpu.vector_load %arg28[%get3A_368] {strides = array<i32>} : memref<64xf32, #tpu.memory_space<vmem>>, vector<16xf32>,
      %add3A_370 = arith.addf %add3A_351, %get3A_369 : vector<16xf32>
      %max3A = arith.constant 0.000000e+00 : f32
      %max3A_371 = vector.broadcast %max3A : f32 to vector<16xf32>
      %max3A_372 = arith.maximumf %add3A_370, %max3A_371 : vector<16xf32>
      %swap3A = arith.constant 0 : index
      %swap3A_373 = tpu.vector_load %arg35[%swap3A] {strides = array<i32>} : memref<64xf32, #tpu.memory_space<vmem>>, vector<16xf32>,
      tpu.vector_store %arg35[%swap3A], %max3A_372 {strides = array<i32>} : memref<64xf32, #tpu.memory_space<vmem>>, vector<16xf32>,
      %get3A_374 = arith.constant 16 : index
      %get3A_375 = tpu.vector_load %arg28[%get3A_374] {strides = array<i32>} : memref<64xf32, #tpu.memory_space<vmem>>, vector<16xf32>,
      %add3A_376 = arith.addf %add3A_356, %get3A_375 : vector<16xf32>
      %max3A_377 = arith.constant 0.000000e+00 : f32
      %max3A_378 = vector.broadcast %max3A_377 : f32 to vector<16xf32>
      %max3A_379 = arith.maximumf %add3A_376, %max3A_378 : vector<16xf32>
      %swap3A_380 = arith.constant 16 : index
      %swap3A_381 = tpu.vector_load %arg35[%swap3A_380] {strides = array<i32>} : memref<64xf32, #tpu.memory_space<vmem>>, vector<16xf32>,
      tpu.vector_store %arg35[%swap3A_380], %max3A_379 {strides = array<i32>} : memref<64xf32, #tpu.memory_space<vmem>>, vector<16xf32>,
      %get3A_382 = arith.constant 32 : index
      %get3A_383 = tpu.vector_load %arg28[%get3A_382] {strides = array<i32>} : memref<64xf32, #tpu.memory_space<vmem>>, vector<16xf32>,
      %add3A_384 = arith.addf %add3A_361, %get3A_383 : vector<16xf32>
      %max3A_385 = arith.constant 0.000000e+00 : f32
      %max3A_386 = vector.broadcast %max3A_385 : f32 to vector<16xf32>
      %max3A_387 = arith.maximumf %add3A_384, %max3A_386 : vector<16xf32>
      %swap3A_388 = arith.constant 32 : index
      %swap3A_389 = tpu.vector_load %arg35[%swap3A_388] {strides = array<i32>} : memref<64xf32, #tpu.memory_space<vmem>>, vector<16xf32>,
      tpu.vector_store %arg35[%swap3A_388], %max3A_387 {strides = array<i32>} : memref<64xf32, #tpu.memory_space<vmem>>, vector<16xf32>,
      %get3A_390 = arith.constant 48 : index
      %get3A_391 = tpu.vector_load %arg28[%get3A_390] {strides = array<i32>} : memref<64xf32, #tpu.memory_space<vmem>>, vector<16xf32>,
      %add3A_392 = arith.addf %add3A_366, %get3A_391 : vector<16xf32>
      %max3A_393 = arith.constant 0.000000e+00 : f32
      %max3A_394 = vector.broadcast %max3A_393 : f32 to vector<16xf32>
      %max3A_395 = arith.maximumf %add3A_392, %max3A_394 : vector<16xf32>
      %swap3A_396 = arith.constant 48 : index
      %swap3A_397 = tpu.vector_load %arg35[%swap3A_396] {strides = array<i32>} : memref<64xf32, #tpu.memory_space<vmem>>, vector<16xf32>,
      tpu.vector_store %arg35[%swap3A_396], %max3A_395 {strides = array<i32>} : memref<64xf32, #tpu.memory_space<vmem>>, vector<16xf32>,
      tpu.wait_dma2 semaphore(%arg41 : memref<!tpu.dma_semaphore, #tpu.memory_space<semaphore_mem>>) src(%arg9 : memref<32x64xf32, #tpu.memory_space<hbm>>) dst(%arg31 : memref<32x64xf32, #tpu.memory_space<vmem>>)
      tpu.wait_dma2 semaphore(%arg41 : memref<!tpu.dma_semaphore, #tpu.memory_space<semaphore_mem>>) src(%arg10 : memref<32xf32, #tpu.memory_space<hbm>>) dst(%arg32 : memref<32xf32, #tpu.memory_space<vmem>>)
      tpu.wait_dma2 semaphore(%arg41 : memref<!tpu.dma_semaphore, #tpu.memory_space<semaphore_mem>>) src(%arg11 : memref<1x32xf32, #tpu.memory_space<hbm>>) dst(%arg33 : memref<1x32xf32, #tpu.memory_space<vmem>>)
      %dma_wait3A = arith.constant 0 : i32
      %dma_wait3A_398 = tpu.memref_slice %arg34[%dma_wait3A] : memref<16xf32, #tpu.memory_space<vmem>> -> memref<1xf32, #tpu.memory_space<vmem>>
      %dma_wait3A_399 = arith.constant 0 : i32
      %dma_wait3A_400 = tpu.memref_slice %arg34[%dma_wait3A_399] : memref<16xf32, #tpu.memory_space<vmem>> -> memref<1xf32, #tpu.memory_space<vmem>>
      tpu.wait_dma2 semaphore(%arg41 : memref<!tpu.dma_semaphore, #tpu.memory_space<semaphore_mem>>) src(%arg12 : memref<1xf32, #tpu.memory_space<hbm>>) dst(%dma_wait3A_400 : memref<1xf32, #tpu.memory_space<vmem>>)
      %get3A_401 = arith.constant 0 : index
      %get3A_402 = tpu.vector_load %arg32[%get3A_401] {strides = array<i32>} : memref<32xf32, #tpu.memory_space<vmem>>, vector<16xf32>,
      %get3A_403 = arith.constant 16 : index
      %get3A_404 = tpu.vector_load %arg32[%get3A_403] {strides = array<i32>} : memref<32xf32, #tpu.memory_space<vmem>>, vector<16xf32>,
      %scan3A = arith.constant 0 : i32
      %scan3A_405 = arith.constant 4 : i32
      %scan3A_406 = arith.addi %scan3A, %scan3A_405 : i32
      %scan3A_407 = arith.constant 1 : i32
      %scan3A_408:2 = scf.for %scan3A_487 = %scan3A to %scan3A_406 step %scan3A_407 iter_args(%scan3A_488 = %get3A_402, %scan3A_489 = %get3A_404) -> (vector<16xf32>, vector<16xf32>)  : i32 {
        %mul3A_490 = arith.constant 16 : i32
        %mul3A_491 = arith.muli %scan3A_487, %mul3A_490 : i32
        %get3A_492 = arith.index_cast %mul3A_491 : i32 to index
        %get3A_493 = tpu.vector_load %arg35[%get3A_492] {strides = array<i32>} : memref<64xf32, #tpu.memory_space<vmem>>, vector<16xf32>,
        %slice3A_494 = vector.extract_strided_slice %get3A_493 {offsets = [0], sizes = [1], strides = [1]} : vector<16xf32> to vector<1xf32>
        %squeeze3A_495 = vector.extract %slice3A_494[0] : f32 from vector<1xf32>
        %mul3A_496 = arith.constant 16 : i32
        %mul3A_497 = arith.muli %scan3A_487, %mul3A_496 : i32
        %add3A_498 = arith.constant 0 : i32
        %add3A_499 = arith.addi %mul3A_497, %add3A_498 : i32
        %broadcast_in_dim3A_500 = vector.broadcast %add3A_499 : i32 to vector<16xi32>
        %add3A_501 = arith.constant 0 : i32
        %add3A_502 = vector.broadcast %add3A_501 : i32 to vector<16xi32>
        %add3A_503 = arith.addi %iota3A, %add3A_502 : vector<16xi32>
        %gather3A = tpu.vector_load_idx %arg31[%add3A_503, %broadcast_in_dim3A_500] : memref<32x64xf32, #tpu.memory_space<vmem>>[vector<16xi32>, vector<16xi32>], vector<16xf32>,
        %mul3A_504 = vector.broadcast %squeeze3A_495 : f32 to vector<16xf32>
        %mul3A_505 = arith.mulf %mul3A_504, %gather3A : vector<16xf32>
        %add3A_506 = arith.addf %scan3A_488, %mul3A_505 : vector<16xf32>
        %add3A_507 = arith.constant 16 : i32
        %add3A_508 = vector.broadcast %add3A_507 : i32 to vector<16xi32>
        %add3A_509 = arith.addi %iota3A, %add3A_508 : vector<16xi32>
        %gather3A_510 = tpu.vector_load_idx %arg31[%add3A_509, %broadcast_in_dim3A_500] : memref<32x64xf32, #tpu.memory_space<vmem>>[vector<16xi32>, vector<16xi32>], vector<16xf32>,
        %mul3A_511 = vector.broadcast %squeeze3A_495 : f32 to vector<16xf32>
        %mul3A_512 = arith.mulf %mul3A_511, %gather3A_510 : vector<16xf32>
        %add3A_513 = arith.addf %scan3A_489, %mul3A_512 : vector<16xf32>
        %slice3A_514 = vector.extract_strided_slice %get3A_493 {offsets = [1], sizes = [1], strides = [1]} : vector<16xf32> to vector<1xf32>
        %squeeze3A_515 = vector.extract %slice3A_514[0] : f32 from vector<1xf32>
        %mul3A_516 = arith.constant 16 : i32
        %mul3A_517 = arith.muli %scan3A_487, %mul3A_516 : i32
        %add3A_518 = arith.constant 1 : i32
        %add3A_519 = arith.addi %mul3A_517, %add3A_518 : i32
        %broadcast_in_dim3A_520 = vector.broadcast %add3A_519 : i32 to vector<16xi32>
        %add3A_521 = arith.constant 0 : i32
        %add3A_522 = vector.broadcast %add3A_521 : i32 to vector<16xi32>
        %add3A_523 = arith.addi %iota3A, %add3A_522 : vector<16xi32>
        %gather3A_524 = tpu.vector_load_idx %arg31[%add3A_523, %broadcast_in_dim3A_520] : memref<32x64xf32, #tpu.memory_space<vmem>>[vector<16xi32>, vector<16xi32>], vector<16xf32>,
        %mul3A_525 = vector.broadcast %squeeze3A_515 : f32 to vector<16xf32>
        %mul3A_526 = arith.mulf %mul3A_525, %gather3A_524 : vector<16xf32>
        %add3A_527 = arith.addf %add3A_506, %mul3A_526 : vector<16xf32>
        %add3A_528 = arith.constant 16 : i32
        %add3A_529 = vector.broadcast %add3A_528 : i32 to vector<16xi32>
        %add3A_530 = arith.addi %iota3A, %add3A_529 : vector<16xi32>
        %gather3A_531 = tpu.vector_load_idx %arg31[%add3A_530, %broadcast_in_dim3A_520] : memref<32x64xf32, #tpu.memory_space<vmem>>[vector<16xi32>, vector<16xi32>], vector<16xf32>,
        %mul3A_532 = vector.broadcast %squeeze3A_515 : f32 to vector<16xf32>
        %mul3A_533 = arith.mulf %mul3A_532, %gather3A_531 : vector<16xf32>
        %add3A_534 = arith.addf %add3A_513, %mul3A_533 : vector<16xf32>
        %slice3A_535 = vector.extract_strided_slice %get3A_493 {offsets = [2], sizes = [1], strides = [1]} : vector<16xf32> to vector<1xf32>
        %squeeze3A_536 = vector.extract %slice3A_535[0] : f32 from vector<1xf32>
        %mul3A_537 = arith.constant 16 : i32
        %mul3A_538 = arith.muli %scan3A_487, %mul3A_537 : i32
        %add3A_539 = arith.constant 2 : i32
        %add3A_540 = arith.addi %mul3A_538, %add3A_539 : i32
        %broadcast_in_dim3A_541 = vector.broadcast %add3A_540 : i32 to vector<16xi32>
        %add3A_542 = arith.constant 0 : i32
        %add3A_543 = vector.broadcast %add3A_542 : i32 to vector<16xi32>
        %add3A_544 = arith.addi %iota3A, %add3A_543 : vector<16xi32>
        %gather3A_545 = tpu.vector_load_idx %arg31[%add3A_544, %broadcast_in_dim3A_541] : memref<32x64xf32, #tpu.memory_space<vmem>>[vector<16xi32>, vector<16xi32>], vector<16xf32>,
        %mul3A_546 = vector.broadcast %squeeze3A_536 : f32 to vector<16xf32>
        %mul3A_547 = arith.mulf %mul3A_546, %gather3A_545 : vector<16xf32>
        %add3A_548 = arith.addf %add3A_527, %mul3A_547 : vector<16xf32>
        %add3A_549 = arith.constant 16 : i32
        %add3A_550 = vector.broadcast %add3A_549 : i32 to vector<16xi32>
        %add3A_551 = arith.addi %iota3A, %add3A_550 : vector<16xi32>
        %gather3A_552 = tpu.vector_load_idx %arg31[%add3A_551, %broadcast_in_dim3A_541] : memref<32x64xf32, #tpu.memory_space<vmem>>[vector<16xi32>, vector<16xi32>], vector<16xf32>,
        %mul3A_553 = vector.broadcast %squeeze3A_536 : f32 to vector<16xf32>
        %mul3A_554 = arith.mulf %mul3A_553, %gather3A_552 : vector<16xf32>
        %add3A_555 = arith.addf %add3A_534, %mul3A_554 : vector<16xf32>
        %slice3A_556 = vector.extract_strided_slice %get3A_493 {offsets = [3], sizes = [1], strides = [1]} : vector<16xf32> to vector<1xf32>
        %squeeze3A_557 = vector.extract %slice3A_556[0] : f32 from vector<1xf32>
        %mul3A_558 = arith.constant 16 : i32
        %mul3A_559 = arith.muli %scan3A_487, %mul3A_558 : i32
        %add3A_560 = arith.constant 3 : i32
        %add3A_561 = arith.addi %mul3A_559, %add3A_560 : i32
        %broadcast_in_dim3A_562 = vector.broadcast %add3A_561 : i32 to vector<16xi32>
        %add3A_563 = arith.constant 0 : i32
        %add3A_564 = vector.broadcast %add3A_563 : i32 to vector<16xi32>
        %add3A_565 = arith.addi %iota3A, %add3A_564 : vector<16xi32>
        %gather3A_566 = tpu.vector_load_idx %arg31[%add3A_565, %broadcast_in_dim3A_562] : memref<32x64xf32, #tpu.memory_space<vmem>>[vector<16xi32>, vector<16xi32>], vector<16xf32>,
        %mul3A_567 = vector.broadcast %squeeze3A_557 : f32 to vector<16xf32>
        %mul3A_568 = arith.mulf %mul3A_567, %gather3A_566 : vector<16xf32>
        %add3A_569 = arith.addf %add3A_548, %mul3A_568 : vector<16xf32>
        %add3A_570 = arith.constant 16 : i32
        %add3A_571 = vector.broadcast %add3A_570 : i32 to vector<16xi32>
        %add3A_572 = arith.addi %iota3A, %add3A_571 : vector<16xi32>
        %gather3A_573 = tpu.vector_load_idx %arg31[%add3A_572, %broadcast_in_dim3A_562] : memref<32x64xf32, #tpu.memory_space<vmem>>[vector<16xi32>, vector<16xi32>], vector<16xf32>,
        %mul3A_574 = vector.broadcast %squeeze3A_557 : f32 to vector<16xf32>
        %mul3A_575 = arith.mulf %mul3A_574, %gather3A_573 : vector<16xf32>
        %add3A_576 = arith.addf %add3A_555, %mul3A_575 : vector<16xf32>
        %slice3A_577 = vector.extract_strided_slice %get3A_493 {offsets = [4], sizes = [1], strides = [1]} : vector<16xf32> to vector<1xf32>
        %squeeze3A_578 = vector.extract %slice3A_577[0] : f32 from vector<1xf32>
        %mul3A_579 = arith.constant 16 : i32
        %mul3A_580 = arith.muli %scan3A_487, %mul3A_579 : i32
        %add3A_581 = arith.constant 4 : i32
        %add3A_582 = arith.addi %mul3A_580, %add3A_581 : i32
        %broadcast_in_dim3A_583 = vector.broadcast %add3A_582 : i32 to vector<16xi32>
        %add3A_584 = arith.constant 0 : i32
        %add3A_585 = vector.broadcast %add3A_584 : i32 to vector<16xi32>
        %add3A_586 = arith.addi %iota3A, %add3A_585 : vector<16xi32>
        %gather3A_587 = tpu.vector_load_idx %arg31[%add3A_586, %broadcast_in_dim3A_583] : memref<32x64xf32, #tpu.memory_space<vmem>>[vector<16xi32>, vector<16xi32>], vector<16xf32>,
        %mul3A_588 = vector.broadcast %squeeze3A_578 : f32 to vector<16xf32>
        %mul3A_589 = arith.mulf %mul3A_588, %gather3A_587 : vector<16xf32>
        %add3A_590 = arith.addf %add3A_569, %mul3A_589 : vector<16xf32>
        %add3A_591 = arith.constant 16 : i32
        %add3A_592 = vector.broadcast %add3A_591 : i32 to vector<16xi32>
        %add3A_593 = arith.addi %iota3A, %add3A_592 : vector<16xi32>
        %gather3A_594 = tpu.vector_load_idx %arg31[%add3A_593, %broadcast_in_dim3A_583] : memref<32x64xf32, #tpu.memory_space<vmem>>[vector<16xi32>, vector<16xi32>], vector<16xf32>,
        %mul3A_595 = vector.broadcast %squeeze3A_578 : f32 to vector<16xf32>
        %mul3A_596 = arith.mulf %mul3A_595, %gather3A_594 : vector<16xf32>
        %add3A_597 = arith.addf %add3A_576, %mul3A_596 : vector<16xf32>
        %slice3A_598 = vector.extract_strided_slice %get3A_493 {offsets = [5], sizes = [1], strides = [1]} : vector<16xf32> to vector<1xf32>
        %squeeze3A_599 = vector.extract %slice3A_598[0] : f32 from vector<1xf32>
        %mul3A_600 = arith.constant 16 : i32
        %mul3A_601 = arith.muli %scan3A_487, %mul3A_600 : i32
        %add3A_602 = arith.constant 5 : i32
        %add3A_603 = arith.addi %mul3A_601, %add3A_602 : i32
        %broadcast_in_dim3A_604 = vector.broadcast %add3A_603 : i32 to vector<16xi32>
        %add3A_605 = arith.constant 0 : i32
        %add3A_606 = vector.broadcast %add3A_605 : i32 to vector<16xi32>
        %add3A_607 = arith.addi %iota3A, %add3A_606 : vector<16xi32>
        %gather3A_608 = tpu.vector_load_idx %arg31[%add3A_607, %broadcast_in_dim3A_604] : memref<32x64xf32, #tpu.memory_space<vmem>>[vector<16xi32>, vector<16xi32>], vector<16xf32>,
        %mul3A_609 = vector.broadcast %squeeze3A_599 : f32 to vector<16xf32>
        %mul3A_610 = arith.mulf %mul3A_609, %gather3A_608 : vector<16xf32>
        %add3A_611 = arith.addf %add3A_590, %mul3A_610 : vector<16xf32>
        %add3A_612 = arith.constant 16 : i32
        %add3A_613 = vector.broadcast %add3A_612 : i32 to vector<16xi32>
        %add3A_614 = arith.addi %iota3A, %add3A_613 : vector<16xi32>
        %gather3A_615 = tpu.vector_load_idx %arg31[%add3A_614, %broadcast_in_dim3A_604] : memref<32x64xf32, #tpu.memory_space<vmem>>[vector<16xi32>, vector<16xi32>], vector<16xf32>,
        %mul3A_616 = vector.broadcast %squeeze3A_599 : f32 to vector<16xf32>
        %mul3A_617 = arith.mulf %mul3A_616, %gather3A_615 : vector<16xf32>
        %add3A_618 = arith.addf %add3A_597, %mul3A_617 : vector<16xf32>
        %slice3A_619 = vector.extract_strided_slice %get3A_493 {offsets = [6], sizes = [1], strides = [1]} : vector<16xf32> to vector<1xf32>
        %squeeze3A_620 = vector.extract %slice3A_619[0] : f32 from vector<1xf32>
        %mul3A_621 = arith.constant 16 : i32
        %mul3A_622 = arith.muli %scan3A_487, %mul3A_621 : i32
        %add3A_623 = arith.constant 6 : i32
        %add3A_624 = arith.addi %mul3A_622, %add3A_623 : i32
        %broadcast_in_dim3A_625 = vector.broadcast %add3A_624 : i32 to vector<16xi32>
        %add3A_626 = arith.constant 0 : i32
        %add3A_627 = vector.broadcast %add3A_626 : i32 to vector<16xi32>
        %add3A_628 = arith.addi %iota3A, %add3A_627 : vector<16xi32>
        %gather3A_629 = tpu.vector_load_idx %arg31[%add3A_628, %broadcast_in_dim3A_625] : memref<32x64xf32, #tpu.memory_space<vmem>>[vector<16xi32>, vector<16xi32>], vector<16xf32>,
        %mul3A_630 = vector.broadcast %squeeze3A_620 : f32 to vector<16xf32>
        %mul3A_631 = arith.mulf %mul3A_630, %gather3A_629 : vector<16xf32>
        %add3A_632 = arith.addf %add3A_611, %mul3A_631 : vector<16xf32>
        %add3A_633 = arith.constant 16 : i32
        %add3A_634 = vector.broadcast %add3A_633 : i32 to vector<16xi32>
        %add3A_635 = arith.addi %iota3A, %add3A_634 : vector<16xi32>
        %gather3A_636 = tpu.vector_load_idx %arg31[%add3A_635, %broadcast_in_dim3A_625] : memref<32x64xf32, #tpu.memory_space<vmem>>[vector<16xi32>, vector<16xi32>], vector<16xf32>,
        %mul3A_637 = vector.broadcast %squeeze3A_620 : f32 to vector<16xf32>
        %mul3A_638 = arith.mulf %mul3A_637, %gather3A_636 : vector<16xf32>
        %add3A_639 = arith.addf %add3A_618, %mul3A_638 : vector<16xf32>
        %slice3A_640 = vector.extract_strided_slice %get3A_493 {offsets = [7], sizes = [1], strides = [1]} : vector<16xf32> to vector<1xf32>
        %squeeze3A_641 = vector.extract %slice3A_640[0] : f32 from vector<1xf32>
        %mul3A_642 = arith.constant 16 : i32
        %mul3A_643 = arith.muli %scan3A_487, %mul3A_642 : i32
        %add3A_644 = arith.constant 7 : i32
        %add3A_645 = arith.addi %mul3A_643, %add3A_644 : i32
        %broadcast_in_dim3A_646 = vector.broadcast %add3A_645 : i32 to vector<16xi32>
        %add3A_647 = arith.constant 0 : i32
        %add3A_648 = vector.broadcast %add3A_647 : i32 to vector<16xi32>
        %add3A_649 = arith.addi %iota3A, %add3A_648 : vector<16xi32>
        %gather3A_650 = tpu.vector_load_idx %arg31[%add3A_649, %broadcast_in_dim3A_646] : memref<32x64xf32, #tpu.memory_space<vmem>>[vector<16xi32>, vector<16xi32>], vector<16xf32>,
        %mul3A_651 = vector.broadcast %squeeze3A_641 : f32 to vector<16xf32>
        %mul3A_652 = arith.mulf %mul3A_651, %gather3A_650 : vector<16xf32>
        %add3A_653 = arith.addf %add3A_632, %mul3A_652 : vector<16xf32>
        %add3A_654 = arith.constant 16 : i32
        %add3A_655 = vector.broadcast %add3A_654 : i32 to vector<16xi32>
        %add3A_656 = arith.addi %iota3A, %add3A_655 : vector<16xi32>
        %gather3A_657 = tpu.vector_load_idx %arg31[%add3A_656, %broadcast_in_dim3A_646] : memref<32x64xf32, #tpu.memory_space<vmem>>[vector<16xi32>, vector<16xi32>], vector<16xf32>,
        %mul3A_658 = vector.broadcast %squeeze3A_641 : f32 to vector<16xf32>
        %mul3A_659 = arith.mulf %mul3A_658, %gather3A_657 : vector<16xf32>
        %add3A_660 = arith.addf %add3A_639, %mul3A_659 : vector<16xf32>
        %slice3A_661 = vector.extract_strided_slice %get3A_493 {offsets = [8], sizes = [1], strides = [1]} : vector<16xf32> to vector<1xf32>
        %squeeze3A_662 = vector.extract %slice3A_661[0] : f32 from vector<1xf32>
        %mul3A_663 = arith.constant 16 : i32
        %mul3A_664 = arith.muli %scan3A_487, %mul3A_663 : i32
        %add3A_665 = arith.constant 8 : i32
        %add3A_666 = arith.addi %mul3A_664, %add3A_665 : i32
        %broadcast_in_dim3A_667 = vector.broadcast %add3A_666 : i32 to vector<16xi32>
        %add3A_668 = arith.constant 0 : i32
        %add3A_669 = vector.broadcast %add3A_668 : i32 to vector<16xi32>
        %add3A_670 = arith.addi %iota3A, %add3A_669 : vector<16xi32>
        %gather3A_671 = tpu.vector_load_idx %arg31[%add3A_670, %broadcast_in_dim3A_667] : memref<32x64xf32, #tpu.memory_space<vmem>>[vector<16xi32>, vector<16xi32>], vector<16xf32>,
        %mul3A_672 = vector.broadcast %squeeze3A_662 : f32 to vector<16xf32>
        %mul3A_673 = arith.mulf %mul3A_672, %gather3A_671 : vector<16xf32>
        %add3A_674 = arith.addf %add3A_653, %mul3A_673 : vector<16xf32>
        %add3A_675 = arith.constant 16 : i32
        %add3A_676 = vector.broadcast %add3A_675 : i32 to vector<16xi32>
        %add3A_677 = arith.addi %iota3A, %add3A_676 : vector<16xi32>
        %gather3A_678 = tpu.vector_load_idx %arg31[%add3A_677, %broadcast_in_dim3A_667] : memref<32x64xf32, #tpu.memory_space<vmem>>[vector<16xi32>, vector<16xi32>], vector<16xf32>,
        %mul3A_679 = vector.broadcast %squeeze3A_662 : f32 to vector<16xf32>
        %mul3A_680 = arith.mulf %mul3A_679, %gather3A_678 : vector<16xf32>
        %add3A_681 = arith.addf %add3A_660, %mul3A_680 : vector<16xf32>
        %slice3A_682 = vector.extract_strided_slice %get3A_493 {offsets = [9], sizes = [1], strides = [1]} : vector<16xf32> to vector<1xf32>
        %squeeze3A_683 = vector.extract %slice3A_682[0] : f32 from vector<1xf32>
        %mul3A_684 = arith.constant 16 : i32
        %mul3A_685 = arith.muli %scan3A_487, %mul3A_684 : i32
        %add3A_686 = arith.constant 9 : i32
        %add3A_687 = arith.addi %mul3A_685, %add3A_686 : i32
        %broadcast_in_dim3A_688 = vector.broadcast %add3A_687 : i32 to vector<16xi32>
        %add3A_689 = arith.constant 0 : i32
        %add3A_690 = vector.broadcast %add3A_689 : i32 to vector<16xi32>
        %add3A_691 = arith.addi %iota3A, %add3A_690 : vector<16xi32>
        %gather3A_692 = tpu.vector_load_idx %arg31[%add3A_691, %broadcast_in_dim3A_688] : memref<32x64xf32, #tpu.memory_space<vmem>>[vector<16xi32>, vector<16xi32>], vector<16xf32>,
        %mul3A_693 = vector.broadcast %squeeze3A_683 : f32 to vector<16xf32>
        %mul3A_694 = arith.mulf %mul3A_693, %gather3A_692 : vector<16xf32>
        %add3A_695 = arith.addf %add3A_674, %mul3A_694 : vector<16xf32>
        %add3A_696 = arith.constant 16 : i32
        %add3A_697 = vector.broadcast %add3A_696 : i32 to vector<16xi32>
        %add3A_698 = arith.addi %iota3A, %add3A_697 : vector<16xi32>
        %gather3A_699 = tpu.vector_load_idx %arg31[%add3A_698, %broadcast_in_dim3A_688] : memref<32x64xf32, #tpu.memory_space<vmem>>[vector<16xi32>, vector<16xi32>], vector<16xf32>,
        %mul3A_700 = vector.broadcast %squeeze3A_683 : f32 to vector<16xf32>
        %mul3A_701 = arith.mulf %mul3A_700, %gather3A_699 : vector<16xf32>
        %add3A_702 = arith.addf %add3A_681, %mul3A_701 : vector<16xf32>
        %slice3A_703 = vector.extract_strided_slice %get3A_493 {offsets = [10], sizes = [1], strides = [1]} : vector<16xf32> to vector<1xf32>
        %squeeze3A_704 = vector.extract %slice3A_703[0] : f32 from vector<1xf32>
        %mul3A_705 = arith.constant 16 : i32
        %mul3A_706 = arith.muli %scan3A_487, %mul3A_705 : i32
        %add3A_707 = arith.constant 10 : i32
        %add3A_708 = arith.addi %mul3A_706, %add3A_707 : i32
        %broadcast_in_dim3A_709 = vector.broadcast %add3A_708 : i32 to vector<16xi32>
        %add3A_710 = arith.constant 0 : i32
        %add3A_711 = vector.broadcast %add3A_710 : i32 to vector<16xi32>
        %add3A_712 = arith.addi %iota3A, %add3A_711 : vector<16xi32>
        %gather3A_713 = tpu.vector_load_idx %arg31[%add3A_712, %broadcast_in_dim3A_709] : memref<32x64xf32, #tpu.memory_space<vmem>>[vector<16xi32>, vector<16xi32>], vector<16xf32>,
        %mul3A_714 = vector.broadcast %squeeze3A_704 : f32 to vector<16xf32>
        %mul3A_715 = arith.mulf %mul3A_714, %gather3A_713 : vector<16xf32>
        %add3A_716 = arith.addf %add3A_695, %mul3A_715 : vector<16xf32>
        %add3A_717 = arith.constant 16 : i32
        %add3A_718 = vector.broadcast %add3A_717 : i32 to vector<16xi32>
        %add3A_719 = arith.addi %iota3A, %add3A_718 : vector<16xi32>
        %gather3A_720 = tpu.vector_load_idx %arg31[%add3A_719, %broadcast_in_dim3A_709] : memref<32x64xf32, #tpu.memory_space<vmem>>[vector<16xi32>, vector<16xi32>], vector<16xf32>,
        %mul3A_721 = vector.broadcast %squeeze3A_704 : f32 to vector<16xf32>
        %mul3A_722 = arith.mulf %mul3A_721, %gather3A_720 : vector<16xf32>
        %add3A_723 = arith.addf %add3A_702, %mul3A_722 : vector<16xf32>
        %slice3A_724 = vector.extract_strided_slice %get3A_493 {offsets = [11], sizes = [1], strides = [1]} : vector<16xf32> to vector<1xf32>
        %squeeze3A_725 = vector.extract %slice3A_724[0] : f32 from vector<1xf32>
        %mul3A_726 = arith.constant 16 : i32
        %mul3A_727 = arith.muli %scan3A_487, %mul3A_726 : i32
        %add3A_728 = arith.constant 11 : i32
        %add3A_729 = arith.addi %mul3A_727, %add3A_728 : i32
        %broadcast_in_dim3A_730 = vector.broadcast %add3A_729 : i32 to vector<16xi32>
        %add3A_731 = arith.constant 0 : i32
        %add3A_732 = vector.broadcast %add3A_731 : i32 to vector<16xi32>
        %add3A_733 = arith.addi %iota3A, %add3A_732 : vector<16xi32>
        %gather3A_734 = tpu.vector_load_idx %arg31[%add3A_733, %broadcast_in_dim3A_730] : memref<32x64xf32, #tpu.memory_space<vmem>>[vector<16xi32>, vector<16xi32>], vector<16xf32>,
        %mul3A_735 = vector.broadcast %squeeze3A_725 : f32 to vector<16xf32>
        %mul3A_736 = arith.mulf %mul3A_735, %gather3A_734 : vector<16xf32>
        %add3A_737 = arith.addf %add3A_716, %mul3A_736 : vector<16xf32>
        %add3A_738 = arith.constant 16 : i32
        %add3A_739 = vector.broadcast %add3A_738 : i32 to vector<16xi32>
        %add3A_740 = arith.addi %iota3A, %add3A_739 : vector<16xi32>
        %gather3A_741 = tpu.vector_load_idx %arg31[%add3A_740, %broadcast_in_dim3A_730] : memref<32x64xf32, #tpu.memory_space<vmem>>[vector<16xi32>, vector<16xi32>], vector<16xf32>,
        %mul3A_742 = vector.broadcast %squeeze3A_725 : f32 to vector<16xf32>
        %mul3A_743 = arith.mulf %mul3A_742, %gather3A_741 : vector<16xf32>
        %add3A_744 = arith.addf %add3A_723, %mul3A_743 : vector<16xf32>
        %slice3A_745 = vector.extract_strided_slice %get3A_493 {offsets = [12], sizes = [1], strides = [1]} : vector<16xf32> to vector<1xf32>
        %squeeze3A_746 = vector.extract %slice3A_745[0] : f32 from vector<1xf32>
        %mul3A_747 = arith.constant 16 : i32
        %mul3A_748 = arith.muli %scan3A_487, %mul3A_747 : i32
        %add3A_749 = arith.constant 12 : i32
        %add3A_750 = arith.addi %mul3A_748, %add3A_749 : i32
        %broadcast_in_dim3A_751 = vector.broadcast %add3A_750 : i32 to vector<16xi32>
        %add3A_752 = arith.constant 0 : i32
        %add3A_753 = vector.broadcast %add3A_752 : i32 to vector<16xi32>
        %add3A_754 = arith.addi %iota3A, %add3A_753 : vector<16xi32>
        %gather3A_755 = tpu.vector_load_idx %arg31[%add3A_754, %broadcast_in_dim3A_751] : memref<32x64xf32, #tpu.memory_space<vmem>>[vector<16xi32>, vector<16xi32>], vector<16xf32>,
        %mul3A_756 = vector.broadcast %squeeze3A_746 : f32 to vector<16xf32>
        %mul3A_757 = arith.mulf %mul3A_756, %gather3A_755 : vector<16xf32>
        %add3A_758 = arith.addf %add3A_737, %mul3A_757 : vector<16xf32>
        %add3A_759 = arith.constant 16 : i32
        %add3A_760 = vector.broadcast %add3A_759 : i32 to vector<16xi32>
        %add3A_761 = arith.addi %iota3A, %add3A_760 : vector<16xi32>
        %gather3A_762 = tpu.vector_load_idx %arg31[%add3A_761, %broadcast_in_dim3A_751] : memref<32x64xf32, #tpu.memory_space<vmem>>[vector<16xi32>, vector<16xi32>], vector<16xf32>,
        %mul3A_763 = vector.broadcast %squeeze3A_746 : f32 to vector<16xf32>
        %mul3A_764 = arith.mulf %mul3A_763, %gather3A_762 : vector<16xf32>
        %add3A_765 = arith.addf %add3A_744, %mul3A_764 : vector<16xf32>
        %slice3A_766 = vector.extract_strided_slice %get3A_493 {offsets = [13], sizes = [1], strides = [1]} : vector<16xf32> to vector<1xf32>
        %squeeze3A_767 = vector.extract %slice3A_766[0] : f32 from vector<1xf32>
        %mul3A_768 = arith.constant 16 : i32
        %mul3A_769 = arith.muli %scan3A_487, %mul3A_768 : i32
        %add3A_770 = arith.constant 13 : i32
        %add3A_771 = arith.addi %mul3A_769, %add3A_770 : i32
        %broadcast_in_dim3A_772 = vector.broadcast %add3A_771 : i32 to vector<16xi32>
        %add3A_773 = arith.constant 0 : i32
        %add3A_774 = vector.broadcast %add3A_773 : i32 to vector<16xi32>
        %add3A_775 = arith.addi %iota3A, %add3A_774 : vector<16xi32>
        %gather3A_776 = tpu.vector_load_idx %arg31[%add3A_775, %broadcast_in_dim3A_772] : memref<32x64xf32, #tpu.memory_space<vmem>>[vector<16xi32>, vector<16xi32>], vector<16xf32>,
        %mul3A_777 = vector.broadcast %squeeze3A_767 : f32 to vector<16xf32>
        %mul3A_778 = arith.mulf %mul3A_777, %gather3A_776 : vector<16xf32>
        %add3A_779 = arith.addf %add3A_758, %mul3A_778 : vector<16xf32>
        %add3A_780 = arith.constant 16 : i32
        %add3A_781 = vector.broadcast %add3A_780 : i32 to vector<16xi32>
        %add3A_782 = arith.addi %iota3A, %add3A_781 : vector<16xi32>
        %gather3A_783 = tpu.vector_load_idx %arg31[%add3A_782, %broadcast_in_dim3A_772] : memref<32x64xf32, #tpu.memory_space<vmem>>[vector<16xi32>, vector<16xi32>], vector<16xf32>,
        %mul3A_784 = vector.broadcast %squeeze3A_767 : f32 to vector<16xf32>
        %mul3A_785 = arith.mulf %mul3A_784, %gather3A_783 : vector<16xf32>
        %add3A_786 = arith.addf %add3A_765, %mul3A_785 : vector<16xf32>
        %slice3A_787 = vector.extract_strided_slice %get3A_493 {offsets = [14], sizes = [1], strides = [1]} : vector<16xf32> to vector<1xf32>
        %squeeze3A_788 = vector.extract %slice3A_787[0] : f32 from vector<1xf32>
        %mul3A_789 = arith.constant 16 : i32
        %mul3A_790 = arith.muli %scan3A_487, %mul3A_789 : i32
        %add3A_791 = arith.constant 14 : i32
        %add3A_792 = arith.addi %mul3A_790, %add3A_791 : i32
        %broadcast_in_dim3A_793 = vector.broadcast %add3A_792 : i32 to vector<16xi32>
        %add3A_794 = arith.constant 0 : i32
        %add3A_795 = vector.broadcast %add3A_794 : i32 to vector<16xi32>
        %add3A_796 = arith.addi %iota3A, %add3A_795 : vector<16xi32>
        %gather3A_797 = tpu.vector_load_idx %arg31[%add3A_796, %broadcast_in_dim3A_793] : memref<32x64xf32, #tpu.memory_space<vmem>>[vector<16xi32>, vector<16xi32>], vector<16xf32>,
        %mul3A_798 = vector.broadcast %squeeze3A_788 : f32 to vector<16xf32>
        %mul3A_799 = arith.mulf %mul3A_798, %gather3A_797 : vector<16xf32>
        %add3A_800 = arith.addf %add3A_779, %mul3A_799 : vector<16xf32>
        %add3A_801 = arith.constant 16 : i32
        %add3A_802 = vector.broadcast %add3A_801 : i32 to vector<16xi32>
        %add3A_803 = arith.addi %iota3A, %add3A_802 : vector<16xi32>
        %gather3A_804 = tpu.vector_load_idx %arg31[%add3A_803, %broadcast_in_dim3A_793] : memref<32x64xf32, #tpu.memory_space<vmem>>[vector<16xi32>, vector<16xi32>], vector<16xf32>,
        %mul3A_805 = vector.broadcast %squeeze3A_788 : f32 to vector<16xf32>
        %mul3A_806 = arith.mulf %mul3A_805, %gather3A_804 : vector<16xf32>
        %add3A_807 = arith.addf %add3A_786, %mul3A_806 : vector<16xf32>
        %slice3A_808 = vector.extract_strided_slice %get3A_493 {offsets = [15], sizes = [1], strides = [1]} : vector<16xf32> to vector<1xf32>
        %squeeze3A_809 = vector.extract %slice3A_808[0] : f32 from vector<1xf32>
        %mul3A_810 = arith.constant 16 : i32
        %mul3A_811 = arith.muli %scan3A_487, %mul3A_810 : i32
        %add3A_812 = arith.constant 15 : i32
        %add3A_813 = arith.addi %mul3A_811, %add3A_812 : i32
        %broadcast_in_dim3A_814 = vector.broadcast %add3A_813 : i32 to vector<16xi32>
        %add3A_815 = arith.constant 0 : i32
        %add3A_816 = vector.broadcast %add3A_815 : i32 to vector<16xi32>
        %add3A_817 = arith.addi %iota3A, %add3A_816 : vector<16xi32>
        %gather3A_818 = tpu.vector_load_idx %arg31[%add3A_817, %broadcast_in_dim3A_814] : memref<32x64xf32, #tpu.memory_space<vmem>>[vector<16xi32>, vector<16xi32>], vector<16xf32>,
        %mul3A_819 = vector.broadcast %squeeze3A_809 : f32 to vector<16xf32>
        %mul3A_820 = arith.mulf %mul3A_819, %gather3A_818 : vector<16xf32>
        %add3A_821 = arith.addf %add3A_800, %mul3A_820 : vector<16xf32>
        %add3A_822 = arith.constant 16 : i32
        %add3A_823 = vector.broadcast %add3A_822 : i32 to vector<16xi32>
        %add3A_824 = arith.addi %iota3A, %add3A_823 : vector<16xi32>
        %gather3A_825 = tpu.vector_load_idx %arg31[%add3A_824, %broadcast_in_dim3A_814] : memref<32x64xf32, #tpu.memory_space<vmem>>[vector<16xi32>, vector<16xi32>], vector<16xf32>,
        %mul3A_826 = vector.broadcast %squeeze3A_809 : f32 to vector<16xf32>
        %mul3A_827 = arith.mulf %mul3A_826, %gather3A_825 : vector<16xf32>
        %add3A_828 = arith.addf %add3A_807, %mul3A_827 : vector<16xf32>
        scf.yield %add3A_821, %add3A_828 : vector<16xf32>, vector<16xf32>
      }
      %scan3A_409 = arith.constant 4 : i32
      %max3A_410 = arith.constant 0.000000e+00 : f32
      %max3A_411 = vector.broadcast %max3A_410 : f32 to vector<16xf32>
      %max3A_412 = arith.maximumf %scan3A_408#0, %max3A_411 : vector<16xf32>
      %max3A_413 = arith.constant 0.000000e+00 : f32
      %max3A_414 = vector.broadcast %max3A_413 : f32 to vector<16xf32>
      %max3A_415 = arith.maximumf %scan3A_408#1, %max3A_414 : vector<16xf32>
      %get3A_416 = arith.constant 0 : i32
      %get3A_417 = arith.index_cast %get3A_416 : i32 to index
      %get3A_418 = arith.constant 0 : index
      %get3A_419 = tpu.vector_load %arg33[%get3A_417, %get3A_418] {strides = array<i32>} : memref<1x32xf32, #tpu.memory_space<vmem>>, vector<16xf32>,
      %mul3A_420 = arith.mulf %max3A_412, %get3A_419 : vector<16xf32>
      %get3A_421 = arith.constant 0 : i32
      %get3A_422 = arith.index_cast %get3A_421 : i32 to index
      %get3A_423 = arith.constant 16 : index
      %get3A_424 = tpu.vector_load %arg33[%get3A_422, %get3A_423] {strides = array<i32>} : memref<1x32xf32, #tpu.memory_space<vmem>>, vector<16xf32>,
      %mul3A_425 = arith.mulf %max3A_415, %get3A_424 : vector<16xf32>
      %add3A_426 = arith.addf %mul3A_420, %mul3A_425 : vector<16xf32>
      %get3A_427 = arith.constant 0 : index
      %get3A_428 = tpu.vector_load %arg34[%get3A_427] {strides = array<i32>} : memref<16xf32, #tpu.memory_space<vmem>>, vector<16xf32>,
      %slice3A = vector.extract_strided_slice %get3A_428 {offsets = [0], sizes = [1], strides = [1]} : vector<16xf32> to vector<1xf32>
      %squeeze3A = vector.extract %slice3A[0] : f32 from vector<1xf32>
      %slice3A_429 = vector.extract_strided_slice %add3A_426 {offsets = [0], sizes = [1], strides = [1]} : vector<16xf32> to vector<1xf32>
      %squeeze3A_430 = vector.extract %slice3A_429[0] : f32 from vector<1xf32>
      %add3A_431 = arith.addf %squeeze3A, %squeeze3A_430 : f32
      %slice3A_432 = vector.extract_strided_slice %add3A_426 {offsets = [1], sizes = [1], strides = [1]} : vector<16xf32> to vector<1xf32>
      %squeeze3A_433 = vector.extract %slice3A_432[0] : f32 from vector<1xf32>
      %add3A_434 = arith.addf %add3A_431, %squeeze3A_433 : f32
      %slice3A_435 = vector.extract_strided_slice %add3A_426 {offsets = [2], sizes = [1], strides = [1]} : vector<16xf32> to vector<1xf32>
      %squeeze3A_436 = vector.extract %slice3A_435[0] : f32 from vector<1xf32>
      %add3A_437 = arith.addf %add3A_434, %squeeze3A_436 : f32
      %slice3A_438 = vector.extract_strided_slice %add3A_426 {offsets = [3], sizes = [1], strides = [1]} : vector<16xf32> to vector<1xf32>
      %squeeze3A_439 = vector.extract %slice3A_438[0] : f32 from vector<1xf32>
      %add3A_440 = arith.addf %add3A_437, %squeeze3A_439 : f32
      %slice3A_441 = vector.extract_strided_slice %add3A_426 {offsets = [4], sizes = [1], strides = [1]} : vector<16xf32> to vector<1xf32>
      %squeeze3A_442 = vector.extract %slice3A_441[0] : f32 from vector<1xf32>
      %add3A_443 = arith.addf %add3A_440, %squeeze3A_442 : f32
      %slice3A_444 = vector.extract_strided_slice %add3A_426 {offsets = [5], sizes = [1], strides = [1]} : vector<16xf32> to vector<1xf32>
      %squeeze3A_445 = vector.extract %slice3A_444[0] : f32 from vector<1xf32>
      %add3A_446 = arith.addf %add3A_443, %squeeze3A_445 : f32
      %slice3A_447 = vector.extract_strided_slice %add3A_426 {offsets = [6], sizes = [1], strides = [1]} : vector<16xf32> to vector<1xf32>
      %squeeze3A_448 = vector.extract %slice3A_447[0] : f32 from vector<1xf32>
      %add3A_449 = arith.addf %add3A_446, %squeeze3A_448 : f32
      %slice3A_450 = vector.extract_strided_slice %add3A_426 {offsets = [7], sizes = [1], strides = [1]} : vector<16xf32> to vector<1xf32>
      %squeeze3A_451 = vector.extract %slice3A_450[0] : f32 from vector<1xf32>
      %add3A_452 = arith.addf %add3A_449, %squeeze3A_451 : f32
      %slice3A_453 = vector.extract_strided_slice %add3A_426 {offsets = [8], sizes = [1], strides = [1]} : vector<16xf32> to vector<1xf32>
      %squeeze3A_454 = vector.extract %slice3A_453[0] : f32 from vector<1xf32>
      %add3A_455 = arith.addf %add3A_452, %squeeze3A_454 : f32
      %slice3A_456 = vector.extract_strided_slice %add3A_426 {offsets = [9], sizes = [1], strides = [1]} : vector<16xf32> to vector<1xf32>
      %squeeze3A_457 = vector.extract %slice3A_456[0] : f32 from vector<1xf32>
      %add3A_458 = arith.addf %add3A_455, %squeeze3A_457 : f32
      %slice3A_459 = vector.extract_strided_slice %add3A_426 {offsets = [10], sizes = [1], strides = [1]} : vector<16xf32> to vector<1xf32>
      %squeeze3A_460 = vector.extract %slice3A_459[0] : f32 from vector<1xf32>
      %add3A_461 = arith.addf %add3A_458, %squeeze3A_460 : f32
      %slice3A_462 = vector.extract_strided_slice %add3A_426 {offsets = [11], sizes = [1], strides = [1]} : vector<16xf32> to vector<1xf32>
      %squeeze3A_463 = vector.extract %slice3A_462[0] : f32 from vector<1xf32>
      %add3A_464 = arith.addf %add3A_461, %squeeze3A_463 : f32
      %slice3A_465 = vector.extract_strided_slice %add3A_426 {offsets = [12], sizes = [1], strides = [1]} : vector<16xf32> to vector<1xf32>
      %squeeze3A_466 = vector.extract %slice3A_465[0] : f32 from vector<1xf32>
      %add3A_467 = arith.addf %add3A_464, %squeeze3A_466 : f32
      %slice3A_468 = vector.extract_strided_slice %add3A_426 {offsets = [13], sizes = [1], strides = [1]} : vector<16xf32> to vector<1xf32>
      %squeeze3A_469 = vector.extract %slice3A_468[0] : f32 from vector<1xf32>
      %add3A_470 = arith.addf %add3A_467, %squeeze3A_469 : f32
      %slice3A_471 = vector.extract_strided_slice %add3A_426 {offsets = [14], sizes = [1], strides = [1]} : vector<16xf32> to vector<1xf32>
      %squeeze3A_472 = vector.extract %slice3A_471[0] : f32 from vector<1xf32>
      %add3A_473 = arith.addf %add3A_470, %squeeze3A_472 : f32
      %slice3A_474 = vector.extract_strided_slice %add3A_426 {offsets = [15], sizes = [1], strides = [1]} : vector<16xf32> to vector<1xf32>
      %squeeze3A_475 = vector.extract %slice3A_474[0] : f32 from vector<1xf32>
      %add3A_476 = arith.addf %add3A_473, %squeeze3A_475 : f32
      %broadcast_in_dim3A_477 = vector.broadcast %add3A_476 : f32 to vector<16xf32>
      %neg3A = arith.constant 0.000000e+00 : f32
      %neg3A_478 = vector.broadcast %neg3A : f32 to vector<16xf32>
      %neg3A_479 = arith.subf %neg3A_478, %broadcast_in_dim3A_477 : vector<16xf32>
      %exp3A = math.exp %neg3A_479 : vector<16xf32>
      %add3A_480 = arith.constant 1.000000e+00 : f32
      %add3A_481 = vector.broadcast %add3A_480 : f32 to vector<16xf32>
      %add3A_482 = arith.addf %add3A_481, %exp3A : vector<16xf32>
      %div3A = arith.constant 1.000000e+00 : f32
      %div3A_483 = vector.broadcast %div3A : f32 to vector<16xf32>
      %div3A_484 = arith.divf %div3A_483, %add3A_482 : vector<16xf32>
      %swap3A_485 = arith.constant 0 : index
      %swap3A_486 = tpu.vector_load %arg36[%swap3A_485] {strides = array<i32>} : memref<16xf32, #tpu.memory_space<vmem>>, vector<16xf32>,
      tpu.vector_store %arg36[%swap3A_485], %div3A_484 {strides = array<i32>} : memref<16xf32, #tpu.memory_space<vmem>>, vector<16xf32>,
      "tpu.region"() ({
        %run_scoped3A = tpu.sem_alloc : memref<!tpu.dma_semaphore, #tpu.memory_space<semaphore_mem>>
        tpu.enqueue_dma source(%arg36 : memref<16xf32, #tpu.memory_space<vmem>>) target(%arg13 : memref<16xf32, #tpu.memory_space<hbm>>) target_semaphore(%run_scoped3A : memref<!tpu.dma_semaphore, #tpu.memory_space<semaphore_mem>>)
        tpu.wait_dma2 semaphore(%run_scoped3A : memref<!tpu.dma_semaphore, #tpu.memory_space<semaphore_mem>>) src(%arg36 : memref<16xf32, #tpu.memory_space<vmem>>) dst(%arg13 : memref<16xf32, #tpu.memory_space<hbm>>)
        tpu.yield
      }) : () -> ()
    } else {
    }
    return
  }
}

</mosaic_0001>

<sc_bundles>
// kernel: kernel.3.cloned.1.call-start
scs
__scs_entry_jumppad:
0x0: {  	(pc) =	sbr.rel $0x88, $3  }
0x1: {  	(tag) =	ssettag $0x0;
	lr =	simm.s32 $0x1  }
0x2: {  	[smem:$0x3F96] =	sst lr;
	_ =	strace $0xD0000000  }
0x3: {  	_ = 	snop  }
0x4: {  	_ = 	snop  }
0x5: {  	_ = 	snop  }
0x6: {  	_ = 	snop  }
0x7: {  	_ = 	snop  }
__scs_overlays_trampoline_lowered:
0x8: {  	[smem:$0x3FA5] =	sst s0  }
0x9: {  	[smem:$0x3FA6] =	sst s1  }
0xa: {  	[smem:$0x3FA7] =	sst s2  }
0xb: {  	[smem:$0x3FA8] =	sst s3  }
0xc: {  	[smem:$0x3FA9] =	sst s4  }
0xd: {  	[smem:$0x3FAA] =	sst s5  }
0xe: {  	[smem:$0x3FAB] =	sst s6  }
0xf: {  	[smem:$0x3FAC] =	sst s7  }
0x10: {  	[smem:$0x3FAD] =	sst s8  }
0x11: {  	[smem:$0x3FAE] =	sst s9;
	s0 =	simm.s32 @!p0 $0x0  }
0x12: {  	s1 =	sld [smem:$0x3F94];
	s0 =	simm.s32 @p0 $0x1  }
0x13: {  	[smem:$0x3FAF] =	sst s0;
	s0 =	simm.s32 @!p1 $0x0  }
0x14: {  	s2 =	sld [smem:$0x3F93];
	s0 =	simm.s32 @p1 $0x1  }
0x15: {  	[smem:$0x3FB0] =	sst s0;
	s0 =	simm.s32 @!p2 $0x0  }
0x16: {  	s3 =	sld [smem:$0x3FDB];
	s0 =	simm.s32 @p2 $0x1  }
0x17: {  	s4 =	simm.s32 $0x1BF5;
	[smem:$0x3FB2] =	sst s0  }
0x18: {  	s0 =	sld [smem:$0x3F95];
	_ =	swait.ge [sflag:s4], $0x0  }
0x19: {  	s7 =	sld [smem:$0x3F96]  }
0x1a: {  	s8 =	sadd.s32 $0xFFFFE003, lr  }
0x1b: {  	s9 =	sadd.s32 $0xFFFFFEF7, lr;
	s5 =	simm.s32 $0xFFFFFFFF;
	p2 =	slt.u32 s8, $0xFFFFF086  }
0x1c: {  	p1 =	slt.u32 s9, $0xF7A;
	s5 =	simm.s32 @!p2 $0x0  }
0x1d: {  	s5 =	simm.s32 @p1 $0x1;
	p0 =	seq.s32 s7, s2  }
0x1e: {  	s7 =	smul.u32 @!p0 $0xF7A, s2;
	p2 =	seq.s32 @!p0 s5, $0x0  }
0x1f: {  	s9 =	smul.u32 $0xF7A, s1;
	s8 =	simm.s32 @!p0 $0x1BF5;
	p2 =	por !p2, p0  }
0x20: {  	[sflag:s8] =	ssyncset.s32 @!p0 $0xFFFFF086;
	s6 =	sadd.s32 @!p0 s3, s7;
	s7 =	simm.s32 @!p0 $0x108  }
0x21: {  	s3 =	sadd.s32 s3, s9;
	s6 =	sadd.s32 @!p0 $0x88, s6;
	s7 =	simm.s32 @p2 $0x1082  }
0x22: {  	[simem:s7], [sflag:s8] =	dma.local @!p0 [hbm:s6], $0xF7A  }
0x23: {  	s9 =	sor.u32 $0xD0000000, s2;
	s6 =	simm.s32 $0x108;
	_ =	swait.ge @!p0 [sflag:s8], $0x0  }
0x24: {  	s3 =	sadd.s32 $0x88, s3;
	s6 =	simm.s32 @!p1 $0x1082;
	[sflag:s4] =	ssyncset.s32 $0xFFFFF086  }
0x25: {  	[simem:s6], [sflag:s4] =	dma.local [hbm:s3], $0xF7A  }
0x26: {  	[smem:$0x3F96] =	sst s1;
	(tag) =	ssettag s2;
	_ =	strace s9  }
0x27: {  	s1 =	sld [smem:$0x3FA6]  }
0x28: {  	s2 =	sld [smem:$0x3FA7]  }
0x29: {  	s4 =	sld [smem:$0x3FA9]  }
0x2a: {  	p0 =	seq.s32 s5, $0x0;
	s5 =	sld [smem:$0x3FAA]  }
0x2b: {  	s6 =	sld [smem:$0x3FAB]  }
0x2c: {  	s7 =	sld [smem:$0x3FAC]  }
0x2d: {  	s3 =	simm.s32 $0x108;
	s8 =	sld [smem:$0x3FAD]  }
0x2e: {  	s3 =	simm.s32 @!p0 $0x1082;
	s9 =	sld [smem:$0x3FAE]  }
0x2f: {  	lr =	sadd.s32 s0, s3;
	s0 =	sld [smem:$0x3FA5]  }
0x30: {  	s3 =	sld [smem:$0x3FA8]  }
0x31: {  	[smem:$0x3FB1] =	sst s10  }
0x32: {  	s10 =	sld [smem:$0x3FAF];
	_ =	sdelay $0x3  }
0x33: {  	p0 =	seq.s32 s10, $0x1;
	s10 =	sld [smem:$0x3FB1];
	_ =	sdelay $0x3  }
0x34: {  	[smem:$0x3FB1] =	sst s10  }
0x35: {  	s10 =	sld [smem:$0x3FB0];
	_ =	sdelay $0x3  }
0x36: {  	p1 =	seq.s32 s10, $0x1;
	s10 =	sld [smem:$0x3FB1];
	_ =	sdelay $0x3  }
0x37: {  	[smem:$0x3FB1] =	sst s10  }
0x38: {  	s10 =	sld [smem:$0x3FB2]  }
0x39: {  	_ = 	snop;
	(pc) =	sbr.ind lr, $3  }
0x3a: {  	_ = 	snop  }
0x3b: {  	_ = 	snop  }
0x3c: {  	p2 =	seq.s32 s10, $0x1;
	s10 =	sld [smem:$0x3FB1]  }
0x3d: {  	_ =	shalt  }
0x3e: {  	_ =	shalt  }
0x3f: {  	_ =	shalt  }
0x40: {  	_ =	shalt  }
0x41: {  	_ =	shalt  }
0x42: {  	_ =	shalt  }
0x43: {  	_ =	shalt  }
0x44: {  	_ =	shalt  }
0x45: {  	_ =	shalt  }
0x46: {  	_ =	shalt  }
0x47: {  	_ =	shalt  }
0x48: {  	_ =	shalt  }
0x49: {  	_ =	shalt  }
0x4a: {  	_ =	shalt  }
0x4b: {  	_ =	shalt  }
0x4c: {  	_ =	shalt  }
0x4d: {  	_ =	shalt  }
0x4e: {  	_ =	shalt  }
0x4f: {  	_ =	shalt  }
0x50: {  	_ =	shalt  }
0x51: {  	_ =	shalt  }
0x52: {  	_ =	shalt  }
0x53: {  	_ =	shalt  }
0x54: {  	_ =	shalt  }
0x55: {  	_ =	shalt  }
0x56: {  	_ =	shalt  }
0x57: {  	_ =	shalt  }
0x58: {  	_ =	shalt  }
0x59: {  	_ =	shalt  }
0x5a: {  	_ =	shalt  }
0x5b: {  	_ =	shalt  }
0x5c: {  	_ =	shalt  }
0x5d: {  	_ =	shalt  }
0x5e: {  	_ =	shalt  }
0x5f: {  	_ =	shalt  }
0x60: {  	_ =	shalt  }
0x61: {  	_ =	shalt  }
0x62: {  	_ =	shalt  }
0x63: {  	_ =	shalt  }
0x64: {  	_ =	shalt  }
0x65: {  	_ =	shalt  }
0x66: {  	_ =	shalt  }
0x67: {  	_ =	shalt  }
0x68: {  	_ =	shalt  }
0x69: {  	_ =	shalt  }
0x6a: {  	_ =	shalt  }
0x6b: {  	_ =	shalt  }
0x6c: {  	_ =	shalt  }
0x6d: {  	_ =	shalt  }
0x6e: {  	_ =	shalt  }
0x6f: {  	_ =	shalt  }
0x70: {  	_ =	shalt  }
0x71: {  	_ =	shalt  }
0x72: {  	_ =	shalt  }
0x73: {  	_ =	shalt  }
0x74: {  	_ =	shalt  }
0x75: {  	_ =	shalt  }
0x76: {  	_ =	shalt  }
0x77: {  	_ =	shalt  }
0x78: {  	_ =	shalt  }
0x79: {  	_ =	shalt  }
0x7a: {  	_ =	shalt  }
0x7b: {  	_ =	shalt  }
0x7c: {  	_ =	shalt  }
0x7d: {  	_ =	shalt  }
0x7e: {  	_ =	shalt  }
0x7f: {  	_ =	shalt  }
0x80: {  	_ =	shalt  }
0x81: {  	_ =	shalt  }
0x82: {  	_ =	shalt  }
0x83: {  	_ =	shalt  }
0x84: {  	_ =	shalt  }
0x85: {  	_ =	shalt  }
0x86: {  	_ =	shalt  }
0x87: {  	_ =	shalt  }
.Lfunc_end0:
.L_simem_size_0:
called_computation_lowered:
.L_overlay_start_0:
0x88: {  	s2 =	sld [smem:$0x3FD9]  }
0x89: {  	s3 =	sld [smem:$0x3FFE];
	_ =	sdelay $0x1  }
0x8a: {  	s1 =	srdreg.scid  }
0x8b: {  	s0 =	sand.u32 $0x1, s1  }
0x8c: {  	s26 =	sshll.u32 s0, $0xA;
	s2 =	sadd.s32 s3, s2  }
0x8d: {  	s2 =	sadd.s32 s2, s26  }
0x8e: {  	[smem:$0x3FBD] =	sst s2  }
0x8f: {  	_ = 	snop  }
0x90: {  	s3 =	sld [smem:$0x3FC9]  }
0x91: {  	s2 =	sld [smem:$0x3FC8]  }
0x92: {  	s13 =	sld [smem:$0x3FC7]  }
0x93: {  	s4 =	sld [smem:$0x3FC6]  }
0x94: {  	s5 =	sld [smem:$0x3FC5]  }
0x95: {  	s6 =	sld [smem:$0x3FC4]  }
0x96: {  	s7 =	sld [smem:$0x3FC3]  }
0x97: {  	s8 =	sld [smem:$0x3FC2]  }
0x98: {  	s9 =	sld [smem:$0x3FC1]  }
0x99: {  	s10 =	sld [smem:$0x3FC0]  }
0x9a: {  	s11 =	sld [smem:$0x3FBF]  }
0x9b: {  	s12 =	sld [smem:$0x3FD0];
	(tm) =	ssettm $0x1  }
0x9c: {  	s14 =	sld [smem:$0x3FFB];
	_ =	sdelay $0x3  }
0x9d: {  	_ =	strace s14  }
0x9e: {  	s14 =	sld [smem:$0x3FFC];
	_ =	sdelay $0x3  }
0x9f: {  	_ =	strace s14  }
0xa0: {  	s14 =	sld [smem:$0x3FFD];
	_ =	sdelay $0x3  }
0xa1: {  	_ =	strace s14  }
0xa2: {  	_ =	strace $0x8FFFFFFF  }
0xa3: {  	s28 =	sld [smem:$0x3FDB];
	_ =	sdelay $0x1  }
0xa4: {  	s15 =	simm.s32 $_scs_section_size  }
0xa5: {  	s16 =	simm.s32 $_size__tile_task_arg_handler_lowered;
	s17 =	simm.s32 $_tile_task_arg_handler_lowered  }
0xa6: {  	s31 =	simm.s32 $0x1BFF;
	s30 =	sshll.u32 s17, $0x1;
	s15 =	sadd.s32 s15, s28  }
0xa7: {  	s18 =	simm.s32 $0x60;
	s29 =	sshll.u32 s16, $0x1;
	s16 =	sadd.s32 s30, s15  }
0xa8: {  	[timem:s18], [sflag:s31] =	dma.local [hbm:s16], s29  }
0xa9: {  	_ =	swait.ge [sflag:s31], s29  }
0xaa: {  	s14 =	ssub.s32 $0x0, s29;
	s18 =	simm.s32 $_tile_overlayer_lowered;
	[sflag:s31] =	ssyncset.done $0x0  }
0xab: {  	s19 =	simm.s32 $_size__tile_overlayer_lowered;
	s16 =	sshll.u32 s18, $0x1;
	[sflag:s31] =	ssyncadd.s32 s14  }
0xac: {  	s21 =	simm.s32 $0x0;
	s20 =	sshll.u32 s19, $0x1;
	s16 =	sadd.s32 s16, s15  }
0xad: {  	[timem:s21], [sflag:s31] =	dma.local [hbm:s16], s20  }
0xae: {  	_ =	swait.ge [sflag:s31], s20  }
0xaf: {  	s22 =	ssub.s32 $0x0, s20;
	[sflag:s31] =	ssyncset.done $0x0  }
0xb0: {  	[sflag:s31] =	ssyncadd.s32 s22;
	_ =	sdelay $0x1  }
0xb1: {  	s23 =	simm.s32 $0x1B8B  }
0xb2: {  	_ =	swait.ge [sflag:s23], $0x1  }
0xb3: {  	[sflag:s23] =	ssyncset.done $0x0  }
0xb4: {  	s25 =	simm.s32 $0x1B8E;
	s24 =	sld [smem:$0x3FFE];
	[sflag:s23] =	ssyncadd.s32 $0xFFFFFFFF  }
0xb5: {  	s26 =	simm.s32 $execute0_lowered;
	[smem:$0x3FD2] =	sst s25  }
0xb6: {  	s17 =	sshll.u32 s26, $0x1;
	_ =	strace $0x80000046;
	[dreg:$0x1] =	wrdreg $0xFFFFFFFF  }
0xb7: {  	s28 =	simm.s32 $_size_execute0_lowered;
	s15 =	sadd.s32 s15, s17;
	[dreg:$0x0] =	wrdreg $0x0  }
0xb8: {  	s17 =	sshll.u32 s28, $0x1;
	[dreg:$0x2] =	wrdreg s15  }
0xb9: {  	[dreg:$0x3] =	wrdreg s17  }
0xba: {  	[dreg:$0x4] =	wrdreg $0xC0  }
0xbb: {  	_ =	task [dreg:s21], $0x5FFFF  }
0xbc: {  	[dreg:$0x1] =	wrdreg $0xFFFFFFFF  }
0xbd: {  	[dreg:$0x0] =	wrdreg $0x30  }
0xbe: {  	[dreg:$0x2] =	wrdreg $0x0  }
0xbf: {  	[dreg:$0x3] =	wrdreg $0x9  }
0xc0: {  	_ =	task [dreg:s21], $0x4FFFF  }
0xc1: {  	[dreg:$0x1] =	wrdreg $0xFFFFFFFF  }
0xc2: {  	[dreg:$0x0] =	wrdreg $0x60  }
0xc3: {  	[dreg:$0x2] =	wrdreg s3  }
0xc4: {  	[dreg:$0x3] =	wrdreg s13  }
0xc5: {  	[dreg:$0x4] =	wrdreg s2  }
0xc6: {  	[dreg:$0x5] =	wrdreg s4  }
0xc7: {  	[dreg:$0x6] =	wrdreg s5  }
0xc8: {  	[dreg:$0x7] =	wrdreg s6  }
0xc9: {  	[dreg:$0x8] =	wrdreg s7  }
0xca: {  	[dreg:$0x9] =	wrdreg s8  }
0xcb: {  	[dreg:$0xa] =	wrdreg s9  }
0xcc: {  	[dreg:$0xb] =	wrdreg s10  }
0xcd: {  	[dreg:$0xc] =	wrdreg s11  }
0xce: {  	[dreg:$0xd] =	wrdreg s12  }
0xcf: {  	[dreg:$0xe] =	wrdreg s24  }
0xd0: {  	[dreg:$0xf] =	wrdreg $0x19C800  }
0xd1: {  	_ =	task.clear_ibuf [dreg:s21], $0x10FFFF;
	_ =	strace $0x90000046  }
0xd2: {  	s29 =	simm.s32 $0x9;
	_ =	strace $0x80000048  }
0xd3: {  	_ =	swait.ge [sflag:s29], $0x1  }
0xd4: {  	[sflag:s29] =	ssyncadd.s32 $0xFFFFFFFF  }
0xd5: {  	_ =	strace $0x90000048  }
0xd6: {  	_ =	sfence  }
0xd7: {  	s30 =	sld [smem:$0x0];
	_ =	sdelay $0x2  }
0xd8: {  	s31 =	sshll.u32 s1, $0xD;
	s1 =	sshrl.u32 s1, $0x2  }
0xd9: {  	s3 =	sand.u32 $0x4000, s31;
	s1 =	sadd.s32 s1, s30  }
0xda: {  	s0 =	sor.u32 s3, s0;
	s1 =	sshll.u32 s1, $0x11  }
0xdb: {  	s0 =	sor.u32 s1, s0  }
0xdc: {  	s0 =	sadd.s32 $0x8F2B, s0  }
0xdd: {  	[sflag:s0] =	ssyncadd.remote.s32 $0x1  }
0xde: {  	_ =	sfence.sel $0xFFFF  }
0xdf: {  	[dreg:$0x0] =	wrdreg $0xFFFFFFFF;
	(pc) =	sbr.abs _section_cstart, $3  }
0xe0: {  	[dreg:$0x1] =	wrdreg $0xFFFFFFFF  }
0xe1: {  	_ =	task.clear_ibuf [dreg:s21], $0x2FFFF;
	_ =	strace $0x9FFFFFFF  }
0xe2: {  	(tm) =	ssettm $0x7FFFFFFF  }
0xe3: {  	_ =	shalt  }
tec
_tile_task_arg_handler_lowered:
.L_overlay_start_1:
0x0: {  	(tag) =	ssettag $0x1  }
0x1: {  	s0 =	rddreg [dreg:$0x0]  }
0x2: {  	s1 =	rddreg [dreg:$0x1]  }
0x3: {  	s2 =	rddreg [dreg:$0x2]  }
0x4: {  	s3 =	rddreg [dreg:$0x3]  }
0x5: {  	s4 =	rddreg [dreg:$0x4]  }
0x6: {  	s5 =	rddreg [dreg:$0x5]  }
0x7: {  	s6 =	rddreg [dreg:$0x6]  }
0x8: {  	s7 =	rddreg [dreg:$0x7]  }
0x9: {  	s8 =	rddreg [dreg:$0x8]  }
0xa: {  	s9 =	rddreg [dreg:$0x9]  }
0xb: {  	s10 =	rddreg [dreg:$0xa]  }
0xc: {  	s11 =	rddreg [dreg:$0xb]  }
0xd: {  	s12 =	rddreg [dreg:$0xc]  }
0xe: {  	s13 =	rddreg [dreg:$0xd]  }
0xf: {  	[smem:s0] =	sst s1  }
0x10: {  	[smem:s0+$0x1] =	sst s2  }
0x11: {  	[smem:s0+$0x2] =	sst s3  }
0x12: {  	[smem:s0+$0x3] =	sst s4  }
0x13: {  	[smem:s0+$0x4] =	sst s5  }
0x14: {  	[smem:s0+$0x5] =	sst s6  }
0x15: {  	[smem:s0+$0x6] =	sst s7  }
0x16: {  	[smem:s0+$0x7] =	sst s8  }
0x17: {  	[smem:s0+$0x8] =	sst s9  }
0x18: {  	[smem:s0+$0x9] =	sst s10  }
0x19: {  	[smem:s0+$0xA] =	sst s11  }
0x1a: {  	[smem:s0+$0xB] =	sst s12  }
0x1b: {  	[smem:s0+$0xC] =	sst s13;
	_ =	shalt  }
.Lfunc_end2:
execute0_lowered:
.L_overlay_start_2:
0x1c: {  	(tag) =	ssettag $0x2  }
0x1d: {  	v0 =	vlaneseq.u32;
	v55 =	vimm.s32 $0xF80  }
0x1e: {  	vm14 =	vcmask $0x300;
	v1 =	vimm.s32 $0x1F80;
	vm13 =	vcmask $0x704  }
0x1f: {  	vm12 =	vcmask $0xB08;
	vm11 =	vcmask $0xF0C;
	vm10 =	vcmask $0x1310  }
0x20: {  	vm9 =	vcmask $0x1714;
	vm8 =	vcmask $0x1B18;
	vm7 =	vcmask $0x1F1C  }
0x21: {  	vm6 =	vcmask $0x2320;
	vm5 =	vcmask $0x2724;
	vm4 =	vcmask $0x2B28  }
0x22: {  	vm3 =	vcmask $0x2F2C;
	vm2 =	vcmask $0x3330;
	v49 =	vmul.u32 $0x80, v0  }
0x23: {  	vm1 =	vcmask $0x3734;
	vm0 =	vcmask $0x3B38;
	v56 =	vimm.s32 $0x2F80  }
0x24: {  	v57 =	vimm.s32 $0x3F80;
	v1 =	vsel vm14, $0x1400, v1;
	v0 =	vor.u32 $0x1000, v49  }
0x25: {  	v2 =	vimm.s32 $0xB80;
	v1 =	vsel vm13, $0x1480, v1;
	[tilespmem:$0x1FF40] =	vst v0;
	v0 =	vsel vm14, $0x400, v55  }
0x26: {  	v61 =	vimm.s32 $0x1B80;
	v1 =	vsel vm12, $0x1500, v1;
	v0 =	vsel vm13, $0x480, v0  }
0x27: {  	v62 =	vimm.s32 $0x2B80;
	v1 =	vsel vm11, $0x1580, v1;
	v0 =	vsel vm12, $0x500, v0  }
0x28: {  	v63 =	vimm.s32 $0x3B80;
	v1 =	vsel vm10, $0x1600, v1;
	v0 =	vsel vm11, $0x580, v0  }
0x29: {  	v2 =	vsel vm14, $0x0, v2;
	v1 =	vsel vm9, $0x1680, v1;
	v0 =	vsel vm10, $0x600, v0  }
0x2a: {  	v2 =	vsel vm13, $0x80, v2;
	v1 =	vsel vm8, $0x1700, v1;
	v0 =	vsel vm9, $0x680, v0  }
0x2b: {  	v51 =	vor.u32 $0x800, v49;
	v1 =	vsel vm7, $0x1780, v1;
	v0 =	vsel vm8, $0x700, v0  }
0x2c: {  	v54 =	vor.u32 $0x1800, v49;
	v1 =	vsel vm6, $0x1C00, v1;
	v0 =	vsel vm7, $0x780, v0  }
0x2d: {  	v2 =	vsel vm12, $0x100, v2;
	v1 =	vsel vm5, $0x1C80, v1;
	v0 =	vsel vm6, $0xC00, v0  }
0x2e: {  	v2 =	vsel vm11, $0x180, v2;
	v1 =	vsel vm4, $0x1D00, v1;
	v0 =	vsel vm5, $0xC80, v0  }
0x2f: {  	v2 =	vsel vm10, $0x200, v2;
	v1 =	vsel vm3, $0x1D80, v1;
	v0 =	vsel vm4, $0xD00, v0  }
0x30: {  	v2 =	vsel vm9, $0x280, v2;
	v1 =	vsel vm2, $0x1E00, v1;
	v0 =	vsel vm3, $0xD80, v0  }
0x31: {  	v2 =	vsel vm8, $0x300, v2;
	v1 =	vsel vm1, $0x1E80, v1;
	v0 =	vsel vm2, $0xE00, v0  }
0x32: {  	v2 =	vsel vm7, $0x380, v2;
	v47 =	vsel vm0, $0x1F00, v1;
	v0 =	vsel vm1, $0xE80, v0  }
0x33: {  	v1 =	vsel vm14, $0x3400, v57;
	v39 =	vsel vm0, $0xF00, v0;
	v0 =	vsel vm14, $0x2400, v56  }
0x34: {  	v2 =	vsel vm6, $0x800, v2;
	v1 =	vsel vm13, $0x3480, v1;
	v0 =	vsel vm13, $0x2480, v0  }
0x35: {  	v2 =	vsel vm5, $0x880, v2;
	v1 =	vsel vm12, $0x3500, v1;
	v0 =	vsel vm12, $0x2500, v0  }
0x36: {  	v2 =	vsel vm4, $0x900, v2;
	v1 =	vsel vm11, $0x3580, v1;
	v0 =	vsel vm11, $0x2580, v0  }
0x37: {  	v2 =	vsel vm3, $0x980, v2;
	v1 =	vsel vm10, $0x3600, v1;
	v0 =	vsel vm10, $0x2600, v0  }
0x38: {  	v2 =	vsel vm2, $0xA00, v2;
	v1 =	vsel vm9, $0x3680, v1;
	v0 =	vsel vm9, $0x2680, v0  }
0x39: {  	v59 =	vsel vm1, $0xA80, v2;
	v1 =	vsel vm8, $0x3700, v1;
	v0 =	vsel vm8, $0x2700, v0  }
0x3a: {  	s0 =	rddreg [dreg:$0x2];
	v2 =	vsel vm14, $0x3000, v63;
	v1 =	vsel vm7, $0x3780, v1;
	v0 =	vsel vm7, $0x2780, v0  }
0x3b: {  	s3 =	rddreg [dreg:$0x4];
	v60 =	vsel vm0, $0xB00, v59;
	v1 =	vsel vm6, $0x3C00, v1;
	v0 =	vsel vm6, $0x2C00, v0  }
0x3c: {  	s1 =	rddreg [dreg:$0xc];
	v2 =	vsel vm13, $0x3080, v2;
	v1 =	vsel vm5, $0x3C80, v1;
	v0 =	vsel vm5, $0x2C80, v0  }
0x3d: {  	s7 =	rddreg [dreg:$0xd];
	s12 =	simm.s32 $0x0;
	s2 =	srdreg.scid;
	v2 =	vsel vm12, $0x3100, v2;
	v1 =	vsel vm4, $0x3D00, v1;
	v0 =	vsel vm4, $0x2D00, v0  }
0x3e: {  	s8 =	stileid.u32;
	s21 =	simm.s32 $0x6;
	s28 =	simm.s32 $0x7A1400;
	v2 =	vsel vm11, $0x3180, v2;
	v1 =	vsel vm3, $0x3D80, v1;
	v0 =	vsel vm3, $0x2D80, v0  }
0x3f: {  	s29 =	simm.s32 $0x12080;
	s20 =	simm.s32 $0x1;
	s30 =	simm.s32 $0x2;
	v2 =	vsel vm10, $0x3200, v2;
	v1 =	vsel vm2, $0x3E00, v1;
	v0 =	vsel vm2, $0x2E00, v0  }
0x40: {  	s13 =	simm.s32 $0x80;
	s14 =	simm.s32 $0x2080;
	s10 =	simm.s32 $0x4080;
	v58 =	vsel vm1, $0x3E80, v1;
	v1 =	vsel vm14, $0x2000, v62;
	v0 =	vsel vm1, $0x2E80, v0  }
0x41: {  	[smem:$0x7FF] =	sst s12;
	s4 =	sand.u32 $0x1, s2;
	s1 =	sadd.s32 $0x800, s1;
	v1 =	vsel vm13, $0x2080, v1;
	v48 =	vsel vm0, $0x2F00, v0;
	v0 =	vsel vm14, $0x1000, v61  }
0x42: {  	s24 =	sshll.u32 s8, $0x1;
	p1 =	seq.s32 s8, $0xC;
	p3 =	seq.s32 s8, $0x0;
	v2 =	vsel vm9, $0x3280, v2;
	v1 =	vsel vm12, $0x2100, v1;
	v0 =	vsel vm13, $0x1080, v0  }
0x43: {  	s25 =	sshll.u32 s8, $0x7;
	s31 =	sand.u32 $0x2, s2;
	s5 =	sld [smem:$0x0];
	v2 =	vsel vm8, $0x3300, v2;
	v1 =	vsel vm11, $0x2180, v1;
	v0 =	vsel vm12, $0x1100, v0  }
0x44: {  	s2 =	sshrl.u32 s2, $0x2;
	s22 =	ssub.s32 $0x2, s4;
	p2 =	seq.s32 s4, $0x1;
	v2 =	vsel vm7, $0x3380, v2;
	v1 =	vsel vm10, $0x2200, v1;
	v0 =	vsel vm11, $0x1180, v0  }
0x45: {  	s26 =	sadd.s32 s25, s7;
	s7 =	simm.s32 $0x18A00;
	s6 =	sshrl.u32 s22, $0x1;
	v2 =	vsel vm6, $0x3800, v2;
	v1 =	vsel vm9, $0x2280, v1;
	v0 =	vsel vm10, $0x1200, v0  }
0x46: {  	p1 =	por !p1, !p2;
	p2 =	por !p3, !p2;
	[tilespmem:$0x1FF50] =	vst v54;
	[dreg:$0xe] =	wrdreg s5;
	v2 =	vsel vm5, $0x3880, v2;
	v1 =	vsel vm8, $0x2300, v1;
	v0 =	vsel vm9, $0x1280, v0  }
0x47: {  	s23 =	ssub.s32 s22, s6;
	p1 =	por !p1, !p1;
	_ =	strace $0x80000047;
	[tilespmem:$0x1FF70] =	vst v51;
	v2 =	vsel vm4, $0x3900, v2;
	v1 =	vsel vm7, $0x2380, v1;
	v0 =	vsel vm8, $0x1300, v0  }
0x48: {  	p2 =	por !p2, !p2;
	s6 =	simm.s32 $0x4;
	s22 =	simm.s32 $0xE080;
	[tilespmem:$0x1FFC0] =	vst v49;
	v2 =	vsel vm3, $0x3980, v2;
	v1 =	vsel vm6, $0x2800, v1;
	v0 =	vsel vm7, $0x1380, v0  }
0x49: {  	s5 =	sor.u32 s4, s24;
	s4 =	sor.u32 s8, s4;
	[dreg:$0xf] =	wrdreg s1;
	[tilespmem:$0x1FF60] =	vst v60;
	v2 =	vsel vm2, $0x3A00, v2;
	v1 =	vsel vm5, $0x2880, v1;
	v0 =	vsel vm6, $0x1800, v0  }
0x4a: {  	s24 =	simm.s32 $0x14980;
	s8 =	simm.s32 $0x0;
	[dreg:$0x11] =	wrdreg s26;
	[tilespmem:$0x1FF90] =	vst v47;
	v2 =	vsel vm1, $0x3A80, v2;
	v1 =	vsel vm4, $0x2900, v1;
	v0 =	vsel vm5, $0x1880, v0  }
0x4b: {  	p0 =	slt.u32 s5, $0x19;
	s0 =	sadd.s32 s0, s5;
	[dreg:$0x12] =	wrdreg s2;
	[tilespmem:$0x1FF80] =	vst v39;
	v44 =	vsel vm0, $0x3B00, v2;
	v1 =	vsel vm3, $0x2980, v1;
	v0 =	vsel vm4, $0x1900, v0  }
.Ltmp0:
0x4c: {  	s1 =	smax.u32 s23, $0x1;
	p4 =	sne.s32 s4, $0x0;
	v50 =	vsel vm0, $0x3F00, v58;
	[tilespmem:$0x1FFB0] =	vst v44;
	v1 =	vsel vm2, $0x2A00, v1;
	v0 =	vsel vm3, $0x1980, v0;
	(pc) =	sbr.rel .LBB3_1-.Ltmp0, $4  }
0x4d: {  	p5 =	sgt.u32 s5, $0x18;
	s23 =	simm.s32 $0x400;
	s26 =	simm.s32 $0x10080;
	[tilespmem:$0x1FFE0] =	vst v50;
	v1 =	vsel vm1, $0x2A80, v1;
	v0 =	vsel vm2, $0x1A00, v0  }
0x4e: {  	s5 =	simm.s32 $0xC080;
	[dreg:$0x10] =	wrdreg s0;
	s0 =	sor.u32 $0x4, s31;
	[tilespmem:$0x1FFD0] =	vst v48;
	v52 =	vsel vm0, $0x2B00, v1;
	v0 =	vsel vm1, $0x1A80, v0  }
0x4f: {  	p3 =	por p1, p0;
	[dreg:$0x13] =	wrdreg s1;
	s0 =	sshll.u32 s0, $0xE;
	[tilespmem:$0x1FFF0] =	vst v52;
	v40 =	vsel vm0, $0x1B00, v0  }
0x50: {  	s1 =	simm.s32 $0x14080;
	[dreg:$0x14] =	wrdreg s0;
	s0 =	simm.s32 $0x3;
	[tilespmem:$0x1FFA0] =	vst v40  }
.LBB3_16:
.Ltmp1:
0x51: {  	(pc) =	sbr.rel @!p4 .LBB3_17-.Ltmp1, $1  }
0x52: {  	_ =	sdelay $0x3  }
.LBB3_20:
0x53: {  	s8 =	sadd.s32 $0x1, s8;
	s4 =	rddreg [dreg:$0x13]  }
0x54: {  	p6 =	sne.s32 s8, s4  }
.Ltmp2:
0x55: {  	_ = 	snop;
	(pc) =	sbr.rel @!p6 .LBB3_21-.Ltmp2, $1  }
0x56: {  	_ =	sdelay $0x3  }
.LBB3_1:
0x57: {  	s4 =	simm.s32 @p3 $0x0;
	s9 =	simm.s32 @p3 $0x14980;
	s11 =	rddreg [dreg:$0x5]  }
0x58: {  	[tilespmem:s9], [sflag:$0x3] =	stream.linear.gather @p3 [hbm4b:s11+s4], $0x4000, $0x38;
	[tilespmem:$0x19CC0] =	vst v63  }
0x59: {  	s4 =	simm.s32 @!p4 $0x0;
	s9 =	simm.s32 @!p4 $0x18A00;
	s11 =	rddreg [dreg:$0x7]  }
0x5a: {  	[tilespmem:s9], [sflag:$0x4] =	stream.linear.gather @!p4 [hbm4b:s11+s4], $0x1000, $0x38;
	[tilespmem:$0x19CC0] =	vst v63  }
0x5b: {  	s9 =	simm.s32 @!p4 $0x19A00;
	s11 =	rddreg [dreg:$0x8]  }
0x5c: {  	[tilespmem:s9], [sflag:$0x4] =	stream.linear.gather @!p4 [hbm4b:s11+s4], $0x80, $0x38;
	[tilespmem:$0x19CC0] =	vst v63  }
.Ltmp3:
0x5d: {  	_ = 	snop;
	(pc) =	sbr.rel @!p1 .LBB3_2-.Ltmp3, $4  }
0x5e: {  	s9 =	simm.s32 @!p4 $0x19A80;
	s11 =	rddreg [dreg:$0x9]  }
0x5f: {  	[tilespmem:s9], [sflag:$0x4] =	stream.linear.gather @!p4 [hbm4b:s11+s4], $0x80, $0x38;
	[tilespmem:$0x19CC0] =	vst v63  }
0x60: {  	s9 =	simm.s32 @!p4 $0x19B00;
	s11 =	rddreg [dreg:$0xa]  }
0x61: {  	[tilespmem:s9], [sflag:$0x4] =	stream.linear.gather @!p4 [hbm4b:s11+s4], $0x1, $0x38;
	[tilespmem:$0x19CC0] =	vst v63  }
0x62: {  	s4 =	rddreg [dreg:$0x0];
	s9 =	simm.s32 $0x10  }
0x63: {  	[tilespmem:s9], [sflag:$0x6] =	stream.linear.gather [hbm4b:s4+s12], $0x1, $0x38;
	[tilespmem:$0x19CC0] =	vst v63  }
0x64: {  	_ =	swait.ge [sflag:s21], $0x1  }
0x65: {  	[sflag:s21] =	ssyncset.done $0x0  }
0x66: {  	[sflag:s21] =	ssyncadd.s32 $0xFFFFFFFF  }
0x67: {  	s15 =	simm.s32 $0x20;
	s11 =	rddreg [dreg:$0x1]  }
0x68: {  	[tilespmem:s15], [sflag:$0x6] =	stream.linear.gather [hbm4b:s11+s12], $0x1, $0x38;
	[tilespmem:$0x19CC0] =	vst v63  }
0x69: {  	_ =	swait.ge [sflag:s21], $0x1  }
0x6a: {  	[sflag:s21] =	ssyncset.done $0x0  }
0x6b: {  	[sflag:s21] =	ssyncadd.s32 $0xFFFFFFFF  }
0x6c: {  	v0 =	vld [tilespmem:$0x10];
	_ =	sdelay $0x1  }
0x6d: {  	v1 =	vld [tilespmem:$0x20];
	_ =	sdelay $0x2  }
0x6e: {  	(v2sf) =	vpush v0, $0x0;
	_ =	sdelay $0x1  }
0x6f: {  	(v2sf) =	vpush v1, $0x0;
	_ =	sdelay $0xc  }
0x70: {  	s16 =	spop (v2sf)  }
0x71: {  	s17 =	rddreg [dreg:$0x3];
	s4 =	sand.u32 $0xFFFFF80, s16  }
0x72: {  	s18 =	simm.s32 $0xC3800;
	s19 =	spop (v2sf);
	s4 =	sadd.s32 s17, s4  }
0x73: {  	[tilespmem:s26], [sflag:$0x2] =	stream.strided.gather [hbm4b:s4+s23], $0x2000, s18, s23, $0x38;
	[tilespmem:$0x19CC0] =	vst v63  }
.Ltmp4:
0x74: {  	s4 =	sand.u32 $0xFFFFF80, s19;
	(pc) =	sbr.rel @p5 .LBB3_8-.Ltmp4, $4  }
.Ltmp5:
0x75: {  	s4 =	sadd.s32 s3, s4;
	(pc) =	sbr.rel @!p5 .LBB3_5-.Ltmp5, $4  }
0x76: {  	[tilespmem:s29], [sflag:$0x2] =	stream.strided.gather [hbm4b:s4+s23], $0x2000, s28, s23, $0x38;
	[tilespmem:$0x19CC0] =	vst v63  }
0x77: {  	s31 =	simm.s32 $0x18980;
	s25 =	rddreg [dreg:$0x6]  }
0x78: {  	[tilespmem:s31], [sflag:$0x2] =	stream.linear.gather [hbm4b:s25+s12], $0x80, $0x38;
	[tilespmem:$0x19CC0] =	vst v63  }
0x79: {  	_ = 	snop  }
.LBB3_2:
.Ltmp6:
0x7a: {  	(pc) =	sbr.rel @!p0 .LBB3_3-.Ltmp6, $1  }
0x7b: {  	_ =	sdelay $0x3  }
.LBB3_5:
0x7c: {  	s4 =	simm.s32 $0x0;
	s9 =	rddreg [dreg:$0x10]  }
0x7d: {  	[tilespmem:s4], [sflag:$0x6] =	stream.linear.gather [hbm4b:s9+s4], $0x8, $0x38;
	[tilespmem:$0x19CC0] =	vst v63  }
0x7e: {  	_ =	swait.ge [sflag:s21], $0x8  }
0x7f: {  	[sflag:s21] =	ssyncset.done $0x0  }
0x80: {  	[sflag:s21] =	ssyncadd.s32 $0xFFFFFFF8  }
0x81: {  	v0 =	vld [tilespmem:$0x0];
	_ =	sdelay $0x4  }
0x82: {  	(v2sf) =	vpush v0, $0x0  }
0x83: {  	(v2sf) =	vpush v0, $0x1  }
0x84: {  	(v2sf) =	vpush v0, $0x2;
	_ =	sdelay $0x1  }
0x85: {  	(v2sf) =	vpush v0, $0x3  }
0x86: {  	(v2sf) =	vpush v0, $0x4;
	_ =	sdelay $0x3  }
0x87: {  	(v2sf) =	vpush v0, $0x5;
	_ =	sdelay $0x5  }
0x88: {  	s25 =	spop (v2sf);
	(v2sf) =	vpush v0, $0x6  }
0x89: {  	s17 =	sand.u32 $0xFFFFF80, s25;
	s19 =	spop (v2sf)  }
0x8a: {  	(v2sf) =	vpush v0, $0x7;
	s9 =	sadd.s32 s3, s17;
	s18 =	sand.u32 $0xFFFFF80, s19;
	s17 =	spop (v2sf)  }
0x8b: {  	[tilespmem:s13], [sflag:$0x1] =	stream.strided.gather [hbm4b:s9+s23], $0x2000, s28, s23, $0x38;
	[tilespmem:$0x19CC0] =	vst v63  }
0x8c: {  	s9 =	sadd.s32 s3, s18;
	s18 =	spop (v2sf)  }
0x8d: {  	s31 =	sand.u32 $0xFFFFF80, s17;
	s16 =	spop (v2sf)  }
0x8e: {  	[tilespmem:s14], [sflag:$0x1] =	stream.strided.gather [hbm4b:s9+s23], $0x2000, s28, s23, $0x38;
	[tilespmem:$0x19CC0] =	vst v63  }
0x8f: {  	s0 =	sand.u32 $0xFFFFF80, s18;
	s9 =	sadd.s32 s3, s31;
	s1 =	sand.u32 $0xFFFFF80, s16  }
0x90: {  	[tilespmem:s10], [sflag:$0x1] =	stream.strided.gather [hbm4b:s9+s23], $0x2000, s28, s23, $0x38;
	[tilespmem:$0x19CC0] =	vst v63  }
0x91: {  	s15 =	spop (v2sf);
	s9 =	sadd.s32 s3, s0;
	s0 =	simm.s32 $0x6080  }
0x92: {  	[tilespmem:s0], [sflag:$0x1] =	stream.strided.gather [hbm4b:s9+s23], $0x2000, s28, s23, $0x38;
	[tilespmem:$0x19CC0] =	vst v63  }
0x93: {  	s2 =	sand.u32 $0xFFFFF80, s15;
	s9 =	sadd.s32 s3, s1;
	s1 =	simm.s32 $0x8080  }
0x94: {  	[tilespmem:s1], [sflag:$0x1] =	stream.strided.gather [hbm4b:s9+s23], $0x2000, s28, s23, $0x38;
	[tilespmem:$0x19CC0] =	vst v63  }
0x95: {  	s9 =	sadd.s32 s3, s2;
	s2 =	simm.s32 $0xA080  }
0x96: {  	[tilespmem:s2], [sflag:$0x1] =	stream.strided.gather [hbm4b:s9+s23], $0x2000, s28, s23, $0x38;
	[tilespmem:$0x19CC0] =	vst v63  }
0x97: {  	s11 =	spop (v2sf)  }
0x98: {  	s31 =	sand.u32 $0xFFFFF80, s11  }
0x99: {  	s9 =	spop (v2sf);
	s31 =	sadd.s32 s3, s31  }
0x9a: {  	[tilespmem:s5], [sflag:$0x1] =	stream.strided.gather [hbm4b:s31+s23], $0x2000, s28, s23, $0x38;
	[tilespmem:$0x19CC0] =	vst v63  }
0x9b: {  	s31 =	sand.u32 $0xFFFFF80, s9  }
0x9c: {  	s31 =	sadd.s32 s3, s31  }
0x9d: {  	[tilespmem:s22], [sflag:$0x1] =	stream.strided.gather [hbm4b:s31+s23], $0x2000, s28, s23, $0x38;
	[tilespmem:$0x19CC0] =	vst v63  }
0x9e: {  	_ =	swait.ge [sflag:s20], $0x2000  }
0x9f: {  	[sflag:s20] =	ssyncset.done $0x0  }
0xa0: {  	[sflag:s20] =	ssyncadd.s32 $0xFFFFE000  }
0xa1: {  	_ =	swait.ge [sflag:s20], $0x2000  }
0xa2: {  	[sflag:s20] =	ssyncset.done $0x0  }
0xa3: {  	[sflag:s20] =	ssyncadd.s32 $0xFFFFE000  }
0xa4: {  	_ =	swait.ge [sflag:s20], $0x2000  }
0xa5: {  	[sflag:s20] =	ssyncset.done $0x0  }
0xa6: {  	[sflag:s20] =	ssyncadd.s32 $0xFFFFE000  }
0xa7: {  	_ =	swait.ge [sflag:s20], $0x2000  }
0xa8: {  	[sflag:s20] =	ssyncset.done $0x0  }
0xa9: {  	[sflag:s20] =	ssyncadd.s32 $0xFFFFE000  }
0xaa: {  	_ =	swait.ge [sflag:s20], $0x2000  }
0xab: {  	[sflag:s20] =	ssyncset.done $0x0  }
0xac: {  	[sflag:s20] =	ssyncadd.s32 $0xFFFFE000  }
0xad: {  	_ =	swait.ge [sflag:s20], $0x2000  }
0xae: {  	[sflag:s20] =	ssyncset.done $0x0  }
0xaf: {  	[sflag:s20] =	ssyncadd.s32 $0xFFFFE000  }
0xb0: {  	s25 =	sand.u32 $0x7F, s25;
	_ =	swait.ge [sflag:s20], $0x2000  }
0xb1: {  	v0 =	vor.u32 s25, v49;
	[sflag:s20] =	ssyncset.done $0x0  }
0xb2: {  	v1 =	vor.u32 s25, v51;
	s19 =	sand.u32 $0x7F, s19;
	[sflag:s20] =	ssyncadd.s32 $0xFFFFE000  }
0xb3: {  	v4 =	vor.u32 s19, v49;
	_ =	swait.ge [sflag:s20], $0x2000  }
0xb4: {  	v5 =	vor.u32 s19, v51;
	s17 =	sand.u32 $0x7F, s17;
	v28 =	vld [tilespmem:$0x1FF40];
	[sflag:s20] =	ssyncset.done $0x0  }
0xb5: {  	v8 =	vor.u32 s17, v49;
	v29 =	vld [tilespmem:$0x1FF50];
	[sflag:s20] =	ssyncadd.s32 $0xFFFFE000  }
0xb6: {  	v9 =	vor.u32 s17, v51;
	s31 =	sand.u32 $0x7F, s18;
	v0 =	vld.idx.msk [tilespmem:v0+s13+$0x0], $0xffff  }
0xb7: {  	v12 =	vor.u32 s31, v49;
	v1 =	vld.idx.msk [tilespmem:v1+s13+$0x0], $0xffff  }
0xb8: {  	s16 =	sand.u32 $0x7F, s16;
	v13 =	vor.u32 s31, v51;
	v4 =	vld.idx.msk [tilespmem:v4+s14+$0x0], $0xffff  }
0xb9: {  	v16 =	vor.u32 s16, v49;
	v5 =	vld.idx.msk [tilespmem:v5+s14+$0x0], $0xffff  }
0xba: {  	v17 =	vor.u32 s16, v51;
	s15 =	sand.u32 $0x7F, s15;
	v8 =	vld.idx.msk [tilespmem:v8+s10+$0x0], $0xffff  }
0xbb: {  	v20 =	vor.u32 s15, v49;
	v9 =	vld.idx.msk [tilespmem:v9+s10+$0x0], $0xffff  }
0xbc: {  	v21 =	vor.u32 s15, v51;
	v12 =	vld.idx.msk [tilespmem:v12+s0+$0x0], $0xffff  }
0xbd: {  	v13 =	vld.idx.msk [tilespmem:v13+s0+$0x0], $0xffff;
	v2 =	vor.u32 s25, v28  }
0xbe: {  	v16 =	vld.idx.msk [tilespmem:v16+s1+$0x0], $0xffff;
	v3 =	vor.u32 s25, v29  }
0xbf: {  	v17 =	vld.idx.msk [tilespmem:v17+s1+$0x0], $0xffff;
	v6 =	vor.u32 s19, v28  }
0xc0: {  	v20 =	vld.idx.msk [tilespmem:v20+s2+$0x0], $0xffff;
	v7 =	vor.u32 s19, v29  }
0xc1: {  	v21 =	vld.idx.msk [tilespmem:v21+s2+$0x0], $0xffff;
	v10 =	vor.u32 s17, v28  }
0xc2: {  	v11 =	vor.u32 s17, v29;
	v2 =	vld.idx.msk [tilespmem:v2+s13+$0x0], $0xffff  }
0xc3: {  	v14 =	vor.u32 s31, v28;
	v3 =	vld.idx.msk [tilespmem:v3+s13+$0x0], $0xffff  }
0xc4: {  	v15 =	vor.u32 s31, v29;
	v0 =	vadd.f32 $0.0e+00, v0;
	v1 =	vadd.f32 $0.0e+00, v1;
	v6 =	vld.idx.msk [tilespmem:v6+s14+$0x0], $0xffff  }
0xc5: {  	s11 =	sand.u32 $0x7F, s11;
	v18 =	vor.u32 s16, v28;
	v7 =	vld.idx.msk [tilespmem:v7+s14+$0x0], $0xffff  }
0xc6: {  	v25 =	vor.u32 s11, v51;
	v0 =	vadd.f32 v4, v0;
	v1 =	vadd.f32 v5, v1;
	v10 =	vld.idx.msk [tilespmem:v10+s10+$0x0], $0xffff  }
0xc7: {  	v22 =	vor.u32 s15, v28;
	v11 =	vld.idx.msk [tilespmem:v11+s10+$0x0], $0xffff  }
0xc8: {  	v23 =	vor.u32 s15, v29;
	v14 =	vld.idx.msk [tilespmem:v14+s0+$0x0], $0xffff;
	v0 =	vadd.f32 v8, v0;
	v1 =	vadd.f32 v9, v1  }
0xc9: {  	v24 =	vor.u32 s11, v49;
	v19 =	vor.u32 s16, v29;
	v15 =	vld.idx.msk [tilespmem:v15+s0+$0x0], $0xffff  }
0xca: {  	s9 =	sand.u32 $0x7F, s9;
	v26 =	vor.u32 s11, v28;
	v18 =	vld.idx.msk [tilespmem:v18+s1+$0x0], $0xffff;
	v0 =	vadd.f32 v12, v0;
	v1 =	vadd.f32 v13, v1  }
0xcb: {  	v5 =	vor.u32 s9, v49;
	v8 =	vld.idx.msk [tilespmem:v25+s5+$0x0], $0xffff;
	v2 =	vadd.f32 $0.0e+00, v2;
	v3 =	vadd.f32 $0.0e+00, v3  }
0xcc: {  	v27 =	vor.u32 s11, v29;
	v22 =	vld.idx.msk [tilespmem:v22+s2+$0x0], $0xffff;
	v0 =	vadd.f32 v16, v0;
	v1 =	vadd.f32 v17, v1  }
0xcd: {  	v4 =	vld.idx.msk [tilespmem:v23+s2+$0x0], $0xffff;
	s2 =	simm.s32 $0x85;
	v9 =	vor.u32 s9, v28;
	v2 =	vadd.f32 v6, v2;
	v3 =	vadd.f32 v7, v3  }
0xce: {  	v13 =	vmov s2;
	v6 =	vld.idx.msk [tilespmem:v24+s5+$0x0], $0xffff;
	v0 =	vadd.f32 v20, v0;
	v1 =	vadd.f32 v21, v1  }
0xcf: {  	s18 =	simm.s32 $0x8C;
	v19 =	vld.idx.msk [tilespmem:v19+s1+$0x0], $0xffff;
	v7 =	vor.u32 s9, v51;
	v2 =	vadd.f32 v10, v2;
	v3 =	vadd.f32 v11, v3  }
0xd0: {  	v5 =	vld.idx.msk [tilespmem:v5+s22+$0x0], $0xffff;
	v11 =	vor.u32 s9, v29;
	v1 =	vadd.f32 v8, v1;
	v8 =	vmov s18;
	s18 =	simm.s32 $0x82  }
0xd1: {  	v16 =	vmov s18;
	v8 =	vand.u32 $0x3C, v8;
	v2 =	vadd.f32 v14, v2  }
0xd2: {  	s16 =	simm.s32 $0x8F;
	v3 =	vadd.f32 v15, v3;
	v16 =	vand.u32 $0x32, v16;
	v8 =	vbroadcast v8, $0x0  }
0xd3: {  	v12 =	vld.idx.msk [tilespmem:v27+s5+$0x0], $0xffff;
	v0 =	vadd.f32 v6, v0;
	v6 =	vmov s16;
	s16 =	simm.s32 $0x86;
	v59 =	vbroadcast v16, $0x0  }
0xd4: {  	s15 =	simm.s32 $0x8E;
	v10 =	vld.idx.msk [tilespmem:v26+s5+$0x0], $0xffff;
	v2 =	vadd.f32 v18, v2;
	v3 =	vadd.f32 v19, v3;
	v14 =	vmov s16  }
0xd5: {  	v7 =	vld.idx.msk [tilespmem:v7+s22+$0x0], $0xffff;
	v6 =	vand.u32 $0x3F, v6;
	v0 =	vadd.f32 v5, v0;
	v5 =	vmov s15  }
0xd6: {  	v9 =	vld.idx.msk [tilespmem:v9+s22+$0x0], $0xffff;
	v6 =	vbroadcast v6, $0x0;
	v2 =	vadd.f32 v22, v2;
	v3 =	vadd.f32 v4, v3  }
0xd7: {  	v11 =	vld.idx.msk [tilespmem:v11+s22+$0x0], $0xffff;
	v4 =	vmov s4;
	v5 =	vand.u32 $0x3E, v5;
	v0 =	vmul.f32 $4.999999890e-03, v0  }
0xd8: {  	v4 =	vand.u32 $0x30, v4;
	v5 =	vbroadcast v5, $0x0;
	v20 =	vor.u32 v47, v6  }
0xd9: {  	s17 =	simm.s32 $0x8B;
	s25 =	simm.s32 $0x88;
	v16 =	vor.u32 v48, v6;
	v2 =	vadd.f32 v10, v2;
	v3 =	vadd.f32 v12, v3  }
0xda: {  	s1 =	simm.s32 $0x8A;
	v1 =	vadd.f32 v7, v1;
	v7 =	vmov s17;
	v10 =	vmov s25  }
0xdb: {  	s17 =	simm.s32 $0x87;
	v12 =	vmov s1;
	v4 =	vbroadcast v4, $0x0;
	v2 =	vadd.f32 v9, v2  }
0xdc: {  	s25 =	simm.s32 $0x84;
	v15 =	vmov s17;
	v3 =	vadd.f32 v11, v3;
	v1 =	vmul.f32 $4.999999890e-03, v1  }
0xdd: {  	s19 =	simm.s32 $0x8D;
	v18 =	vmov s25;
	[tilespmem:$0x14080] =	vst v0;
	v0 =	vand.u32 $0x3A, v12;
	v2 =	vmul.f32 $4.999999890e-03, v2  }
0xde: {  	s31 =	simm.s32 $0x89;
	v7 =	vand.u32 $0x3B, v7;
	v9 =	vmov s19;
	v3 =	vmul.f32 $4.999999890e-03, v3;
	[tilespmem:$0x14090] =	vst v1  }
0xdf: {  	v11 =	vmov s31;
	v12 =	vand.u32 $0x37, v15;
	v15 =	vand.u32 $0x34, v18;
	[tilespmem:$0x140A0] =	vst v2  }
0xe0: {  	s0 =	simm.s32 $0x3;
	s19 =	simm.s32 $0x83;
	s31 =	simm.s32 $0x81;
	v1 =	vand.u32 $0x38, v10;
	v10 =	vand.u32 $0x39, v11;
	v11 =	vor.u32 v39, v4;
	[tilespmem:$0x140B0] =	vst v3  }
0xe1: {  	v17 =	vmov s19;
	v19 =	vmov s31;
	v9 =	vand.u32 $0x3D, v9;
	_ =	swait.ge [sflag:s0], $0x4000  }
0xe2: {  	v2 =	vand.u32 $0x35, v13;
	v13 =	vand.u32 $0x36, v14;
	v14 =	vor.u32 v47, v4;
	[sflag:s0] =	ssyncset.done $0x0  }
0xe3: {  	s9 =	simm.s32 $0x14080;
	v3 =	vand.u32 $0x33, v17;
	v17 =	vor.u32 v48, v4;
	v4 =	vor.u32 v50, v4;
	[sflag:s0] =	ssyncadd.s32 $0xFFFFC000  }
0xe4: {  	v18 =	vand.u32 $0x31, v19;
	v9 =	vbroadcast v9, $0x0;
	v19 =	vor.u32 v39, v6;
	v21 =	vld [tilespmem:s9+$0x0]  }
0xe5: {  	v43 =	vmovc v50;
	v22 =	vor.u32 v39, v5;
	v45 =	vbroadcast v2, $0x0;
	v57 =	vbroadcast v3, $0x0;
	v11 =	vld.idx.msk [tilespmem:v11+s24+$0x0], $0xffff  }
0xe6: {  	v3 =	vor.u32 v47, v9;
	v2 =	vbroadcast v18, $0x0;
	v18 =	vor.u32 v48, v5;
	[tilespmem:$0x1FE30] =	vst v16;
	v32 =	vld.idx.msk [tilespmem:v20+s24+$0x0], $0xffff  }
0xe7: {  	v0 =	vbroadcast v0, $0x0;
	v6 =	vor.u32 v43, v6;
	v36 =	vbroadcast v13, $0x0;
	[tilespmem:$0x1FE40] =	vst v18;
	v13 =	vld.idx.msk [tilespmem:v14+s24+$0x0], $0xffff  }
0xe8: {  	v7 =	vbroadcast v7, $0x0;
	v12 =	vbroadcast v12, $0x0;
	v16 =	vor.u32 v47, v8;
	[tilespmem:$0x1FE50] =	vst v6;
	v25 =	vld.idx.msk [tilespmem:v4+s24+$0x0], $0xffff  }
0xe9: {  	v18 =	vor.u32 v48, v9;
	v14 =	vor.u32 v47, v5;
	v4 =	vld.idx.msk [tilespmem:v19+s24+$0x0], $0xffff;
	v5 =	vor.u32 v43, v5  }
0xea: {  	v50 =	vbroadcast v15, $0x0;
	v15 =	vld.idx.msk [tilespmem:v17+s24+$0x0], $0xffff;
	v17 =	vor.u32 v39, v9;
	v9 =	vor.u32 v43, v9;
	[tilespmem:$0x1FE70] =	vst v5  }
0xeb: {  	v6 =	vor.u32 v39, v7;
	[tilespmem:$0x1FE90] =	vst v9;
	v44 =	vld.idx.msk [tilespmem:v3+s24+$0x0], $0xffff;
	v3 =	vor.u32 v48, v0  }
0xec: {  	v53 =	vor.u32 v48, v12;
	v31 =	vld.idx.msk [tilespmem:v22+s24+$0x0], $0xffff;
	[tilespmem:$0x1FEC0] =	vst v3;
	v3 =	vor.u32 v43, v7  }
0xed: {  	v10 =	vbroadcast v10, $0x0;
	v27 =	vor.u32 v47, v36;
	v9 =	vor.u32 v39, v0;
	v51 =	vld.idx.msk [tilespmem:v16+s24+$0x0], $0xffff;
	[tilespmem:$0x1FED0] =	vst v3  }
0xee: {  	v1 =	vbroadcast v1, $0x0;
	v5 =	vor.u32 v47, v7;
	[tilespmem:$0x1FE20] =	vst v4;
	v34 =	vld.idx.msk [tilespmem:v14+s24+$0x0], $0xffff;
	v14 =	vor.u32 v48, v8  }
0xef: {  	v3 =	vor.u32 v39, v10;
	v4 =	vor.u32 v39, v8;
	v8 =	vor.u32 v43, v8;
	[tilespmem:$0x1FE80] =	vst v14  }
0xf0: {  	v42 =	vimm.f32 $0.0e+00;
	v54 =	vld.idx.msk [tilespmem:v6+s24+$0x0], $0xffff;
	v6 =	vor.u32 v48, v1;
	v14 =	vor.u32 v48, v7;
	[tilespmem:$0x1FEB0] =	vst v8  }
0xf1: {  	v16 =	vbroadcast v21, $0xF;
	v30 =	vld.idx.msk [tilespmem:v17+s24+$0x0], $0xffff;
	v8 =	vor.u32 v47, v0;
	v0 =	vor.u32 v43, v0;
	[tilespmem:$0x1FEA0] =	vst v14  }
0xf2: {  	v23 =	vbroadcast v21, $0xC;
	v7 =	vor.u32 v48, v10;
	v60 =	vld.idx.msk [tilespmem:v9+s24+$0x0], $0xffff;
	v9 =	vor.u32 v47, v12;
	[tilespmem:$0x1FEE0] =	vst v0  }
0xf3: {  	v56 =	vld.idx.msk [tilespmem:v5+s24+$0x0], $0xffff;
	v0 =	vor.u32 v39, v1;
	[tilespmem:$0x1FEF0] =	vst v7;
	v7 =	vor.u32 v43, v10;
	v14 =	vbroadcast v21, $0x0  }
0xf4: {  	v20 =	vbroadcast v21, $0xD;
	[tilespmem:$0x1FF00] =	vst v7;
	v7 =	vor.u32 v47, v1;
	v1 =	vor.u32 v43, v1;
	v63 =	vld.idx.msk [tilespmem:v3+s24+$0x0], $0xffff  }
0xf5: {  	v28 =	vbroadcast v21, $0xA;
	[tilespmem:$0x1FF20] =	vst v1;
	v1 =	vor.u32 v39, v12;
	v24 =	vmul.f32 v15, v14;
	v15 =	vld.idx.msk [tilespmem:v27+s24+$0x0], $0xffff  }
0xf6: {  	v26 =	vbroadcast v21, $0xB;
	v38 =	vbroadcast v21, $0x8;
	v49 =	vld.idx.msk [tilespmem:v4+s24+$0x0], $0xffff;
	v4 =	vor.u32 v47, v10  }
0xf7: {  	v55 =	vor.u32 v43, v12;
	v33 =	vbroadcast v21, $0x9;
	v52 =	vbroadcast v21, $0x6;
	v61 =	vld.idx.msk [tilespmem:v8+s24+$0x0], $0xffff  }
0xf8: {  	v41 =	vbroadcast v21, $0x7;
	v62 =	vbroadcast v21, $0x4;
	v10 =	vor.u32 v39, v36;
	v12 =	vld.idx.msk [tilespmem:v9+s24+$0x0], $0xffff  }
0xf9: {  	[tilespmem:$0x1FE60] =	vst v18;
	v46 =	vor.u32 v39, v45;
	v58 =	vbroadcast v21, $0x5;
	v18 =	vbroadcast v21, $0x1;
	v5 =	vld.idx.msk [tilespmem:v7+s24+$0x0], $0xffff  }
0xfa: {  	v40 =	vimm.f32 $0.0e+00;
	[tilespmem:$0x1FF10] =	vst v6;
	v17 =	vbroadcast v21, $0xE;
	v22 =	vmul.f32 v11, v14;
	v6 =	vld.idx.msk [tilespmem:v1+s24+$0x0], $0xffff  }
0xfb: {  	v19 =	vmul.f32 v25, v14;
	v25 =	vor.u32 v47, v50;
	v11 =	vor.u32 v39, v57;
	v3 =	vld.idx.msk [tilespmem:v4+s24+$0x0], $0xffff  }
0xfc: {  	v27 =	vimm.f32 $0.0e+00;
	v8 =	vmul.f32 v13, v14;
	v13 =	vbroadcast v21, $0x2;
	v4 =	vld.idx.msk [tilespmem:v0+s24+$0x0], $0xffff  }
0xfd: {  	v9 =	vor.u32 v47, v57;
	v7 =	vor.u32 v47, v45;
	v1 =	vor.u32 v48, v36;
	v14 =	vld.idx.msk [tilespmem:v10+s24+$0x0], $0xffff  }
0xfe: {  	s16 =	simm.s32 $0x10;
	[tilespmem:$0x1FF30] =	vst v27;
	v0 =	vbroadcast v21, $0x3;
	v10 =	vor.u32 v39, v50;
	v21 =	vld.idx.msk [tilespmem:v46+s24+$0x0], $0xffff;
	v46 =	vimm.f32 $0.0e+00  }
.LBB3_6:
0xff: {  	_ =	sdelay $0x2  }
0x100: {  	v29 =	vld.idx.msk [tilespmem:v7+s24+$0x0], $0xffff  }
0x101: {  	v7 =	vld [tilespmem:$0x1FE20];
	_ =	sdelay $0x2  }
0x102: {  	v30 =	vmul.f32 v30, v20  }
0x103: {  	v27 =	vor.u32 v39, v59;
	v10 =	vld.idx.msk [tilespmem:v10+s24+$0x0], $0xffff;
	v31 =	vmul.f32 v31, v17  }
0x104: {  	v25 =	vld.idx.msk [tilespmem:v25+s24+$0x0], $0xffff;
	[tilespmem:$0x1FDD0] =	vst v30;
	v30 =	vor.u32 v47, v2;
	v7 =	vmul.f32 v7, v16  }
0x105: {  	[tilespmem:$0x1FDE0] =	vst v31;
	v31 =	vmul.f32 v34, v17;
	v34 =	vld.idx.msk [tilespmem:v9+s24+$0x0], $0xffff;
	v9 =	vmul.f32 v54, v26  }
0x106: {  	v1 =	vld.idx.msk [tilespmem:v1+s24+$0x0], $0xffff;
	v54 =	vmul.f32 v56, v26;
	v56 =	vmul.f32 v61, v28;
	v61 =	vor.u32 v48, v59  }
0x107: {  	v24 =	vadd.f32 v24, v46;
	v46 =	vld [tilespmem:$0x1FF30];
	[tilespmem:$0x1FE00] =	vst v7;
	v7 =	vmul.f32 v32, v16;
	v32 =	vor.u32 v39, v2  }
0x108: {  	v27 =	vld.idx.msk [tilespmem:v27+s24+$0x0], $0xffff;
	v39 =	vor.u32 v43, v2;
	[tilespmem:$0x1FDF0] =	vst v31  }
0x109: {  	v31 =	vld.idx.msk [tilespmem:v11+s24+$0x0], $0xffff;
	v11 =	vmul.f32 v49, v23;
	v49 =	vmul.f32 v51, v23;
	v51 =	vor.u32 v48, v2  }
0x10a: {  	v30 =	vld.idx.msk [tilespmem:v30+s24+$0x0], $0xffff;
	[tilespmem:$0x1FE10] =	vst v7;
	v7 =	vor.u32 v47, v59  }
0x10b: {  	v35 =	vor.u32 v48, v50;
	v50 =	vor.u32 v43, v50;
	v59 =	vor.u32 v43, v59;
	v61 =	vld.idx.msk [tilespmem:v61+s24+$0x0], $0xffff  }
0x10c: {  	v2 =	vmul.f32 v60, v28;
	v60 =	vmul.f32 v63, v33;
	v63 =	vor.u32 v48, v57;
	v32 =	vld.idx.msk [tilespmem:v32+s24+$0x0], $0xffff  }
0x10d: {  	v37 =	vor.u32 v48, v45;
	v14 =	vmul.f32 v14, v52;
	v57 =	vor.u32 v43, v57;
	v39 =	vld.idx.msk [tilespmem:v39+s24+$0x0], $0xffff  }
0x10e: {  	v45 =	vor.u32 v43, v45;
	v15 =	vmul.f32 v15, v52;
	v21 =	vmul.f32 v21, v58;
	v51 =	vld.idx.msk [tilespmem:v51+s24+$0x0], $0xffff  }
0x10f: {  	v36 =	vor.u32 v43, v36;
	v29 =	vmul.f32 v29, v58;
	v10 =	vmul.f32 v10, v62;
	v7 =	vld.idx.msk [tilespmem:v7+s24+$0x0], $0xffff  }
0x110: {  	v22 =	vadd.f32 v22, v42;
	v25 =	vmul.f32 v25, v62;
	v27 =	vmul.f32 v27, v13;
	v59 =	vld.idx.msk [tilespmem:v59+s24+$0x0], $0xffff  }
0x111: {  	v8 =	vadd.f32 v8, v40;
	v34 =	vmul.f32 v34, v0;
	v63 =	vld.idx.msk [tilespmem:v63+s24+$0x0], $0xffff;
	v30 =	vmul.f32 v30, v18  }
0x112: {  	v19 =	vadd.f32 v19, v46;
	v31 =	vmul.f32 v31, v0;
	v57 =	vld.idx.msk [tilespmem:v57+s24+$0x0], $0xffff;
	v32 =	vmul.f32 v32, v18  }
0x113: {  	v35 =	vld.idx.msk [tilespmem:v35+s24+$0x0], $0xffff;
	v8 =	vadd.f32 v30, v8;
	v42 =	vmul.f32 v51, v18;
	v18 =	vmul.f32 v39, v18  }
0x114: {  	v30 =	vmul.f32 v61, v13;
	v51 =	vld.idx.msk [tilespmem:v50+s24+$0x0], $0xffff;
	v7 =	vmul.f32 v7, v13;
	v22 =	vadd.f32 v32, v22  }
0x115: {  	v61 =	vld.idx.msk [tilespmem:v37+s24+$0x0], $0xffff;
	v13 =	vmul.f32 v59, v13;
	v24 =	vadd.f32 v42, v24;
	v18 =	vadd.f32 v18, v19  }
0x116: {  	v19 =	vld.idx.msk [tilespmem:v45+s24+$0x0], $0xffff;
	v22 =	vadd.f32 v27, v22;
	v7 =	vadd.f32 v7, v8;
	v8 =	vmul.f32 v63, v0  }
0x117: {  	v0 =	vmul.f32 v57, v0;
	v24 =	vadd.f32 v30, v24;
	v13 =	vadd.f32 v13, v18;
	v18 =	vld.idx.msk [tilespmem:v36+s24+$0x0], $0xffff  }
0x118: {  	v27 =	vmul.f32 v35, v62;
	v30 =	vld.idx.msk [tilespmem:v53+s24+$0x0], $0xffff;
	v22 =	vadd.f32 v31, v22;
	v7 =	vadd.f32 v34, v7  }
0x119: {  	v8 =	vadd.f32 v8, v24;
	v0 =	vadd.f32 v0, v13;
	v13 =	vmul.f32 v51, v62;
	v24 =	vld.idx.msk [tilespmem:v55+s24+$0x0], $0xffff  }
0x11a: {  	v10 =	vadd.f32 v10, v22;
	v7 =	vadd.f32 v25, v7;
	v22 =	vmul.f32 v61, v58;
	v25 =	vld [tilespmem:$0x1FF10]  }
0x11b: {  	v8 =	vadd.f32 v27, v8;
	v0 =	vadd.f32 v13, v0;
	v13 =	vmul.f32 v19, v58;
	v19 =	vld [tilespmem:$0x1FF20]  }
0x11c: {  	v1 =	vmul.f32 v1, v52;
	v10 =	vadd.f32 v21, v10;
	v7 =	vadd.f32 v29, v7;
	v21 =	vld [tilespmem:$0x1FEF0]  }
0x11d: {  	v8 =	vadd.f32 v22, v8;
	v0 =	vadd.f32 v13, v0;
	v13 =	vmul.f32 v18, v52;
	v18 =	vld [tilespmem:$0x1FF00]  }
0x11e: {  	v12 =	vmul.f32 v12, v41;
	v10 =	vadd.f32 v14, v10;
	v7 =	vadd.f32 v15, v7;
	v15 =	vld [tilespmem:$0x1FEC0]  }
0x11f: {  	v14 =	vmul.f32 v30, v41;
	v1 =	vadd.f32 v1, v8;
	v0 =	vadd.f32 v13, v0;
	v13 =	vld [tilespmem:$0x1FEE0]  }
0x120: {  	v7 =	vadd.f32 v12, v7;
	v12 =	vld [tilespmem:$0x1FEA0]  }
0x121: {  	v5 =	vmul.f32 v5, v38;
	v1 =	vadd.f32 v14, v1;
	v14 =	vld [tilespmem:$0x1FED0]  }
0x122: {  	v25 =	vld.idx.msk [tilespmem:v25+s24+$0x0], $0xffff  }
0x123: {  	v5 =	vadd.f32 v5, v7;
	v7 =	vld [tilespmem:$0x1FE80]  }
0x124: {  	v19 =	vld.idx.msk [tilespmem:v19+s24+$0x0], $0xffff  }
0x125: {  	v21 =	vld.idx.msk [tilespmem:v21+s24+$0x0], $0xffff  }
0x126: {  	v18 =	vld.idx.msk [tilespmem:v18+s24+$0x0], $0xffff  }
0x127: {  	v6 =	vmul.f32 v6, v41;
	v15 =	vld.idx.msk [tilespmem:v15+s24+$0x0], $0xffff  }
0x128: {  	v8 =	vmul.f32 v24, v41;
	v13 =	vld.idx.msk [tilespmem:v13+s24+$0x0], $0xffff  }
0x129: {  	v4 =	vmul.f32 v4, v38;
	v6 =	vadd.f32 v6, v10;
	v10 =	vmul.f32 v25, v38;
	v12 =	vld.idx.msk [tilespmem:v12+s24+$0x0], $0xffff  }
0x12a: {  	v0 =	vadd.f32 v8, v0;
	v8 =	vmul.f32 v19, v38;
	v14 =	vld.idx.msk [tilespmem:v14+s24+$0x0], $0xffff  }
0x12b: {  	v3 =	vmul.f32 v3, v33;
	v4 =	vadd.f32 v4, v6;
	v1 =	vadd.f32 v10, v1;
	v10 =	vld [tilespmem:$0x1FEB0]  }
0x12c: {  	v6 =	vmul.f32 v21, v33;
	v7 =	vld.idx.msk [tilespmem:v7+s24+$0x0], $0xffff;
	v0 =	vadd.f32 v8, v0;
	v8 =	vmul.f32 v18, v33  }
0x12d: {  	v4 =	vadd.f32 v60, v4;
	v3 =	vadd.f32 v3, v5;
	v5 =	vmul.f32 v15, v28;
	v15 =	vld [tilespmem:$0x1FE60]  }
0x12e: {  	v1 =	vadd.f32 v6, v1;
	v0 =	vadd.f32 v8, v0;
	v6 =	vmul.f32 v13, v28;
	v8 =	vld [tilespmem:$0x1FE90]  }
0x12f: {  	v2 =	vadd.f32 v2, v4;
	v4 =	vmul.f32 v12, v26;
	v12 =	vld [tilespmem:$0x1FE40]  }
0x130: {  	v1 =	vadd.f32 v5, v1;
	v0 =	vadd.f32 v6, v0;
	v5 =	vmul.f32 v14, v26  }
0x131: {  	v6 =	vld [tilespmem:$0x1FE70]  }
0x132: {  	v7 =	vmul.f32 v7, v23;
	v1 =	vadd.f32 v4, v1;
	v0 =	vadd.f32 v5, v0;
	v5 =	vld [tilespmem:$0x1FE50]  }
0x133: {  	v10 =	vld.idx.msk [tilespmem:v10+s24+$0x0], $0xffff  }
0x134: {  	v3 =	vadd.f32 v56, v3;
	v1 =	vadd.f32 v7, v1;
	v7 =	vld [tilespmem:$0x1FDD0]  }
0x135: {  	v15 =	vld.idx.msk [tilespmem:v15+s24+$0x0], $0xffff  }
0x136: {  	v3 =	vadd.f32 v54, v3;
	v8 =	vld.idx.msk [tilespmem:v8+s24+$0x0], $0xffff  }
0x137: {  	v2 =	vadd.f32 v9, v2;
	v12 =	vld.idx.msk [tilespmem:v12+s24+$0x0], $0xffff  }
0x138: {  	s2 =	sadd.s32 $0x87, s16;
	v44 =	vmul.f32 v44, v20;
	v3 =	vadd.f32 v49, v3  }
0x139: {  	v2 =	vadd.f32 v11, v2;
	v11 =	vmov s2;
	v6 =	vld.idx.msk [tilespmem:v6+s24+$0x0], $0xffff;
	v4 =	vmul.f32 v10, v23  }
0x13a: {  	v9 =	vld [tilespmem:$0x1FE30];
	v11 =	vand.u32 $0x37, v11;
	v3 =	vadd.f32 v44, v3;
	v10 =	vmul.f32 v15, v20  }
0x13b: {  	s19 =	sadd.s32 $0x8A, s16;
	v2 =	vadd.f32 v7, v2;
	v5 =	vld.idx.msk [tilespmem:v5+s24+$0x0], $0xffff;
	v0 =	vadd.f32 v4, v0;
	v4 =	vmul.f32 v8, v20  }
0x13c: {  	s1 =	sadd.s32 $0x86, s16;
	v8 =	vmov s19;
	s19 =	sadd.s32 $0x83, s16;
	v7 =	vmul.f32 v12, v17;
	v1 =	vadd.f32 v10, v1  }
0x13d: {  	v10 =	vmov s1;
	v13 =	vmov s19;
	v8 =	vand.u32 $0x3A, v8  }
0x13e: {  	v0 =	vadd.f32 v4, v0;
	v4 =	vmul.f32 v6, v17;
	v6 =	vld [tilespmem:$0x1FDE0];
	v10 =	vand.u32 $0x36, v10  }
0x13f: {  	s25 =	sadd.s32 $0x89, s16;
	v13 =	vand.u32 $0x33, v13;
	v8 =	vbroadcast v8, $0x0;
	v1 =	vadd.f32 v7, v1  }
0x140: {  	v7 =	vmov s25;
	s25 =	sadd.s32 $0x84, s16;
	v0 =	vadd.f32 v4, v0;
	v4 =	vmul.f32 v5, v16;
	v5 =	vld [tilespmem:$0x1FE00]  }
0x141: {  	v36 =	vbroadcast v10, $0x0;
	v10 =	vbroadcast v11, $0x0;
	v14 =	vmov s25  }
0x142: {  	s17 =	sadd.s32 $0x8C, s16;
	v9 =	vld.idx.msk [tilespmem:v9+s24+$0x0], $0xffff;
	v57 =	vbroadcast v13, $0x0;
	v7 =	vand.u32 $0x39, v7;
	v14 =	vand.u32 $0x34, v14  }
0x143: {  	v0 =	vadd.f32 v4, v0;
	v4 =	vmov s17;
	v2 =	vadd.f32 v6, v2;
	v6 =	vld [tilespmem:$0x1FDF0]  }
0x144: {  	s18 =	sadd.s32 $0x8D, s16;
	v39 =	vld [tilespmem:$0x1FF80];
	v7 =	vbroadcast v7, $0x0;
	v50 =	vbroadcast v14, $0x0;
	v4 =	vand.u32 $0x3C, v4  }
0x145: {  	[tilespmem:$0x1FF30] =	vst v0;
	v0 =	vmov s16;
	v42 =	vadd.f32 v5, v2;
	v5 =	vmov s18  }
0x146: {  	v4 =	vbroadcast v4, $0x0;
	v2 =	vld [tilespmem:$0x1FE10];
	v0 =	vand.u32 $0x30, v0;
	v5 =	vand.u32 $0x3D, v5  }
0x147: {  	s31 =	sadd.s32 $0x85, s16;
	v0 =	vbroadcast v0, $0x0;
	v5 =	vbroadcast v5, $0x0  }
0x148: {  	v3 =	vadd.f32 v6, v3;
	v6 =	vmul.f32 v9, v16;
	v9 =	vmov s31  }
0x149: {  	s31 =	sadd.s32 $0x81, s16;
	v16 =	vor.u32 v39, v0;
	v17 =	vor.u32 v47, v0;
	v18 =	vor.u32 v48, v0  }
0x14a: {  	s4 =	sadd.s32 $0x8E, s16;
	v0 =	vor.u32 v43, v0;
	v15 =	vmov s31;
	v9 =	vand.u32 $0x35, v9  }
0x14b: {  	s11 =	sadd.s32 $0x8F, s16;
	s15 =	sadd.s32 $0x8B, s16;
	v40 =	vadd.f32 v2, v3;
	v46 =	vadd.f32 v6, v1;
	v1 =	vmov s4  }
0x14c: {  	v2 =	vmov s11;
	s11 =	sadd.s32 $0x88, s16;
	v3 =	vmov s15;
	v45 =	vbroadcast v9, $0x0  }
0x14d: {  	s9 =	sadd.s32 $0x10, s9;
	v9 =	vor.u32 v47, v5;
	v6 =	vmov s11;
	v2 =	vand.u32 $0x3F, v2  }
0x14e: {  	s11 =	sadd.s32 $0x82, s16;
	v1 =	vand.u32 $0x3E, v1;
	v19 =	vbroadcast v2, $0x0;
	v2 =	vand.u32 $0x31, v15;
	v15 =	vld [tilespmem:s9+$0x0]  }
0x14f: {  	v3 =	vand.u32 $0x3B, v3;
	v12 =	vmov s11;
	v6 =	vand.u32 $0x38, v6;
	v21 =	vld.idx.msk [tilespmem:v16+s24+$0x0], $0xffff  }
0x150: {  	v1 =	vbroadcast v1, $0x0;
	v3 =	vbroadcast v3, $0x0;
	v29 =	vld.idx.msk [tilespmem:v0+s24+$0x0], $0xffff;
	v0 =	vor.u32 v39, v5  }
0x151: {  	v35 =	vor.u32 v39, v45;
	v12 =	vand.u32 $0x32, v12;
	v24 =	vld.idx.msk [tilespmem:v17+s24+$0x0], $0xffff;
	v20 =	vor.u32 v39, v19  }
0x152: {  	v27 =	vld.idx.msk [tilespmem:v18+s24+$0x0], $0xffff;
	v16 =	vor.u32 v47, v19;
	v17 =	vor.u32 v39, v1;
	v13 =	vor.u32 v48, v19  }
0x153: {  	v11 =	vor.u32 v47, v1;
	v14 =	vor.u32 v48, v1;
	v1 =	vor.u32 v43, v1;
	[tilespmem:$0x1FE30] =	vst v13  }
0x154: {  	v6 =	vbroadcast v6, $0x0;
	v13 =	vor.u32 v47, v4;
	[tilespmem:$0x1FE40] =	vst v14;
	v14 =	vor.u32 v43, v19;
	v44 =	vld.idx.msk [tilespmem:v9+s24+$0x0], $0xffff  }
0x155: {  	v59 =	vbroadcast v12, $0x0;
	[tilespmem:$0x1FE70] =	vst v1;
	v1 =	vor.u32 v47, v3;
	v9 =	vor.u32 v48, v7;
	v30 =	vld.idx.msk [tilespmem:v0+s24+$0x0], $0xffff  }
0x156: {  	v19 =	vor.u32 v47, v36;
	[tilespmem:$0x1FE50] =	vst v14;
	v14 =	vor.u32 v39, v3;
	v23 =	vbroadcast v15, $0xC;
	v12 =	vld.idx.msk [tilespmem:v20+s24+$0x0], $0xffff  }
0x157: {  	[tilespmem:$0x1FEF0] =	vst v9;
	v9 =	vor.u32 v48, v6;
	v28 =	vbroadcast v15, $0xA;
	v26 =	vbroadcast v15, $0xB;
	v32 =	vld.idx.msk [tilespmem:v16+s24+$0x0], $0xffff  }
0x158: {  	v38 =	vbroadcast v15, $0x8;
	v33 =	vbroadcast v15, $0x9;
	v0 =	vor.u32 v43, v5;
	v31 =	vld.idx.msk [tilespmem:v17+s24+$0x0], $0xffff  }
0x159: {  	v52 =	vbroadcast v15, $0x6;
	v37 =	vbroadcast v15, $0x0;
	v16 =	vor.u32 v48, v5;
	v34 =	vld.idx.msk [tilespmem:v11+s24+$0x0], $0xffff;
	[tilespmem:$0x1FE90] =	vst v0  }
0x15a: {  	v11 =	vor.u32 v48, v4;
	v0 =	vor.u32 v39, v8;
	v5 =	vor.u32 v48, v3;
	[tilespmem:$0x1FE60] =	vst v16  }
0x15b: {  	v41 =	vbroadcast v15, $0x7;
	v3 =	vor.u32 v43, v3;
	v22 =	vmul.f32 v21, v37;
	v21 =	vld.idx.msk [tilespmem:v35+s24+$0x0], $0xffff;
	[tilespmem:$0x1FE80] =	vst v11  }
0x15c: {  	v62 =	vbroadcast v15, $0x4;
	v58 =	vbroadcast v15, $0x5;
	[tilespmem:$0x1FED0] =	vst v3;
	v3 =	vor.u32 v39, v7;
	v51 =	vld.idx.msk [tilespmem:v13+s24+$0x0], $0xffff  }
0x15d: {  	v18 =	vbroadcast v15, $0x1;
	[tilespmem:$0x1FEA0] =	vst v5;
	v5 =	vor.u32 v48, v8;
	v56 =	vld.idx.msk [tilespmem:v1+s24+$0x0], $0xffff;
	v11 =	vor.u32 v39, v36  }
0x15e: {  	v17 =	vbroadcast v15, $0xE;
	[tilespmem:$0x1FEC0] =	vst v5;
	v5 =	vor.u32 v47, v7;
	v7 =	vor.u32 v43, v7;
	v54 =	vld.idx.msk [tilespmem:v14+s24+$0x0], $0xffff  }
0x15f: {  	v20 =	vbroadcast v15, $0xD;
	v16 =	vbroadcast v15, $0xF;
	[tilespmem:$0x1FF00] =	vst v7;
	v7 =	vor.u32 v47, v6;
	v60 =	vld.idx.msk [tilespmem:v0+s24+$0x0], $0xffff  }
0x160: {  	v13 =	vbroadcast v15, $0x2;
	[tilespmem:$0x1FE20] =	vst v12;
	v12 =	vor.u32 v39, v4;
	v0 =	vbroadcast v15, $0x3;
	v15 =	vld.idx.msk [tilespmem:v19+s24+$0x0], $0xffff  }
0x161: {  	[tilespmem:$0x1FF10] =	vst v9;
	v9 =	vor.u32 v47, v10;
	v4 =	vor.u32 v43, v4;
	v63 =	vld.idx.msk [tilespmem:v3+s24+$0x0], $0xffff  }
0x162: {  	[tilespmem:$0x1FEB0] =	vst v4;
	v4 =	vor.u32 v47, v8;
	v8 =	vor.u32 v43, v8;
	v14 =	vld.idx.msk [tilespmem:v11+s24+$0x0], $0xffff  }
0x163: {  	[tilespmem:$0x1FEE0] =	vst v8;
	v8 =	vor.u32 v39, v6;
	v6 =	vor.u32 v43, v6;
	v3 =	vld.idx.msk [tilespmem:v5+s24+$0x0], $0xffff  }
0x164: {  	p6 =	seq.s32 s16, $0x30;
	[tilespmem:$0x1FF20] =	vst v6;
	v6 =	vor.u32 v39, v10;
	v5 =	vld.idx.msk [tilespmem:v7+s24+$0x0], $0xffff  }
.Ltmp7:
0x165: {  	v49 =	vld.idx.msk [tilespmem:v12+s24+$0x0], $0xffff;
	(pc) =	sbr.rel @!p6 .LBB3_6-.Ltmp7, $4  }
0x166: {  	v53 =	vor.u32 v48, v10;
	v55 =	vor.u32 v43, v10;
	v25 =	vor.u32 v47, v50;
	v12 =	vld.idx.msk [tilespmem:v9+s24+$0x0], $0xffff  }
0x167: {  	v2 =	vbroadcast v2, $0x0;
	v1 =	vor.u32 v48, v36;
	v19 =	vmul.f32 v29, v37;
	v61 =	vld.idx.msk [tilespmem:v4+s24+$0x0], $0xffff  }
0x168: {  	v11 =	vor.u32 v39, v57;
	v7 =	vor.u32 v47, v45;
	v10 =	vor.u32 v39, v50;
	v4 =	vld.idx.msk [tilespmem:v8+s24+$0x0], $0xffff  }
0x169: {  	s16 =	sadd.s32 $0x10, s16;
	v9 =	vor.u32 v47, v57;
	v8 =	vmul.f32 v24, v37;
	v24 =	vmul.f32 v27, v37;
	v6 =	vld.idx.msk [tilespmem:v6+s24+$0x0], $0xffff  }
0x16a: {  	_ =	sdelay $0x3  }
0x16b: {  	v10 =	vld.idx.msk [tilespmem:v10+s24+$0x0], $0xffff  }
0x16c: {  	v27 =	vor.u32 v39, v59;
	v29 =	vor.u32 v39, v2;
	v39 =	vld.idx.msk [tilespmem:v11+s24+$0x0], $0xffff  }
0x16d: {  	v9 =	vld.idx.msk [tilespmem:v9+s24+$0x0], $0xffff  }
0x16e: {  	v37 =	vor.u32 v48, v2;
	v25 =	vld.idx.msk [tilespmem:v25+s24+$0x0], $0xffff  }
0x16f: {  	v7 =	vld.idx.msk [tilespmem:v7+s24+$0x0], $0xffff  }
0x170: {  	v1 =	vld.idx.msk [tilespmem:v1+s24+$0x0], $0xffff;
	[tilespmem:$0x1FDC0] =	vst v10;
	v10 =	vor.u32 v48, v59  }
0x171: {  	v11 =	vor.u32 v48, v57;
	v27 =	vld.idx.msk [tilespmem:v27+s24+$0x0], $0xffff  }
0x172: {  	v35 =	vor.u32 v47, v2;
	v29 =	vld.idx.msk [tilespmem:v29+s24+$0x0], $0xffff  }
0x173: {  	v2 =	vor.u32 v43, v2;
	v37 =	vld.idx.msk [tilespmem:v37+s24+$0x0], $0xffff  }
0x174: {  	v57 =	vor.u32 v43, v57;
	[tilespmem:$0x1FDB0] =	vst v39;
	v39 =	vor.u32 v47, v59;
	v47 =	vor.u32 v43, v59;
	v59 =	vld [tilespmem:$0x1FF30]  }
0x175: {  	v10 =	vld.idx.msk [tilespmem:v10+s24+$0x0], $0xffff  }
0x176: {  	v11 =	vld.idx.msk [tilespmem:v11+s24+$0x0], $0xffff  }
0x177: {  	v8 =	vadd.f32 v8, v40;
	v35 =	vld.idx.msk [tilespmem:v35+s24+$0x0], $0xffff  }
0x178: {  	v24 =	vadd.f32 v24, v46;
	v40 =	vor.u32 v43, v45;
	v2 =	vld.idx.msk [tilespmem:v2+s24+$0x0], $0xffff;
	v37 =	vmul.f32 v37, v18  }
0x179: {  	v22 =	vadd.f32 v22, v42;
	v46 =	vor.u32 v48, v50;
	v57 =	vld.idx.msk [tilespmem:v57+s24+$0x0], $0xffff  }
0x17a: {  	v42 =	vld.idx.msk [tilespmem:v47+s24+$0x0], $0xffff;
	v47 =	vor.u32 v43, v50;
	v50 =	vadd.f32 v37, v24;
	v10 =	vmul.f32 v10, v13  }
0x17b: {  	v39 =	vld.idx.msk [tilespmem:v39+s24+$0x0], $0xffff;
	v29 =	vmul.f32 v29, v18  }
0x17c: {  	v35 =	vmul.f32 v35, v18;
	v10 =	vadd.f32 v10, v50;
	v50 =	vld [tilespmem:$0x1FDB0]  }
0x17d: {  	v24 =	vld.idx.msk [tilespmem:v40+s24+$0x0], $0xffff;
	v2 =	vmul.f32 v2, v18;
	v18 =	vadd.f32 v29, v22;
	v29 =	vor.u32 v48, v45  }
0x17e: {  	v19 =	vadd.f32 v19, v59;
	v45 =	vld.idx.msk [tilespmem:v46+s24+$0x0], $0xffff  }
0x17f: {  	v27 =	vmul.f32 v27, v13;
	v47 =	vld.idx.msk [tilespmem:v47+s24+$0x0], $0xffff  }
0x180: {  	v59 =	vmul.f32 v39, v13;
	v8 =	vadd.f32 v35, v8;
	v2 =	vadd.f32 v2, v19;
	v19 =	vld [tilespmem:$0x1FEE0]  }
0x181: {  	v46 =	vor.u32 v43, v36;
	v18 =	vadd.f32 v27, v18;
	v27 =	vld [tilespmem:$0x1FED0];
	v22 =	vmul.f32 v50, v0  }
0x182: {  	v8 =	vadd.f32 v59, v8;
	v59 =	vld.idx.msk [tilespmem:v29+s24+$0x0], $0xffff  }
0x183: {  	v11 =	vmul.f32 v11, v0;
	v42 =	vmul.f32 v42, v13;
	v18 =	vadd.f32 v22, v18;
	v22 =	vld [tilespmem:$0x1FDC0]  }
0x184: {  	v35 =	vld [tilespmem:$0x1FEB0]  }
0x185: {  	v2 =	vadd.f32 v42, v2;
	v42 =	vld.idx.msk [tilespmem:v53+s24+$0x0], $0xffff;
	v10 =	vadd.f32 v11, v10;
	v36 =	vmul.f32 v45, v62  }
0x186: {  	v9 =	vmul.f32 v9, v0;
	v39 =	vld.idx.msk [tilespmem:v46+s24+$0x0], $0xffff  }
0x187: {  	v29 =	vmul.f32 v25, v62;
	v46 =	vld.idx.msk [tilespmem:v55+s24+$0x0], $0xffff;
	v10 =	vadd.f32 v36, v10;
	v13 =	vmul.f32 v59, v58  }
0x188: {  	v8 =	vadd.f32 v9, v8;
	v37 =	vmul.f32 v47, v62;
	v9 =	vmul.f32 v22, v62;
	v62 =	vld [tilespmem:$0x1FEF0]  }
0x189: {  	v57 =	vmul.f32 v57, v0;
	v47 =	vadd.f32 v13, v10;
	v13 =	vld [tilespmem:$0x1FF00]  }
0x18a: {  	v45 =	vmul.f32 v24, v58;
	v24 =	vld [tilespmem:$0x1FEA0]  }
0x18b: {  	v40 =	vmul.f32 v21, v58;
	v0 =	vadd.f32 v57, v2;
	v57 =	vld [tilespmem:$0x1FF10];
	v9 =	vadd.f32 v9, v18  }
0x18c: {  	v6 =	vmul.f32 v6, v41;
	v7 =	vmul.f32 v7, v58;
	v58 =	vld [tilespmem:$0x1FF20]  }
0x18d: {  	v2 =	vadd.f32 v29, v8;
	v50 =	vmul.f32 v14, v52;
	v14 =	vld [tilespmem:$0x1FEC0];
	v8 =	vadd.f32 v40, v9  }
0x18e: {  	v11 =	vmul.f32 v42, v41;
	v42 =	vmul.f32 v51, v23;
	v51 =	vld [tilespmem:$0x1FE30]  }
0x18f: {  	v2 =	vadd.f32 v7, v2;
	v7 =	vmul.f32 v46, v41;
	v46 =	vld [tilespmem:$0x1FE40];
	v8 =	vadd.f32 v50, v8  }
0x190: {  	v59 =	vmul.f32 v12, v41;
	v12 =	vld.idx.msk [tilespmem:v62+s24+$0x0], $0xffff  }
0x191: {  	v0 =	vadd.f32 v37, v0;
	v6 =	vadd.f32 v6, v8;
	v8 =	vld.idx.msk [tilespmem:v13+s24+$0x0], $0xffff  }
0x192: {  	v41 =	vmul.f32 v49, v23;
	v49 =	vld [tilespmem:$0x1FE70]  }
0x193: {  	v53 =	vmul.f32 v15, v52;
	v55 =	vmul.f32 v39, v52;
	v0 =	vadd.f32 v45, v0;
	v15 =	vld.idx.msk [tilespmem:v57+s24+$0x0], $0xffff  }
0x194: {  	v3 =	vmul.f32 v3, v33;
	v10 =	vld.idx.msk [tilespmem:v58+s24+$0x0], $0xffff  }
0x195: {  	v1 =	vmul.f32 v1, v52;
	v21 =	vmul.f32 v63, v33;
	v52 =	vld [tilespmem:$0x1FE50];
	v0 =	vadd.f32 v55, v0  }
0x196: {  	v2 =	vadd.f32 v53, v2;
	v22 =	vmul.f32 v12, v33;
	v8 =	vmul.f32 v8, v33;
	v33 =	vld [tilespmem:$0x1FE80]  }
0x197: {  	v4 =	vmul.f32 v4, v38;
	v0 =	vadd.f32 v7, v0;
	v7 =	vld.idx.msk [tilespmem:v14+s24+$0x0], $0xffff  }
0x198: {  	v5 =	vmul.f32 v5, v38;
	v2 =	vadd.f32 v59, v2;
	v40 =	vld [tilespmem:$0x1FE90]  }
0x199: {  	v18 =	vmul.f32 v15, v38;
	v10 =	vmul.f32 v10, v38;
	v38 =	vld [tilespmem:$0x1FE60];
	v4 =	vadd.f32 v4, v6  }
0x19a: {  	v25 =	vmul.f32 v60, v28;
	v1 =	vadd.f32 v1, v47;
	v2 =	vadd.f32 v5, v2;
	v5 =	vld.idx.msk [tilespmem:v19+s24+$0x0], $0xffff  }
0x19b: {  	v36 =	vmul.f32 v54, v26;
	v0 =	vadd.f32 v10, v0;
	v10 =	vld.idx.msk [tilespmem:v24+s24+$0x0], $0xffff;
	v4 =	vadd.f32 v21, v4  }
0x19c: {  	v29 =	vmul.f32 v61, v28;
	v1 =	vadd.f32 v11, v1;
	v2 =	vadd.f32 v3, v2;
	v6 =	vld.idx.msk [tilespmem:v27+s24+$0x0], $0xffff  }
0x19d: {  	v54 =	vmul.f32 v34, v17;
	v37 =	vmul.f32 v56, v26;
	v3 =	vadd.f32 v25, v4;
	v4 =	vld.idx.msk [tilespmem:v35+s24+$0x0], $0xffff  }
0x19e: {  	v53 =	vmul.f32 v31, v17;
	v2 =	vadd.f32 v29, v2;
	v1 =	vadd.f32 v18, v1;
	v9 =	vld.idx.msk [tilespmem:v33+s24+$0x0], $0xffff  }
0x19f: {  	v47 =	vmul.f32 v30, v20;
	v5 =	vmul.f32 v5, v28;
	v0 =	vadd.f32 v8, v0  }
0x1a0: {  	v7 =	vmul.f32 v7, v28;
	v2 =	vadd.f32 v37, v2;
	v1 =	vadd.f32 v22, v1;
	v8 =	vld.idx.msk [tilespmem:v40+s24+$0x0], $0xffff  }
0x1a1: {  	v50 =	vmul.f32 v44, v20;
	v6 =	vmul.f32 v6, v26;
	v0 =	vadd.f32 v5, v0;
	v5 =	vld.idx.msk [tilespmem:v38+s24+$0x0], $0xffff  }
0x1a2: {  	v2 =	vadd.f32 v42, v2;
	v39 =	vmul.f32 v10, v26;
	v10 =	vld.idx.msk [tilespmem:v49+s24+$0x0], $0xffff;
	v1 =	vadd.f32 v7, v1  }
0x1a3: {  	v0 =	vadd.f32 v6, v0;
	v4 =	vmul.f32 v4, v23;
	v45 =	vmul.f32 v9, v23;
	v9 =	vld.idx.msk [tilespmem:v46+s24+$0x0], $0xffff  }
0x1a4: {  	v59 =	vmul.f32 v32, v16;
	v3 =	vadd.f32 v36, v3;
	v7 =	vld.idx.msk [tilespmem:v52+s24+$0x0], $0xffff;
	v1 =	vadd.f32 v39, v1  }
0x1a5: {  	v58 =	vld [tilespmem:$0x1FE20];
	v2 =	vadd.f32 v50, v2;
	v8 =	vmul.f32 v8, v20;
	v0 =	vadd.f32 v4, v0  }
0x1a6: {  	v3 =	vadd.f32 v41, v3;
	v6 =	vld.idx.msk [tilespmem:v51+s24+$0x0], $0xffff;
	v5 =	vmul.f32 v5, v20;
	v1 =	vadd.f32 v45, v1  }
0x1a7: {  	v2 =	vadd.f32 v54, v2;
	v56 =	vmul.f32 v10, v17;
	v0 =	vadd.f32 v8, v0  }
0x1a8: {  	v3 =	vadd.f32 v47, v3;
	v1 =	vadd.f32 v5, v1;
	v55 =	vmul.f32 v9, v17  }
0x1a9: {  	v44 =	vld [tilespmem:$0x1FFB0];
	v61 =	vadd.f32 v59, v2;
	v7 =	vmul.f32 v7, v16;
	v8 =	vadd.f32 v56, v0  }
0x1aa: {  	v49 =	vld [tilespmem:$0x1FFC0];
	v3 =	vadd.f32 v53, v3;
	v57 =	vadd.f32 v55, v1;
	v1 =	vmul.f32 v58, v16  }
.Ltmp8:
0x1ab: {  	v40 =	vld [tilespmem:$0x1FFA0];
	v6 =	vmul.f32 v6, v16;
	v63 =	vadd.f32 v7, v8;
	(pc) =	sbr.rel @!p1 .LBB3_14-.Ltmp8, $4  }
0x1ac: {  	v52 =	vld [tilespmem:$0x1FFF0];
	[tilespmem:$0x14090] =	vst v61;
	v60 =	vadd.f32 v1, v3  }
0x1ad: {  	v51 =	vld [tilespmem:$0x1FF70];
	[tilespmem:$0x140B0] =	vst v63;
	v62 =	vadd.f32 v6, v57  }
0x1ae: {  	v39 =	vld [tilespmem:$0x1FF80];
	[tilespmem:$0x14080] =	vst v60  }
0x1af: {  	s1 =	simm.s32 $0x14080;
	v50 =	vmov v43;
	v47 =	vld [tilespmem:$0x1FF90];
	[tilespmem:$0x140A0] =	vst v62  }
.LBB3_8:
0x1b0: {  	v1 =	vld [tilespmem:$0x20];
	_ =	sdelay $0x4  }
0x1b1: {  	[tilespmem:$0x1FC40] =	vst v1  }
0x1b2: {  	v0 =	vld [tilespmem:$0x10];
	_ =	swait.ge [sflag:s30], $0x2000  }
0x1b3: {  	[sflag:s30] =	ssyncset.done $0x0  }
0x1b4: {  	[sflag:s30] =	ssyncadd.s32 $0xFFFFE000  }
0x1b5: {  	_ =	swait.ge [sflag:s30], $0x2000  }
0x1b6: {  	[sflag:s30] =	ssyncset.done $0x0  }
0x1b7: {  	[sflag:s30] =	ssyncadd.s32 $0xFFFFE000  }
0x1b8: {  	_ =	swait.ge [sflag:s30], $0x80  }
0x1b9: {  	[sflag:s30] =	ssyncset.done $0x0  }
0x1ba: {  	[sflag:s30] =	ssyncadd.s32 $0xFFFFFF80  }
0x1bb: {  	_ =	swait.ge [sflag:s0], $0x4000  }
0x1bc: {  	[sflag:s0] =	ssyncset.done $0x0  }
0x1bd: {  	v39 =	vld [tilespmem:$0x1FF60];
	[sflag:s0] =	ssyncadd.s32 $0xFFFFC000  }
0x1be: {  	v2 =	vld [tilespmem:$0x18980]  }
0x1bf: {  	(v2sf) =	vpush v0, $0x0;
	v3 =	vld [tilespmem:$0x18990];
	_ =	sdelay $0x1  }
0x1c0: {  	s4 =	simm.s32 $0xF  }
0x1c1: {  	s9 =	simm.s32 $0xE;
	v0 =	vor.u32 s4, v39  }
0x1c2: {  	[tilespmem:$0x1FC50] =	vst v2;
	v2 =	vor.u32 s9, v39  }
0x1c3: {  	s11 =	simm.s32 $0xD;
	[tilespmem:$0x1FC60] =	vst v3;
	v3 =	vor.u32 s9, v40  }
0x1c4: {  	v5 =	vor.u32 s11, v40  }
0x1c5: {  	s15 =	simm.s32 $0xC;
	v1 =	vor.u32 s4, v40;
	v4 =	vld [tilespmem:$0x189A0]  }
0x1c6: {  	s17 =	simm.s32 $0xB;
	v45 =	vld.idx.msk [tilespmem:v0+s24+$0x0], $0xffff;
	v0 =	vor.u32 s15, v39  }
0x1c7: {  	v47 =	vld.idx.msk [tilespmem:v2+s24+$0x0], $0xffff;
	v2 =	vor.u32 s17, v39  }
0x1c8: {  	v48 =	vld.idx.msk [tilespmem:v3+s24+$0x0], $0xffff;
	v3 =	vor.u32 s17, v40  }
0x1c9: {  	v54 =	vld.idx.msk [tilespmem:v5+s24+$0x0], $0xffff;
	v5 =	vor.u32 s4, v52  }
0x1ca: {  	v46 =	vld.idx.msk [tilespmem:v1+s24+$0x0], $0xffff;
	[tilespmem:$0x1FC90] =	vst v5;
	v5 =	vor.u32 s9, v52  }
0x1cb: {  	[tilespmem:$0x1FCA0] =	vst v5;
	v53 =	vld.idx.msk [tilespmem:v0+s24+$0x0], $0xffff  }
0x1cc: {  	s18 =	simm.s32 $0x0;
	s19 =	simm.s32 $0xA;
	[tilespmem:$0x1FC70] =	vst v4;
	v4 =	vor.u32 s11, v39;
	v56 =	vld.idx.msk [tilespmem:v2+s24+$0x0], $0xffff;
	v2 =	vor.u32 s4, v44  }
0x1cd: {  	v1 =	vmov s18;
	s16 =	spop (v2sf);
	v0 =	vor.u32 s19, v40;
	v57 =	vld.idx.msk [tilespmem:v3+s24+$0x0], $0xffff;
	v3 =	vor.u32 s9, v44;
	[tilespmem:$0x1FCB0] =	vst v2  }
0x1ce: {  	v6 =	vor.u32 s15, v40;
	v1 =	vshll.u32 v1, $0x7;
	s16 =	sand.u32 $0x7F, s16;
	v2 =	vor.u32 s11, v52;
	[tilespmem:$0x1FCD0] =	vst v3  }
0x1cf: {  	v1 =	vor.u32 v49, v1;
	v7 =	vmov s16;
	v3 =	vor.u32 s15, v52;
	[tilespmem:$0x1FCC0] =	vst v2  }
0x1d0: {  	s25 =	simm.s32 $0x9;
	v1 =	vor.u32 v7, v1;
	[tilespmem:$0x1FCE0] =	vst v3;
	v3 =	vor.u32 s11, v44  }
0x1d1: {  	v5 =	vor.u32 s25, v39;
	v50 =	vld.idx.msk [tilespmem:v4+s24+$0x0], $0xffff;
	[tilespmem:$0x1FCF0] =	vst v3;
	v3 =	vor.u32 s17, v52  }
0x1d2: {  	v4 =	vor.u32 s19, v39;
	v59 =	vld.idx.msk [tilespmem:v0+s24+$0x0], $0xffff;
	v0 =	vor.u32 s17, v44;
	[tilespmem:$0x1FD00] =	vst v3  }
0x1d3: {  	s31 =	simm.s32 $0x8;
	v2 =	vor.u32 s25, v40;
	v3 =	vor.u32 s15, v44;
	[tilespmem:$0x1FD30] =	vst v0  }
0x1d4: {  	v55 =	vld.idx.msk [tilespmem:v6+s24+$0x0], $0xffff;
	v6 =	vor.u32 s31, v40;
	v0 =	vor.u32 s25, v52;
	[tilespmem:$0x1FD10] =	vst v3  }
0x1d5: {  	s16 =	simm.s32 $0x6;
	v3 =	vor.u32 s19, v52;
	[tilespmem:$0x1FD40] =	vst v0;
	v8 =	vld.idx.msk [tilespmem:v1+s26+$0x0], $0xffff  }
0x1d6: {  	v60 =	vld.idx.msk [tilespmem:v5+s24+$0x0], $0xffff;
	v5 =	vor.u32 s16, v39;
	[tilespmem:$0x1FD20] =	vst v3;
	v3 =	vor.u32 s19, v44  }
0x1d7: {  	v58 =	vld.idx.msk [tilespmem:v4+s24+$0x0], $0xffff;
	s11 =	simm.s32 $0x7;
	v1 =	vor.u32 s31, v39;
	[tilespmem:$0x1FD50] =	vst v3;
	v3 =	vor.u32 s31, v52  }
0x1d8: {  	v4 =	vor.u32 s11, v39;
	[tilespmem:$0x1FD60] =	vst v3;
	v3 =	vld.idx.msk [tilespmem:v2+s24+$0x0], $0xffff;
	v2 =	vor.u32 s25, v44  }
0x1d9: {  	v62 =	vld.idx.msk [tilespmem:v6+s24+$0x0], $0xffff;
	v6 =	vor.u32 s31, v44;
	v0 =	vor.u32 s11, v40;
	s25 =	simm.s32 $0x5;
	[tilespmem:$0x1FD70] =	vst v2;
	v2 =	vor.u32 s11, v52  }
0x1da: {  	v51 =	vld [tilespmem:$0x189B0];
	v9 =	vor.u32 s25, v40;
	v18 =	vbroadcast v8, $0xE;
	v17 =	vbroadcast v8, $0xF  }
0x1db: {  	v12 =	vld.idx.msk [tilespmem:v5+s24+$0x0], $0xffff;
	[tilespmem:$0x1FD80] =	vst v2;
	v2 =	vor.u32 s16, v40;
	v25 =	vbroadcast v8, $0xC;
	v23 =	vbroadcast v8, $0xD  }
0x1dc: {  	s4 =	simm.s32 $0x4;
	v61 =	vld.idx.msk [tilespmem:v1+s24+$0x0], $0xffff;
	v1 =	vor.u32 s25, v39;
	v30 =	vbroadcast v8, $0xA;
	v28 =	vbroadcast v8, $0xB  }
0x1dd: {  	v63 =	vld.idx.msk [tilespmem:v4+s24+$0x0], $0xffff;
	v4 =	vor.u32 s4, v39;
	v38 =	vbroadcast v8, $0x8;
	v37 =	vbroadcast v8, $0x9  }
0x1de: {  	v49 =	vor.u32 s16, v52;
	s15 =	simm.s32 $0x2;
	v0 =	vld.idx.msk [tilespmem:v0+s24+$0x0], $0xffff;
	v43 =	vbroadcast v8, $0x6;
	v42 =	vbroadcast v8, $0x7  }
0x1df: {  	[tilespmem:$0x1FC80] =	vst v7;
	v11 =	vor.u32 s15, v40;
	v41 =	vbroadcast v8, $0x5;
	v7 =	vbroadcast v8, $0x2;
	v13 =	vld.idx.msk [tilespmem:v9+s24+$0x0], $0xffff  }
0x1e0: {  	[tilespmem:$0x1FD90] =	vst v6;
	v5 =	vbroadcast v8, $0x3;
	v15 =	vbroadcast v8, $0x0;
	v21 =	vld.idx.msk [tilespmem:v2+s24+$0x0], $0xffff;
	v2 =	vor.u32 s11, v44  }
0x1e1: {  	v14 =	vbroadcast v8, $0x1;
	v9 =	vor.u32 s15, v39;
	s11 =	simm.s32 $0x3;
	[tilespmem:$0x1FDA0] =	vst v2;
	v2 =	vbroadcast v8, $0x4;
	v6 =	vld.idx.msk [tilespmem:v1+s24+$0x0], $0xffff  }
0x1e2: {  	s9 =	simm.s32 $0x1F;
	s17 =	simm.s32 $0x1;
	v1 =	vor.u32 s4, v40;
	v8 =	vld.idx.msk [tilespmem:v4+s24+$0x0], $0xffff;
	v4 =	vor.u32 s11, v39;
	v10 =	vor.u32 s11, v40  }
.LBB3_9:
0x1e3: {  	_ =	sdelay $0x3  }
0x1e4: {  	v16 =	vor.u32 s17, v39;
	v19 =	vld.idx.msk [tilespmem:v1+s24+$0x0], $0xffff  }
0x1e5: {  	v20 =	vor.u32 s17, v40;
	v22 =	vld.idx.msk [tilespmem:v4+s24+$0x0], $0xffff  }
0x1e6: {  	v24 =	vor.u32 s18, v39;
	v10 =	vld.idx.msk [tilespmem:v10+s24+$0x0], $0xffff  }
0x1e7: {  	v26 =	vor.u32 s18, v40;
	v9 =	vld.idx.msk [tilespmem:v9+s24+$0x0], $0xffff  }
0x1e8: {  	v11 =	vld.idx.msk [tilespmem:v11+s24+$0x0], $0xffff;
	v1 =	vmul.f32 v45, v17;
	v45 =	vor.u32 s17, v44  }
0x1e9: {  	v16 =	vld.idx.msk [tilespmem:v16+s24+$0x0], $0xffff  }
0x1ea: {  	v27 =	vor.u32 s18, v52;
	v20 =	vld.idx.msk [tilespmem:v20+s24+$0x0], $0xffff  }
0x1eb: {  	v29 =	vor.u32 s18, v44;
	[tilespmem:$0x1FC30] =	vst v1;
	v1 =	vmul.f32 v47, v18;
	v47 =	vmul.f32 v48, v18;
	v24 =	vld.idx.msk [tilespmem:v24+s24+$0x0], $0xffff  }
0x1ec: {  	v40 =	vor.u32 s17, v52;
	v48 =	vmul.f32 v54, v23;
	v54 =	vmul.f32 v56, v28;
	v26 =	vld.idx.msk [tilespmem:v26+s24+$0x0], $0xffff  }
0x1ed: {  	v31 =	vor.u32 s15, v52;
	v56 =	vmul.f32 v58, v30;
	v58 =	vmul.f32 v60, v37;
	v60 =	vld.idx.msk [tilespmem:v45+s24+$0x0], $0xffff  }
0x1ee: {  	v45 =	vld [tilespmem:$0x1FC50]  }
0x1ef: {  	v32 =	vor.u32 s15, v44;
	v4 =	vmul.f32 v50, v23;
	v50 =	vmul.f32 v53, v25;
	v27 =	vld.idx.msk [tilespmem:v27+s24+$0x0], $0xffff  }
0x1f0: {  	v33 =	vor.u32 s11, v52;
	v53 =	vmul.f32 v55, v25;
	v55 =	vmul.f32 v57, v28;
	v29 =	vld.idx.msk [tilespmem:v29+s24+$0x0], $0xffff  }
0x1f1: {  	v34 =	vor.u32 s11, v44;
	v57 =	vmul.f32 v59, v30;
	v59 =	vld.idx.msk [tilespmem:v40+s24+$0x0], $0xffff;
	v24 =	vmul.f32 v24, v15  }
0x1f2: {  	v22 =	vmul.f32 v22, v5;
	v31 =	vld.idx.msk [tilespmem:v31+s24+$0x0], $0xffff  }
0x1f3: {  	v10 =	vmul.f32 v10, v5;
	v9 =	vmul.f32 v9, v7;
	v24 =	vadd.f32 v24, v45;
	v45 =	vld [tilespmem:$0x1FC60]  }
0x1f4: {  	v35 =	vor.u32 s4, v52;
	v11 =	vmul.f32 v11, v7;
	v32 =	vld.idx.msk [tilespmem:v32+s24+$0x0], $0xffff;
	v26 =	vmul.f32 v26, v15  }
0x1f5: {  	v33 =	vld.idx.msk [tilespmem:v33+s24+$0x0], $0xffff;
	v27 =	vmul.f32 v27, v15;
	v15 =	vmul.f32 v29, v15  }
0x1f6: {  	v36 =	vor.u32 s4, v44;
	v16 =	vmul.f32 v16, v14;
	v20 =	vmul.f32 v20, v14;
	v29 =	vld.idx.msk [tilespmem:v34+s24+$0x0], $0xffff  }
0x1f7: {  	v59 =	vmul.f32 v59, v14;
	v14 =	vmul.f32 v60, v14;
	v15 =	vadd.f32 v15, v51  }
0x1f8: {  	v40 =	vor.u32 s25, v44;
	v16 =	vadd.f32 v16, v24;
	v26 =	vadd.f32 v26, v45  }
0x1f9: {  	v35 =	vld.idx.msk [tilespmem:v35+s24+$0x0], $0xffff;
	v24 =	vmul.f32 v31, v7;
	v14 =	vadd.f32 v14, v15;
	v7 =	vmul.f32 v32, v7  }
0x1fa: {  	v34 =	vor.u32 s16, v44;
	v9 =	vadd.f32 v9, v16;
	v45 =	vld [tilespmem:$0x1FC70];
	v20 =	vadd.f32 v20, v26  }
0x1fb: {  	v36 =	vld.idx.msk [tilespmem:v36+s24+$0x0], $0xffff;
	v16 =	vmul.f32 v33, v5;
	v7 =	vadd.f32 v7, v14;
	v5 =	vmul.f32 v29, v5  }
0x1fc: {  	v39 =	vor.u32 s25, v52;
	v9 =	vadd.f32 v22, v9;
	v22 =	vld [tilespmem:$0x1FD80];
	v11 =	vadd.f32 v11, v20  }
0x1fd: {  	v5 =	vadd.f32 v5, v7;
	v7 =	vld [tilespmem:$0x1FDA0]  }
0x1fe: {  	v8 =	vmul.f32 v8, v2;
	v19 =	vmul.f32 v19, v2;
	v15 =	vld.idx.msk [tilespmem:v40+s24+$0x0], $0xffff;
	v10 =	vadd.f32 v10, v11  }
0x1ff: {  	v14 =	vld.idx.msk [tilespmem:v34+s24+$0x0], $0xffff;
	v27 =	vadd.f32 v27, v45  }
0x200: {  	v8 =	vadd.f32 v8, v9;
	v9 =	vadd.f32 v19, v10;
	v19 =	vld [tilespmem:$0x1FD60]  }
0x201: {  	v26 =	vld.idx.msk [tilespmem:v39+s24+$0x0], $0xffff;
	v11 =	vmul.f32 v35, v2;
	v2 =	vmul.f32 v36, v2;
	v27 =	vadd.f32 v59, v27  }
0x202: {  	v20 =	vld.idx.msk [tilespmem:v49+s24+$0x0], $0xffff  }
0x203: {  	v2 =	vadd.f32 v2, v5;
	v5 =	vmul.f32 v15, v41;
	v15 =	vld [tilespmem:$0x1FD90];
	v24 =	vadd.f32 v24, v27  }
0x204: {  	v6 =	vmul.f32 v6, v41;
	v13 =	vmul.f32 v13, v41;
	v22 =	vld.idx.msk [tilespmem:v22+s24+$0x0], $0xffff  }
0x205: {  	v12 =	vmul.f32 v12, v43;
	v7 =	vld.idx.msk [tilespmem:v7+s24+$0x0], $0xffff;
	v16 =	vadd.f32 v16, v24  }
0x206: {  	v6 =	vadd.f32 v6, v8;
	v10 =	vmul.f32 v26, v41;
	v8 =	vadd.f32 v13, v9;
	v13 =	vld [tilespmem:$0x1FD40]  }
0x207: {  	v2 =	vadd.f32 v5, v2;
	v5 =	vmul.f32 v14, v43;
	v14 =	vld [tilespmem:$0x1FD20];
	v11 =	vadd.f32 v11, v16  }
0x208: {  	v21 =	vmul.f32 v21, v43;
	v19 =	vld.idx.msk [tilespmem:v19+s24+$0x0], $0xffff  }
0x209: {  	v6 =	vadd.f32 v12, v6;
	v9 =	vmul.f32 v20, v43;
	v10 =	vadd.f32 v10, v11;
	v11 =	vld [tilespmem:$0x1FD70]  }
0x20a: {  	v0 =	vmul.f32 v0, v42;
	v8 =	vadd.f32 v21, v8;
	v2 =	vadd.f32 v5, v2  }
0x20b: {  	v12 =	vmul.f32 v22, v42;
	v5 =	vmul.f32 v7, v42;
	v7 =	vld [tilespmem:$0x1FD50];
	v9 =	vadd.f32 v9, v10  }
0x20c: {  	v15 =	vld.idx.msk [tilespmem:v15+s24+$0x0], $0xffff  }
0x20d: {  	v0 =	vadd.f32 v0, v8;
	v9 =	vadd.f32 v12, v9;
	v12 =	vld [tilespmem:$0x1FD30];
	v8 =	vmul.f32 v19, v38  }
0x20e: {  	v13 =	vld.idx.msk [tilespmem:v13+s24+$0x0], $0xffff  }
0x20f: {  	v8 =	vadd.f32 v8, v9;
	v9 =	vld [tilespmem:$0x1FD10]  }
0x210: {  	v14 =	vld.idx.msk [tilespmem:v14+s24+$0x0], $0xffff  }
0x211: {  	v62 =	vmul.f32 v62, v38;
	v11 =	vld.idx.msk [tilespmem:v11+s24+$0x0], $0xffff  }
0x212: {  	v10 =	vld [tilespmem:$0x1FD00]  }
0x213: {  	v3 =	vmul.f32 v3, v37;
	v0 =	vadd.f32 v62, v0;
	v7 =	vld.idx.msk [tilespmem:v7+s24+$0x0], $0xffff  }
0x214: {  	v2 =	vadd.f32 v5, v2;
	v5 =	vmul.f32 v15, v38;
	v15 =	vld [tilespmem:$0x1FCE0]  }
0x215: {  	v0 =	vadd.f32 v3, v0;
	v13 =	vmul.f32 v13, v37;
	v12 =	vld.idx.msk [tilespmem:v12+s24+$0x0], $0xffff  }
0x216: {  	v2 =	vadd.f32 v5, v2;
	v3 =	vmul.f32 v14, v30;
	v14 =	vld [tilespmem:$0x1FC90];
	v5 =	vmul.f32 v11, v37  }
0x217: {  	v9 =	vld.idx.msk [tilespmem:v9+s24+$0x0], $0xffff  }
0x218: {  	v8 =	vadd.f32 v13, v8;
	v2 =	vadd.f32 v5, v2;
	v5 =	vmul.f32 v7, v30;
	v7 =	vld [tilespmem:$0x1FCF0]  }
0x219: {  	v63 =	vmul.f32 v63, v42;
	v11 =	vld [tilespmem:$0x1FCC0]  }
0x21a: {  	v3 =	vadd.f32 v3, v8;
	v8 =	vld [tilespmem:$0x1FCD0];
	v2 =	vadd.f32 v5, v2;
	v5 =	vmul.f32 v12, v28  }
0x21b: {  	v61 =	vmul.f32 v61, v38;
	v6 =	vadd.f32 v63, v6;
	v13 =	vld [tilespmem:$0x1FCA0]  }
0x21c: {  	v2 =	vadd.f32 v5, v2;
	v5 =	vmul.f32 v9, v25;
	v9 =	vld [tilespmem:$0x1FCB0]  }
0x21d: {  	v6 =	vadd.f32 v61, v6;
	v10 =	vld.idx.msk [tilespmem:v10+s24+$0x0], $0xffff  }
0x21e: {  	v40 =	vld [tilespmem:$0x1FFA0];
	v0 =	vadd.f32 v57, v0  }
0x21f: {  	v6 =	vadd.f32 v58, v6;
	v15 =	vld.idx.msk [tilespmem:v15+s24+$0x0], $0xffff  }
0x220: {  	v0 =	vadd.f32 v55, v0;
	v7 =	vld.idx.msk [tilespmem:v7+s24+$0x0], $0xffff  }
0x221: {  	v6 =	vadd.f32 v56, v6;
	v11 =	vld.idx.msk [tilespmem:v11+s24+$0x0], $0xffff  }
0x222: {  	v0 =	vadd.f32 v53, v0;
	v10 =	vmul.f32 v10, v28;
	v8 =	vld.idx.msk [tilespmem:v8+s24+$0x0], $0xffff  }
0x223: {  	v46 =	vmul.f32 v46, v17;
	v6 =	vadd.f32 v54, v6;
	v13 =	vld.idx.msk [tilespmem:v13+s24+$0x0], $0xffff  }
0x224: {  	v0 =	vadd.f32 v48, v0;
	v3 =	vadd.f32 v10, v3;
	v12 =	vmul.f32 v15, v25;
	v9 =	vld.idx.msk [tilespmem:v9+s24+$0x0], $0xffff  }
0x225: {  	v6 =	vadd.f32 v50, v6;
	v14 =	vld.idx.msk [tilespmem:v14+s24+$0x0], $0xffff;
	v2 =	vadd.f32 v5, v2;
	v5 =	vmul.f32 v7, v23  }
0x226: {  	v0 =	vadd.f32 v47, v0;
	v3 =	vadd.f32 v12, v3;
	v10 =	vmul.f32 v11, v23;
	v7 =	vld [tilespmem:$0x1FC30]  }
0x227: {  	v4 =	vadd.f32 v4, v6;
	v2 =	vadd.f32 v5, v2;
	v5 =	vmul.f32 v8, v18  }
0x228: {  	v39 =	vld [tilespmem:$0x1FF60];
	v0 =	vadd.f32 v46, v0;
	v6 =	vmul.f32 v13, v18;
	v3 =	vadd.f32 v10, v3  }
0x229: {  	v1 =	vadd.f32 v1, v4;
	v2 =	vadd.f32 v5, v2;
	v5 =	vmul.f32 v9, v17  }
0x22a: {  	s11 =	sadd.s32 $0xFFFFFFFF, s9;
	[tilespmem:$0x1FC60] =	vst v0;
	v0 =	vor.u32 s9, v40;
	v4 =	vmul.f32 v14, v17;
	v3 =	vadd.f32 v6, v3  }
0x22b: {  	v1 =	vadd.f32 v7, v1;
	v51 =	vadd.f32 v5, v2;
	v2 =	vor.u32 s11, v40  }
0x22c: {  	s15 =	sadd.s32 $0xFFFFFFFE, s9  }
0x22d: {  	[tilespmem:$0x1FC50] =	vst v1;
	v1 =	vadd.f32 v4, v3;
	v3 =	vor.u32 s15, v39;
	_ =	sdelay $0x1  }
0x22e: {  	v46 =	vld.idx.msk [tilespmem:v0+s24+$0x0], $0xffff;
	[tilespmem:$0x1FC70] =	vst v1;
	v1 =	vor.u32 s11, v39  }
0x22f: {  	v48 =	vld.idx.msk [tilespmem:v2+s24+$0x0], $0xffff  }
0x230: {  	s16 =	sadd.s32 $0xFFFFFFFD, s9;
	v4 =	vor.u32 s15, v40;
	v2 =	vld [tilespmem:$0x1FFC0]  }
0x231: {  	v5 =	vor.u32 s16, v39;
	v50 =	vld.idx.msk [tilespmem:v3+s24+$0x0], $0xffff  }
0x232: {  	s18 =	sadd.s32 $0xFFFFFFF1, s9;
	s17 =	sadd.s32 $0xFFFFFFFC, s9;
	v6 =	vor.u32 s9, v39;
	v3 =	vld [tilespmem:$0x1FC80]  }
0x233: {  	v0 =	vmov s18;
	v47 =	vld.idx.msk [tilespmem:v1+s24+$0x0], $0xffff;
	v1 =	vor.u32 s17, v39  }
0x234: {  	v0 =	vshll.u32 v0, $0x7  }
0x235: {  	v54 =	vld.idx.msk [tilespmem:v4+s24+$0x0], $0xffff;
	v4 =	vor.u32 s9, v52;
	v0 =	vor.u32 v2, v0;
	v2 =	vor.u32 s17, v40  }
0x236: {  	s2 =	sadd.s32 $0xFFFFFFFB, s9;
	v53 =	vld.idx.msk [tilespmem:v5+s24+$0x0], $0xffff;
	[tilespmem:$0x1FC90] =	vst v4;
	v5 =	vor.u32 s11, v52  }
0x237: {  	v45 =	vld.idx.msk [tilespmem:v6+s24+$0x0], $0xffff;
	[tilespmem:$0x1FCA0] =	vst v5;
	v5 =	vor.u32 s9, v44;
	v0 =	vor.u32 v3, v0;
	v3 =	vor.u32 s2, v39  }
0x238: {  	v6 =	vor.u32 s16, v40;
	[tilespmem:$0x1FCB0] =	vst v5;
	v56 =	vld.idx.msk [tilespmem:v1+s24+$0x0], $0xffff;
	v1 =	vor.u32 s15, v52  }
0x239: {  	[tilespmem:$0x1FCC0] =	vst v1;
	v1 =	vor.u32 s11, v44  }
0x23a: {  	[tilespmem:$0x1FCD0] =	vst v1;
	v57 =	vld.idx.msk [tilespmem:v2+s24+$0x0], $0xffff;
	v2 =	vor.u32 s16, v52  }
0x23b: {  	v4 =	vor.u32 s2, v40;
	[tilespmem:$0x1FCE0] =	vst v2;
	v2 =	vor.u32 s15, v44  }
0x23c: {  	s19 =	sadd.s32 $0xFFFFFFFA, s9;
	v58 =	vld.idx.msk [tilespmem:v3+s24+$0x0], $0xffff;
	v3 =	vor.u32 s2, v52;
	[tilespmem:$0x1FCF0] =	vst v2  }
0x23d: {  	s31 =	sadd.s32 $0xFFFFFFF8, s9;
	v55 =	vld.idx.msk [tilespmem:v6+s24+$0x0], $0xffff;
	v5 =	vor.u32 s19, v39;
	v2 =	vor.u32 s17, v52;
	[tilespmem:$0x1FD20] =	vst v3  }
0x23e: {  	s25 =	sadd.s32 $0xFFFFFFF9, s9;
	v6 =	vor.u32 s31, v39;
	v8 =	vld.idx.msk [tilespmem:v0+s26+$0x0], $0xffff;
	v3 =	vor.u32 s17, v44;
	[tilespmem:$0x1FD00] =	vst v2  }
0x23f: {  	s4 =	sadd.s32 $0xFFFFFFF5, s9;
	v0 =	vor.u32 s25, v39;
	v2 =	vor.u32 s16, v44;
	[tilespmem:$0x1FD30] =	vst v3  }
0x240: {  	v16 =	vor.u32 s4, v39;
	v59 =	vld.idx.msk [tilespmem:v4+s24+$0x0], $0xffff;
	v4 =	vor.u32 s31, v40;
	v3 =	vor.u32 s19, v52;
	[tilespmem:$0x1FD10] =	vst v2  }
0x241: {  	v1 =	vor.u32 s19, v40;
	s16 =	sadd.s32 $0xFFFFFFF7, s9;
	v2 =	vor.u32 s25, v40;
	[tilespmem:$0x1FD40] =	vst v3;
	v3 =	vor.u32 s2, v44  }
0x242: {  	v60 =	vld.idx.msk [tilespmem:v5+s24+$0x0], $0xffff;
	v5 =	vor.u32 s16, v39;
	v7 =	vor.u32 s16, v40;
	[tilespmem:$0x1FD50] =	vst v3;
	v3 =	vor.u32 s25, v52  }
0x243: {  	v63 =	vld.idx.msk [tilespmem:v6+s24+$0x0], $0xffff;
	[tilespmem:$0x1FD60] =	vst v3;
	v3 =	vor.u32 s19, v44;
	v18 =	vbroadcast v8, $0xE;
	v17 =	vbroadcast v8, $0xF  }
0x244: {  	v61 =	vld.idx.msk [tilespmem:v0+s24+$0x0], $0xffff;
	v25 =	vbroadcast v8, $0xC;
	v23 =	vbroadcast v8, $0xD;
	[tilespmem:$0x1FD70] =	vst v3;
	v3 =	vor.u32 s31, v52  }
0x245: {  	v0 =	vld.idx.msk [tilespmem:v4+s24+$0x0], $0xffff;
	v30 =	vbroadcast v8, $0xA;
	v28 =	vbroadcast v8, $0xB;
	[tilespmem:$0x1FD80] =	vst v3;
	v3 =	vor.u32 s25, v44;
	s25 =	sadd.s32 $0xFFFFFFF6, s9  }
0x246: {  	v38 =	vbroadcast v8, $0x8;
	v37 =	vbroadcast v8, $0x9;
	[tilespmem:$0x1FD90] =	vst v3;
	v3 =	vld.idx.msk [tilespmem:v1+s24+$0x0], $0xffff;
	v9 =	vor.u32 s25, v39  }
0x247: {  	p6 =	sne.s32 s9, $0x3F;
	v43 =	vbroadcast v8, $0x6;
	v42 =	vbroadcast v8, $0x7;
	v62 =	vld.idx.msk [tilespmem:v2+s24+$0x0], $0xffff;
	v11 =	vor.u32 s25, v40  }
.Ltmp9:
0x248: {  	v41 =	vbroadcast v8, $0x5;
	v15 =	vbroadcast v8, $0x0;
	v12 =	vld.idx.msk [tilespmem:v5+s24+$0x0], $0xffff;
	(pc) =	sbr.rel @p6 .LBB3_9-.Ltmp9, $4  }
0x249: {  	s11 =	sadd.s32 $0xFFFFFFF4, s9;
	v14 =	vbroadcast v8, $0x1;
	v21 =	vld.idx.msk [tilespmem:v7+s24+$0x0], $0xffff;
	v2 =	vbroadcast v8, $0x4  }
0x24a: {  	v10 =	vor.u32 s11, v40;
	v7 =	vbroadcast v8, $0x2;
	v5 =	vbroadcast v8, $0x3;
	v8 =	vld.idx.msk [tilespmem:v16+s24+$0x0], $0xffff  }
0x24b: {  	s15 =	sadd.s32 $0xFFFFFFF3, s9;
	v49 =	vor.u32 s16, v52;
	v4 =	vor.u32 s11, v39;
	v1 =	vor.u32 s31, v44;
	v6 =	vld.idx.msk [tilespmem:v9+s24+$0x0], $0xffff  }
0x24c: {  	s17 =	sadd.s32 $0xFFFFFFF2, s9;
	s9 =	sadd.s32 $0x10, s9;
	[tilespmem:$0x1FDA0] =	vst v1;
	v1 =	vor.u32 s4, v40;
	v9 =	vor.u32 s15, v39;
	v13 =	vld.idx.msk [tilespmem:v11+s24+$0x0], $0xffff;
	v11 =	vor.u32 s15, v40  }
0x24d: {  	v20 =	vor.u32 s18, v39  }
0x24e: {  	v22 =	vor.u32 s18, v40  }
0x24f: {  	v24 =	vor.u32 s18, v52  }
0x250: {  	v26 =	vor.u32 s18, v44;
	_ =	sdelay $0x1  }
0x251: {  	v20 =	vld.idx.msk [tilespmem:v20+s24+$0x0], $0xffff  }
0x252: {  	v22 =	vld.idx.msk [tilespmem:v22+s24+$0x0], $0xffff  }
0x253: {  	v24 =	vld.idx.msk [tilespmem:v24+s24+$0x0], $0xffff  }
0x254: {  	v26 =	vld.idx.msk [tilespmem:v26+s24+$0x0], $0xffff;
	_ =	sdelay $0x1  }
0x255: {  	v16 =	vor.u32 s17, v39  }
0x256: {  	v4 =	vld.idx.msk [tilespmem:v4+s24+$0x0], $0xffff;
	v19 =	vor.u32 s17, v40  }
0x257: {  	v9 =	vld.idx.msk [tilespmem:v9+s24+$0x0], $0xffff;
	v27 =	vor.u32 s17, v52;
	v20 =	vmul.f32 v20, v15;
	v22 =	vmul.f32 v22, v15  }
0x258: {  	v33 =	vor.u32 s11, v52;
	v24 =	vmul.f32 v24, v15;
	v15 =	vmul.f32 v26, v15;
	v26 =	vld [tilespmem:$0x1FC50]  }
0x259: {  	v11 =	vld.idx.msk [tilespmem:v11+s24+$0x0], $0xffff  }
0x25a: {  	v29 =	vor.u32 s17, v44;
	v16 =	vld.idx.msk [tilespmem:v16+s24+$0x0], $0xffff  }
0x25b: {  	v31 =	vor.u32 s15, v52;
	v19 =	vld.idx.msk [tilespmem:v19+s24+$0x0], $0xffff  }
0x25c: {  	v32 =	vor.u32 s15, v44;
	v27 =	vld.idx.msk [tilespmem:v27+s24+$0x0], $0xffff  }
0x25d: {  	v20 =	vadd.f32 v20, v26;
	v26 =	vld.idx.msk [tilespmem:v33+s24+$0x0], $0xffff  }
0x25e: {  	v34 =	vor.u32 s11, v44;
	v33 =	vld [tilespmem:$0x1FC60]  }
0x25f: {  	v29 =	vld.idx.msk [tilespmem:v29+s24+$0x0], $0xffff  }
0x260: {  	v35 =	vor.u32 s4, v52;
	v8 =	vmul.f32 v8, v2;
	v31 =	vld.idx.msk [tilespmem:v31+s24+$0x0], $0xffff  }
0x261: {  	v6 =	vmul.f32 v6, v41;
	v32 =	vld.idx.msk [tilespmem:v32+s24+$0x0], $0xffff;
	v16 =	vmul.f32 v16, v14  }
0x262: {  	v10 =	vld.idx.msk [tilespmem:v10+s24+$0x0], $0xffff;
	v9 =	vmul.f32 v9, v7;
	v11 =	vmul.f32 v11, v7  }
0x263: {  	v4 =	vmul.f32 v4, v5;
	v16 =	vadd.f32 v16, v20;
	v22 =	vadd.f32 v22, v33;
	v33 =	vld.idx.msk [tilespmem:v34+s24+$0x0], $0xffff  }
0x264: {  	v36 =	vor.u32 s4, v44;
	v19 =	vmul.f32 v19, v14;
	v27 =	vmul.f32 v27, v14;
	v34 =	vld [tilespmem:$0x1FC70]  }
0x265: {  	v14 =	vmul.f32 v29, v14;
	v29 =	vld.idx.msk [tilespmem:v35+s24+$0x0], $0xffff;
	v15 =	vadd.f32 v15, v51;
	v9 =	vadd.f32 v9, v16  }
0x266: {  	v51 =	vor.u32 s25, v44;
	v20 =	vmul.f32 v31, v7;
	v7 =	vmul.f32 v32, v7  }
0x267: {  	v32 =	vmul.f32 v54, v23;
	v54 =	vmul.f32 v55, v25;
	v4 =	vadd.f32 v4, v9  }
0x268: {  	v14 =	vadd.f32 v14, v15;
	v55 =	vmul.f32 v56, v28;
	v56 =	vmul.f32 v57, v28  }
0x269: {  	v57 =	vor.u32 s16, v44;
	v4 =	vadd.f32 v8, v4;
	v8 =	vld [tilespmem:$0x1FDA0];
	v24 =	vadd.f32 v24, v34  }
0x26a: {  	v1 =	vld.idx.msk [tilespmem:v1+s24+$0x0], $0xffff;
	v10 =	vmul.f32 v10, v5;
	v16 =	vmul.f32 v29, v2;
	v7 =	vadd.f32 v7, v14  }
0x26b: {  	v36 =	vld.idx.msk [tilespmem:v36+s24+$0x0], $0xffff;
	v29 =	vor.u32 s25, v52;
	v19 =	vadd.f32 v19, v22;
	v22 =	vadd.f32 v27, v24  }
0x26c: {  	v4 =	vadd.f32 v6, v4;
	v6 =	vld [tilespmem:$0x1FD90];
	v24 =	vmul.f32 v26, v5;
	v5 =	vmul.f32 v33, v5  }
0x26d: {  	v33 =	vld.idx.msk [tilespmem:v51+s24+$0x0], $0xffff;
	v20 =	vadd.f32 v20, v22  }
0x26e: {  	v5 =	vadd.f32 v5, v7;
	v7 =	vmul.f32 v12, v43;
	v12 =	vmul.f32 v21, v43;
	v21 =	vld.idx.msk [tilespmem:v57+s24+$0x0], $0xffff  }
0x26f: {  	v20 =	vadd.f32 v24, v20;
	v24 =	vmul.f32 v63, v42;
	v63 =	vld [tilespmem:$0x1FD80]  }
0x270: {  	v29 =	vld.idx.msk [tilespmem:v29+s24+$0x0], $0xffff;
	v26 =	vmul.f32 v36, v2  }
0x271: {  	v15 =	vmul.f32 v1, v2;
	v11 =	vadd.f32 v11, v19;
	v8 =	vld.idx.msk [tilespmem:v8+s24+$0x0], $0xffff  }
0x272: {  	v5 =	vadd.f32 v26, v5;
	v4 =	vadd.f32 v7, v4;
	v7 =	vld [tilespmem:$0x1FD70];
	v26 =	vmul.f32 v33, v41  }
0x273: {  	v10 =	vadd.f32 v10, v11;
	v11 =	vmul.f32 v61, v38;
	v16 =	vadd.f32 v16, v20;
	v20 =	vld [tilespmem:$0x1FD60]  }
0x274: {  	v61 =	vmul.f32 v62, v38;
	v62 =	vld.idx.msk [tilespmem:v49+s24+$0x0], $0xffff;
	v5 =	vadd.f32 v26, v5;
	v21 =	vmul.f32 v21, v43  }
0x275: {  	v6 =	vld.idx.msk [tilespmem:v6+s24+$0x0], $0xffff  }
0x276: {  	v10 =	vadd.f32 v15, v10;
	v15 =	vmul.f32 v29, v41;
	v5 =	vadd.f32 v21, v5;
	v21 =	vld [tilespmem:$0x1FD50]  }
0x277: {  	v2 =	vmul.f32 v45, v17;
	v45 =	vmov v39;
	v8 =	vmul.f32 v8, v42;
	v39 =	vld.idx.msk [tilespmem:v63+s24+$0x0], $0xffff  }
0x278: {  	v13 =	vmul.f32 v13, v41;
	v15 =	vadd.f32 v15, v16;
	v16 =	vld [tilespmem:$0x1FD40]  }
0x279: {  	v4 =	vadd.f32 v24, v4;
	v5 =	vadd.f32 v8, v5;
	v8 =	vld [tilespmem:$0x1FD30]  }
0x27a: {  	v10 =	vadd.f32 v13, v10;
	v13 =	vmul.f32 v62, v43;
	v7 =	vld.idx.msk [tilespmem:v7+s24+$0x0], $0xffff  }
0x27b: {  	v9 =	vmul.f32 v60, v37;
	v4 =	vadd.f32 v11, v4;
	v20 =	vld.idx.msk [tilespmem:v20+s24+$0x0], $0xffff  }
0x27c: {  	v10 =	vadd.f32 v12, v10;
	v13 =	vadd.f32 v13, v15;
	v15 =	vld [tilespmem:$0x1FD20];
	v12 =	vmul.f32 v39, v42  }
0x27d: {  	v0 =	vmul.f32 v0, v42;
	v4 =	vadd.f32 v9, v4;
	v9 =	vld [tilespmem:$0x1FCC0]  }
0x27e: {  	v6 =	vmul.f32 v6, v38;
	v12 =	vadd.f32 v12, v13;
	v13 =	vld [tilespmem:$0x1FD00]  }
0x27f: {  	v0 =	vadd.f32 v0, v10;
	v21 =	vld.idx.msk [tilespmem:v21+s24+$0x0], $0xffff  }
0x280: {  	v5 =	vadd.f32 v6, v5;
	v6 =	vmul.f32 v7, v37;
	v7 =	vld [tilespmem:$0x1FC40];
	v10 =	vmul.f32 v20, v38  }
0x281: {  	v8 =	vld.idx.msk [tilespmem:v8+s24+$0x0], $0xffff  }
0x282: {  	v10 =	vadd.f32 v10, v12;
	v12 =	vld [tilespmem:$0x1FCE0]  }
0x283: {  	v16 =	vld.idx.msk [tilespmem:v16+s24+$0x0], $0xffff  }
0x284: {  	v15 =	vld.idx.msk [tilespmem:v15+s24+$0x0], $0xffff  }
0x285: {  	v5 =	vadd.f32 v6, v5;
	(v2sf) =	vpush v7, $0x0;
	v7 =	vld [tilespmem:$0x1FD10];
	v6 =	vmul.f32 v21, v30  }
0x286: {  	v13 =	vld.idx.msk [tilespmem:v13+s24+$0x0], $0xffff  }
0x287: {  	v14 =	vmul.f32 v58, v30;
	v5 =	vadd.f32 v6, v5;
	v6 =	vmul.f32 v8, v28;
	v8 =	vld [tilespmem:$0x1FCA0]  }
0x288: {  	v3 =	vmul.f32 v3, v37;
	v0 =	vadd.f32 v61, v0  }
0x289: {  	v4 =	vadd.f32 v14, v4;
	v11 =	vmul.f32 v16, v37  }
0x28a: {  	v59 =	vmul.f32 v59, v30;
	v22 =	vmul.f32 v53, v25;
	v0 =	vadd.f32 v3, v0;
	v12 =	vld.idx.msk [tilespmem:v12+s24+$0x0], $0xffff  }
0x28b: {  	v4 =	vadd.f32 v55, v4;
	v10 =	vadd.f32 v11, v10;
	v11 =	vmul.f32 v13, v28;
	v13 =	vld [tilespmem:$0x1FCF0]  }
0x28c: {  	v9 =	vld.idx.msk [tilespmem:v9+s24+$0x0], $0xffff;
	v3 =	vmul.f32 v15, v30  }
0x28d: {  	v31 =	vmul.f32 v50, v23;
	v0 =	vadd.f32 v59, v0;
	v4 =	vadd.f32 v22, v4;
	v7 =	vld.idx.msk [tilespmem:v7+s24+$0x0], $0xffff  }
0x28e: {  	v3 =	vadd.f32 v3, v10  }
0x28f: {  	v19 =	vmul.f32 v47, v18;
	v0 =	vadd.f32 v56, v0;
	v4 =	vadd.f32 v31, v4;
	v8 =	vld.idx.msk [tilespmem:v8+s24+$0x0], $0xffff  }
0x290: {  	v10 =	vmul.f32 v12, v25;
	v3 =	vadd.f32 v11, v3  }
0x291: {  	v0 =	vadd.f32 v54, v0;
	v4 =	vadd.f32 v19, v4;
	v9 =	vmul.f32 v9, v23;
	v11 =	vld [tilespmem:$0x1FC90]  }
0x292: {  	v5 =	vadd.f32 v6, v5;
	v6 =	vmul.f32 v7, v25;
	v7 =	vld [tilespmem:$0x1FCD0];
	v3 =	vadd.f32 v10, v3  }
0x293: {  	s2 =	simm.s32 $0x4B;
	v27 =	vmul.f32 v48, v18;
	v0 =	vadd.f32 v32, v0;
	v2 =	vadd.f32 v2, v4;
	v13 =	vld.idx.msk [tilespmem:v13+s24+$0x0], $0xffff  }
0x294: {  	v4 =	vor.u32 s2, v45;
	v8 =	vmul.f32 v8, v18;
	v3 =	vadd.f32 v9, v3  }
0x295: {  	v1 =	vmul.f32 v46, v17;
	s25 =	simm.s32 $0x0;
	v0 =	vadd.f32 v27, v0  }
0x296: {  	s18 =	simm.s32 $0x4A;
	v3 =	vadd.f32 v8, v3;
	v8 =	vmov s25  }
0x297: {  	s4 =	simm.s32 $0x4E;
	v46 =	vmovc v40;
	v39 =	vadd.f32 v1, v0;
	v1 =	vor.u32 s18, v45;
	[tilespmem:$0x1FB30] =	vst v2;
	v2 =	vshll.u32 v8, $0x7;
	v8 =	vld [tilespmem:$0x1FFC0]  }
0x298: {  	s9 =	simm.s32 $0x4F;
	v9 =	vor.u32 s4, v46;
	v10 =	vmul.f32 v13, v23;
	v13 =	vld [tilespmem:$0x1FCB0]  }
0x299: {  	v49 =	vld.idx.msk [tilespmem:v4+s24+$0x0], $0xffff;
	v12 =	vor.u32 s9, v46  }
0x29a: {  	s11 =	simm.s32 $0x4D;
	v5 =	vadd.f32 v6, v5;
	v6 =	vor.u32 s9, v45;
	v7 =	vld.idx.msk [tilespmem:v7+s24+$0x0], $0xffff  }
0x29b: {  	v4 =	vor.u32 s11, v52;
	s31 =	spop (v2sf);
	v11 =	vld.idx.msk [tilespmem:v11+s24+$0x0], $0xffff  }
0x29c: {  	s19 =	simm.s32 $0x49;
	v15 =	vor.u32 s11, v46;
	[tilespmem:$0x1FB80] =	vst v4;
	v4 =	vor.u32 s4, v44;
	v53 =	vld.idx.msk [tilespmem:v1+s24+$0x0], $0xffff;
	s17 =	sand.u32 $0x7F, s31  }
0x29d: {  	s15 =	simm.s32 $0x4C;
	[tilespmem:$0x1FB90] =	vst v4;
	v4 =	vor.u32 s19, v46;
	v25 =	vld.idx.msk [tilespmem:v9+s24+$0x0], $0xffff;
	v9 =	vmov s17;
	v2 =	vor.u32 v8, v2  }
0x29e: {  	v21 =	vld.idx.msk [tilespmem:v12+s24+$0x0], $0xffff;
	v12 =	vor.u32 s15, v46;
	v0 =	vor.u32 v9, v2  }
0x29f: {  	v2 =	vor.u32 s9, v52;
	v7 =	vmul.f32 v7, v18;
	v18 =	vld.idx.msk [tilespmem:v6+s24+$0x0], $0xffff;
	v6 =	vor.u32 s15, v45  }
0x2a0: {  	v1 =	vor.u32 s18, v52;
	v11 =	vmul.f32 v11, v17;
	[tilespmem:$0x1FB50] =	vst v2;
	v2 =	vor.u32 s18, v46;
	v13 =	vld.idx.msk [tilespmem:v13+s24+$0x0], $0xffff  }
0x2a1: {  	v27 =	vld.idx.msk [tilespmem:v15+s24+$0x0], $0xffff;
	[tilespmem:$0x1FBE0] =	vst v1;
	v1 =	vor.u32 s2, v44;
	v5 =	vadd.f32 v10, v5;
	v10 =	vor.u32 s11, v45  }
0x2a2: {  	[tilespmem:$0x1FBF0] =	vst v1;
	v59 =	vld.idx.msk [tilespmem:v4+s24+$0x0], $0xffff;
	v43 =	vadd.f32 v11, v3;
	v3 =	vor.u32 s4, v52  }
0x2a3: {  	v14 =	vor.u32 s4, v45;
	s31 =	simm.s32 $0x47;
	v38 =	vld.idx.msk [tilespmem:v12+s24+$0x0], $0xffff;
	[tilespmem:$0x1FB60] =	vst v3;
	v3 =	vor.u32 s9, v44  }
0x2a4: {  	v1 =	vor.u32 s31, v45;
	v8 =	vor.u32 s2, v46;
	[tilespmem:$0x1FB70] =	vst v3;
	v36 =	vld.idx.msk [tilespmem:v6+s24+$0x0], $0xffff;
	v6 =	vor.u32 s19, v52  }
0x2a5: {  	v5 =	vadd.f32 v7, v5;
	v56 =	vld.idx.msk [tilespmem:v2+s24+$0x0], $0xffff;
	v2 =	vor.u32 s18, v44;
	[tilespmem:$0x1FC00] =	vst v6;
	v7 =	vmul.f32 v13, v17  }
0x2a6: {  	s4 =	simm.s32 $0x44;
	v3 =	vor.u32 s19, v45;
	v26 =	vld.idx.msk [tilespmem:v10+s24+$0x0], $0xffff;
	[tilespmem:$0x1FC10] =	vst v2;
	v2 =	vor.u32 s19, v44  }
0x2a7: {  	s25 =	simm.s32 $0x48;
	v10 =	vor.u32 s4, v45;
	[tilespmem:$0x1FC20] =	vst v2;
	v42 =	vadd.f32 v7, v5;
	v5 =	vor.u32 s15, v52;
	v7 =	vld.idx.msk [tilespmem:v0+s29+$0x0], $0xffff  }
0x2a8: {  	v51 =	vor.u32 s31, v52;
	v23 =	vld.idx.msk [tilespmem:v14+s24+$0x0], $0xffff;
	v0 =	vor.u32 s25, v45;
	[tilespmem:$0x1FBA0] =	vst v5;
	v5 =	vor.u32 s11, v44  }
0x2a9: {  	v55 =	vor.u32 s31, v44;
	v50 =	vld.idx.msk [tilespmem:v8+s24+$0x0], $0xffff;
	s18 =	simm.s32 $0x46;
	v6 =	vor.u32 s31, v46;
	[tilespmem:$0x1FBB0] =	vst v5;
	v5 =	vor.u32 s2, v52  }
0x2aa: {  	v37 =	vor.u32 s25, v52;
	v4 =	vor.u32 s18, v46;
	v2 =	vld.idx.msk [tilespmem:v1+s24+$0x0], $0xffff;
	[tilespmem:$0x1FBC0] =	vst v5;
	v5 =	vor.u32 s15, v44  }
0x2ab: {  	v47 =	vor.u32 s25, v44;
	v58 =	vor.u32 s18, v52;
	v57 =	vld.idx.msk [tilespmem:v3+s24+$0x0], $0xffff;
	[tilespmem:$0x1FBD0] =	vst v5;
	v5 =	vor.u32 s25, v46  }
0x2ac: {  	v3 =	vor.u32 s18, v45;
	v15 =	vld.idx.msk [tilespmem:v10+s24+$0x0], $0xffff;
	s25 =	simm.s32 $0x45;
	v19 =	vbroadcast v7, $0xE;
	v16 =	vbroadcast v7, $0xF  }
0x2ad: {  	v61 =	vld.idx.msk [tilespmem:v0+s24+$0x0], $0xffff;
	v0 =	vor.u32 s25, v45;
	v24 =	vbroadcast v7, $0xC;
	v22 =	vbroadcast v7, $0xD  }
0x2ae: {  	v1 =	vld.idx.msk [tilespmem:v6+s24+$0x0], $0xffff;
	s11 =	simm.s32 $0x43;
	v8 =	vor.u32 s25, v46;
	v33 =	vbroadcast v7, $0xA;
	v29 =	vbroadcast v7, $0xB  }
0x2af: {  	[tilespmem:$0x1FB40] =	vst v9;
	v6 =	vld.idx.msk [tilespmem:v4+s24+$0x0], $0xffff;
	v9 =	vor.u32 s11, v45;
	v48 =	vbroadcast v7, $0x8;
	v40 =	vbroadcast v7, $0x9  }
0x2b0: {  	v4 =	vor.u32 s11, v46;
	s15 =	simm.s32 $0x42;
	v54 =	vbroadcast v7, $0x6;
	v41 =	vbroadcast v7, $0x7;
	v63 =	vld.idx.msk [tilespmem:v5+s24+$0x0], $0xffff  }
0x2b1: {  	v10 =	vor.u32 s15, v45;
	v62 =	vbroadcast v7, $0x4;
	v60 =	vbroadcast v7, $0x5;
	v5 =	vld.idx.msk [tilespmem:v3+s24+$0x0], $0xffff  }
0x2b2: {  	v20 =	vbroadcast v7, $0x2;
	v14 =	vbroadcast v7, $0x1;
	v3 =	vor.u32 s4, v46;
	v12 =	vld.idx.msk [tilespmem:v0+s24+$0x0], $0xffff  }
0x2b3: {  	s16 =	simm.s32 $0x5F;
	s17 =	simm.s32 $0x41;
	v0 =	vbroadcast v7, $0x3;
	v13 =	vld.idx.msk [tilespmem:v8+s24+$0x0], $0xffff;
	v8 =	vbroadcast v7, $0x0;
	v7 =	vor.u32 s15, v46  }
.LBB3_11:
0x2b4: {  	_ =	sdelay $0x2  }
0x2b5: {  	v17 =	vld.idx.msk [tilespmem:v3+s24+$0x0], $0xffff;
	v3 =	vmul.f32 v18, v16;
	_ =	sdelay $0x1  }
0x2b6: {  	[tilespmem:$0x1FB10] =	vst v3;
	v3 =	vmul.f32 v21, v16  }
0x2b7: {  	s19 =	sadd.s32 $0xFFFFFFF1, s9  }
0x2b8: {  	v21 =	vor.u32 s19, v45;
	[tilespmem:$0x1FB20] =	vst v3;
	v3 =	vmul.f32 v23, v19  }
0x2b9: {  	v11 =	vor.u32 s17, v45  }
0x2ba: {  	[tilespmem:$0x1FAF0] =	vst v3;
	v3 =	vmul.f32 v25, v19  }
0x2bb: {  	v10 =	vld.idx.msk [tilespmem:v10+s24+$0x0], $0xffff;
	v25 =	vor.u32 s19, v46  }
0x2bc: {  	v23 =	vld.idx.msk [tilespmem:v4+s24+$0x0], $0xffff;
	[tilespmem:$0x1FB00] =	vst v3;
	v3 =	vmul.f32 v26, v22  }
0x2bd: {  	v21 =	vld.idx.msk [tilespmem:v21+s24+$0x0], $0xffff  }
0x2be: {  	v18 =	vor.u32 s17, v46;
	v11 =	vld.idx.msk [tilespmem:v11+s24+$0x0], $0xffff;
	[tilespmem:$0x1FAD0] =	vst v3;
	v3 =	vmul.f32 v27, v22  }
0x2bf: {  	v4 =	vld [tilespmem:$0x1FB30]  }
0x2c0: {  	v25 =	vld.idx.msk [tilespmem:v25+s24+$0x0], $0xffff;
	[tilespmem:$0x1FAE0] =	vst v3;
	v3 =	vmul.f32 v36, v24  }
0x2c1: {  	v9 =	vld.idx.msk [tilespmem:v9+s24+$0x0], $0xffff;
	v34 =	vor.u32 s17, v52;
	v35 =	vor.u32 s17, v44;
	v28 =	vor.u32 s15, v44  }
0x2c2: {  	v30 =	vld.idx.msk [tilespmem:v7+s24+$0x0], $0xffff;
	v31 =	vor.u32 s11, v52;
	v21 =	vmul.f32 v21, v8;
	[tilespmem:$0x1FAB0] =	vst v3;
	v3 =	vmul.f32 v38, v24  }
0x2c3: {  	v32 =	vor.u32 s4, v52;
	v7 =	vmul.f32 v49, v29;
	v18 =	vld.idx.msk [tilespmem:v18+s24+$0x0], $0xffff;
	v26 =	vor.u32 s19, v52  }
0x2c4: {  	v11 =	vmul.f32 v11, v14;
	v21 =	vadd.f32 v21, v4;
	[tilespmem:$0x1FAC0] =	vst v3;
	v3 =	vmul.f32 v50, v29  }
0x2c5: {  	v10 =	vmul.f32 v10, v20;
	v27 =	vor.u32 s19, v44;
	v25 =	vmul.f32 v25, v8  }
0x2c6: {  	v11 =	vadd.f32 v11, v21;
	[tilespmem:$0x1FAA0] =	vst v3;
	v3 =	vmul.f32 v53, v33;
	v53 =	vmul.f32 v59, v40  }
0x2c7: {  	v59 =	vmul.f32 v61, v48;
	v61 =	vmul.f32 v63, v48;
	v63 =	vor.u32 s15, v52  }
0x2c8: {  	v49 =	vmul.f32 v56, v33;
	v18 =	vmul.f32 v18, v14;
	v26 =	vld.idx.msk [tilespmem:v26+s24+$0x0], $0xffff;
	v25 =	vadd.f32 v25, v39  }
0x2c9: {  	v2 =	vmul.f32 v2, v41;
	v56 =	vld.idx.msk [tilespmem:v34+s24+$0x0], $0xffff;
	v9 =	vmul.f32 v9, v0;
	v10 =	vadd.f32 v10, v11  }
0x2ca: {  	v5 =	vmul.f32 v5, v54;
	v30 =	vmul.f32 v30, v20;
	v27 =	vld.idx.msk [tilespmem:v27+s24+$0x0], $0xffff;
	v18 =	vadd.f32 v18, v25  }
0x2cb: {  	v15 =	vmul.f32 v15, v62;
	v50 =	vmul.f32 v57, v40;
	v57 =	vld.idx.msk [tilespmem:v35+s24+$0x0], $0xffff;
	v9 =	vadd.f32 v9, v10  }
0x2cc: {  	v23 =	vmul.f32 v23, v0;
	v35 =	vor.u32 s25, v52;
	v11 =	vadd.f32 v30, v18;
	v63 =	vld.idx.msk [tilespmem:v63+s24+$0x0], $0xffff  }
0x2cd: {  	v12 =	vmul.f32 v12, v60;
	v26 =	vmul.f32 v26, v8;
	v9 =	vadd.f32 v15, v9  }
0x2ce: {  	v13 =	vmul.f32 v13, v60;
	v17 =	vmul.f32 v17, v62;
	v31 =	vld.idx.msk [tilespmem:v31+s24+$0x0], $0xffff;
	v10 =	vadd.f32 v23, v11  }
0x2cf: {  	v28 =	vld.idx.msk [tilespmem:v28+s24+$0x0], $0xffff;
	v56 =	vmul.f32 v56, v14;
	v26 =	vadd.f32 v26, v43;
	v9 =	vadd.f32 v12, v9  }
0x2d0: {  	v32 =	vld.idx.msk [tilespmem:v32+s24+$0x0], $0xffff;
	v36 =	vor.u32 s11, v44;
	v8 =	vmul.f32 v27, v8;
	v10 =	vadd.f32 v17, v10  }
0x2d1: {  	v25 =	vld.idx.msk [tilespmem:v35+s24+$0x0], $0xffff;
	v26 =	vadd.f32 v56, v26;
	v5 =	vadd.f32 v5, v9;
	v21 =	vmul.f32 v63, v20  }
0x2d2: {  	v14 =	vmul.f32 v57, v14;
	v8 =	vadd.f32 v8, v42;
	v10 =	vadd.f32 v13, v10;
	v13 =	vld [tilespmem:$0x1FC00]  }
0x2d3: {  	v18 =	vmul.f32 v31, v0;
	v2 =	vadd.f32 v2, v5;
	v21 =	vadd.f32 v21, v26  }
0x2d4: {  	v8 =	vadd.f32 v14, v8;
	v14 =	vmul.f32 v28, v20;
	v28 =	vld.idx.msk [tilespmem:v58+s24+$0x0], $0xffff  }
0x2d5: {  	v11 =	vmul.f32 v32, v62;
	v2 =	vadd.f32 v59, v2;
	v18 =	vadd.f32 v18, v21  }
0x2d6: {  	v23 =	vld.idx.msk [tilespmem:v51+s24+$0x0], $0xffff  }
0x2d7: {  	v27 =	vld.idx.msk [tilespmem:v36+s24+$0x0], $0xffff;
	v15 =	vmul.f32 v25, v60;
	v2 =	vadd.f32 v50, v2;
	v11 =	vadd.f32 v11, v18  }
0x2d8: {  	v6 =	vmul.f32 v6, v54;
	v34 =	vor.u32 s4, v44;
	v17 =	vld.idx.msk [tilespmem:v37+s24+$0x0], $0xffff  }
0x2d9: {  	v12 =	vmul.f32 v28, v54;
	v2 =	vadd.f32 v3, v2;
	v3 =	vld [tilespmem:$0x1FB60];
	v11 =	vadd.f32 v15, v11  }
0x2da: {  	v38 =	vor.u32 s25, v44;
	v36 =	vor.u32 s18, v44;
	v13 =	vld.idx.msk [tilespmem:v13+s24+$0x0], $0xffff  }
0x2db: {  	v9 =	vmul.f32 v23, v41;
	v6 =	vadd.f32 v6, v10;
	v10 =	vld [tilespmem:$0x1FBE0];
	v11 =	vadd.f32 v12, v11;
	_ =	sdelay $0x1  }
0x2dc: {  	v5 =	vmul.f32 v17, v48;
	v9 =	vadd.f32 v9, v11  }
0x2dd: {  	v34 =	vld.idx.msk [tilespmem:v34+s24+$0x0], $0xffff  }
0x2de: {  	v8 =	vadd.f32 v14, v8;
	v14 =	vld.idx.msk [tilespmem:v36+s24+$0x0], $0xffff;
	v13 =	vmul.f32 v13, v40;
	v5 =	vadd.f32 v5, v9  }
0x2df: {  	v20 =	vld.idx.msk [tilespmem:v38+s24+$0x0], $0xffff  }
0x2e0: {  	v0 =	vmul.f32 v27, v0;
	v5 =	vadd.f32 v13, v5;
	v13 =	vld.idx.msk [tilespmem:v3+s24+$0x0], $0xffff  }
0x2e1: {  	v3 =	vld [tilespmem:$0x1FB90]  }
0x2e2: {  	v0 =	vadd.f32 v0, v8;
	v8 =	vmul.f32 v34, v62;
	v10 =	vld.idx.msk [tilespmem:v10+s24+$0x0], $0xffff;
	_ =	sdelay $0x1  }
0x2e3: {  	v0 =	vadd.f32 v8, v0;
	v8 =	vmul.f32 v20, v60  }
0x2e4: {  	v1 =	vmul.f32 v1, v41;
	v21 =	vld.idx.msk [tilespmem:v55+s24+$0x0], $0xffff  }
0x2e5: {  	v0 =	vadd.f32 v8, v0;
	v8 =	vmul.f32 v14, v54;
	v14 =	vld [tilespmem:$0x1FC20]  }
0x2e6: {  	v1 =	vadd.f32 v1, v6;
	v12 =	vld [tilespmem:$0x1FC10];
	v10 =	vmul.f32 v10, v33  }
0x2e7: {  	v11 =	vld [tilespmem:$0x1FBF0]  }
0x2e8: {  	v1 =	vadd.f32 v61, v1;
	v5 =	vadd.f32 v10, v5;
	v10 =	vld.idx.msk [tilespmem:v3+s24+$0x0], $0xffff  }
0x2e9: {  	v3 =	vld [tilespmem:$0x1FAA0]  }
0x2ea: {  	v1 =	vadd.f32 v53, v1  }
0x2eb: {  	v18 =	vld.idx.msk [tilespmem:v47+s24+$0x0], $0xffff  }
0x2ec: {  	v6 =	vld [tilespmem:$0x1FBC0];
	v1 =	vadd.f32 v49, v1  }
0x2ed: {  	v14 =	vld.idx.msk [tilespmem:v14+s24+$0x0], $0xffff  }
0x2ee: {  	v0 =	vadd.f32 v8, v0;
	v8 =	vmul.f32 v21, v41;
	v1 =	vadd.f32 v3, v1;
	v3 =	vld [tilespmem:$0x1FB50]  }
0x2ef: {  	v12 =	vld.idx.msk [tilespmem:v12+s24+$0x0], $0xffff  }
0x2f0: {  	v15 =	vld [tilespmem:$0x1FBA0];
	v0 =	vadd.f32 v8, v0;
	v8 =	vmul.f32 v18, v48  }
0x2f1: {  	v11 =	vld.idx.msk [tilespmem:v11+s24+$0x0], $0xffff  }
0x2f2: {  	v0 =	vadd.f32 v8, v0;
	v8 =	vmul.f32 v14, v40  }
0x2f3: {  	v9 =	vld [tilespmem:$0x1FBD0]  }
0x2f4: {  	v0 =	vadd.f32 v8, v0;
	v8 =	vmul.f32 v12, v33  }
0x2f5: {  	v12 =	vld [tilespmem:$0x1FBB0]  }
0x2f6: {  	v0 =	vadd.f32 v8, v0;
	v8 =	vmul.f32 v11, v29;
	v11 =	vld.idx.msk [tilespmem:v3+s24+$0x0], $0xffff  }
0x2f7: {  	v3 =	vld [tilespmem:$0x1FB70]  }
0x2f8: {  	v6 =	vld.idx.msk [tilespmem:v6+s24+$0x0], $0xffff  }
0x2f9: {  	v15 =	vld.idx.msk [tilespmem:v15+s24+$0x0], $0xffff  }
0x2fa: {  	v14 =	vld [tilespmem:$0x1FB80]  }
0x2fb: {  	v9 =	vld.idx.msk [tilespmem:v9+s24+$0x0], $0xffff;
	_ =	sdelay $0x1  }
0x2fc: {  	v12 =	vld.idx.msk [tilespmem:v12+s24+$0x0], $0xffff  }
0x2fd: {  	v6 =	vmul.f32 v6, v29  }
0x2fe: {  	v2 =	vadd.f32 v7, v2;
	v0 =	vadd.f32 v8, v0;
	v8 =	vld.idx.msk [tilespmem:v3+s24+$0x0], $0xffff  }
0x2ff: {  	v5 =	vadd.f32 v6, v5;
	v7 =	vmul.f32 v15, v24;
	v6 =	vmul.f32 v9, v24;
	v3 =	vld [tilespmem:$0x1FAB0];
	_ =	sdelay $0x1  }
0x300: {  	v4 =	vadd.f32 v7, v5;
	v0 =	vadd.f32 v6, v0;
	v6 =	vld [tilespmem:$0x1FAD0];
	v5 =	vmul.f32 v12, v22  }
0x301: {  	v14 =	vld.idx.msk [tilespmem:v14+s24+$0x0], $0xffff  }
0x302: {  	v0 =	vadd.f32 v5, v0;
	v5 =	vld [tilespmem:$0x1FAF0]  }
0x303: {  	v2 =	vadd.f32 v3, v2;
	v3 =	vld [tilespmem:$0x1FAC0]  }
0x304: {  	v7 =	vld [tilespmem:$0x1FB10]  }
0x305: {  	v2 =	vadd.f32 v6, v2;
	v6 =	vld [tilespmem:$0x1FAE0];
	_ =	sdelay $0x1  }
0x306: {  	v2 =	vadd.f32 v5, v2;
	v5 =	vld [tilespmem:$0x1FB00]  }
0x307: {  	v1 =	vadd.f32 v3, v1;
	v3 =	vmul.f32 v14, v22  }
0x308: {  	v2 =	vadd.f32 v7, v2  }
0x309: {  	v1 =	vadd.f32 v6, v1;
	v6 =	vmul.f32 v13, v19;
	v3 =	vadd.f32 v3, v4  }
0x30a: {  	[tilespmem:$0x1FB30] =	vst v2;
	v2 =	vld [tilespmem:$0x1FB20]  }
0x30b: {  	v1 =	vadd.f32 v5, v1;
	v5 =	vmul.f32 v11, v16;
	v3 =	vadd.f32 v6, v3  }
0x30c: {  	s15 =	sadd.s32 $0xFFFFFFFE, s16;
	v6 =	vor.u32 s16, v45  }
0x30d: {  	v43 =	vadd.f32 v5, v3;
	v3 =	vor.u32 s15, v45  }
0x30e: {  	s11 =	sadd.s32 $0xFFFFFFFF, s16  }
0x30f: {  	v4 =	vmul.f32 v10, v19;
	v39 =	vadd.f32 v2, v1;
	v2 =	vor.u32 s11, v46  }
0x310: {  	s31 =	sadd.s32 $0xFFFFFFFD, s16  }
0x311: {  	v0 =	vadd.f32 v4, v0;
	v4 =	vmul.f32 v8, v16;
	v5 =	vor.u32 s31, v45;
	v18 =	vld.idx.msk [tilespmem:v6+s24+$0x0], $0xffff  }
0x312: {  	v1 =	vor.u32 s16, v46;
	v26 =	vld.idx.msk [tilespmem:v3+s24+$0x0], $0xffff  }
0x313: {  	v42 =	vadd.f32 v4, v0;
	v0 =	vor.u32 s11, v45;
	v3 =	vld [tilespmem:$0x1FB40]  }
0x314: {  	v25 =	vld.idx.msk [tilespmem:v2+s24+$0x0], $0xffff  }
0x315: {  	v2 =	vld [tilespmem:$0x1FFC0]  }
0x316: {  	s2 =	sadd.s32 $0xFFFFFFB1, s16;
	v4 =	vor.u32 s15, v46;
	v36 =	vld.idx.msk [tilespmem:v5+s24+$0x0], $0xffff  }
0x317: {  	s18 =	sadd.s32 $0xFFFFFFFC, s16;
	v6 =	vor.u32 s31, v46;
	v5 =	vor.u32 s11, v52;
	v21 =	vld.idx.msk [tilespmem:v1+s24+$0x0], $0xffff;
	v1 =	vmov s2  }
0x318: {  	v23 =	vld.idx.msk [tilespmem:v0+s24+$0x0], $0xffff;
	[tilespmem:$0x1FB60] =	vst v5;
	v5 =	vor.u32 s16, v44;
	s2 =	sadd.s32 $0xFFFFFFFA, s16;
	v0 =	vshll.u32 v1, $0x7;
	v1 =	vor.u32 s18, v45  }
0x319: {  	[tilespmem:$0x1FB70] =	vst v5;
	v5 =	vor.u32 s2, v45  }
0x31a: {  	v0 =	vor.u32 v2, v0;
	v2 =	vor.u32 s18, v46  }
0x31b: {  	s19 =	sadd.s32 $0xFFFFFFFB, s16;
	v27 =	vld.idx.msk [tilespmem:v4+s24+$0x0], $0xffff;
	v4 =	vor.u32 s16, v52;
	v0 =	vor.u32 v3, v0  }
0x31c: {  	[tilespmem:$0x1FB50] =	vst v4;
	v38 =	vld.idx.msk [tilespmem:v6+s24+$0x0], $0xffff;
	v6 =	vor.u32 s2, v52;
	v3 =	vor.u32 s19, v45  }
0x31d: {  	[tilespmem:$0x1FC00] =	vst v6;
	v49 =	vld.idx.msk [tilespmem:v1+s24+$0x0], $0xffff;
	v1 =	vor.u32 s15, v52  }
0x31e: {  	s4 =	sadd.s32 $0xFFFFFFF5, s16;
	v57 =	vld.idx.msk [tilespmem:v5+s24+$0x0], $0xffff;
	[tilespmem:$0x1FB80] =	vst v1;
	v1 =	vor.u32 s11, v44  }
0x31f: {  	v11 =	vor.u32 s4, v45;
	[tilespmem:$0x1FB90] =	vst v1;
	v50 =	vld.idx.msk [tilespmem:v2+s24+$0x0], $0xffff;
	v2 =	vor.u32 s31, v52  }
0x320: {  	v4 =	vor.u32 s19, v46;
	[tilespmem:$0x1FBA0] =	vst v2;
	v2 =	vor.u32 s15, v44;
	v7 =	vld.idx.msk [tilespmem:v0+s29+$0x0], $0xffff  }
0x321: {  	s25 =	sadd.s32 $0xFFFFFFF9, s16;
	v5 =	vor.u32 s2, v44;
	v1 =	vor.u32 s2, v46;
	v53 =	vld.idx.msk [tilespmem:v3+s24+$0x0], $0xffff;
	v3 =	vor.u32 s19, v52;
	[tilespmem:$0x1FBB0] =	vst v2  }
0x322: {  	v0 =	vor.u32 s25, v45;
	v2 =	vor.u32 s18, v52;
	[tilespmem:$0x1FBE0] =	vst v3;
	v3 =	vor.u32 s18, v44;
	s18 =	sadd.s32 $0xFFFFFFF7, s16  }
0x323: {  	v37 =	vor.u32 s25, v52;
	[tilespmem:$0x1FC20] =	vst v5;
	v5 =	vor.u32 s18, v45  }
0x324: {  	v47 =	vor.u32 s25, v44;
	v15 =	vld.idx.msk [tilespmem:v11+s24+$0x0], $0xffff;
	s11 =	sadd.s32 $0xFFFFFFF4, s16;
	[tilespmem:$0x1FBC0] =	vst v2;
	v2 =	vor.u32 s31, v44;
	v6 =	vor.u32 s18, v46  }
0x325: {  	v56 =	vld.idx.msk [tilespmem:v4+s24+$0x0], $0xffff;
	v4 =	vor.u32 s19, v44;
	v9 =	vor.u32 s11, v45;
	s15 =	sadd.s32 $0xFFFFFFF3, s16;
	s31 =	sadd.s32 $0xFFFFFFF8, s16;
	[tilespmem:$0x1FBD0] =	vst v2;
	v2 =	vor.u32 s25, v46  }
0x326: {  	v10 =	vor.u32 s15, v45;
	[tilespmem:$0x1FBF0] =	vst v3;
	v59 =	vld.idx.msk [tilespmem:v1+s24+$0x0], $0xffff;
	v3 =	vor.u32 s31, v45;
	v19 =	vbroadcast v7, $0xE  }
0x327: {  	[tilespmem:$0x1FC10] =	vst v4;
	v4 =	vor.u32 s31, v46;
	s25 =	sadd.s32 $0xFFFFFFF6, s16;
	v61 =	vld.idx.msk [tilespmem:v0+s24+$0x0], $0xffff;
	v16 =	vbroadcast v7, $0xF;
	v24 =	vbroadcast v7, $0xC  }
0x328: {  	v8 =	vor.u32 s25, v46;
	v22 =	vbroadcast v7, $0xD;
	v33 =	vbroadcast v7, $0xA;
	v5 =	vld.idx.msk [tilespmem:v5+s24+$0x0], $0xffff  }
0x329: {  	p6 =	sne.s32 s16, $0x7F;
	v0 =	vor.u32 s25, v45;
	v29 =	vbroadcast v7, $0xB;
	v48 =	vbroadcast v7, $0x8;
	v6 =	vld.idx.msk [tilespmem:v6+s24+$0x0], $0xffff  }
.Ltmp10:
0x32a: {  	v58 =	vor.u32 s18, v52;
	v40 =	vbroadcast v7, $0x9;
	v54 =	vbroadcast v7, $0x6;
	v63 =	vld.idx.msk [tilespmem:v2+s24+$0x0], $0xffff;
	(pc) =	sbr.rel @p6 .LBB3_11-.Ltmp10, $4  }
0x32b: {  	v51 =	vor.u32 s31, v52;
	v41 =	vbroadcast v7, $0x7;
	v62 =	vbroadcast v7, $0x4;
	v2 =	vld.idx.msk [tilespmem:v3+s24+$0x0], $0xffff  }
0x32c: {  	v55 =	vor.u32 s31, v44;
	v60 =	vbroadcast v7, $0x5;
	v20 =	vbroadcast v7, $0x2;
	v1 =	vld.idx.msk [tilespmem:v4+s24+$0x0], $0xffff  }
0x32d: {  	s9 =	smov.u32 s16;
	v14 =	vbroadcast v7, $0x1;
	v3 =	vor.u32 s4, v46;
	v4 =	vor.u32 s11, v46;
	v13 =	vld.idx.msk [tilespmem:v8+s24+$0x0], $0xffff  }
0x32e: {  	s17 =	sadd.s32 $0xFFFFFFF2, s9;
	s16 =	sadd.s32 $0x10, s16;
	v8 =	vbroadcast v7, $0x0;
	v12 =	vld.idx.msk [tilespmem:v0+s24+$0x0], $0xffff;
	v0 =	vbroadcast v7, $0x3;
	v7 =	vor.u32 s15, v46  }
0x32f: {  	s9 =	sadd.s32 $0xFFFFFFF1, s9  }
0x330: {  	v17 =	vor.u32 s9, v45  }
0x331: {  	v28 =	vor.u32 s9, v46  }
0x332: {  	v30 =	vor.u32 s9, v52  }
0x333: {  	v9 =	vld.idx.msk [tilespmem:v9+s24+$0x0], $0xffff;
	v31 =	vor.u32 s9, v44  }
0x334: {  	v35 =	vld.idx.msk [tilespmem:v10+s24+$0x0], $0xffff  }
0x335: {  	v11 =	vor.u32 s17, v45;
	v17 =	vld.idx.msk [tilespmem:v17+s24+$0x0], $0xffff  }
0x336: {  	v32 =	vor.u32 s17, v46;
	v28 =	vld.idx.msk [tilespmem:v28+s24+$0x0], $0xffff  }
0x337: {  	v34 =	vor.u32 s17, v52;
	v30 =	vld.idx.msk [tilespmem:v30+s24+$0x0], $0xffff  }
0x338: {  	v31 =	vld.idx.msk [tilespmem:v31+s24+$0x0], $0xffff  }
0x339: {  	v7 =	vld.idx.msk [tilespmem:v7+s24+$0x0], $0xffff;
	[tilespmem:$0x1FA70] =	vst v35;
	v35 =	vor.u32 s17, v44  }
0x33a: {  	v11 =	vld.idx.msk [tilespmem:v11+s24+$0x0], $0xffff  }
0x33b: {  	v32 =	vld.idx.msk [tilespmem:v32+s24+$0x0], $0xffff  }
0x33c: {  	v34 =	vld.idx.msk [tilespmem:v34+s24+$0x0], $0xffff;
	v17 =	vmul.f32 v17, v8;
	v28 =	vmul.f32 v28, v8  }
0x33d: {  	v45 =	vor.u32 s15, v44;
	v30 =	vmul.f32 v30, v8;
	v8 =	vmul.f32 v31, v8;
	v31 =	vld [tilespmem:$0x1FB30]  }
0x33e: {  	v35 =	vld.idx.msk [tilespmem:v35+s24+$0x0], $0xffff  }
0x33f: {  	[tilespmem:$0x1FA90] =	vst v9;
	v9 =	vor.u32 s15, v52;
	_ =	sdelay $0x1  }
0x340: {  	[tilespmem:$0x1FA80] =	vst v7;
	v11 =	vmul.f32 v11, v14;
	v32 =	vmul.f32 v32, v14  }
0x341: {  	v45 =	vld.idx.msk [tilespmem:v45+s24+$0x0], $0xffff;
	v34 =	vmul.f32 v34, v14;
	v28 =	vadd.f32 v28, v39;
	v17 =	vadd.f32 v17, v31  }
0x342: {  	v30 =	vadd.f32 v30, v43;
	v8 =	vadd.f32 v8, v42;
	v42 =	vmul.f32 v35, v14;
	v35 =	vld [tilespmem:$0x1FA80]  }
0x343: {  	v10 =	vor.u32 s11, v52;
	v31 =	vld.idx.msk [tilespmem:v9+s24+$0x0], $0xffff;
	v11 =	vadd.f32 v11, v17  }
0x344: {  	v17 =	vadd.f32 v32, v28;
	v28 =	vadd.f32 v34, v30;
	v34 =	vld [tilespmem:$0x1FA70];
	_ =	sdelay $0x2  }
0x345: {  	v4 =	vld.idx.msk [tilespmem:v4+s24+$0x0], $0xffff  }
0x346: {  	v9 =	vld.idx.msk [tilespmem:v10+s24+$0x0], $0xffff;
	v10 =	vmul.f32 v35, v20;
	v14 =	vmul.f32 v31, v20  }
0x347: {  	v32 =	vmul.f32 v34, v20;
	v20 =	vmul.f32 v45, v20;
	v45 =	vld [tilespmem:$0x1FA90]  }
0x348: {  	v3 =	vld.idx.msk [tilespmem:v3+s24+$0x0], $0xffff  }
0x349: {  	v30 =	vor.u32 s25, v52  }
0x34a: {  	v7 =	vor.u32 s11, v44;
	v4 =	vmul.f32 v4, v0;
	v43 =	vor.u32 s4, v52  }
0x34b: {  	v39 =	vor.u32 s4, v44;
	v8 =	vadd.f32 v42, v8;
	v10 =	vadd.f32 v10, v17  }
0x34c: {  	v14 =	vadd.f32 v14, v28;
	v11 =	vadd.f32 v32, v11;
	v28 =	vmul.f32 v45, v0  }
0x34d: {  	v3 =	vmul.f32 v3, v62;
	v4 =	vadd.f32 v4, v10  }
0x34e: {  	v8 =	vadd.f32 v20, v8;
	v20 =	vld.idx.msk [tilespmem:v30+s24+$0x0], $0xffff;
	v30 =	vmul.f32 v15, v62;
	v11 =	vadd.f32 v28, v11  }
0x34f: {  	v42 =	vld.idx.msk [tilespmem:v43+s24+$0x0], $0xffff;
	v43 =	vor.u32 s18, v44;
	v34 =	vor.u32 s25, v44  }
0x350: {  	v7 =	vld.idx.msk [tilespmem:v7+s24+$0x0], $0xffff;
	v3 =	vadd.f32 v3, v4;
	v4 =	vmul.f32 v12, v60;
	v10 =	vadd.f32 v30, v11  }
0x351: {  	v17 =	vld.idx.msk [tilespmem:v39+s24+$0x0], $0xffff;
	v45 =	vmul.f32 v13, v60  }
0x352: {  	v5 =	vmul.f32 v5, v54;
	v39 =	vld.idx.msk [tilespmem:v58+s24+$0x0], $0xffff;
	v4 =	vadd.f32 v4, v10  }
0x353: {  	v6 =	vmul.f32 v6, v54;
	v58 =	vld.idx.msk [tilespmem:v51+s24+$0x0], $0xffff;
	v3 =	vadd.f32 v45, v3  }
0x354: {  	v2 =	vmul.f32 v2, v41;
	v43 =	vld.idx.msk [tilespmem:v43+s24+$0x0], $0xffff;
	v4 =	vadd.f32 v5, v4  }
0x355: {  	v1 =	vmul.f32 v1, v41;
	v35 =	vld.idx.msk [tilespmem:v34+s24+$0x0], $0xffff;
	v3 =	vadd.f32 v6, v3  }
0x356: {  	v9 =	vmul.f32 v9, v0;
	v2 =	vadd.f32 v2, v4;
	v4 =	vld [tilespmem:$0x1FC20]  }
0x357: {  	v15 =	vld.idx.msk [tilespmem:v55+s24+$0x0], $0xffff;
	v0 =	vmul.f32 v7, v0;
	v1 =	vadd.f32 v1, v3;
	v3 =	vmul.f32 v61, v48  }
0x358: {  	v42 =	vmul.f32 v42, v62;
	v9 =	vadd.f32 v9, v14;
	v55 =	vld [tilespmem:$0x1FB60]  }
0x359: {  	v17 =	vmul.f32 v17, v62;
	v0 =	vadd.f32 v0, v8;
	v2 =	vadd.f32 v3, v2;
	v3 =	vld [tilespmem:$0x1FC10]  }
0x35a: {  	v9 =	vadd.f32 v42, v9;
	v42 =	vld [tilespmem:$0x1FBC0]  }
0x35b: {  	v7 =	vmul.f32 v20, v60;
	v20 =	vld.idx.msk [tilespmem:v37+s24+$0x0], $0xffff;
	v0 =	vadd.f32 v17, v0;
	v62 =	vmul.f32 v35, v60  }
0x35c: {  	v5 =	vld.idx.msk [tilespmem:v47+s24+$0x0], $0xffff  }
0x35d: {  	v17 =	vmul.f32 v43, v54;
	v30 =	vld [tilespmem:$0x1FC00];
	v0 =	vadd.f32 v62, v0  }
0x35e: {  	v4 =	vld.idx.msk [tilespmem:v4+s24+$0x0], $0xffff  }
0x35f: {  	v31 =	vmul.f32 v58, v41;
	v32 =	vmul.f32 v15, v41;
	v35 =	vld [tilespmem:$0x1FBE0];
	v0 =	vadd.f32 v17, v0  }
0x360: {  	v34 =	vmul.f32 v63, v48;
	v8 =	vmul.f32 v39, v54;
	v45 =	vld [tilespmem:$0x1FBF0]  }
0x361: {  	v39 =	vmul.f32 v57, v40;
	v0 =	vadd.f32 v32, v0;
	v5 =	vmul.f32 v5, v48;
	v3 =	vld.idx.msk [tilespmem:v3+s24+$0x0], $0xffff  }
0x362: {  	v41 =	vmul.f32 v59, v40;
	v57 =	vld [tilespmem:$0x1FB90];
	v7 =	vadd.f32 v7, v9;
	v1 =	vadd.f32 v34, v1  }
0x363: {  	v59 =	vld [tilespmem:$0x1FB50];
	v0 =	vadd.f32 v5, v0;
	v4 =	vmul.f32 v4, v40  }
0x364: {  	v43 =	vmul.f32 v53, v33;
	v28 =	vadd.f32 v8, v7;
	v47 =	vld [tilespmem:$0x1FBA0];
	v1 =	vadd.f32 v41, v1  }
0x365: {  	v7 =	vld.idx.msk [tilespmem:v30+s24+$0x0], $0xffff;
	v2 =	vadd.f32 v39, v2;
	v0 =	vadd.f32 v4, v0;
	v4 =	vmul.f32 v56, v33  }
0x366: {  	v37 =	vmul.f32 v20, v48;
	v48 =	vld [tilespmem:$0x1FBD0];
	v3 =	vmul.f32 v3, v33  }
0x367: {  	v8 =	vld.idx.msk [tilespmem:v35+s24+$0x0], $0xffff;
	v2 =	vadd.f32 v43, v2;
	v1 =	vadd.f32 v4, v1;
	v4 =	vmul.f32 v49, v29  }
0x368: {  	v0 =	vadd.f32 v3, v0;
	v3 =	vld [tilespmem:$0x1FB80]  }
0x369: {  	v6 =	vadd.f32 v31, v28;
	v2 =	vadd.f32 v4, v2;
	v4 =	vld [tilespmem:$0x1FBB0]  }
0x36a: {  	v60 =	vld [tilespmem:$0x1FB70]  }
0x36b: {  	v6 =	vadd.f32 v37, v6;
	v5 =	vmul.f32 v7, v40;
	v7 =	vld.idx.msk [tilespmem:v42+s24+$0x0], $0xffff  }
0x36c: {  	v10 =	vld.idx.msk [tilespmem:v45+s24+$0x0], $0xffff  }
0x36d: {  	v5 =	vadd.f32 v5, v6;
	v6 =	vld.idx.msk [tilespmem:v47+s24+$0x0], $0xffff  }
0x36e: {  	v8 =	vmul.f32 v8, v33;
	v9 =	vld.idx.msk [tilespmem:v48+s24+$0x0], $0xffff;
	_ =	sdelay $0x1  }
0x36f: {  	v51 =	vmul.f32 v36, v24;
	v5 =	vadd.f32 v8, v5;
	v7 =	vmul.f32 v7, v29;
	v3 =	vld.idx.msk [tilespmem:v3+s24+$0x0], $0xffff  }
0x370: {  	v58 =	vmul.f32 v27, v22;
	v49 =	vmul.f32 v50, v29;
	v4 =	vld.idx.msk [tilespmem:v4+s24+$0x0], $0xffff  }
0x371: {  	v5 =	vadd.f32 v7, v5;
	v6 =	vmul.f32 v6, v24;
	v50 =	vmul.f32 v10, v29  }
0x372: {  	v53 =	vmul.f32 v38, v24;
	v54 =	vmul.f32 v9, v24;
	v9 =	vld.idx.msk [tilespmem:v55+s24+$0x0], $0xffff;
	v1 =	vadd.f32 v49, v1  }
0x373: {  	v61 =	vmul.f32 v23, v19;
	v5 =	vadd.f32 v6, v5;
	v10 =	vld.idx.msk [tilespmem:v57+s24+$0x0], $0xffff;
	v0 =	vadd.f32 v50, v0  }
0x374: {  	v8 =	vld.idx.msk [tilespmem:v59+s24+$0x0], $0xffff;
	v56 =	vmul.f32 v26, v22;
	v2 =	vadd.f32 v51, v2;
	v1 =	vadd.f32 v53, v1  }
0x375: {  	v7 =	vld.idx.msk [tilespmem:v60+s24+$0x0], $0xffff;
	v0 =	vadd.f32 v54, v0;
	v3 =	vmul.f32 v3, v22;
	v4 =	vmul.f32 v4, v22  }
0x376: {  	v62 =	vmul.f32 v25, v19;
	v2 =	vadd.f32 v56, v2;
	v1 =	vadd.f32 v58, v1  }
0x377: {  	v39 =	vld [tilespmem:$0x1FF80];
	v3 =	vadd.f32 v3, v5;
	v0 =	vadd.f32 v4, v0;
	v4 =	vmul.f32 v9, v19  }
0x378: {  	v63 =	vmul.f32 v21, v16;
	v47 =	vld [tilespmem:$0x1FF90];
	v2 =	vadd.f32 v61, v2;
	v5 =	vmul.f32 v10, v19  }
0x379: {  	v48 =	vld [tilespmem:$0x1FFD0];
	v1 =	vadd.f32 v62, v1;
	v3 =	vadd.f32 v4, v3;
	v4 =	vmul.f32 v18, v16  }
0x37a: {  	v8 =	vmul.f32 v8, v16;
	v7 =	vmul.f32 v7, v16;
	v49 =	vld [tilespmem:$0x1FFC0];
	v5 =	vadd.f32 v5, v0  }
0x37b: {  	v50 =	vld [tilespmem:$0x1FFE0];
	v1 =	vadd.f32 v63, v1;
	v0 =	vadd.f32 v4, v2  }
0x37c: {  	v40 =	vmov v46;
	v51 =	vld [tilespmem:$0x1FF70];
	v2 =	vadd.f32 v8, v3;
	v3 =	vadd.f32 v7, v5  }
.LBB3_13:
0x37d: {  	[tilespmem:$0x14080] =	vst v0  }
0x37e: {  	[tilespmem:$0x14090] =	vst v1  }
0x37f: {  	[tilespmem:$0x140A0] =	vst v2  }
0x380: {  	[tilespmem:$0x140B0] =	vst v3  }
.LBB3_14:
0x381: {  	s4 =	rddreg [dreg:$0x11]  }
0x382: {  	[spmem:s4] =	stream.linear.scatter [tilespmem:s1], [sflag:$0x6], $0x80, $0x38;
	[tilespmem:$0x19CC0] =	vst v63  }
.Ltmp11:
0x383: {  	_ =	swait.ge [sflag:s21], $0x80;
	(pc) =	sbr.rel @!p2 .LBB3_16-.Ltmp11, $3  }
0x384: {  	[sflag:s21] =	ssyncset.done $0x0  }
0x385: {  	[sflag:s21] =	ssyncadd.s32 $0xFFFFFF80  }
0x386: {  	[bflag:$0x0] =	sbarrier.arrive $0xFFFF;
	_ =	sdelay $0x1  }
0x387: {  	s4 =	rddreg [dreg:$0xd];
	s2 =	simm.s32 $0x14100  }
0x388: {  	[tilespmem:s2], [sflag:$0x6] =	stream.linear.gather [spmem:s4], $0x800, $0x38;
	[tilespmem:$0x19CC0] =	vst v63  }
0x389: {  	_ =	swait.ge [sflag:s21], $0x800  }
0x38a: {  	[sflag:s21] =	ssyncset.done $0x0  }
0x38b: {  	[sflag:s21] =	ssyncadd.s32 $0xFFFFF800  }
0x38c: {  	v0 =	vld [tilespmem:$0x14100]  }
0x38d: {  	v1 =	vld [tilespmem:$0x14110]  }
0x38e: {  	v2 =	vld [tilespmem:$0x14120]  }
0x38f: {  	v3 =	vld [tilespmem:$0x14130]  }
0x390: {  	v4 =	vld [tilespmem:$0x14180]  }
0x391: {  	v5 =	vld [tilespmem:$0x14190]  }
0x392: {  	v6 =	vld [tilespmem:$0x141A0]  }
0x393: {  	v7 =	vld [tilespmem:$0x141B0]  }
0x394: {  	v8 =	vld [tilespmem:$0x14200]  }
0x395: {  	v9 =	vld [tilespmem:$0x14210]  }
0x396: {  	v10 =	vld [tilespmem:$0x14220]  }
0x397: {  	v11 =	vld [tilespmem:$0x14230]  }
0x398: {  	v12 =	vld [tilespmem:$0x14280]  }
0x399: {  	v13 =	vld [tilespmem:$0x14290]  }
0x39a: {  	v14 =	vld [tilespmem:$0x142A0]  }
0x39b: {  	v15 =	vld [tilespmem:$0x142B0]  }
0x39c: {  	v16 =	vld [tilespmem:$0x14300]  }
0x39d: {  	v17 =	vld [tilespmem:$0x14310]  }
0x39e: {  	v18 =	vld [tilespmem:$0x14320]  }
0x39f: {  	v19 =	vld [tilespmem:$0x14330]  }
0x3a0: {  	v20 =	vld [tilespmem:$0x14380]  }
0x3a1: {  	v21 =	vld [tilespmem:$0x14390]  }
0x3a2: {  	v22 =	vld [tilespmem:$0x143A0]  }
0x3a3: {  	v23 =	vld [tilespmem:$0x143B0]  }
0x3a4: {  	v24 =	vld [tilespmem:$0x14400]  }
0x3a5: {  	v25 =	vld [tilespmem:$0x14410]  }
0x3a6: {  	v26 =	vld [tilespmem:$0x14420]  }
0x3a7: {  	v27 =	vld [tilespmem:$0x14430]  }
0x3a8: {  	v28 =	vld [tilespmem:$0x14480]  }
0x3a9: {  	v29 =	vld [tilespmem:$0x14490]  }
0x3aa: {  	v30 =	vld [tilespmem:$0x144A0]  }
0x3ab: {  	v31 =	vld [tilespmem:$0x144B0]  }
0x3ac: {  	v32 =	vld [tilespmem:$0x14500]  }
0x3ad: {  	v33 =	vld [tilespmem:$0x14510]  }
0x3ae: {  	v34 =	vld [tilespmem:$0x14520]  }
0x3af: {  	v35 =	vld [tilespmem:$0x14530];
	v0 =	vadd.f32 $0.0e+00, v0  }
0x3b0: {  	v36 =	vld [tilespmem:$0x14580];
	v1 =	vadd.f32 $0.0e+00, v1  }
0x3b1: {  	v54 =	vld [tilespmem:$0x14590];
	v2 =	vadd.f32 $0.0e+00, v2;
	v0 =	vadd.f32 v4, v0  }
0x3b2: {  	v55 =	vld [tilespmem:$0x145A0];
	v3 =	vadd.f32 $0.0e+00, v3;
	v1 =	vadd.f32 v5, v1  }
0x3b3: {  	v56 =	vld [tilespmem:$0x145B0];
	v2 =	vadd.f32 v6, v2;
	v0 =	vadd.f32 v8, v0  }
0x3b4: {  	v57 =	vld [tilespmem:$0x14600];
	v3 =	vadd.f32 v7, v3;
	v1 =	vadd.f32 v9, v1  }
0x3b5: {  	v58 =	vld [tilespmem:$0x14610];
	v2 =	vadd.f32 v10, v2;
	v0 =	vadd.f32 v12, v0  }
0x3b6: {  	v59 =	vld [tilespmem:$0x14620];
	v3 =	vadd.f32 v11, v3;
	v1 =	vadd.f32 v13, v1  }
0x3b7: {  	v60 =	vld [tilespmem:$0x14630];
	v2 =	vadd.f32 v14, v2;
	v0 =	vadd.f32 v16, v0  }
0x3b8: {  	v61 =	vld [tilespmem:$0x14680];
	v3 =	vadd.f32 v15, v3;
	v1 =	vadd.f32 v17, v1  }
0x3b9: {  	v62 =	vld [tilespmem:$0x14690];
	v2 =	vadd.f32 v18, v2;
	v0 =	vadd.f32 v20, v0  }
0x3ba: {  	v63 =	vld [tilespmem:$0x146A0];
	v3 =	vadd.f32 v19, v3;
	v1 =	vadd.f32 v21, v1  }
0x3bb: {  	v37 =	vld [tilespmem:$0x146B0];
	v2 =	vadd.f32 v22, v2;
	v0 =	vadd.f32 v24, v0  }
0x3bc: {  	v38 =	vld [tilespmem:$0x14700];
	v3 =	vadd.f32 v23, v3;
	v1 =	vadd.f32 v25, v1  }
0x3bd: {  	v41 =	vld [tilespmem:$0x14710];
	v2 =	vadd.f32 v26, v2;
	v0 =	vadd.f32 v28, v0  }
0x3be: {  	v42 =	vld [tilespmem:$0x14720];
	v3 =	vadd.f32 v27, v3;
	v1 =	vadd.f32 v29, v1  }
0x3bf: {  	v43 =	vld [tilespmem:$0x14730];
	v2 =	vadd.f32 v30, v2;
	v0 =	vadd.f32 v32, v0  }
0x3c0: {  	v45 =	vld [tilespmem:$0x14780];
	v3 =	vadd.f32 v31, v3;
	v1 =	vadd.f32 v33, v1  }
0x3c1: {  	v46 =	vld [tilespmem:$0x14790];
	v2 =	vadd.f32 v34, v2;
	v0 =	vadd.f32 v36, v0  }
0x3c2: {  	v53 =	vld [tilespmem:$0x147A0];
	v3 =	vadd.f32 v35, v3;
	v1 =	vadd.f32 v54, v1  }
0x3c3: {  	v2 =	vadd.f32 v55, v2;
	v54 =	vld [tilespmem:$0x147B0];
	v0 =	vadd.f32 v57, v0  }
0x3c4: {  	v3 =	vadd.f32 v56, v3;
	v55 =	vld [tilespmem:$0x14800];
	v1 =	vadd.f32 v58, v1  }
0x3c5: {  	v56 =	vld [tilespmem:$0x14810];
	v2 =	vadd.f32 v59, v2;
	v0 =	vadd.f32 v61, v0  }
0x3c6: {  	v3 =	vadd.f32 v60, v3;
	v57 =	vld [tilespmem:$0x14820];
	v1 =	vadd.f32 v62, v1  }
0x3c7: {  	v58 =	vld [tilespmem:$0x14830];
	v2 =	vadd.f32 v63, v2;
	v0 =	vadd.f32 v38, v0  }
0x3c8: {  	v59 =	vld [tilespmem:$0x14880];
	v3 =	vadd.f32 v37, v3;
	v1 =	vadd.f32 v41, v1  }
0x3c9: {  	v60 =	vld [tilespmem:$0x14890];
	v2 =	vadd.f32 v42, v2;
	v0 =	vadd.f32 v45, v0  }
0x3ca: {  	v61 =	vld [tilespmem:$0x148A0];
	v3 =	vadd.f32 v43, v3;
	v1 =	vadd.f32 v46, v1  }
0x3cb: {  	v62 =	vld [tilespmem:$0x148B0];
	v2 =	vadd.f32 v53, v2;
	v0 =	vadd.f32 v55, v0  }
0x3cc: {  	v3 =	vadd.f32 v54, v3;
	v1 =	vadd.f32 v56, v1  }
0x3cd: {  	v2 =	vadd.f32 v57, v2;
	v0 =	vadd.f32 v59, v0  }
0x3ce: {  	v3 =	vadd.f32 v58, v3;
	v1 =	vadd.f32 v60, v1  }
0x3cf: {  	v2 =	vadd.f32 v61, v2;
	[tilespmem:$0x14080] =	vst v0  }
0x3d0: {  	v63 =	vadd.f32 v62, v3;
	[tilespmem:$0x14090] =	vst v1  }
0x3d1: {  	[tilespmem:$0x140A0] =	vst v2  }
0x3d2: {  	s18 =	rddreg [dreg:$0xf];
	[tilespmem:$0x140B0] =	vst v63  }
0x3d3: {  	[hbm4b:s18+s12] =	stream.linear.scatter [tilespmem:s1], [sflag:$0x6], $0x80, $0x38;
	[tilespmem:$0x19CC0] =	vst v63  }
0x3d4: {  	_ =	swait.ge [sflag:s21], $0x80  }
0x3d5: {  	[sflag:s21] =	ssyncset.done $0x0  }
0x3d6: {  	s19 =	simm.s32 $0x100000;
	[sflag:s21] =	ssyncadd.s32 $0xFFFFFF80  }
0x3d7: {  	[smem:s19], [sflag:$0x0] =	smem.add.s32 $0x0  }
0x3d8: {  	_ =	swait.done [sflag:s12]  }
0x3d9: {  	s25 =	ssyncread [sflag:$0x0];
	_ =	sdelay $0x1  }
0x3da: {  	s9 =	rddreg [dreg:$0x12]  }
.Ltmp12:
0x3db: {  	s4 =	sadd.s32 s9, s25;
	(pc) =	sbr.rel .LBB3_16-.Ltmp12, $4  }
0x3dc: {  	s31 =	rddreg [dreg:$0x14];
	s4 =	sshll.u32 s4, $0x11  }
0x3dd: {  	[sflag:s12] =	ssyncset.s32 $0x0;
	s4 =	sor.u32 s4, s31  }
0x3de: {  	[sflag:s12] =	ssyncset.done $0x0;
	s4 =	sor.u32 $0x1C05, s4  }
0x3df: {  	[sflag:s4] =	ssyncadd.remote.s32 $0x1  }
.LBB3_17:
0x3e0: {  	s4 =	rddreg [dreg:$0xd];
	s2 =	simm.s32 $0x14100  }
0x3e1: {  	[tilespmem:s2], [sflag:$0x6] =	stream.linear.gather [spmem:s4], $0x800, $0x38;
	[tilespmem:$0x19CC0] =	vst v63  }
0x3e2: {  	_ =	swait.ge [sflag:s21], $0x800  }
0x3e3: {  	[sflag:s21] =	ssyncset.done $0x0  }
0x3e4: {  	[sflag:s21] =	ssyncadd.s32 $0xFFFFF800  }
0x3e5: {  	v0 =	vld [tilespmem:$0x14100]  }
0x3e6: {  	v1 =	vld [tilespmem:$0x14110]  }
0x3e7: {  	v2 =	vld [tilespmem:$0x14120]  }
0x3e8: {  	v3 =	vld [tilespmem:$0x14130]  }
0x3e9: {  	v4 =	vld [tilespmem:$0x14180]  }
0x3ea: {  	v5 =	vld [tilespmem:$0x14190]  }
0x3eb: {  	v6 =	vld [tilespmem:$0x141A0]  }
0x3ec: {  	v7 =	vld [tilespmem:$0x141B0]  }
0x3ed: {  	v8 =	vld [tilespmem:$0x14200]  }
0x3ee: {  	v9 =	vld [tilespmem:$0x14210]  }
0x3ef: {  	v10 =	vld [tilespmem:$0x14220]  }
0x3f0: {  	v11 =	vld [tilespmem:$0x14230]  }
0x3f1: {  	v12 =	vld [tilespmem:$0x14280]  }
0x3f2: {  	v13 =	vld [tilespmem:$0x14290]  }
0x3f3: {  	v14 =	vld [tilespmem:$0x142A0]  }
0x3f4: {  	v15 =	vld [tilespmem:$0x142B0]  }
0x3f5: {  	v16 =	vld [tilespmem:$0x14300]  }
0x3f6: {  	v17 =	vld [tilespmem:$0x14310]  }
0x3f7: {  	v18 =	vld [tilespmem:$0x14320]  }
0x3f8: {  	v19 =	vld [tilespmem:$0x14330]  }
0x3f9: {  	v20 =	vld [tilespmem:$0x14380]  }
0x3fa: {  	v21 =	vld [tilespmem:$0x14390]  }
0x3fb: {  	v22 =	vld [tilespmem:$0x143A0]  }
0x3fc: {  	v23 =	vld [tilespmem:$0x143B0]  }
0x3fd: {  	v24 =	vld [tilespmem:$0x14400]  }
0x3fe: {  	v25 =	vld [tilespmem:$0x14410]  }
0x3ff: {  	v26 =	vld [tilespmem:$0x14420]  }
0x400: {  	v27 =	vld [tilespmem:$0x14430]  }
0x401: {  	v28 =	vld [tilespmem:$0x14480]  }
0x402: {  	v29 =	vld [tilespmem:$0x14490]  }
0x403: {  	v30 =	vld [tilespmem:$0x144A0]  }
0x404: {  	v31 =	vld [tilespmem:$0x144B0]  }
0x405: {  	v32 =	vld [tilespmem:$0x14500]  }
0x406: {  	v33 =	vld [tilespmem:$0x14510]  }
0x407: {  	v34 =	vld [tilespmem:$0x14520]  }
0x408: {  	v35 =	vld [tilespmem:$0x14530]  }
0x409: {  	v36 =	vld [tilespmem:$0x14580]  }
0x40a: {  	v37 =	vld [tilespmem:$0x14590]  }
0x40b: {  	v38 =	vld [tilespmem:$0x145A0]  }
0x40c: {  	v39 =	vld [tilespmem:$0x145B0]  }
0x40d: {  	v40 =	vld [tilespmem:$0x14600]  }
0x40e: {  	v41 =	vld [tilespmem:$0x14610]  }
0x40f: {  	v42 =	vld [tilespmem:$0x14620]  }
0x410: {  	v43 =	vld [tilespmem:$0x14630];
	v0 =	vadd.f32 $0.0e+00, v0  }
0x411: {  	v44 =	vld [tilespmem:$0x14680];
	v1 =	vadd.f32 $0.0e+00, v1  }
0x412: {  	v45 =	vld [tilespmem:$0x14690];
	v2 =	vadd.f32 $0.0e+00, v2;
	v0 =	vadd.f32 v4, v0  }
0x413: {  	v58 =	vld [tilespmem:$0x148A0];
	v3 =	vadd.f32 $0.0e+00, v3;
	v1 =	vadd.f32 v5, v1  }
0x414: {  	v59 =	vld [tilespmem:$0x148B0];
	v2 =	vadd.f32 v6, v2;
	v0 =	vadd.f32 v8, v0  }
0x415: {  	v4 =	vld [tilespmem:$0x146A0];
	v3 =	vadd.f32 v7, v3;
	v1 =	vadd.f32 v9, v1  }
0x416: {  	v5 =	vld [tilespmem:$0x146B0];
	v2 =	vadd.f32 v10, v2;
	v0 =	vadd.f32 v12, v0  }
0x417: {  	v6 =	vld [tilespmem:$0x14700];
	v3 =	vadd.f32 v11, v3;
	v1 =	vadd.f32 v13, v1  }
0x418: {  	v7 =	vld [tilespmem:$0x14710];
	v2 =	vadd.f32 v14, v2;
	v0 =	vadd.f32 v16, v0  }
0x419: {  	v8 =	vld [tilespmem:$0x14720];
	v3 =	vadd.f32 v15, v3;
	v1 =	vadd.f32 v17, v1  }
0x41a: {  	v9 =	vld [tilespmem:$0x14730];
	v2 =	vadd.f32 v18, v2;
	v0 =	vadd.f32 v20, v0  }
0x41b: {  	v10 =	vld [tilespmem:$0x14780];
	v3 =	vadd.f32 v19, v3;
	v1 =	vadd.f32 v21, v1  }
0x41c: {  	v11 =	vld [tilespmem:$0x14790];
	v2 =	vadd.f32 v22, v2;
	v0 =	vadd.f32 v24, v0  }
0x41d: {  	v12 =	vld [tilespmem:$0x147A0];
	v3 =	vadd.f32 v23, v3;
	v1 =	vadd.f32 v25, v1  }
0x41e: {  	v13 =	vld [tilespmem:$0x147B0];
	v2 =	vadd.f32 v26, v2;
	v0 =	vadd.f32 v28, v0  }
0x41f: {  	v14 =	vld [tilespmem:$0x14800];
	v3 =	vadd.f32 v27, v3;
	v1 =	vadd.f32 v29, v1  }
0x420: {  	v15 =	vld [tilespmem:$0x14810];
	v2 =	vadd.f32 v30, v2;
	v0 =	vadd.f32 v32, v0  }
0x421: {  	v16 =	vld [tilespmem:$0x14820];
	v3 =	vadd.f32 v31, v3;
	v1 =	vadd.f32 v33, v1  }
0x422: {  	v17 =	vld [tilespmem:$0x14830];
	v2 =	vadd.f32 v34, v2;
	v0 =	vadd.f32 v36, v0  }
0x423: {  	s4 =	simm.s32 $0x5;
	v18 =	vld [tilespmem:$0x14880];
	v3 =	vadd.f32 v35, v3;
	v1 =	vadd.f32 v37, v1  }
0x424: {  	v19 =	vld [tilespmem:$0x14890];
	_ =	swait.ge [sflag:s4], $0x1;
	v2 =	vadd.f32 v38, v2;
	v0 =	vadd.f32 v40, v0  }
0x425: {  	[sflag:s4] =	ssyncset.done $0x0;
	v3 =	vadd.f32 v39, v3;
	v1 =	vadd.f32 v41, v1  }
0x426: {  	s11 =	simm.s32 $0x14900;
	s9 =	rddreg [dreg:$0xf];
	[sflag:s4] =	ssyncadd.s32 $0xFFFFFFFF;
	v2 =	vadd.f32 v42, v2;
	v0 =	vadd.f32 v44, v0  }
0x427: {  	[tilespmem:s11], [sflag:$0x6] =	stream.linear.gather [hbm4b:s9+s12], $0x80, $0x38;
	v3 =	vadd.f32 v43, v3;
	v1 =	vadd.f32 v45, v1;
	[tilespmem:$0x19CC0] =	vst v63  }
0x428: {  	_ =	swait.ge [sflag:s21], $0x80;
	v2 =	vadd.f32 v4, v2;
	v0 =	vadd.f32 v6, v0  }
0x429: {  	[sflag:s21] =	ssyncset.done $0x0;
	v3 =	vadd.f32 v5, v3;
	v1 =	vadd.f32 v7, v1  }
0x42a: {  	[sflag:s21] =	ssyncadd.s32 $0xFFFFFF80;
	v2 =	vadd.f32 v8, v2;
	v0 =	vadd.f32 v10, v0  }
0x42b: {  	v4 =	vld [tilespmem:$0x14900];
	v3 =	vadd.f32 v9, v3;
	v1 =	vadd.f32 v11, v1  }
0x42c: {  	v5 =	vld [tilespmem:$0x14910];
	v2 =	vadd.f32 v12, v2;
	v0 =	vadd.f32 v14, v0  }
0x42d: {  	v6 =	vld [tilespmem:$0x14920];
	v3 =	vadd.f32 v13, v3;
	v1 =	vadd.f32 v15, v1  }
0x42e: {  	v7 =	vld [tilespmem:$0x14930];
	v2 =	vadd.f32 v16, v2;
	v0 =	vadd.f32 v18, v0  }
0x42f: {  	v3 =	vadd.f32 v17, v3;
	v1 =	vadd.f32 v19, v1  }
0x430: {  	v2 =	vadd.f32 v58, v2;
	v0 =	vadd.f32 v4, v0  }
0x431: {  	v3 =	vadd.f32 v59, v3;
	v1 =	vadd.f32 v5, v1  }
0x432: {  	s25 =	simm.s32 $0x7;
	v2 =	vadd.f32 v6, v2;
	v0 =	vmax.f32 v0, $0.0e+00  }
0x433: {  	s31 =	simm.s32 $0x8;
	v8 =	vmov s25;
	[tilespmem:$0x19B80] =	vst v0;
	v0 =	vmax.f32 v1, $0.0e+00;
	v1 =	vadd.f32 v7, v3  }
0x434: {  	s2 =	simm.s32 $0x3;
	v9 =	vmov s31;
	v8 =	vand.u32 $0x77, v8;
	[tilespmem:$0x19B90] =	vst v0;
	v0 =	vmax.f32 v2, $0.0e+00  }
0x435: {  	v9 =	vand.u32 $0x78, v9;
	v10 =	vmov s2;
	[tilespmem:$0x19BA0] =	vst v0;
	v0 =	vmax.f32 v1, $0.0e+00  }
0x436: {  	v9 =	vbroadcast v9, $0x0;
	v8 =	vbroadcast v8, $0x0;
	v10 =	vand.u32 $0x73, v10;
	[tilespmem:$0x19BB0] =	vst v0  }
0x437: {  	v10 =	vbroadcast v10, $0x0;
	_ =	swait.ge [sflag:s6], $0x1000  }
0x438: {  	s17 =	simm.s32 $0xB;
	v54 =	vor.u32 v49, v9;
	v56 =	vor.u32 v49, v8;
	v8 =	vor.u32 v51, v8;
	[sflag:s6] =	ssyncset.done $0x0  }
0x439: {  	s18 =	simm.s32 $0xC;
	v9 =	vor.u32 v51, v9;
	v62 =	vor.u32 v49, v10;
	v4 =	vmov s17;
	s17 =	simm.s32 $0x5;
	[sflag:s6] =	ssyncadd.s32 $0xFFFFF000  }
0x43a: {  	v10 =	vor.u32 v51, v10;
	v5 =	vmov s18;
	s18 =	simm.s32 $0x1;
	v12 =	vmov s17;
	_ =	swait.ge [sflag:s6], $0x80  }
0x43b: {  	s11 =	simm.s32 $0xA;
	v14 =	vmov s18;
	v4 =	vand.u32 $0x7B, v4;
	v5 =	vand.u32 $0x7C, v5;
	[sflag:s6] =	ssyncset.done $0x0  }
0x43c: {  	v12 =	vand.u32 $0x75, v12;
	v14 =	vand.u32 $0x71, v14;
	v3 =	vmov s11;
	s11 =	simm.s32 $0x0;
	[sflag:s6] =	ssyncadd.s32 $0xFFFFFF80  }
0x43d: {  	s19 =	simm.s32 $0x6;
	v4 =	vbroadcast v4, $0x0;
	v5 =	vbroadcast v5, $0x0;
	v13 =	vmov s11;
	_ =	swait.ge [sflag:s6], $0x80  }
0x43e: {  	s9 =	simm.s32 $0xE;
	v7 =	vmov s19;
	v14 =	vbroadcast v14, $0x0;
	v13 =	vand.u32 $0x70, v13;
	[sflag:s6] =	ssyncset.done $0x0  }
0x43f: {  	s19 =	simm.s32 $0x2;
	v12 =	vbroadcast v12, $0x0;
	v2 =	vmov s9;
	v13 =	vbroadcast v13, $0x0;
	[sflag:s6] =	ssyncadd.s32 $0xFFFFFF80  }
0x440: {  	v15 =	vmov s19;
	v3 =	vand.u32 $0x7A, v3;
	v7 =	vand.u32 $0x76, v7;
	_ =	swait.ge [sflag:s6], $0x1  }
0x441: {  	v42 =	vor.u32 v49, v4;
	v43 =	vor.u32 v49, v5;
	v16 =	vor.u32 v49, v13;
	[sflag:s6] =	ssyncset.done $0x0  }
0x442: {  	s16 =	simm.s32 $0xD;
	v4 =	vor.u32 v51, v4;
	v15 =	vand.u32 $0x72, v15;
	v13 =	vor.u32 v51, v13;
	[sflag:s6] =	ssyncadd.s32 $0xFFFFFFFF  }
0x443: {  	v1 =	vmov s16;
	v18 =	vor.u32 v49, v14;
	v15 =	vbroadcast v15, $0x0;
	v19 =	vld [tilespmem:$0x19A00]  }
0x444: {  	s9 =	simm.s32 $0x19B80;
	v5 =	vor.u32 v51, v5;
	s16 =	simm.s32 $0x4;
	v14 =	vor.u32 v51, v14;
	v1 =	vand.u32 $0x7D, v1;
	v60 =	vld [tilespmem:$0x19A10]  }
0x445: {  	v11 =	vmov s16;
	v17 =	vbroadcast v1, $0x0;
	v61 =	vor.u32 v49, v15;
	v1 =	vld [tilespmem:s9+$0x0]  }
0x446: {  	v3 =	vbroadcast v3, $0x0;
	v11 =	vand.u32 $0x74, v11;
	v15 =	vor.u32 v51, v15;
	v16 =	vld.idx.msk [tilespmem:v16+s7+$0x0], $0xffff  }
0x447: {  	s15 =	simm.s32 $0xF;
	v2 =	vand.u32 $0x7E, v2;
	v7 =	vbroadcast v7, $0x0;
	v11 =	vbroadcast v11, $0x0;
	v13 =	vld.idx.msk [tilespmem:v13+s7+$0x0], $0xffff  }
0x448: {  	v53 =	vor.u32 v49, v12;
	v12 =	vor.u32 v51, v12;
	v0 =	vmov s15;
	v18 =	vld.idx.msk [tilespmem:v18+s7+$0x0], $0xffff  }
0x449: {  	s15 =	simm.s32 $0x9;
	v2 =	vbroadcast v2, $0x0;
	v0 =	vand.u32 $0x7F, v0;
	v41 =	vor.u32 v49, v11;
	v14 =	vld.idx.msk [tilespmem:v14+s7+$0x0], $0xffff  }
0x44a: {  	v6 =	vmov s15;
	v11 =	vor.u32 v51, v11;
	v21 =	vld.idx.msk [tilespmem:v61+s7+$0x0], $0xffff;
	v46 =	vbroadcast v1, $0x0  }
0x44b: {  	v45 =	vor.u32 v49, v3;
	v57 =	vor.u32 v49, v7;
	v7 =	vor.u32 v51, v7;
	v15 =	vld.idx.msk [tilespmem:v15+s7+$0x0], $0xffff  }
0x44c: {  	v3 =	vor.u32 v51, v3;
	v22 =	vld.idx.msk [tilespmem:v62+s7+$0x0], $0xffff;
	v55 =	vbroadcast v1, $0x1;
	v16 =	vmul.f32 v16, v46  }
0x44d: {  	v0 =	vbroadcast v0, $0x0;
	v6 =	vand.u32 $0x79, v6;
	v10 =	vld.idx.msk [tilespmem:v10+s7+$0x0], $0xffff;
	v13 =	vmul.f32 v13, v46  }
0x44e: {  	v26 =	vld.idx.msk [tilespmem:v41+s7+$0x0], $0xffff;
	v58 =	vbroadcast v1, $0x2;
	v18 =	vmul.f32 v18, v55;
	v16 =	vadd.f32 v16, v19  }
0x44f: {  	v6 =	vbroadcast v6, $0x0;
	v11 =	vld.idx.msk [tilespmem:v11+s7+$0x0], $0xffff;
	v14 =	vmul.f32 v14, v55;
	v13 =	vadd.f32 v13, v60  }
0x450: {  	v12 =	vld.idx.msk [tilespmem:v12+s7+$0x0], $0xffff;
	v59 =	vbroadcast v1, $0x3;
	v19 =	vmul.f32 v21, v58;
	v16 =	vadd.f32 v18, v16  }
0x451: {  	v44 =	vor.u32 v49, v6;
	v60 =	vld.idx.msk [tilespmem:v53+s7+$0x0], $0xffff;
	v13 =	vadd.f32 v14, v13;
	v14 =	vmul.f32 v15, v58  }
0x452: {  	v61 =	vld.idx.msk [tilespmem:v57+s7+$0x0], $0xffff;
	v15 =	vmul.f32 v22, v59;
	v18 =	vbroadcast v1, $0x4;
	v16 =	vadd.f32 v19, v16  }
0x453: {  	v6 =	vor.u32 v51, v6;
	v7 =	vld.idx.msk [tilespmem:v7+s7+$0x0], $0xffff;
	v10 =	vmul.f32 v10, v59;
	v13 =	vadd.f32 v14, v13  }
0x454: {  	v62 =	vld.idx.msk [tilespmem:v56+s7+$0x0], $0xffff;
	v14 =	vmul.f32 v26, v18;
	v19 =	vbroadcast v1, $0x5;
	v15 =	vadd.f32 v15, v16  }
0x455: {  	v40 =	vor.u32 v49, v2;
	v8 =	vld.idx.msk [tilespmem:v8+s7+$0x0], $0xffff;
	v11 =	vmul.f32 v11, v18;
	v10 =	vadd.f32 v10, v13  }
0x456: {  	v9 =	vld.idx.msk [tilespmem:v9+s7+$0x0], $0xffff;
	v13 =	vmul.f32 v60, v19;
	v16 =	vbroadcast v1, $0x6;
	v14 =	vadd.f32 v14, v15  }
0x457: {  	v2 =	vor.u32 v51, v2;
	v18 =	vld.idx.msk [tilespmem:v54+s7+$0x0], $0xffff;
	v10 =	vadd.f32 v11, v10;
	v11 =	vmul.f32 v12, v19  }
0x458: {  	v6 =	vld.idx.msk [tilespmem:v6+s7+$0x0], $0xffff;
	v12 =	vmul.f32 v61, v16;
	v15 =	vbroadcast v1, $0x7;
	v13 =	vadd.f32 v13, v14  }
0x459: {  	v63 =	vor.u32 v49, v17;
	v19 =	vld.idx.msk [tilespmem:v44+s7+$0x0], $0xffff;
	v7 =	vmul.f32 v7, v16;
	v10 =	vadd.f32 v11, v10  }
0x45a: {  	v3 =	vld.idx.msk [tilespmem:v3+s7+$0x0], $0xffff;
	v11 =	vmul.f32 v62, v15;
	v14 =	vbroadcast v1, $0x8;
	v12 =	vadd.f32 v12, v13  }
0x45b: {  	v23 =	vor.u32 v49, v0;
	v16 =	vld.idx.msk [tilespmem:v45+s7+$0x0], $0xffff;
	v8 =	vmul.f32 v8, v15;
	v7 =	vadd.f32 v7, v10  }
0x45c: {  	v4 =	vld.idx.msk [tilespmem:v4+s7+$0x0], $0xffff;
	v10 =	vmul.f32 v18, v14;
	v13 =	vbroadcast v1, $0x9;
	v11 =	vadd.f32 v11, v12  }
0x45d: {  	v15 =	vor.u32 v51, v17;
	v17 =	vld.idx.msk [tilespmem:v42+s7+$0x0], $0xffff;
	v7 =	vadd.f32 v8, v7;
	v8 =	vmul.f32 v9, v14  }
0x45e: {  	v9 =	vmul.f32 v19, v13;
	v12 =	vbroadcast v1, $0xA;
	v14 =	vld.idx.msk [tilespmem:v43+s7+$0x0], $0xffff;
	v10 =	vadd.f32 v10, v11  }
0x45f: {  	v0 =	vor.u32 v51, v0;
	v6 =	vmul.f32 v6, v13;
	v7 =	vadd.f32 v8, v7  }
0x460: {  	v5 =	vld.idx.msk [tilespmem:v5+s7+$0x0], $0xffff;
	v8 =	vmul.f32 v16, v12;
	v11 =	vbroadcast v1, $0xB;
	v9 =	vadd.f32 v9, v10  }
0x461: {  	v13 =	vld.idx.msk [tilespmem:v63+s7+$0x0], $0xffff;
	v3 =	vmul.f32 v3, v12;
	v12 =	vbroadcast v1, $0xC;
	v6 =	vadd.f32 v6, v7  }
0x462: {  	s17 =	simm.s32 $0x1C;
	v2 =	vld.idx.msk [tilespmem:v2+s7+$0x0], $0xffff;
	v10 =	vmul.f32 v17, v11;
	v4 =	vmul.f32 v4, v11;
	v8 =	vadd.f32 v8, v9  }
0x463: {  	s18 =	simm.s32 $0x19;
	v7 =	vld.idx.msk [tilespmem:v15+s7+$0x0], $0xffff;
	v3 =	vadd.f32 v3, v6;
	v6 =	vmul.f32 v14, v12;
	v14 =	vmov s17  }
0x464: {  	v18 =	vmov s18;
	v15 =	vld.idx.msk [tilespmem:v40+s7+$0x0], $0xffff;
	v9 =	vbroadcast v1, $0xD;
	v14 =	vand.u32 $0x7C, v14  }
0x465: {  	s25 =	simm.s32 $0x1F;
	v11 =	vld.idx.msk [tilespmem:v23+s7+$0x0], $0xffff;
	v8 =	vadd.f32 v10, v8;
	v3 =	vadd.f32 v4, v3;
	v4 =	vmul.f32 v5, v12  }
0x466: {  	s16 =	simm.s32 $0x1B;
	v0 =	vld.idx.msk [tilespmem:v0+s7+$0x0], $0xffff;
	v5 =	vmov s25;
	v10 =	vmul.f32 v13, v9;
	v12 =	vbroadcast v1, $0xE;
	s25 =	simm.s32 $0x17  }
0x467: {  	v1 =	vbroadcast v1, $0xF;
	v13 =	vmov s16;
	v19 =	vmov s25  }
0x468: {  	v13 =	vand.u32 $0x7B, v13;
	v6 =	vadd.f32 v6, v8;
	v3 =	vadd.f32 v4, v3  }
0x469: {  	s2 =	simm.s32 $0x1E;
	v4 =	vmul.f32 v7, v9;
	v7 =	vand.u32 $0x7F, v5;
	v5 =	vmul.f32 v15, v12  }
0x46a: {  	s25 =	simm.s32 $0x11;
	v2 =	vmul.f32 v2, v12;
	v12 =	vmov s2;
	v8 =	vmul.f32 v11, v1;
	s2 =	simm.s32 $0x14  }
0x46b: {  	v1 =	vmul.f32 v0, v1;
	v15 =	vmov s25;
	v9 =	vmov s2  }
0x46c: {  	s31 =	simm.s32 $0x1D;
	v17 =	vand.u32 $0x7E, v12;
	v12 =	vbroadcast v7, $0x0;
	v6 =	vadd.f32 v10, v6  }
0x46d: {  	s18 =	simm.s32 $0x15;
	v7 =	vand.u32 $0x79, v18;
	v3 =	vadd.f32 v4, v3;
	v4 =	vmov s31;
	s31 =	simm.s32 $0x18  }
0x46e: {  	s19 =	simm.s32 $0x16;
	s15 =	simm.s32 $0x1A;
	v10 =	vmov s18;
	v63 =	vmov s31;
	v5 =	vadd.f32 v5, v6  }
0x46f: {  	s31 =	simm.s32 $0x12;
	v2 =	vadd.f32 v2, v3;
	v6 =	vmov s15;
	v3 =	vmov s19;
	s19 =	simm.s32 $0x10  }
0x470: {  	s17 =	simm.s32 $0x13;
	v16 =	vmov s31;
	v11 =	vmov s19;
	v0 =	vadd.f32 v8, v5  }
0x471: {  	v1 =	vadd.f32 v1, v2;
	v8 =	vmov s17;
	v5 =	vand.u32 $0x7D, v4  }
0x472: {  	s16 =	simm.s32 $0x2F;
	v2 =	vand.u32 $0x7A, v6;
	v4 =	vand.u32 $0x77, v19;
	v6 =	vand.u32 $0x78, v63  }
.LBB3_18:
0x473: {  	p6 =	sne.s32 s16, $0x3F;
	v11 =	vand.u32 $0x70, v11;
	v10 =	vand.u32 $0x75, v10;
	v18 =	vand.u32 $0x76, v3  }
0x474: {  	v8 =	vand.u32 $0x73, v8;
	v9 =	vand.u32 $0x74, v9;
	v11 =	vbroadcast v11, $0x0  }
0x475: {  	v15 =	vand.u32 $0x71, v15;
	v16 =	vand.u32 $0x72, v16;
	v3 =	vbroadcast v17, $0x0  }
0x476: {  	v5 =	vbroadcast v5, $0x0;
	v15 =	vbroadcast v15, $0x0;
	v17 =	vor.u32 v49, v11  }
0x477: {  	v13 =	vbroadcast v13, $0x0;
	v14 =	vbroadcast v14, $0x0;
	v11 =	vor.u32 v51, v11  }
0x478: {  	v20 =	vbroadcast v2, $0x0;
	v16 =	vbroadcast v16, $0x0;
	v19 =	vor.u32 v49, v15  }
0x479: {  	v21 =	vbroadcast v6, $0x0;
	v7 =	vbroadcast v7, $0x0;
	s9 =	sadd.s32 $0x10, s9;
	v15 =	vor.u32 v51, v15  }
0x47a: {  	v6 =	vbroadcast v8, $0x0;
	v8 =	vbroadcast v4, $0x0;
	v22 =	vor.u32 v49, v16;
	v2 =	vld [tilespmem:s9+$0x0]  }
0x47b: {  	v10 =	vbroadcast v10, $0x0;
	v18 =	vbroadcast v18, $0x0;
	v16 =	vor.u32 v51, v16;
	v17 =	vld.idx.msk [tilespmem:v17+s7+$0x0], $0xffff  }
0x47c: {  	v9 =	vbroadcast v9, $0x0;
	v4 =	vor.u32 v49, v12;
	v23 =	vor.u32 v49, v6;
	v11 =	vld.idx.msk [tilespmem:v11+s7+$0x0], $0xffff  }
0x47d: {  	v25 =	vor.u32 v49, v5;
	v24 =	vor.u32 v51, v6;
	v6 =	vor.u32 v49, v3;
	v19 =	vld.idx.msk [tilespmem:v19+s7+$0x0], $0xffff  }
0x47e: {  	v27 =	vor.u32 v49, v13;
	v28 =	vor.u32 v49, v14;
	v26 =	vor.u32 v49, v9;
	v15 =	vld.idx.msk [tilespmem:v15+s7+$0x0], $0xffff  }
0x47f: {  	v29 =	vor.u32 v49, v7;
	v30 =	vor.u32 v49, v20;
	v9 =	vor.u32 v51, v9;
	v22 =	vld.idx.msk [tilespmem:v22+s7+$0x0], $0xffff  }
0x480: {  	v33 =	vor.u32 v49, v21;
	v32 =	vor.u32 v49, v10;
	v31 =	vbroadcast v2, $0x0;
	v16 =	vld.idx.msk [tilespmem:v16+s7+$0x0], $0xffff  }
0x481: {  	v10 =	vor.u32 v51, v10;
	v35 =	vor.u32 v49, v8;
	v34 =	vbroadcast v2, $0x1;
	v23 =	vld.idx.msk [tilespmem:v23+s7+$0x0], $0xffff  }
0x482: {  	v17 =	vmul.f32 v17, v31;
	v11 =	vmul.f32 v11, v31;
	v31 =	vor.u32 v49, v18;
	v24 =	vld.idx.msk [tilespmem:v24+s7+$0x0], $0xffff  }
0x483: {  	v36 =	vbroadcast v2, $0x2;
	v18 =	vor.u32 v51, v18;
	v19 =	vmul.f32 v19, v34;
	v26 =	vld.idx.msk [tilespmem:v26+s7+$0x0], $0xffff  }
0x484: {  	v0 =	vadd.f32 v17, v0;
	v1 =	vadd.f32 v11, v1;
	v11 =	vmul.f32 v15, v34;
	v9 =	vld.idx.msk [tilespmem:v9+s7+$0x0], $0xffff  }
0x485: {  	v8 =	vor.u32 v51, v8;
	v17 =	vbroadcast v2, $0x3;
	v15 =	vmul.f32 v22, v36;
	v22 =	vld.idx.msk [tilespmem:v32+s7+$0x0], $0xffff  }
0x486: {  	v0 =	vadd.f32 v19, v0;
	v1 =	vadd.f32 v11, v1;
	v11 =	vmul.f32 v16, v36;
	v10 =	vld.idx.msk [tilespmem:v10+s7+$0x0], $0xffff  }
0x487: {  	v21 =	vor.u32 v51, v21;
	v19 =	vbroadcast v2, $0x4;
	v16 =	vmul.f32 v23, v17;
	v23 =	vld.idx.msk [tilespmem:v31+s7+$0x0], $0xffff  }
0x488: {  	v0 =	vadd.f32 v15, v0;
	v1 =	vadd.f32 v11, v1;
	v11 =	vmul.f32 v24, v17;
	v15 =	vld.idx.msk [tilespmem:v18+s7+$0x0], $0xffff  }
0x489: {  	v7 =	vor.u32 v51, v7;
	v17 =	vmul.f32 v26, v19;
	v18 =	vbroadcast v2, $0x5;
	v24 =	vld.idx.msk [tilespmem:v35+s7+$0x0], $0xffff  }
0x48a: {  	v0 =	vadd.f32 v16, v0;
	v1 =	vadd.f32 v11, v1;
	v9 =	vmul.f32 v9, v19;
	v8 =	vld.idx.msk [tilespmem:v8+s7+$0x0], $0xffff  }
0x48b: {  	v20 =	vor.u32 v51, v20;
	v16 =	vbroadcast v2, $0x6;
	v11 =	vmul.f32 v22, v18;
	v19 =	vld.idx.msk [tilespmem:v33+s7+$0x0], $0xffff  }
0x48c: {  	v0 =	vadd.f32 v17, v0;
	v1 =	vadd.f32 v9, v1;
	v9 =	vmul.f32 v10, v18;
	v10 =	vld.idx.msk [tilespmem:v21+s7+$0x0], $0xffff  }
0x48d: {  	v13 =	vor.u32 v51, v13;
	v18 =	vbroadcast v2, $0x7;
	v17 =	vmul.f32 v23, v16;
	v21 =	vld.idx.msk [tilespmem:v29+s7+$0x0], $0xffff  }
0x48e: {  	v0 =	vadd.f32 v11, v0;
	v1 =	vadd.f32 v9, v1;
	v9 =	vmul.f32 v15, v16;
	v7 =	vld.idx.msk [tilespmem:v7+s7+$0x0], $0xffff  }
0x48f: {  	v14 =	vor.u32 v51, v14;
	v15 =	vbroadcast v2, $0x8;
	v11 =	vmul.f32 v24, v18;
	v16 =	vld.idx.msk [tilespmem:v30+s7+$0x0], $0xffff  }
0x490: {  	v0 =	vadd.f32 v17, v0;
	v1 =	vadd.f32 v9, v1;
	v8 =	vmul.f32 v8, v18;
	v9 =	vld.idx.msk [tilespmem:v20+s7+$0x0], $0xffff  }
0x491: {  	v5 =	vor.u32 v51, v5;
	v18 =	vbroadcast v2, $0x9;
	v17 =	vmul.f32 v19, v15;
	v19 =	vld.idx.msk [tilespmem:v27+s7+$0x0], $0xffff  }
0x492: {  	v0 =	vadd.f32 v11, v0;
	v1 =	vadd.f32 v8, v1;
	v8 =	vmul.f32 v10, v15;
	v10 =	vld.idx.msk [tilespmem:v13+s7+$0x0], $0xffff  }
0x493: {  	v3 =	vor.u32 v51, v3;
	v11 =	vmul.f32 v21, v18;
	v13 =	vbroadcast v2, $0xA;
	v15 =	vld.idx.msk [tilespmem:v28+s7+$0x0], $0xffff  }
0x494: {  	v0 =	vadd.f32 v17, v0;
	v1 =	vadd.f32 v8, v1;
	v7 =	vmul.f32 v7, v18;
	v8 =	vld.idx.msk [tilespmem:v14+s7+$0x0], $0xffff  }
0x495: {  	v12 =	vor.u32 v51, v12;
	v14 =	vmul.f32 v16, v13;
	v16 =	vbroadcast v2, $0xB;
	v17 =	vld.idx.msk [tilespmem:v25+s7+$0x0], $0xffff  }
0x496: {  	v0 =	vadd.f32 v11, v0;
	v1 =	vadd.f32 v7, v1;
	v7 =	vmul.f32 v9, v13;
	v5 =	vld.idx.msk [tilespmem:v5+s7+$0x0], $0xffff  }
0x497: {  	v11 =	vbroadcast v2, $0xC;
	v9 =	vmul.f32 v19, v16;
	v6 =	vld.idx.msk [tilespmem:v6+s7+$0x0], $0xffff  }
0x498: {  	v0 =	vadd.f32 v14, v0;
	v1 =	vadd.f32 v7, v1;
	v7 =	vmul.f32 v10, v16;
	v3 =	vld.idx.msk [tilespmem:v3+s7+$0x0], $0xffff  }
0x499: {  	v13 =	vbroadcast v2, $0xD;
	v10 =	vmul.f32 v15, v11;
	v4 =	vld.idx.msk [tilespmem:v4+s7+$0x0], $0xffff  }
0x49a: {  	v0 =	vadd.f32 v9, v0;
	v1 =	vadd.f32 v7, v1;
	v7 =	vmul.f32 v8, v11;
	v8 =	vld.idx.msk [tilespmem:v12+s7+$0x0], $0xffff  }
0x49b: {  	v9 =	vmov s16;
	v11 =	vmul.f32 v17, v13;
	v12 =	vbroadcast v2, $0xE  }
0x49c: {  	v0 =	vadd.f32 v10, v0;
	v1 =	vadd.f32 v7, v1;
	v5 =	vmul.f32 v5, v13  }
0x49d: {  	v2 =	vbroadcast v2, $0xF;
	v7 =	vand.u32 $0x7F, v9;
	v6 =	vmul.f32 v6, v12  }
0x49e: {  	s4 =	sadd.s32 $0xFFFFFFFE, s16;
	s11 =	sadd.s32 $0xFFFFFFFF, s16;
	v0 =	vadd.f32 v11, v0;
	v1 =	vadd.f32 v5, v1;
	v3 =	vmul.f32 v3, v12  }
0x49f: {  	v5 =	vmov s4;
	v12 =	vmov s11;
	v4 =	vmul.f32 v4, v2  }
0x4a0: {  	s15 =	sadd.s32 $0xFFFFFFFD, s16;
	s4 =	sadd.s32 $0xFFFFFFFB, s16;
	s11 =	sadd.s32 $0xFFFFFFFC, s16;
	v0 =	vadd.f32 v6, v0;
	v1 =	vadd.f32 v3, v1;
	v2 =	vmul.f32 v8, v2  }
0x4a1: {  	s17 =	sadd.s32 $0xFFFFFFFA, s16;
	s18 =	sadd.s32 $0xFFFFFFF5, s16;
	v14 =	vmov s15;
	v13 =	vmov s11;
	v6 =	vmov s4  }
0x4a2: {  	v18 =	vmov s17;
	s15 =	sadd.s32 $0xFFFFFFF9, s16;
	s11 =	sadd.s32 $0xFFFFFFF8, s16;
	s4 =	sadd.s32 $0xFFFFFFF7, s16;
	v0 =	vadd.f32 v4, v0;
	v1 =	vadd.f32 v2, v1  }
0x4a3: {  	s19 =	sadd.s32 $0xFFFFFFF6, s16;
	s17 =	sadd.s32 $0xFFFFFFF4, s16;
	v19 =	vmov s15;
	s15 =	sadd.s32 $0xFFFFFFF3, s16;
	v3 =	vmov s4;
	v4 =	vmov s11  }
.Ltmp13:
0x4a4: {  	v9 =	vmov s18;
	v10 =	vmov s19;
	v8 =	vmov s17;
	s4 =	sadd.s32 $0xFFFFFFF1, s16;
	s11 =	sadd.s32 $0xFFFFFFF2, s16;
	(pc) =	sbr.rel @p6 .LBB3_18-.Ltmp13, $4  }
0x4a5: {  	v16 =	vmov s15;
	v11 =	vmov s4;
	v15 =	vmov s11  }
0x4a6: {  	v5 =	vand.u32 $0x7D, v5;
	v17 =	vand.u32 $0x7E, v12;
	v12 =	vbroadcast v7, $0x0  }
0x4a7: {  	v14 =	vand.u32 $0x7C, v14;
	v13 =	vand.u32 $0x7B, v13;
	v2 =	vand.u32 $0x7A, v6  }
0x4a8: {  	v7 =	vand.u32 $0x79, v18;
	v6 =	vand.u32 $0x78, v19;
	s16 =	sadd.s32 $0x10, s16;
	v4 =	vand.u32 $0x77, v4  }
0x4a9: {  	v11 =	vand.u32 $0x70, v11;
	v10 =	vand.u32 $0x75, v10;
	v3 =	vand.u32 $0x76, v3  }
0x4aa: {  	v8 =	vand.u32 $0x73, v8;
	v9 =	vand.u32 $0x74, v9;
	v17 =	vbroadcast v17, $0x0  }
0x4ab: {  	v15 =	vand.u32 $0x71, v15;
	v5 =	vbroadcast v5, $0x0;
	v11 =	vbroadcast v11, $0x0  }
0x4ac: {  	v16 =	vand.u32 $0x72, v16;
	v13 =	vbroadcast v13, $0x0;
	v14 =	vbroadcast v14, $0x0  }
0x4ad: {  	v20 =	vbroadcast v2, $0x0;
	v15 =	vbroadcast v15, $0x0;
	v18 =	vor.u32 v49, v11  }
0x4ae: {  	v6 =	vbroadcast v6, $0x0;
	v7 =	vbroadcast v7, $0x0;
	v11 =	vor.u32 v51, v11  }
0x4af: {  	v4 =	vbroadcast v4, $0x0;
	v16 =	vbroadcast v16, $0x0;
	v19 =	vor.u32 v49, v15  }
0x4b0: {  	s4 =	sadd.s32 $0x10, s9;
	v23 =	vor.u32 v49, v12;
	v8 =	vbroadcast v8, $0x0;
	v15 =	vor.u32 v51, v15  }
0x4b1: {  	v2 =	vld [tilespmem:s4+$0x0];
	v10 =	vbroadcast v10, $0x0;
	v3 =	vbroadcast v3, $0x0;
	v21 =	vor.u32 v49, v16  }
0x4b2: {  	v9 =	vbroadcast v9, $0x0;
	v24 =	vor.u32 v49, v5;
	v16 =	vor.u32 v51, v16;
	v18 =	vld.idx.msk [tilespmem:v18+s7+$0x0], $0xffff  }
0x4b3: {  	v25 =	vor.u32 v49, v17;
	v27 =	vor.u32 v49, v13;
	v22 =	vor.u32 v49, v8;
	v11 =	vld.idx.msk [tilespmem:v11+s7+$0x0], $0xffff  }
0x4b4: {  	v28 =	vor.u32 v49, v14;
	v29 =	vor.u32 v49, v7;
	v8 =	vor.u32 v51, v8;
	v19 =	vld.idx.msk [tilespmem:v19+s7+$0x0], $0xffff  }
0x4b5: {  	v30 =	vor.u32 v49, v20;
	v33 =	vor.u32 v49, v6;
	v26 =	vor.u32 v49, v9;
	v15 =	vld.idx.msk [tilespmem:v15+s7+$0x0], $0xffff  }
0x4b6: {  	v35 =	vor.u32 v49, v4;
	v9 =	vor.u32 v51, v9;
	v31 =	vbroadcast v2, $0x0;
	v21 =	vld.idx.msk [tilespmem:v21+s7+$0x0], $0xffff  }
0x4b7: {  	v32 =	vor.u32 v49, v10;
	v10 =	vor.u32 v51, v10;
	v34 =	vbroadcast v2, $0x1;
	v16 =	vld.idx.msk [tilespmem:v16+s7+$0x0], $0xffff  }
0x4b8: {  	v59 =	vor.u32 v49, v3;
	v22 =	vld.idx.msk [tilespmem:v22+s7+$0x0], $0xffff;
	v18 =	vmul.f32 v18, v31;
	v11 =	vmul.f32 v11, v31  }
0x4b9: {  	v3 =	vor.u32 v51, v3;
	v36 =	vbroadcast v2, $0x2;
	v8 =	vld.idx.msk [tilespmem:v8+s7+$0x0], $0xffff;
	v19 =	vmul.f32 v19, v34  }
0x4ba: {  	v26 =	vld.idx.msk [tilespmem:v26+s7+$0x0], $0xffff;
	v60 =	vmul.f32 v15, v34;
	v0 =	vadd.f32 v18, v0;
	v1 =	vadd.f32 v11, v1  }
0x4bb: {  	v4 =	vor.u32 v51, v4;
	v62 =	vbroadcast v2, $0x3;
	v9 =	vld.idx.msk [tilespmem:v9+s7+$0x0], $0xffff;
	v61 =	vmul.f32 v21, v36  }
0x4bc: {  	v63 =	vld.idx.msk [tilespmem:v32+s7+$0x0], $0xffff;
	v32 =	vmul.f32 v16, v36;
	v0 =	vadd.f32 v19, v0;
	v1 =	vadd.f32 v60, v1  }
0x4bd: {  	v6 =	vor.u32 v51, v6;
	v10 =	vld.idx.msk [tilespmem:v10+s7+$0x0], $0xffff;
	v34 =	vmul.f32 v22, v62;
	v36 =	vbroadcast v2, $0x4  }
0x4be: {  	v37 =	vld.idx.msk [tilespmem:v59+s7+$0x0], $0xffff;
	v8 =	vmul.f32 v8, v62;
	v0 =	vadd.f32 v61, v0;
	v1 =	vadd.f32 v32, v1  }
0x4bf: {  	v7 =	vor.u32 v51, v7;
	v39 =	vbroadcast v2, $0x5;
	v3 =	vld.idx.msk [tilespmem:v3+s7+$0x0], $0xffff;
	v38 =	vmul.f32 v26, v36  }
0x4c0: {  	v40 =	vld.idx.msk [tilespmem:v35+s7+$0x0], $0xffff;
	v41 =	vmul.f32 v9, v36;
	v0 =	vadd.f32 v34, v0;
	v1 =	vadd.f32 v8, v1  }
0x4c1: {  	v44 =	vor.u32 v51, v20;
	v43 =	vbroadcast v2, $0x6;
	v4 =	vld.idx.msk [tilespmem:v4+s7+$0x0], $0xffff;
	v42 =	vmul.f32 v63, v39  }
0x4c2: {  	v6 =	vld.idx.msk [tilespmem:v6+s7+$0x0], $0xffff;
	v46 =	vmul.f32 v10, v39;
	v0 =	vadd.f32 v38, v0;
	v1 =	vadd.f32 v41, v1  }
0x4c3: {  	v13 =	vor.u32 v51, v13;
	v54 =	vbroadcast v2, $0x7;
	v45 =	vld.idx.msk [tilespmem:v33+s7+$0x0], $0xffff;
	v53 =	vmul.f32 v37, v43  }
0x4c4: {  	v55 =	vld.idx.msk [tilespmem:v29+s7+$0x0], $0xffff;
	v3 =	vmul.f32 v3, v43;
	v0 =	vadd.f32 v42, v0;
	v1 =	vadd.f32 v46, v1  }
0x4c5: {  	v14 =	vor.u32 v51, v14;
	v57 =	vbroadcast v2, $0x8;
	v7 =	vld.idx.msk [tilespmem:v7+s7+$0x0], $0xffff;
	v56 =	vmul.f32 v40, v54  }
0x4c6: {  	v58 =	vld.idx.msk [tilespmem:v30+s7+$0x0], $0xffff;
	v59 =	vmul.f32 v4, v54;
	v0 =	vadd.f32 v53, v0;
	v1 =	vadd.f32 v3, v1  }
0x4c7: {  	v5 =	vor.u32 v51, v5;
	v20 =	vmul.f32 v6, v57;
	v62 =	vbroadcast v2, $0x9;
	v60 =	vld.idx.msk [tilespmem:v44+s7+$0x0], $0xffff  }
0x4c8: {  	v63 =	vld.idx.msk [tilespmem:v27+s7+$0x0], $0xffff;
	v61 =	vmul.f32 v45, v57;
	v0 =	vadd.f32 v56, v0;
	v1 =	vadd.f32 v59, v1  }
0x4c9: {  	v21 =	vld.idx.msk [tilespmem:v13+s7+$0x0], $0xffff;
	v27 =	vor.u32 v51, v17;
	v22 =	vmul.f32 v55, v62;
	v26 =	vbroadcast v2, $0xA  }
0x4ca: {  	v29 =	vld.idx.msk [tilespmem:v28+s7+$0x0], $0xffff;
	v30 =	vmul.f32 v7, v62;
	v0 =	vadd.f32 v61, v0;
	v1 =	vadd.f32 v20, v1  }
0x4cb: {  	v33 =	vbroadcast v2, $0xB;
	v31 =	vld.idx.msk [tilespmem:v14+s7+$0x0], $0xffff;
	v32 =	vmul.f32 v58, v26;
	v34 =	vor.u32 v51, v12  }
0x4cc: {  	v35 =	vld.idx.msk [tilespmem:v24+s7+$0x0], $0xffff;
	v36 =	vmul.f32 v60, v26;
	v0 =	vadd.f32 v22, v0;
	v1 =	vadd.f32 v30, v1  }
0x4cd: {  	v37 =	vld.idx.msk [tilespmem:v5+s7+$0x0], $0xffff;
	v39 =	vbroadcast v2, $0xC;
	v38 =	vmul.f32 v63, v33  }
0x4ce: {  	v40 =	vld.idx.msk [tilespmem:v25+s7+$0x0], $0xffff;
	v41 =	vmul.f32 v21, v33;
	v0 =	vadd.f32 v32, v0;
	v1 =	vadd.f32 v36, v1  }
0x4cf: {  	v43 =	vmul.f32 v29, v39;
	v44 =	vbroadcast v2, $0xD;
	v42 =	vld.idx.msk [tilespmem:v27+s7+$0x0], $0xffff  }
0x4d0: {  	v45 =	vld.idx.msk [tilespmem:v23+s7+$0x0], $0xffff;
	v46 =	vmul.f32 v31, v39;
	v0 =	vadd.f32 v38, v0;
	v1 =	vadd.f32 v41, v1  }
0x4d1: {  	v55 =	vbroadcast v2, $0xE;
	v54 =	vmul.f32 v35, v44;
	v53 =	vld.idx.msk [tilespmem:v34+s7+$0x0], $0xffff  }
0x4d2: {  	v56 =	vmul.f32 v37, v44;
	v0 =	vadd.f32 v43, v0;
	v1 =	vadd.f32 v46, v1  }
0x4d3: {  	v2 =	vbroadcast v2, $0xF;
	v57 =	vmul.f32 v40, v55  }
0x4d4: {  	v58 =	vmul.f32 v42, v55;
	v0 =	vadd.f32 v54, v0;
	v1 =	vadd.f32 v56, v1  }
0x4d5: {  	v60 =	vld [tilespmem:$0x19A80];
	v59 =	vmul.f32 v45, v2  }
0x4d6: {  	v61 =	vld [tilespmem:$0x19A90];
	v2 =	vmul.f32 v53, v2;
	v0 =	vadd.f32 v57, v0;
	v1 =	vadd.f32 v58, v1;
	_ =	sdelay $0x1  }
0x4d7: {  	v0 =	vadd.f32 v59, v0;
	v1 =	vadd.f32 v2, v1  }
0x4d8: {  	v62 =	vld [tilespmem:$0x19B00]  }
0x4d9: {  	v0 =	vmax.f32 v0, $0.0e+00;
	v1 =	vmax.f32 v1, $0.0e+00  }
0x4da: {  	v0 =	vmul.f32 v60, v0;
	v1 =	vmul.f32 v61, v1;
	_ =	sdelay $0x1  }
0x4db: {  	v0 =	vadd.f32 v1, v0  }
0x4dc: {  	(v2sf) =	vpush v62, $0x0  }
0x4dd: {  	(v2sf) =	vpush v0, $0x0;
	_ =	sdelay $0x1  }
0x4de: {  	(v2sf) =	vpush v0, $0x1;
	_ =	sdelay $0x1  }
0x4df: {  	(v2sf) =	vpush v0, $0x2;
	_ =	sdelay $0x1  }
0x4e0: {  	(v2sf) =	vpush v0, $0x3;
	_ =	sdelay $0x1  }
0x4e1: {  	(v2sf) =	vpush v0, $0x4;
	_ =	sdelay $0x1  }
0x4e2: {  	(v2sf) =	vpush v0, $0x5;
	_ =	sdelay $0x1  }
0x4e3: {  	(v2sf) =	vpush v0, $0x6;
	_ =	sdelay $0x1  }
0x4e4: {  	s9 =	spop (v2sf);
	(v2sf) =	vpush v0, $0x7  }
0x4e5: {  	s11 =	spop (v2sf)  }
0x4e6: {  	(v2sf) =	vpush v0, $0x8;
	s4 =	sadd.f32 s11, s9  }
0x4e7: {  	s15 =	spop (v2sf)  }
0x4e8: {  	(v2sf) =	vpush v0, $0x9;
	s4 =	sadd.f32 s4, s15  }
0x4e9: {  	s16 =	spop (v2sf)  }
0x4ea: {  	(v2sf) =	vpush v0, $0xA;
	s4 =	sadd.f32 s4, s16  }
0x4eb: {  	s17 =	spop (v2sf)  }
0x4ec: {  	(v2sf) =	vpush v0, $0xB;
	s4 =	sadd.f32 s4, s17  }
0x4ed: {  	s18 =	spop (v2sf)  }
0x4ee: {  	(v2sf) =	vpush v0, $0xC;
	s4 =	sadd.f32 s4, s18  }
0x4ef: {  	s19 =	spop (v2sf)  }
0x4f0: {  	(v2sf) =	vpush v0, $0xD;
	s4 =	sadd.f32 s4, s19  }
0x4f1: {  	s25 =	spop (v2sf)  }
0x4f2: {  	(v2sf) =	vpush v0, $0xE;
	s4 =	sadd.f32 s4, s25  }
0x4f3: {  	s31 =	spop (v2sf)  }
0x4f4: {  	(v2sf) =	vpush v0, $0xF;
	s4 =	sadd.f32 s4, s31  }
0x4f5: {  	s2 =	spop (v2sf)  }
0x4f6: {  	s4 =	sadd.f32 s4, s2  }
0x4f7: {  	s11 =	spop (v2sf)  }
0x4f8: {  	s4 =	sadd.f32 s4, s11  }
0x4f9: {  	s15 =	spop (v2sf)  }
0x4fa: {  	s4 =	sadd.f32 s4, s15  }
0x4fb: {  	s16 =	spop (v2sf)  }
0x4fc: {  	s4 =	sadd.f32 s4, s16  }
0x4fd: {  	s17 =	spop (v2sf)  }
0x4fe: {  	s4 =	sadd.f32 s4, s17  }
0x4ff: {  	s18 =	spop (v2sf)  }
0x500: {  	s4 =	sadd.f32 s4, s18  }
0x501: {  	s19 =	spop (v2sf)  }
0x502: {  	s4 =	sadd.f32 s4, s19  }
0x503: {  	s25 =	spop (v2sf)  }
0x504: {  	s4 =	sadd.f32 s4, s25;
	_ =	sdelay $0x1  }
0x505: {  	v63 =	vmov s4  }
0x506: {  	v0 =	vsub.f32 $0.0e+00, v63;
	_ =	sdelay $0x1  }
0x507: {  	v0 =	vmul.f32 $1.442695020e+00, v0;
	_ =	sdelay $0x1  }
0x508: {  	v0 =	vbroadcast v0, $0x0;
	_ =	sdelay $0x1  }
0x509: {  	(erf) = vpow2.f32 v0;
	_ =	sdelay $0x8  }
0x50a: {  	v0 =	vpop (erf)  }
0x50b: {  	v0 =	vadd.f32 $1.000000000e+00, v0;
	_ =	sdelay $0x1  }
0x50c: {  	(erf) = vrcp.f32 v0;
	_ =	sdelay $0x8  }
0x50d: {  	v0 =	vpop (erf)  }
0x50e: {  	s31 =	rddreg [dreg:$0xb];
	s2 =	simm.s32 $0x19C00;
	[tilespmem:$0x19C00] =	vst v0  }
0x50f: {  	[hbm4b:s31+s12] =	stream.linear.scatter [tilespmem:s2], [sflag:$0x6], $0x80, $0x38;
	[tilespmem:$0x19CC0] =	vst v63  }
.Ltmp14:
0x510: {  	_ = 	snop;
	(pc) =	sbr.rel .LBB3_20-.Ltmp14, $4  }
0x511: {  	_ =	swait.ge [sflag:s21], $0x80  }
0x512: {  	v39 =	vld [tilespmem:$0x1FF80]  }
0x513: {  	[sflag:s21] =	ssyncset.done $0x0;
	v40 =	vld [tilespmem:$0x1FFA0]  }
0x514: {  	v44 =	vld [tilespmem:$0x1FFB0];
	[sflag:s21] =	ssyncadd.s32 $0xFFFFFF80  }
.LBB3_3:
.Ltmp15:
0x515: {  	(pc) =	sbr.rel @p3 .LBB3_14-.Ltmp15, $4  }
.Ltmp16:
0x516: {  	(pc) =	sbr.rel @!p3 .LBB3_13-.Ltmp16, $4  }
0x517: {  	_ = 	snop  }
0x518: {  	v0 =	vimm.f32 $0.0e+00  }
0x519: {  	v1 =	vimm.f32 $0.0e+00;
	v2 =	vimm.f32 $0.0e+00;
	v3 =	vimm.f32 $0.0e+00  }
0x51a: {  	_ = 	snop  }
.LBB3_21:
0x51b: {  	_ =	sfence.sel $0x180000  }
0x51c: {  	[bflag:$0x0] =	sbarrier.arrive $0xFFFF  }
0x51d: {  	_ =	strace $0x90000047  }
0x51e: {  	s0 =	stileid.u32;
	[bflag:$0x2] =	sbarrier.arrive $0xFFFF  }
0x51f: {  	p0 =	sne.s32 s0, $0x0;
	s0 =	rddreg [dreg:$0xe]  }
0x520: {  	s0 =	sadd.s32 @!p0 $0x100000, s0  }
0x521: {  	[sflag:s0] =	ssyncadd.tile.s32 @!p0 $0x1;
	_ =	shalt  }
.Lfunc_end3:
_tile_overlayer_lowered:
.L_overlay_start_3:
0x522: {  	(tag) =	ssettag $0x3  }
0x523: {  	s0 =	rddreg [dreg:$0x0];
	s2 =	stileid.u32  }
0x524: {  	s1 =	rddreg [dreg:$0x1];
	p0 =	sne.s32 s2, $0x0  }
0x525: {  	s3 =	rddreg [dreg:$0x2];
	[bflag:$0x3] =	sbarrier.arrive $0xFFFF;
	s2 =	simm.s32 @!p0 $0x1C06  }
0x526: {  	[timem:s3], [sflag:s2] =	dma.local @!p0 [hbm:s0], s1  }
0x527: {  	s0 =	simm.s32 @!p0 $0x6  }
0x528: {  	_ =	swait.ge @!p0 [sflag:s0], s1  }
0x529: {  	s1 =	ssub.s32 @!p0 $0x0, s1;
	[sflag:s0] =	ssyncset.done @!p0 $0x0  }
0x52a: {  	[sflag:s0] =	ssyncadd.s32 @!p0 s1  }
0x52b: {  	[bflag:$0x3] =	sbarrier.arrive $0xFFFF  }
0x52c: {  	_ =	shalt  }

</sc_bundles>
